<compile_context>
chip_gen: v7x
topology: tpu7x:2x2x1
jax: 0.10.2.dev20260603
libtpu: 0.0.44.dev20260713+nightly
codegen_flags: <defaults>
</compile_context>

<pallas_src>
import dataclasses
import functools

import jax
import jax.numpy as jnp
from jax import lax
from jax.experimental import pallas as pl
from jax.experimental.pallas import tpu as pltpu
from jax.experimental.pallas import tpu_sc as plsc

N0, E0 = 10000, 320000
N1, E1 = 2500, 40000
N2, E2 = 625, 10000
D = 128

_NC, _NS, _L = 2, 16, 16
_NW = _NC * _NS
_CH = 128

P0, P1, P2 = 10240, 2560, 640

HB = 16384
O_D0, O_D1, O_C0, O_D2, O_C1 = 0, 10000, 12500, 15000, 15625
O_PAD = 16350

_mesh = plsc.VectorSubcoreMesh(core_axis_name="c", subcore_axis_name="s")

_sc_params = pltpu.CompilerParams()
if "needs_layout_passes" in pltpu.CompilerParams.__dataclass_fields__:
    _sc_params = dataclasses.replace(_sc_params, needs_layout_passes=False)


def _pad1(a, n, val):
    return jnp.concatenate([a, jnp.full((n - a.shape[0],), val, a.dtype)])


def _slices(rows_per):
    out, off = [], 0
    while off < rows_per:
        sz = min(128, rows_per - off)
        out.append((off, sz))
        off += sz
    return out


def _sc_hist(hidx):
    e = hidx.shape[0]
    ew = e // _NW
    nch = ew // 752
    assert ew % 752 == 0

    @functools.partial(
        pl.kernel,
        out_type=jax.ShapeDtypeStruct((_NC, 128, 128), jnp.float32),
        mesh=_mesh,
        compiler_params=_sc_params,
        scratch_types=[
            pltpu.VMEM((752,), jnp.int32),
            pltpu.VMEM((128, 128), jnp.float32),
            pltpu.VMEM((128,), jnp.int32),
            pltpu.VMEM_SHARED((128, 128), jnp.float32),
            pltpu.SemaphoreType.DMA,
        ],
    )
    def k(hidx_hbm, out_hbm, idxb, lhist, rowid, shist, sem):
        c = lax.axis_index("c")
        s = lax.axis_index("s")
        w = c * _NS + s
        zeros = jnp.zeros((_L,), jnp.float32)

        @pl.loop(0, 128)
        def _(r):
            @pl.loop(0, 8)
            def _(q):
                lhist[r, pl.ds(q * _L, _L)] = zeros

        @pl.loop(0, 8)
        def _(q):
            rowid[pl.ds(q * _L, _L)] = (
                lax.iota(jnp.int32, _L) + q * _L
            )

        pltpu.sync_copy(lhist.at[pl.ds(s * 8, 8)], shist.at[pl.ds(s * 8, 8)])
        plsc.subcore_barrier()

        ones = jnp.ones((_L,), jnp.float32)

        @pl.loop(0, nch)
        def _(j):
            base = w * ew + j * 752
            pltpu.sync_copy(hidx_hbm.at[pl.ds(base, 752)], idxb)

            @pl.loop(0, 752 // _L)
            def _(q):
                iv = idxb[pl.ds(q * _L, _L)]
                rv = jax.lax.shift_right_logical(iv, 7)
                cv = jax.lax.bitwise_and(iv, 127)
                plsc.addupdate_scatter(lhist, [rv, cv], ones)

        pltpu.sync_copy(lhist, shist.at[rowid], add=True)
        plsc.subcore_barrier()
        pltpu.sync_copy(shist.at[pl.ds(s * 8, 8)],
                        out_hbm.at[c].at[pl.ds(s * 8, 8)])

    return k(hidx).reshape(_NC, HB)


def _sc_edge_scatter(table, src_idx, dst_idx, p_out):
    e = src_idx.shape[0]
    ew = e // _NW
    nch = ew // _CH
    rows_per = p_out // _NS

    @functools.partial(
        pl.kernel,
        out_type=jax.ShapeDtypeStruct((_NC, p_out, D), jnp.float32),
        mesh=_mesh,
        compiler_params=_sc_params,
        scratch_types=[
            pltpu.VMEM((_CH,), jnp.int32),
            pltpu.VMEM((_CH,), jnp.int32),
            pltpu.VMEM((_CH, D), jnp.float32),
            pltpu.VMEM((128, D), jnp.float32),
            pltpu.VMEM_SHARED((p_out, D), jnp.float32),
            pltpu.SemaphoreType.DMA,
        ],
    )
    def k(table_hbm, src_hbm, dst_hbm, out_hbm, sidx, didx, rows, zbuf, acc,
          sem):
        c = lax.axis_index("c")
        s = lax.axis_index("s")
        w = c * _NS + s
        zeros = jnp.zeros((_L,), jnp.float32)

        @pl.loop(0, 128)
        def _(r):
            @pl.loop(0, D // _L)
            def _(q):
                zbuf[r, pl.ds(q * _L, _L)] = zeros

        base_rows = s * rows_per
        for off, sz in _slices(rows_per):
            pltpu.sync_copy(zbuf.at[pl.ds(0, sz)],
                            acc.at[pl.ds(base_rows + off, sz)])
        plsc.subcore_barrier()

        @pl.loop(0, nch)
        def _(j):
            base = w * ew + j * _CH
            pltpu.sync_copy(src_hbm.at[pl.ds(base, _CH)], sidx)
            pltpu.sync_copy(dst_hbm.at[pl.ds(base, _CH)], didx)
            pltpu.async_copy(table_hbm.at[sidx], rows, sem).wait()
            pltpu.sync_copy(rows, acc.at[didx], add=True)

        plsc.subcore_barrier()
        for off, sz in _slices(rows_per):
            pltpu.sync_copy(acc.at[pl.ds(base_rows + off, sz)],
                            out_hbm.at[c].at[pl.ds(base_rows + off, sz)])

    return k(table, src_idx, dst_idx)


def _sc_gather(table, idx):
    e = idx.shape[0]
    ew = e // _NW
    nch = ew // _CH

    @functools.partial(
        pl.kernel,
        out_type=jax.ShapeDtypeStruct((e, D), jnp.float32),
        mesh=_mesh,
        compiler_params=_sc_params,
        scratch_types=[
            pltpu.VMEM((_CH,), jnp.int32),
            pltpu.VMEM((_CH, D), jnp.float32),
            pltpu.SemaphoreType.DMA,
        ],
    )
    def k(table_hbm, idx_hbm, out_hbm, idxb, rows, sem):
        c = lax.axis_index("c")
        s = lax.axis_index("s")
        w = c * _NS + s

        @pl.loop(0, nch)
        def _(j):
            base = w * ew + j * _CH
            pltpu.sync_copy(idx_hbm.at[pl.ds(base, _CH)], idxb)
            pltpu.async_copy(table_hbm.at[idxb], rows, sem).wait()
            pltpu.sync_copy(rows, out_hbm.at[pl.ds(base, _CH)])

    return k(table, idx)


def _dot(a, w):
    return lax.dot_general(a, w, (((1,), (0,)), ((), ())),
                           precision=lax.Precision.HIGHEST,
                           preferred_element_type=jnp.float32)


def _tc_conv(acc, s, w, b, relu):
    p = acc.shape[1]

    def body(a_ref, s_ref, w_ref, b_ref, o_ref):
        a = (a_ref[0] + a_ref[1]) * s_ref[...]
        y = _dot(a, w_ref[...]) + b_ref[...]
        o_ref[...] = jnp.maximum(y, 0.0) if relu else y

    return pl.pallas_call(
        body, out_shape=jax.ShapeDtypeStruct((p, D), jnp.float32),
    )(acc, s, w.reshape(D, D), b.reshape(1, D))


def _tc_scale_rows(acc, s):
    p = acc.shape[1]

    def body(a_ref, s_ref, o_ref):
        o_ref[...] = (a_ref[0] + a_ref[1]) * s_ref[...]

    return pl.pallas_call(
        body, out_shape=jax.ShapeDtypeStruct((p, D), jnp.float32),
    )(acc, s)


def _tc_merge(g, xskip, s):
    p = xskip.shape[0]

    def body(g_ref, x_ref, s_ref, o_ref):
        o_ref[...] = (g_ref[...] + x_ref[...]) * s_ref[...]

    return pl.pallas_call(
        body,
        grid=(1,),
        in_specs=[
            pl.BlockSpec((p, D), lambda i: (0, 0)),
            pl.BlockSpec((p, D), lambda i: (0, 0)),
            pl.BlockSpec((p, 1), lambda i: (0, 0)),
        ],
        out_specs=pl.BlockSpec((p, D), lambda i: (0, 0)),
        out_shape=jax.ShapeDtypeStruct((p, D), jnp.float32),
    )(g, xskip, s)


def _tc_scales(d0, d1, c0, d2, c1, x):
    def body(d0_ref, d1_ref, c0_ref, d2_ref, c1_ref, x_ref,
             s0_ref, s1i_ref, s1o_ref, s2i_ref, s2o_ref, xs0_ref):
        rs0 = lax.rsqrt(jnp.maximum(d0_ref[0] + d0_ref[1], 1.0))
        s0_ref[...] = jnp.concatenate(
            [rs0, jnp.ones((P0 - N0, 1), jnp.float32)], axis=0)
        rs1 = lax.rsqrt(jnp.maximum(d1_ref[0] + d1_ref[1], 1.0))
        s1o_ref[...] = rs1
        s1i_ref[...] = rs1 / jnp.maximum(c0_ref[0] + c0_ref[1], 1.0)
        rs2 = lax.rsqrt(jnp.maximum(d2_ref[0] + d2_ref[1], 1.0))
        s2o_ref[...] = rs2
        s2i_ref[...] = rs2 / jnp.maximum(c1_ref[0] + c1_ref[1], 1.0)
        xs0_ref[...] = x_ref[...] * rs0

    return pl.pallas_call(
        body,
        out_shape=(
            jax.ShapeDtypeStruct((P0, 1), jnp.float32),
            jax.ShapeDtypeStruct((P1, 1), jnp.float32),
            jax.ShapeDtypeStruct((P1, 1), jnp.float32),
            jax.ShapeDtypeStruct((P2, 1), jnp.float32),
            jax.ShapeDtypeStruct((P2, 1), jnp.float32),
            jax.ShapeDtypeStruct((N0, D), jnp.float32),
        ),
    )(d0, d1, c0, d2, c1, x)


def kernel(x, edge_index_0, edge_index_1, edge_index_2, clusters_0, clusters_1,
           batch, W_d0, b_d0, W_d1, b_d1, W_bot, b_bot, W_u1, b_u1, W_u0, b_u0):
    i32 = jnp.int32

    def _padd(a, n, base, span):
        pad = n - a.shape[0]
        fill = base + lax.rem(lax.iota(i32, pad), jnp.full((pad,), span, i32))
        return jnp.concatenate([a, fill])

    e0p, e1p, e2p = 323584, 40960, 12288
    src0 = _pad1(edge_index_0[0], e0p, 0)
    dst0 = _padd(edge_index_0[1], e0p, N0, P0 - N0)
    src1 = _pad1(edge_index_1[0], e1p, 0)
    dst1 = _padd(edge_index_1[1], e1p, N1, P1 - N1)
    src2 = _pad1(edge_index_2[0], e2p, 0)
    dst2 = _padd(edge_index_2[1], e2p, N2, P2 - N2)

    pool0_src = _pad1(lax.iota(i32, N0), 12288, 0)
    pool0_dst = _padd(clusters_0, 12288, N1, P1 - N1)
    pool1_src = _pad1(lax.iota(i32, N1), 4096, 0)
    pool1_dst = _padd(clusters_1, 4096, N2, P2 - N2)
    up1_idx = _pad1(clusters_1, 4096, 0)
    up0_idx = _pad1(clusters_0, 12288, 0)

    hidx = jnp.concatenate([
        edge_index_0[1],
        edge_index_1[1] + O_D1,
        clusters_0 + O_C0,
        edge_index_2[1] + O_D2,
        clusters_1 + O_C1,
    ])
    hidx = _pad1(hidx, 385024, O_PAD)

    hist = _sc_hist(hidx)
    d0 = hist[:, O_D0:O_D0 + N0, None]
    d1 = hist[:, O_D1:O_D1 + P1, None]
    c0 = hist[:, O_C0:O_C0 + P1, None]
    d2 = hist[:, O_D2:O_D2 + P2, None]
    c1 = hist[:, O_C1:O_C1 + P2, None]

    s0, s1i, s1o, s2i, s2o, xs0 = _tc_scales(d0, d1, c0, d2, c1, x)

    acc = _sc_edge_scatter(xs0, src0, dst0, P0)
    x0 = _tc_conv(acc, s0, W_d0, b_d0, relu=True)

    accp1 = _sc_edge_scatter(x0, pool0_src, pool0_dst, P1)
    xs1 = _tc_scale_rows(accp1, s1i)
    acc1 = _sc_edge_scatter(xs1, src1, dst1, P1)
    x1 = _tc_conv(acc1, s1o, W_d1, b_d1, relu=True)

    accp2 = _sc_edge_scatter(x1, pool1_src, pool1_dst, P2)
    xs2 = _tc_scale_rows(accp2, s2i)
    acc2 = _sc_edge_scatter(xs2, src2, dst2, P2)
    x2 = _tc_conv(acc2, s2o, W_bot, b_bot, relu=True)

    g1 = _sc_gather(x2, up1_idx)
    xsu1 = _tc_merge(g1, x1, s1o)
    acc3 = _sc_edge_scatter(xsu1, src1, dst1, P1)
    x1u = _tc_conv(acc3, s1o, W_u1, b_u1, relu=True)

    g0 = _sc_gather(x1u, up0_idx)
    xsu0 = _tc_merge(g0, x0, s0)
    acc4 = _sc_edge_scatter(xsu0, src0, dst0, P0)
    out = _tc_conv(acc4, s0, W_u0, b_u0, relu=False)

    return out[:N0]

# --- scband reference (transcript-rebuilt; emitter-appended) ---
"""Pipeline reference for scband-graph-unet-25950192403208 (READ-ONLY COPY).

The authoritative reference and input builder live on the scoring server;
editing this copy changes nothing except your own understanding.
"""

import jax, jax.numpy as jnp
import numpy as np

N0, E0 = 10000, 320000
N1, E1 = 2500, 40000
N2, E2 = 625, 10000
D = 128


def setup_inputs(seed: int = 0) -> dict:
    key = jax.random.key(seed)
    ks = jax.random.split(key, 20)
    scale = 1.0 / np.sqrt(D)
    inp = {
        'x': jax.random.normal(ks[0], (N0, D), dtype=jnp.float32),
        'edge_index_0': jax.random.randint(ks[1], (2, E0), 0, N0, dtype=jnp.int32),
        'edge_index_1': jax.random.randint(ks[2], (2, E1), 0, N1, dtype=jnp.int32),
        'edge_index_2': jax.random.randint(ks[3], (2, E2), 0, N2, dtype=jnp.int32),
        'clusters_0': jax.random.randint(ks[4], (N0,), 0, N1, dtype=jnp.int32),
        'clusters_1': jax.random.randint(ks[5], (N1,), 0, N2, dtype=jnp.int32),
        'batch': jnp.zeros((N0,), dtype=jnp.int32),
        'W_d0': jax.random.normal(ks[6], (D, D), dtype=jnp.float32) * scale,
        'b_d0': jnp.zeros((D,), dtype=jnp.float32),
        'W_d1': jax.random.normal(ks[7], (D, D), dtype=jnp.float32) * scale,
        'b_d1': jnp.zeros((D,), dtype=jnp.float32),
        'W_bot': jax.random.normal(ks[8], (D, D), dtype=jnp.float32) * scale,
        'b_bot': jnp.zeros((D,), dtype=jnp.float32),
        'W_u1': jax.random.normal(ks[9], (D, D), dtype=jnp.float32) * scale,
        'b_u1': jnp.zeros((D,), dtype=jnp.float32),
        'W_u0': jax.random.normal(ks[10], (D, D), dtype=jnp.float32) * scale,
        'b_u0': jnp.zeros((D,), dtype=jnp.float32),
    }
    return inp


def gcn_conv(x, edge_index, W, b, n_nodes):
    src = edge_index[0]
    dst = edge_index[1]
    deg = jnp.zeros((n_nodes,), x.dtype).at[dst].add(1.0)
    deg = jnp.maximum(deg, 1.0)
    norm = jax.lax.rsqrt(deg[src] * deg[dst])
    msg = x[src] * norm[:, None]
    agg = jnp.zeros((n_nodes, x.shape[1]), x.dtype).at[dst].add(msg)
    return agg @ W + b


def avg_pool(x, clusters, n_clusters):
    s = jax.ops.segment_sum(x, clusters, num_segments=n_clusters)
    c = jax.ops.segment_sum(jnp.ones((x.shape[0],), x.dtype), clusters, num_segments=n_clusters)
    return s / jnp.maximum(c, 1.0)[:, None]


def reference(x, edge_index_0, edge_index_1, edge_index_2, clusters_0, clusters_1, batch,
              W_d0, b_d0, W_d1, b_d1, W_bot, b_bot, W_u1, b_u1, W_u0, b_u0):
    # Encoder (down path)
    x0 = jax.nn.relu(gcn_conv(x, edge_index_0, W_d0, b_d0, N0))
    p1 = avg_pool(x0, clusters_0, N1)
    x1 = jax.nn.relu(gcn_conv(p1, edge_index_1, W_d1, b_d1, N1))
    p2 = avg_pool(x1, clusters_1, N2)
    # Bottleneck
    x2 = jax.nn.relu(gcn_conv(p2, edge_index_2, W_bot, b_bot, N2))
    # Decoder (up path): unpool by gathering cluster features + skip connection
    u1 = x2[clusters_1] + x1
    x1u = jax.nn.relu(gcn_conv(u1, edge_index_1, W_u1, b_u1, N1))
    u0 = x1u[clusters_0] + x0
    out = gcn_conv(u0, edge_index_0, W_u0, b_u0, N0)
    return out

if __name__ == "__main__":
    import jax
    _d = setup_inputs()
    print(jax.jit(kernel)(*tuple(_d.values())))

</pallas_src>

<mosaic_0001>
#map = affine_map<(d0, d1) -> (0)>
#map1 = affine_map<(d0, d1) -> (0, 0, 0)>
module attributes {stable_mosaic.version = 14 : i64} {
  func.func @k(%arg0: i32, %arg1: i32, %arg2: memref<385024xi32, #tpu.memory_space<hbm>>, %arg3: memref<2x128x128xf32, #tpu.memory_space<hbm>>, %arg4: memref<752xi32, #tpu.memory_space<vmem>>, %arg5: memref<128x128xf32, #tpu.memory_space<vmem>>, %arg6: memref<128xi32, #tpu.memory_space<vmem>>, %arg7: memref<128x128xf32, #tpu.memory_space<vmem_shared>>, %arg8: memref<!tpu.dma_semaphore, #tpu.memory_space<semaphore_mem>>) attributes {dimension_semantics = [#tpu.dimension_semantics<core_parallel>, #tpu.dimension_semantics<subcore_parallel>], iteration_bounds = array<i64: 2, 16>, scalar_prefetch = 0 : i64, scratch_operands = 5 : i64, tpu.core_type = #tpu.core_type<sc_vector_subcore>, window_params = [{transform_indices = #map}, {transform_indices = #map1}]} {
    %mul3A = arith.constant 16 : i32
    %mul3A_0 = arith.muli %arg0, %mul3A : i32
    %add3A = arith.addi %mul3A_0, %arg1 : i32
    %broadcast_in_dim3A = arith.constant 0.000000e+00 : f32
    %broadcast_in_dim3A_1 = vector.broadcast %broadcast_in_dim3A : f32 to vector<16xf32>
    %scan3A = arith.constant 0 : i32
    %scan3A_2 = arith.constant 128 : i32
    %scan3A_3 = arith.addi %scan3A, %scan3A_2 : i32
    %scan3A_4 = arith.constant 1 : i32
    scf.for %scan3A_27 = %scan3A to %scan3A_3 step %scan3A_4  : i32 {
      %mul3A_28 = arith.constant 1 : i32
      %mul3A_29 = arith.muli %scan3A_27, %mul3A_28 : i32
      %add3A_30 = arith.constant 0 : i32
      %add3A_31 = arith.addi %add3A_30, %mul3A_29 : i32
      %scan3A_32 = arith.constant 0 : i32
      %scan3A_33 = arith.constant 8 : i32
      %scan3A_34 = arith.addi %scan3A_32, %scan3A_33 : i32
      %scan3A_35 = arith.constant 1 : i32
      scf.for %scan3A_37 = %scan3A_32 to %scan3A_34 step %scan3A_35  : i32 {
        %mul3A_38 = arith.constant 1 : i32
        %mul3A_39 = arith.muli %scan3A_37, %mul3A_38 : i32
        %add3A_40 = arith.constant 0 : i32
        %add3A_41 = arith.addi %add3A_40, %mul3A_39 : i32
        %mul3A_42 = arith.constant 16 : i32
        %mul3A_43 = arith.muli %add3A_41, %mul3A_42 : i32
        %swap3A = arith.index_cast %add3A_31 : i32 to index
        %swap3A_44 = arith.index_cast %mul3A_43 : i32 to index
        %swap3A_45 = tpu.vector_load %arg5[%swap3A, %swap3A_44] {strides = array<i32>} : memref<128x128xf32, #tpu.memory_space<vmem>>, vector<16xf32>,
        tpu.vector_store %arg5[%swap3A, %swap3A_44], %broadcast_in_dim3A_1 {strides = array<i32>} : memref<128x128xf32, #tpu.memory_space<vmem>>, vector<16xf32>,
      }
      %scan3A_36 = arith.constant 8 : i32
    }
    %scan3A_5 = arith.constant 128 : i32
    %scan3A_6 = arith.constant 0 : i32
    %scan3A_7 = arith.constant 8 : i32
    %scan3A_8 = arith.addi %scan3A_6, %scan3A_7 : i32
    %scan3A_9 = arith.constant 1 : i32
    scf.for %scan3A_27 = %scan3A_6 to %scan3A_8 step %scan3A_9  : i32 {
      %mul3A_28 = arith.constant 1 : i32
      %mul3A_29 = arith.muli %scan3A_27, %mul3A_28 : i32
      %add3A_30 = arith.constant 0 : i32
      %add3A_31 = arith.addi %add3A_30, %mul3A_29 : i32
      %iota3A = tpu.iota {dimensions = array<i32: 0>} : vector<16xi32>
      %mul3A_32 = arith.constant 16 : i32
      %mul3A_33 = arith.muli %add3A_31, %mul3A_32 : i32
      %add3A_34 = vector.broadcast %mul3A_33 : i32 to vector<16xi32>
      %add3A_35 = arith.addi %iota3A, %add3A_34 : vector<16xi32>
      %mul3A_36 = arith.constant 16 : i32
      %mul3A_37 = arith.muli %add3A_31, %mul3A_36 : i32
      %swap3A = arith.index_cast %mul3A_37 : i32 to index
      %swap3A_38 = tpu.vector_load %arg6[%swap3A] {strides = array<i32>} : memref<128xi32, #tpu.memory_space<vmem>>, vector<16xi32>,
      tpu.vector_store %arg6[%swap3A], %add3A_35 {strides = array<i32>} : memref<128xi32, #tpu.memory_space<vmem>>, vector<16xi32>,
    }
    %scan3A_10 = arith.constant 8 : i32
    %mul3A_11 = arith.constant 8 : i32
    %mul3A_12 = arith.muli %arg1, %mul3A_11 : i32
    %mul3A_13 = arith.constant 8 : i32
    %mul3A_14 = arith.muli %arg1, %mul3A_13 : i32
    "tpu.region"() ({
      %run_scoped3A = tpu.sem_alloc : memref<!tpu.dma_semaphore, #tpu.memory_space<semaphore_mem>>
      %dma_start3A = arith.constant 0 : i32
      %dma_start3A_27 = tpu.memref_slice %arg5[%mul3A_12, %dma_start3A] : memref<128x128xf32, #tpu.memory_space<vmem>> -> memref<8x128xf32, #tpu.memory_space<vmem>>
      %dma_start3A_28 = arith.constant 0 : i32
      %dma_start3A_29 = tpu.memref_slice %arg7[%mul3A_14, %dma_start3A_28] : memref<128x128xf32, #tpu.memory_space<vmem_shared>> -> memref<8x128xf32, #tpu.memory_space<vmem_shared>>
      %dma_start3A_30 = arith.constant 0 : i32
      %dma_start3A_31 = tpu.memref_slice %arg7[%mul3A_14, %dma_start3A_30] : memref<128x128xf32, #tpu.memory_space<vmem_shared>> -> memref<8x128xf32, #tpu.memory_space<vmem_shared>>
      %dma_start3A_32 = arith.constant 0 : i32
      %dma_start3A_33 = tpu.memref_slice %arg5[%mul3A_12, %dma_start3A_32] : memref<128x128xf32, #tpu.memory_space<vmem>> -> memref<8x128xf32, #tpu.memory_space<vmem>>
      tpu.enqueue_dma source(%dma_start3A_33 : memref<8x128xf32, #tpu.memory_space<vmem>>) target(%dma_start3A_31 : memref<8x128xf32, #tpu.memory_space<vmem_shared>>) target_semaphore(%run_scoped3A : memref<!tpu.dma_semaphore, #tpu.memory_space<semaphore_mem>>)
      %dma_wait3A = arith.constant 0 : i32
      %dma_wait3A_34 = tpu.memref_slice %arg5[%mul3A_12, %dma_wait3A] : memref<128x128xf32, #tpu.memory_space<vmem>> -> memref<8x128xf32, #tpu.memory_space<vmem>>
      %dma_wait3A_35 = arith.constant 0 : i32
      %dma_wait3A_36 = tpu.memref_slice %arg7[%mul3A_14, %dma_wait3A_35] : memref<128x128xf32, #tpu.memory_space<vmem_shared>> -> memref<8x128xf32, #tpu.memory_space<vmem_shared>>
      %dma_wait3A_37 = arith.constant 0 : i32
      %dma_wait3A_38 = tpu.memref_slice %arg7[%mul3A_14, %dma_wait3A_37] : memref<128x128xf32, #tpu.memory_space<vmem_shared>> -> memref<8x128xf32, #tpu.memory_space<vmem_shared>>
      %dma_wait3A_39 = arith.constant 0 : i32
      %dma_wait3A_40 = tpu.memref_slice %arg5[%mul3A_12, %dma_wait3A_39] : memref<128x128xf32, #tpu.memory_space<vmem>> -> memref<8x128xf32, #tpu.memory_space<vmem>>
      tpu.wait_dma2 semaphore(%run_scoped3A : memref<!tpu.dma_semaphore, #tpu.memory_space<semaphore_mem>>) src(%dma_wait3A_40 : memref<8x128xf32, #tpu.memory_space<vmem>>) dst(%dma_wait3A_38 : memref<8x128xf32, #tpu.memory_space<vmem_shared>>)
      tpu.yield
    }) : () -> ()
    %barrier3A = arith.constant 0 : index
    tpu.barrier barrier_id(%barrier3A)
    %broadcast_in_dim3A_15 = arith.constant 1.000000e+00 : f32
    %broadcast_in_dim3A_16 = vector.broadcast %broadcast_in_dim3A_15 : f32 to vector<16xf32>
    %scan3A_17 = arith.constant 0 : i32
    %scan3A_18 = arith.constant 16 : i32
    %scan3A_19 = arith.addi %scan3A_17, %scan3A_18 : i32
    %scan3A_20 = arith.constant 1 : i32
    scf.for %scan3A_27 = %scan3A_17 to %scan3A_19 step %scan3A_20  : i32 {
      %mul3A_28 = arith.constant 1 : i32
      %mul3A_29 = arith.muli %scan3A_27, %mul3A_28 : i32
      %add3A_30 = arith.constant 0 : i32
      %add3A_31 = arith.addi %add3A_30, %mul3A_29 : i32
      %mul3A_32 = arith.constant 12032 : i32
      %mul3A_33 = arith.muli %add3A, %mul3A_32 : i32
      %mul3A_34 = arith.constant 752 : i32
      %mul3A_35 = arith.muli %add3A_31, %mul3A_34 : i32
      %add3A_36 = arith.addi %mul3A_33, %mul3A_35 : i32
      "tpu.region"() ({
        %run_scoped3A = tpu.sem_alloc : memref<!tpu.dma_semaphore, #tpu.memory_space<semaphore_mem>>
        %dma_start3A = tpu.memref_slice %arg2[%add3A_36] : memref<385024xi32, #tpu.memory_space<hbm>> -> memref<752xi32, #tpu.memory_space<hbm>>
        %dma_start3A_42 = tpu.memref_slice %arg2[%add3A_36] : memref<385024xi32, #tpu.memory_space<hbm>> -> memref<752xi32, #tpu.memory_space<hbm>>
        tpu.enqueue_dma source(%dma_start3A_42 : memref<752xi32, #tpu.memory_space<hbm>>) target(%arg4 : memref<752xi32, #tpu.memory_space<vmem>>) target_semaphore(%run_scoped3A : memref<!tpu.dma_semaphore, #tpu.memory_space<semaphore_mem>>)
        %dma_wait3A = tpu.memref_slice %arg2[%add3A_36] : memref<385024xi32, #tpu.memory_space<hbm>> -> memref<752xi32, #tpu.memory_space<hbm>>
        %dma_wait3A_43 = tpu.memref_slice %arg2[%add3A_36] : memref<385024xi32, #tpu.memory_space<hbm>> -> memref<752xi32, #tpu.memory_space<hbm>>
        tpu.wait_dma2 semaphore(%run_scoped3A : memref<!tpu.dma_semaphore, #tpu.memory_space<semaphore_mem>>) src(%dma_wait3A_43 : memref<752xi32, #tpu.memory_space<hbm>>) dst(%arg4 : memref<752xi32, #tpu.memory_space<vmem>>)
        tpu.yield
      }) : () -> ()
      %scan3A_37 = arith.constant 0 : i32
      %scan3A_38 = arith.constant 47 : i32
      %scan3A_39 = arith.addi %scan3A_37, %scan3A_38 : i32
      %scan3A_40 = arith.constant 1 : i32
      scf.for %scan3A_42 = %scan3A_37 to %scan3A_39 step %scan3A_40  : i32 {
        %mul3A_43 = arith.constant 1 : i32
        %mul3A_44 = arith.muli %scan3A_42, %mul3A_43 : i32
        %add3A_45 = arith.constant 0 : i32
        %add3A_46 = arith.addi %add3A_45, %mul3A_44 : i32
        %mul3A_47 = arith.constant 16 : i32
        %mul3A_48 = arith.muli %add3A_46, %mul3A_47 : i32
        %get3A = arith.index_cast %mul3A_48 : i32 to index
        %get3A_49 = tpu.vector_load %arg4[%get3A] {strides = array<i32>} : memref<752xi32, #tpu.memory_space<vmem>>, vector<16xi32>,
        %shift_right_logical3A = arith.constant 7 : i32
        %shift_right_logical3A_50 = vector.broadcast %shift_right_logical3A : i32 to vector<16xi32>
        %shift_right_logical3A_51 = arith.shrui %get3A_49, %shift_right_logical3A_50 : vector<16xi32>
        %and3A = arith.constant 127 : i32
        %and3A_52 = vector.broadcast %and3A : i32 to vector<16xi32>
        %and3A_53 = arith.andi %get3A_49, %and3A_52 : vector<16xi32>
        tpu.vector_store_idx %arg5[%shift_right_logical3A_51, %and3A_53], %broadcast_in_dim3A_16 {add = true} : memref<128x128xf32, #tpu.memory_space<vmem>>[vector<16xi32>, vector<16xi32>], vector<16xf32>,
      }
      %scan3A_41 = arith.constant 47 : i32
    }
    %scan3A_21 = arith.constant 16 : i32
    "tpu.region"() ({
      %run_scoped3A = tpu.sem_alloc : memref<!tpu.dma_semaphore, #tpu.memory_space<semaphore_mem>>
      %dma_start3A = arith.constant 0 : i32
      %dma_start3A_27 = arith.constant 0 : i32
      %dma_start3A_28 = tpu.memref_slice %arg7[%dma_start3A, %dma_start3A_27] : memref<128x128xf32, #tpu.memory_space<vmem_shared>> -> memref<128x128xf32, #tpu.memory_space<vmem_shared>>
      tpu.enqueue_indirect_dma source(%arg5 : memref<128x128xf32, #tpu.memory_space<vmem>>) target(%dma_start3A_28 : memref<128x128xf32, #tpu.memory_space<vmem_shared>>) offsets(%arg6 : memref<128xi32, #tpu.memory_space<vmem>>) semaphore(%run_scoped3A : memref<!tpu.dma_semaphore, #tpu.memory_space<semaphore_mem>>) {add = true}
      %dma_wait3A = arith.constant 0 : i32
      %dma_wait3A_29 = arith.constant 0 : i32
      %dma_wait3A_30 = tpu.memref_slice %arg7[%dma_wait3A, %dma_wait3A_29] : memref<128x128xf32, #tpu.memory_space<vmem_shared>> -> memref<128x128xf32, #tpu.memory_space<vmem_shared>>
      tpu.wait_indirect_dma semaphore(%run_scoped3A : memref<!tpu.dma_semaphore, #tpu.memory_space<semaphore_mem>>) src(%arg5 : memref<128x128xf32, #tpu.memory_space<vmem>>) dst(%dma_wait3A_30 : memref<128x128xf32, #tpu.memory_space<vmem_shared>>)
      tpu.yield
    }) : () -> ()
    %barrier3A_22 = arith.constant 0 : index
    tpu.barrier barrier_id(%barrier3A_22)
    %mul3A_23 = arith.constant 8 : i32
    %mul3A_24 = arith.muli %arg1, %mul3A_23 : i32
    %mul3A_25 = arith.constant 8 : i32
    %mul3A_26 = arith.muli %arg1, %mul3A_25 : i32
    "tpu.region"() ({
      %run_scoped3A = tpu.sem_alloc : memref<!tpu.dma_semaphore, #tpu.memory_space<semaphore_mem>>
      %dma_start3A = arith.constant 0 : i32
      %dma_start3A_27 = arith.constant 0 : i32
      %dma_start3A_28 = tpu.memref_slice %arg3[%arg0, %dma_start3A, %dma_start3A_27] : memref<2x128x128xf32, #tpu.memory_space<hbm>> -> memref<1x128x128xf32, #tpu.memory_space<hbm>>
      %dma_start3A_29 = tpu.memref_squeeze %dma_start3A_28 : memref<1x128x128xf32, #tpu.memory_space<hbm>> -> memref<128x128xf32, #tpu.memory_space<hbm>>
      %dma_start3A_30 = arith.constant 0 : i32
      %dma_start3A_31 = tpu.memref_slice %dma_start3A_29[%mul3A_26, %dma_start3A_30] : memref<128x128xf32, #tpu.memory_space<hbm>> -> memref<8x128xf32, #tpu.memory_space<hbm>>
      %dma_start3A_32 = arith.constant 0 : i32
      %dma_start3A_33 = tpu.memref_slice %arg7[%mul3A_24, %dma_start3A_32] : memref<128x128xf32, #tpu.memory_space<vmem_shared>> -> memref<8x128xf32, #tpu.memory_space<vmem_shared>>
      tpu.enqueue_dma source(%dma_start3A_33 : memref<8x128xf32, #tpu.memory_space<vmem_shared>>) target(%dma_start3A_31 : memref<8x128xf32, #tpu.memory_space<hbm>>) target_semaphore(%run_scoped3A : memref<!tpu.dma_semaphore, #tpu.memory_space<semaphore_mem>>)
      %dma_wait3A = arith.constant 0 : i32
      %dma_wait3A_34 = arith.constant 0 : i32
      %dma_wait3A_35 = tpu.memref_slice %arg3[%arg0, %dma_wait3A, %dma_wait3A_34] : memref<2x128x128xf32, #tpu.memory_space<hbm>> -> memref<1x128x128xf32, #tpu.memory_space<hbm>>
      %dma_wait3A_36 = tpu.memref_squeeze %dma_wait3A_35 : memref<1x128x128xf32, #tpu.memory_space<hbm>> -> memref<128x128xf32, #tpu.memory_space<hbm>>
      %dma_wait3A_37 = arith.constant 0 : i32
      %dma_wait3A_38 = tpu.memref_slice %dma_wait3A_36[%mul3A_26, %dma_wait3A_37] : memref<128x128xf32, #tpu.memory_space<hbm>> -> memref<8x128xf32, #tpu.memory_space<hbm>>
      %dma_wait3A_39 = arith.constant 0 : i32
      %dma_wait3A_40 = tpu.memref_slice %arg7[%mul3A_24, %dma_wait3A_39] : memref<128x128xf32, #tpu.memory_space<vmem_shared>> -> memref<8x128xf32, #tpu.memory_space<vmem_shared>>
      tpu.wait_dma2 semaphore(%run_scoped3A : memref<!tpu.dma_semaphore, #tpu.memory_space<semaphore_mem>>) src(%dma_wait3A_40 : memref<8x128xf32, #tpu.memory_space<vmem_shared>>) dst(%dma_wait3A_38 : memref<8x128xf32, #tpu.memory_space<hbm>>)
      tpu.yield
    }) : () -> ()
    return
  }
}

#map = affine_map<(d0, d1) -> (0, 0)>
#map1 = affine_map<(d0, d1) -> (0)>
#map2 = affine_map<(d0, d1) -> (0, 0, 0)>
module attributes {stable_mosaic.version = 14 : i64} {
  func.func @k(%arg0: i32, %arg1: i32, %arg2: memref<10000x128xf32, #tpu.memory_space<hbm>>, %arg3: memref<323584xi32, #tpu.memory_space<hbm>>, %arg4: memref<323584xi32, #tpu.memory_space<hbm>>, %arg5: memref<2x10240x128xf32, #tpu.memory_space<hbm>>, %arg6: memref<128xi32, #tpu.memory_space<vmem>>, %arg7: memref<128xi32, #tpu.memory_space<vmem>>, %arg8: memref<128x128xf32, #tpu.memory_space<vmem>>, %arg9: memref<128x128xf32, #tpu.memory_space<vmem>>, %arg10: memref<10240x128xf32, #tpu.memory_space<vmem_shared>>, %arg11: memref<!tpu.dma_semaphore, #tpu.memory_space<semaphore_mem>>) attributes {dimension_semantics = [#tpu.dimension_semantics<core_parallel>, #tpu.dimension_semantics<subcore_parallel>], iteration_bounds = array<i64: 2, 16>, scalar_prefetch = 0 : i64, scratch_operands = 6 : i64, tpu.core_type = #tpu.core_type<sc_vector_subcore>, window_params = [{transform_indices = #map}, {transform_indices = #map1}, {transform_indices = #map1}, {transform_indices = #map2}]} {
    %mul3A = arith.constant 16 : i32
    %mul3A_0 = arith.muli %arg0, %mul3A : i32
    %add3A = arith.addi %mul3A_0, %arg1 : i32
    %broadcast_in_dim3A = arith.constant 0.000000e+00 : f32
    %broadcast_in_dim3A_1 = vector.broadcast %broadcast_in_dim3A : f32 to vector<16xf32>
    %scan3A = arith.constant 0 : i32
    %scan3A_2 = arith.constant 128 : i32
    %scan3A_3 = arith.addi %scan3A, %scan3A_2 : i32
    %scan3A_4 = arith.constant 1 : i32
    scf.for %scan3A_44 = %scan3A to %scan3A_3 step %scan3A_4  : i32 {
      %mul3A_45 = arith.constant 1 : i32
      %mul3A_46 = arith.muli %scan3A_44, %mul3A_45 : i32
      %add3A_47 = arith.constant 0 : i32
      %add3A_48 = arith.addi %add3A_47, %mul3A_46 : i32
      %scan3A_49 = arith.constant 0 : i32
      %scan3A_50 = arith.constant 8 : i32
      %scan3A_51 = arith.addi %scan3A_49, %scan3A_50 : i32
      %scan3A_52 = arith.constant 1 : i32
      scf.for %scan3A_54 = %scan3A_49 to %scan3A_51 step %scan3A_52  : i32 {
        %mul3A_55 = arith.constant 1 : i32
        %mul3A_56 = arith.muli %scan3A_54, %mul3A_55 : i32
        %add3A_57 = arith.constant 0 : i32
        %add3A_58 = arith.addi %add3A_57, %mul3A_56 : i32
        %mul3A_59 = arith.constant 16 : i32
        %mul3A_60 = arith.muli %add3A_58, %mul3A_59 : i32
        %swap3A = arith.index_cast %add3A_48 : i32 to index
        %swap3A_61 = arith.index_cast %mul3A_60 : i32 to index
        %swap3A_62 = tpu.vector_load %arg9[%swap3A, %swap3A_61] {strides = array<i32>} : memref<128x128xf32, #tpu.memory_space<vmem>>, vector<16xf32>,
        tpu.vector_store %arg9[%swap3A, %swap3A_61], %broadcast_in_dim3A_1 {strides = array<i32>} : memref<128x128xf32, #tpu.memory_space<vmem>>, vector<16xf32>,
      }
      %scan3A_53 = arith.constant 8 : i32
    }
    %scan3A_5 = arith.constant 128 : i32
    %mul3A_6 = arith.constant 640 : i32
    %mul3A_7 = arith.muli %arg1, %mul3A_6 : i32
    %add3A_8 = arith.constant 0 : i32
    %add3A_9 = arith.addi %mul3A_7, %add3A_8 : i32
    "tpu.region"() ({
      %run_scoped3A = tpu.sem_alloc : memref<!tpu.dma_semaphore, #tpu.memory_space<semaphore_mem>>
      %dma_start3A = arith.constant 0 : i32
      %dma_start3A_44 = arith.constant 0 : i32
      %dma_start3A_45 = tpu.memref_slice %arg9[%dma_start3A, %dma_start3A_44] : memref<128x128xf32, #tpu.memory_space<vmem>> -> memref<128x128xf32, #tpu.memory_space<vmem>>
      %dma_start3A_46 = arith.constant 0 : i32
      %dma_start3A_47 = tpu.memref_slice %arg10[%add3A_9, %dma_start3A_46] : memref<10240x128xf32, #tpu.memory_space<vmem_shared>> -> memref<128x128xf32, #tpu.memory_space<vmem_shared>>
      %dma_start3A_48 = arith.constant 0 : i32
      %dma_start3A_49 = tpu.memref_slice %arg10[%add3A_9, %dma_start3A_48] : memref<10240x128xf32, #tpu.memory_space<vmem_shared>> -> memref<128x128xf32, #tpu.memory_space<vmem_shared>>
      %dma_start3A_50 = arith.constant 0 : i32
      %dma_start3A_51 = arith.constant 0 : i32
      %dma_start3A_52 = tpu.memref_slice %arg9[%dma_start3A_50, %dma_start3A_51] : memref<128x128xf32, #tpu.memory_space<vmem>> -> memref<128x128xf32, #tpu.memory_space<vmem>>
      tpu.enqueue_dma source(%dma_start3A_52 : memref<128x128xf32, #tpu.memory_space<vmem>>) target(%dma_start3A_49 : memref<128x128xf32, #tpu.memory_space<vmem_shared>>) target_semaphore(%run_scoped3A : memref<!tpu.dma_semaphore, #tpu.memory_space<semaphore_mem>>)
      %dma_wait3A = arith.constant 0 : i32
      %dma_wait3A_53 = arith.constant 0 : i32
      %dma_wait3A_54 = tpu.memref_slice %arg9[%dma_wait3A, %dma_wait3A_53] : memref<128x128xf32, #tpu.memory_space<vmem>> -> memref<128x128xf32, #tpu.memory_space<vmem>>
      %dma_wait3A_55 = arith.constant 0 : i32
      %dma_wait3A_56 = tpu.memref_slice %arg10[%add3A_9, %dma_wait3A_55] : memref<10240x128xf32, #tpu.memory_space<vmem_shared>> -> memref<128x128xf32, #tpu.memory_space<vmem_shared>>
      %dma_wait3A_57 = arith.constant 0 : i32
      %dma_wait3A_58 = tpu.memref_slice %arg10[%add3A_9, %dma_wait3A_57] : memref<10240x128xf32, #tpu.memory_space<vmem_shared>> -> memref<128x128xf32, #tpu.memory_space<vmem_shared>>
      %dma_wait3A_59 = arith.constant 0 : i32
      %dma_wait3A_60 = arith.constant 0 : i32
      %dma_wait3A_61 = tpu.memref_slice %arg9[%dma_wait3A_59, %dma_wait3A_60] : memref<128x128xf32, #tpu.memory_space<vmem>> -> memref<128x128xf32, #tpu.memory_space<vmem>>
      tpu.wait_dma2 semaphore(%run_scoped3A : memref<!tpu.dma_semaphore, #tpu.memory_space<semaphore_mem>>) src(%dma_wait3A_61 : memref<128x128xf32, #tpu.memory_space<vmem>>) dst(%dma_wait3A_58 : memref<128x128xf32, #tpu.memory_space<vmem_shared>>)
      tpu.yield
    }) : () -> ()
    %add3A_10 = arith.constant 128 : i32
    %add3A_11 = arith.addi %mul3A_7, %add3A_10 : i32
    "tpu.region"() ({
      %run_scoped3A = tpu.sem_alloc : memref<!tpu.dma_semaphore, #tpu.memory_space<semaphore_mem>>
      %dma_start3A = arith.constant 0 : i32
      %dma_start3A_44 = arith.constant 0 : i32
      %dma_start3A_45 = tpu.memref_slice %arg9[%dma_start3A, %dma_start3A_44] : memref<128x128xf32, #tpu.memory_space<vmem>> -> memref<128x128xf32, #tpu.memory_space<vmem>>
      %dma_start3A_46 = arith.constant 0 : i32
      %dma_start3A_47 = tpu.memref_slice %arg10[%add3A_11, %dma_start3A_46] : memref<10240x128xf32, #tpu.memory_space<vmem_shared>> -> memref<128x128xf32, #tpu.memory_space<vmem_shared>>
      %dma_start3A_48 = arith.constant 0 : i32
      %dma_start3A_49 = tpu.memref_slice %arg10[%add3A_11, %dma_start3A_48] : memref<10240x128xf32, #tpu.memory_space<vmem_shared>> -> memref<128x128xf32, #tpu.memory_space<vmem_shared>>
      %dma_start3A_50 = arith.constant 0 : i32
      %dma_start3A_51 = arith.constant 0 : i32
      %dma_start3A_52 = tpu.memref_slice %arg9[%dma_start3A_50, %dma_start3A_51] : memref<128x128xf32, #tpu.memory_space<vmem>> -> memref<128x128xf32, #tpu.memory_space<vmem>>
      tpu.enqueue_dma source(%dma_start3A_52 : memref<128x128xf32, #tpu.memory_space<vmem>>) target(%dma_start3A_49 : memref<128x128xf32, #tpu.memory_space<vmem_shared>>) target_semaphore(%run_scoped3A : memref<!tpu.dma_semaphore, #tpu.memory_space<semaphore_mem>>)
      %dma_wait3A = arith.constant 0 : i32
      %dma_wait3A_53 = arith.constant 0 : i32
      %dma_wait3A_54 = tpu.memref_slice %arg9[%dma_wait3A, %dma_wait3A_53] : memref<128x128xf32, #tpu.memory_space<vmem>> -> memref<128x128xf32, #tpu.memory_space<vmem>>
      %dma_wait3A_55 = arith.constant 0 : i32
      %dma_wait3A_56 = tpu.memref_slice %arg10[%add3A_11, %dma_wait3A_55] : memref<10240x128xf32, #tpu.memory_space<vmem_shared>> -> memref<128x128xf32, #tpu.memory_space<vmem_shared>>
      %dma_wait3A_57 = arith.constant 0 : i32
      %dma_wait3A_58 = tpu.memref_slice %arg10[%add3A_11, %dma_wait3A_57] : memref<10240x128xf32, #tpu.memory_space<vmem_shared>> -> memref<128x128xf32, #tpu.memory_space<vmem_shared>>
      %dma_wait3A_59 = arith.constant 0 : i32
      %dma_wait3A_60 = arith.constant 0 : i32
      %dma_wait3A_61 = tpu.memref_slice %arg9[%dma_wait3A_59, %dma_wait3A_60] : memref<128x128xf32, #tpu.memory_space<vmem>> -> memref<128x128xf32, #tpu.memory_space<vmem>>
      tpu.wait_dma2 semaphore(%run_scoped3A : memref<!tpu.dma_semaphore, #tpu.memory_space<semaphore_mem>>) src(%dma_wait3A_61 : memref<128x128xf32, #tpu.memory_space<vmem>>) dst(%dma_wait3A_58 : memref<128x128xf32, #tpu.memory_space<vmem_shared>>)
      tpu.yield
    }) : () -> ()
    %add3A_12 = arith.constant 256 : i32
    %add3A_13 = arith.addi %mul3A_7, %add3A_12 : i32
    "tpu.region"() ({
      %run_scoped3A = tpu.sem_alloc : memref<!tpu.dma_semaphore, #tpu.memory_space<semaphore_mem>>
      %dma_start3A = arith.constant 0 : i32
      %dma_start3A_44 = arith.constant 0 : i32
      %dma_start3A_45 = tpu.memref_slice %arg9[%dma_start3A, %dma_start3A_44] : memref<128x128xf32, #tpu.memory_space<vmem>> -> memref<128x128xf32, #tpu.memory_space<vmem>>
      %dma_start3A_46 = arith.constant 0 : i32
      %dma_start3A_47 = tpu.memref_slice %arg10[%add3A_13, %dma_start3A_46] : memref<10240x128xf32, #tpu.memory_space<vmem_shared>> -> memref<128x128xf32, #tpu.memory_space<vmem_shared>>
      %dma_start3A_48 = arith.constant 0 : i32
      %dma_start3A_49 = tpu.memref_slice %arg10[%add3A_13, %dma_start3A_48] : memref<10240x128xf32, #tpu.memory_space<vmem_shared>> -> memref<128x128xf32, #tpu.memory_space<vmem_shared>>
      %dma_start3A_50 = arith.constant 0 : i32
      %dma_start3A_51 = arith.constant 0 : i32
      %dma_start3A_52 = tpu.memref_slice %arg9[%dma_start3A_50, %dma_start3A_51] : memref<128x128xf32, #tpu.memory_space<vmem>> -> memref<128x128xf32, #tpu.memory_space<vmem>>
      tpu.enqueue_dma source(%dma_start3A_52 : memref<128x128xf32, #tpu.memory_space<vmem>>) target(%dma_start3A_49 : memref<128x128xf32, #tpu.memory_space<vmem_shared>>) target_semaphore(%run_scoped3A : memref<!tpu.dma_semaphore, #tpu.memory_space<semaphore_mem>>)
      %dma_wait3A = arith.constant 0 : i32
      %dma_wait3A_53 = arith.constant 0 : i32
      %dma_wait3A_54 = tpu.memref_slice %arg9[%dma_wait3A, %dma_wait3A_53] : memref<128x128xf32, #tpu.memory_space<vmem>> -> memref<128x128xf32, #tpu.memory_space<vmem>>
      %dma_wait3A_55 = arith.constant 0 : i32
      %dma_wait3A_56 = tpu.memref_slice %arg10[%add3A_13, %dma_wait3A_55] : memref<10240x128xf32, #tpu.memory_space<vmem_shared>> -> memref<128x128xf32, #tpu.memory_space<vmem_shared>>
      %dma_wait3A_57 = arith.constant 0 : i32
      %dma_wait3A_58 = tpu.memref_slice %arg10[%add3A_13, %dma_wait3A_57] : memref<10240x128xf32, #tpu.memory_space<vmem_shared>> -> memref<128x128xf32, #tpu.memory_space<vmem_shared>>
      %dma_wait3A_59 = arith.constant 0 : i32
      %dma_wait3A_60 = arith.constant 0 : i32
      %dma_wait3A_61 = tpu.memref_slice %arg9[%dma_wait3A_59, %dma_wait3A_60] : memref<128x128xf32, #tpu.memory_space<vmem>> -> memref<128x128xf32, #tpu.memory_space<vmem>>
      tpu.wait_dma2 semaphore(%run_scoped3A : memref<!tpu.dma_semaphore, #tpu.memory_space<semaphore_mem>>) src(%dma_wait3A_61 : memref<128x128xf32, #tpu.memory_space<vmem>>) dst(%dma_wait3A_58 : memref<128x128xf32, #tpu.memory_space<vmem_shared>>)
      tpu.yield
    }) : () -> ()
    %add3A_14 = arith.constant 384 : i32
    %add3A_15 = arith.addi %mul3A_7, %add3A_14 : i32
    "tpu.region"() ({
      %run_scoped3A = tpu.sem_alloc : memref<!tpu.dma_semaphore, #tpu.memory_space<semaphore_mem>>
      %dma_start3A = arith.constant 0 : i32
      %dma_start3A_44 = arith.constant 0 : i32
      %dma_start3A_45 = tpu.memref_slice %arg9[%dma_start3A, %dma_start3A_44] : memref<128x128xf32, #tpu.memory_space<vmem>> -> memref<128x128xf32, #tpu.memory_space<vmem>>
      %dma_start3A_46 = arith.constant 0 : i32
      %dma_start3A_47 = tpu.memref_slice %arg10[%add3A_15, %dma_start3A_46] : memref<10240x128xf32, #tpu.memory_space<vmem_shared>> -> memref<128x128xf32, #tpu.memory_space<vmem_shared>>
      %dma_start3A_48 = arith.constant 0 : i32
      %dma_start3A_49 = tpu.memref_slice %arg10[%add3A_15, %dma_start3A_48] : memref<10240x128xf32, #tpu.memory_space<vmem_shared>> -> memref<128x128xf32, #tpu.memory_space<vmem_shared>>
      %dma_start3A_50 = arith.constant 0 : i32
      %dma_start3A_51 = arith.constant 0 : i32
      %dma_start3A_52 = tpu.memref_slice %arg9[%dma_start3A_50, %dma_start3A_51] : memref<128x128xf32, #tpu.memory_space<vmem>> -> memref<128x128xf32, #tpu.memory_space<vmem>>
      tpu.enqueue_dma source(%dma_start3A_52 : memref<128x128xf32, #tpu.memory_space<vmem>>) target(%dma_start3A_49 : memref<128x128xf32, #tpu.memory_space<vmem_shared>>) target_semaphore(%run_scoped3A : memref<!tpu.dma_semaphore, #tpu.memory_space<semaphore_mem>>)
      %dma_wait3A = arith.constant 0 : i32
      %dma_wait3A_53 = arith.constant 0 : i32
      %dma_wait3A_54 = tpu.memref_slice %arg9[%dma_wait3A, %dma_wait3A_53] : memref<128x128xf32, #tpu.memory_space<vmem>> -> memref<128x128xf32, #tpu.memory_space<vmem>>
      %dma_wait3A_55 = arith.constant 0 : i32
      %dma_wait3A_56 = tpu.memref_slice %arg10[%add3A_15, %dma_wait3A_55] : memref<10240x128xf32, #tpu.memory_space<vmem_shared>> -> memref<128x128xf32, #tpu.memory_space<vmem_shared>>
      %dma_wait3A_57 = arith.constant 0 : i32
      %dma_wait3A_58 = tpu.memref_slice %arg10[%add3A_15, %dma_wait3A_57] : memref<10240x128xf32, #tpu.memory_space<vmem_shared>> -> memref<128x128xf32, #tpu.memory_space<vmem_shared>>
      %dma_wait3A_59 = arith.constant 0 : i32
      %dma_wait3A_60 = arith.constant 0 : i32
      %dma_wait3A_61 = tpu.memref_slice %arg9[%dma_wait3A_59, %dma_wait3A_60] : memref<128x128xf32, #tpu.memory_space<vmem>> -> memref<128x128xf32, #tpu.memory_space<vmem>>
      tpu.wait_dma2 semaphore(%run_scoped3A : memref<!tpu.dma_semaphore, #tpu.memory_space<semaphore_mem>>) src(%dma_wait3A_61 : memref<128x128xf32, #tpu.memory_space<vmem>>) dst(%dma_wait3A_58 : memref<128x128xf32, #tpu.memory_space<vmem_shared>>)
      tpu.yield
    }) : () -> ()
    %add3A_16 = arith.constant 512 : i32
    %add3A_17 = arith.addi %mul3A_7, %add3A_16 : i32
    "tpu.region"() ({
      %run_scoped3A = tpu.sem_alloc : memref<!tpu.dma_semaphore, #tpu.memory_space<semaphore_mem>>
      %dma_start3A = arith.constant 0 : i32
      %dma_start3A_44 = arith.constant 0 : i32
      %dma_start3A_45 = tpu.memref_slice %arg9[%dma_start3A, %dma_start3A_44] : memref<128x128xf32, #tpu.memory_space<vmem>> -> memref<128x128xf32, #tpu.memory_space<vmem>>
      %dma_start3A_46 = arith.constant 0 : i32
      %dma_start3A_47 = tpu.memref_slice %arg10[%add3A_17, %dma_start3A_46] : memref<10240x128xf32, #tpu.memory_space<vmem_shared>> -> memref<128x128xf32, #tpu.memory_space<vmem_shared>>
      %dma_start3A_48 = arith.constant 0 : i32
      %dma_start3A_49 = tpu.memref_slice %arg10[%add3A_17, %dma_start3A_48] : memref<10240x128xf32, #tpu.memory_space<vmem_shared>> -> memref<128x128xf32, #tpu.memory_space<vmem_shared>>
      %dma_start3A_50 = arith.constant 0 : i32
      %dma_start3A_51 = arith.constant 0 : i32
      %dma_start3A_52 = tpu.memref_slice %arg9[%dma_start3A_50, %dma_start3A_51] : memref<128x128xf32, #tpu.memory_space<vmem>> -> memref<128x128xf32, #tpu.memory_space<vmem>>
      tpu.enqueue_dma source(%dma_start3A_52 : memref<128x128xf32, #tpu.memory_space<vmem>>) target(%dma_start3A_49 : memref<128x128xf32, #tpu.memory_space<vmem_shared>>) target_semaphore(%run_scoped3A : memref<!tpu.dma_semaphore, #tpu.memory_space<semaphore_mem>>)
      %dma_wait3A = arith.constant 0 : i32
      %dma_wait3A_53 = arith.constant 0 : i32
      %dma_wait3A_54 = tpu.memref_slice %arg9[%dma_wait3A, %dma_wait3A_53] : memref<128x128xf32, #tpu.memory_space<vmem>> -> memref<128x128xf32, #tpu.memory_space<vmem>>
      %dma_wait3A_55 = arith.constant 0 : i32
      %dma_wait3A_56 = tpu.memref_slice %arg10[%add3A_17, %dma_wait3A_55] : memref<10240x128xf32, #tpu.memory_space<vmem_shared>> -> memref<128x128xf32, #tpu.memory_space<vmem_shared>>
      %dma_wait3A_57 = arith.constant 0 : i32
      %dma_wait3A_58 = tpu.memref_slice %arg10[%add3A_17, %dma_wait3A_57] : memref<10240x128xf32, #tpu.memory_space<vmem_shared>> -> memref<128x128xf32, #tpu.memory_space<vmem_shared>>
      %dma_wait3A_59 = arith.constant 0 : i32
      %dma_wait3A_60 = arith.constant 0 : i32
      %dma_wait3A_61 = tpu.memref_slice %arg9[%dma_wait3A_59, %dma_wait3A_60] : memref<128x128xf32, #tpu.memory_space<vmem>> -> memref<128x128xf32, #tpu.memory_space<vmem>>
      tpu.wait_dma2 semaphore(%run_scoped3A : memref<!tpu.dma_semaphore, #tpu.memory_space<semaphore_mem>>) src(%dma_wait3A_61 : memref<128x128xf32, #tpu.memory_space<vmem>>) dst(%dma_wait3A_58 : memref<128x128xf32, #tpu.memory_space<vmem_shared>>)
      tpu.yield
    }) : () -> ()
    %barrier3A = arith.constant 0 : index
    tpu.barrier barrier_id(%barrier3A)
    %scan3A_18 = arith.constant 0 : i32
    %scan3A_19 = arith.constant 79 : i32
    %scan3A_20 = arith.addi %scan3A_18, %scan3A_19 : i32
    %scan3A_21 = arith.constant 1 : i32
    scf.for %scan3A_44 = %scan3A_18 to %scan3A_20 step %scan3A_21  : i32 {
      %mul3A_45 = arith.constant 1 : i32
      %mul3A_46 = arith.muli %scan3A_44, %mul3A_45 : i32
      %add3A_47 = arith.constant 0 : i32
      %add3A_48 = arith.addi %add3A_47, %mul3A_46 : i32
      %mul3A_49 = arith.constant 10112 : i32
      %mul3A_50 = arith.muli %add3A, %mul3A_49 : i32
      %mul3A_51 = arith.constant 128 : i32
      %mul3A_52 = arith.muli %add3A_48, %mul3A_51 : i32
      %add3A_53 = arith.addi %mul3A_50, %mul3A_52 : i32
      "tpu.region"() ({
        %run_scoped3A = tpu.sem_alloc : memref<!tpu.dma_semaphore, #tpu.memory_space<semaphore_mem>>
        %dma_start3A_58 = tpu.memref_slice %arg3[%add3A_53] : memref<323584xi32, #tpu.memory_space<hbm>> -> memref<128xi32, #tpu.memory_space<hbm>>
        %dma_start3A_59 = tpu.memref_slice %arg3[%add3A_53] : memref<323584xi32, #tpu.memory_space<hbm>> -> memref<128xi32, #tpu.memory_space<hbm>>
        tpu.enqueue_dma source(%dma_start3A_59 : memref<128xi32, #tpu.memory_space<hbm>>) target(%arg6 : memref<128xi32, #tpu.memory_space<vmem>>) target_semaphore(%run_scoped3A : memref<!tpu.dma_semaphore, #tpu.memory_space<semaphore_mem>>)
        %dma_wait3A_60 = tpu.memref_slice %arg3[%add3A_53] : memref<323584xi32, #tpu.memory_space<hbm>> -> memref<128xi32, #tpu.memory_space<hbm>>
        %dma_wait3A_61 = tpu.memref_slice %arg3[%add3A_53] : memref<323584xi32, #tpu.memory_space<hbm>> -> memref<128xi32, #tpu.memory_space<hbm>>
        tpu.wait_dma2 semaphore(%run_scoped3A : memref<!tpu.dma_semaphore, #tpu.memory_space<semaphore_mem>>) src(%dma_wait3A_61 : memref<128xi32, #tpu.memory_space<hbm>>) dst(%arg6 : memref<128xi32, #tpu.memory_space<vmem>>)
        tpu.yield
      }) : () -> ()
      "tpu.region"() ({
        %run_scoped3A = tpu.sem_alloc : memref<!tpu.dma_semaphore, #tpu.memory_space<semaphore_mem>>
        %dma_start3A_58 = tpu.memref_slice %arg4[%add3A_53] : memref<323584xi32, #tpu.memory_space<hbm>> -> memref<128xi32, #tpu.memory_space<hbm>>
        %dma_start3A_59 = tpu.memref_slice %arg4[%add3A_53] : memref<323584xi32, #tpu.memory_space<hbm>> -> memref<128xi32, #tpu.memory_space<hbm>>
        tpu.enqueue_dma source(%dma_start3A_59 : memref<128xi32, #tpu.memory_space<hbm>>) target(%arg7 : memref<128xi32, #tpu.memory_space<vmem>>) target_semaphore(%run_scoped3A : memref<!tpu.dma_semaphore, #tpu.memory_space<semaphore_mem>>)
        %dma_wait3A_60 = tpu.memref_slice %arg4[%add3A_53] : memref<323584xi32, #tpu.memory_space<hbm>> -> memref<128xi32, #tpu.memory_space<hbm>>
        %dma_wait3A_61 = tpu.memref_slice %arg4[%add3A_53] : memref<323584xi32, #tpu.memory_space<hbm>> -> memref<128xi32, #tpu.memory_space<hbm>>
        tpu.wait_dma2 semaphore(%run_scoped3A : memref<!tpu.dma_semaphore, #tpu.memory_space<semaphore_mem>>) src(%dma_wait3A_61 : memref<128xi32, #tpu.memory_space<hbm>>) dst(%arg7 : memref<128xi32, #tpu.memory_space<vmem>>)
        tpu.yield
      }) : () -> ()
      %dma_start3A = arith.constant 0 : i32
      %dma_start3A_54 = arith.constant 0 : i32
      %dma_start3A_55 = tpu.memref_slice %arg2[%dma_start3A, %dma_start3A_54] : memref<10000x128xf32, #tpu.memory_space<hbm>> -> memref<10000x128xf32, #tpu.memory_space<hbm>>
      tpu.enqueue_indirect_dma source(%dma_start3A_55 : memref<10000x128xf32, #tpu.memory_space<hbm>>) target(%arg8 : memref<128x128xf32, #tpu.memory_space<vmem>>) offsets(%arg6 : memref<128xi32, #tpu.memory_space<vmem>>) semaphore(%arg11 : memref<!tpu.dma_semaphore, #tpu.memory_space<semaphore_mem>>)
      %dma_wait3A = arith.constant 0 : i32
      %dma_wait3A_56 = arith.constant 0 : i32
      %dma_wait3A_57 = tpu.memref_slice %arg2[%dma_wait3A, %dma_wait3A_56] : memref<10000x128xf32, #tpu.memory_space<hbm>> -> memref<10000x128xf32, #tpu.memory_space<hbm>>
      tpu.wait_indirect_dma semaphore(%arg11 : memref<!tpu.dma_semaphore, #tpu.memory_space<semaphore_mem>>) src(%dma_wait3A_57 : memref<10000x128xf32, #tpu.memory_space<hbm>>) dst(%arg8 : memref<128x128xf32, #tpu.memory_space<vmem>>)
      "tpu.region"() ({
        %run_scoped3A = tpu.sem_alloc : memref<!tpu.dma_semaphore, #tpu.memory_space<semaphore_mem>>
        %dma_start3A_58 = arith.constant 0 : i32
        %dma_start3A_59 = arith.constant 0 : i32
        %dma_start3A_60 = tpu.memref_slice %arg10[%dma_start3A_58, %dma_start3A_59] : memref<10240x128xf32, #tpu.memory_space<vmem_shared>> -> memref<10240x128xf32, #tpu.memory_space<vmem_shared>>
        tpu.enqueue_indirect_dma source(%arg8 : memref<128x128xf32, #tpu.memory_space<vmem>>) target(%dma_start3A_60 : memref<10240x128xf32, #tpu.memory_space<vmem_shared>>) offsets(%arg7 : memref<128xi32, #tpu.memory_space<vmem>>) semaphore(%run_scoped3A : memref<!tpu.dma_semaphore, #tpu.memory_space<semaphore_mem>>) {add = true}
        %dma_wait3A_61 = arith.constant 0 : i32
        %dma_wait3A_62 = arith.constant 0 : i32
        %dma_wait3A_63 = tpu.memref_slice %arg10[%dma_wait3A_61, %dma_wait3A_62] : memref<10240x128xf32, #tpu.memory_space<vmem_shared>> -> memref<10240x128xf32, #tpu.memory_space<vmem_shared>>
        tpu.wait_indirect_dma semaphore(%run_scoped3A : memref<!tpu.dma_semaphore, #tpu.memory_space<semaphore_mem>>) src(%arg8 : memref<128x128xf32, #tpu.memory_space<vmem>>) dst(%dma_wait3A_63 : memref<10240x128xf32, #tpu.memory_space<vmem_shared>>)
        tpu.yield
      }) : () -> ()
    }
    %scan3A_22 = arith.constant 79 : i32
    %barrier3A_23 = arith.constant 0 : index
    tpu.barrier barrier_id(%barrier3A_23)
    %add3A_24 = arith.constant 0 : i32
    %add3A_25 = arith.addi %mul3A_7, %add3A_24 : i32
    %add3A_26 = arith.constant 0 : i32
    %add3A_27 = arith.addi %mul3A_7, %add3A_26 : i32
    "tpu.region"() ({
      %run_scoped3A = tpu.sem_alloc : memref<!tpu.dma_semaphore, #tpu.memory_space<semaphore_mem>>
      %dma_start3A = arith.constant 0 : i32
      %dma_start3A_44 = arith.constant 0 : i32
      %dma_start3A_45 = tpu.memref_slice %arg5[%arg0, %dma_start3A, %dma_start3A_44] : memref<2x10240x128xf32, #tpu.memory_space<hbm>> -> memref<1x10240x128xf32, #tpu.memory_space<hbm>>
      %dma_start3A_46 = tpu.memref_squeeze %dma_start3A_45 : memref<1x10240x128xf32, #tpu.memory_space<hbm>> -> memref<10240x128xf32, #tpu.memory_space<hbm>>
      %dma_start3A_47 = arith.constant 0 : i32
      %dma_start3A_48 = tpu.memref_slice %dma_start3A_46[%add3A_27, %dma_start3A_47] : memref<10240x128xf32, #tpu.memory_space<hbm>> -> memref<128x128xf32, #tpu.memory_space<hbm>>
      %dma_start3A_49 = arith.constant 0 : i32
      %dma_start3A_50 = tpu.memref_slice %arg10[%add3A_25, %dma_start3A_49] : memref<10240x128xf32, #tpu.memory_space<vmem_shared>> -> memref<128x128xf32, #tpu.memory_space<vmem_shared>>
      tpu.enqueue_dma source(%dma_start3A_50 : memref<128x128xf32, #tpu.memory_space<vmem_shared>>) target(%dma_start3A_48 : memref<128x128xf32, #tpu.memory_space<hbm>>) target_semaphore(%run_scoped3A : memref<!tpu.dma_semaphore, #tpu.memory_space<semaphore_mem>>)
      %dma_wait3A = arith.constant 0 : i32
      %dma_wait3A_51 = arith.constant 0 : i32
      %dma_wait3A_52 = tpu.memref_slice %arg5[%arg0, %dma_wait3A, %dma_wait3A_51] : memref<2x10240x128xf32, #tpu.memory_space<hbm>> -> memref<1x10240x128xf32, #tpu.memory_space<hbm>>
      %dma_wait3A_53 = tpu.memref_squeeze %dma_wait3A_52 : memref<1x10240x128xf32, #tpu.memory_space<hbm>> -> memref<10240x128xf32, #tpu.memory_space<hbm>>
      %dma_wait3A_54 = arith.constant 0 : i32
      %dma_wait3A_55 = tpu.memref_slice %dma_wait3A_53[%add3A_27, %dma_wait3A_54] : memref<10240x128xf32, #tpu.memory_space<hbm>> -> memref<128x128xf32, #tpu.memory_space<hbm>>
      %dma_wait3A_56 = arith.constant 0 : i32
      %dma_wait3A_57 = tpu.memref_slice %arg10[%add3A_25, %dma_wait3A_56] : memref<10240x128xf32, #tpu.memory_space<vmem_shared>> -> memref<128x128xf32, #tpu.memory_space<vmem_shared>>
      tpu.wait_dma2 semaphore(%run_scoped3A : memref<!tpu.dma_semaphore, #tpu.memory_space<semaphore_mem>>) src(%dma_wait3A_57 : memref<128x128xf32, #tpu.memory_space<vmem_shared>>) dst(%dma_wait3A_55 : memref<128x128xf32, #tpu.memory_space<hbm>>)
      tpu.yield
    }) : () -> ()
    %add3A_28 = arith.constant 128 : i32
    %add3A_29 = arith.addi %mul3A_7, %add3A_28 : i32
    %add3A_30 = arith.constant 128 : i32
    %add3A_31 = arith.addi %mul3A_7, %add3A_30 : i32
    "tpu.region"() ({
      %run_scoped3A = tpu.sem_alloc : memref<!tpu.dma_semaphore, #tpu.memory_space<semaphore_mem>>
      %dma_start3A = arith.constant 0 : i32
      %dma_start3A_44 = arith.constant 0 : i32
      %dma_start3A_45 = tpu.memref_slice %arg5[%arg0, %dma_start3A, %dma_start3A_44] : memref<2x10240x128xf32, #tpu.memory_space<hbm>> -> memref<1x10240x128xf32, #tpu.memory_space<hbm>>
      %dma_start3A_46 = tpu.memref_squeeze %dma_start3A_45 : memref<1x10240x128xf32, #tpu.memory_space<hbm>> -> memref<10240x128xf32, #tpu.memory_space<hbm>>
      %dma_start3A_47 = arith.constant 0 : i32
      %dma_start3A_48 = tpu.memref_slice %dma_start3A_46[%add3A_31, %dma_start3A_47] : memref<10240x128xf32, #tpu.memory_space<hbm>> -> memref<128x128xf32, #tpu.memory_space<hbm>>
      %dma_start3A_49 = arith.constant 0 : i32
      %dma_start3A_50 = tpu.memref_slice %arg10[%add3A_29, %dma_start3A_49] : memref<10240x128xf32, #tpu.memory_space<vmem_shared>> -> memref<128x128xf32, #tpu.memory_space<vmem_shared>>
      tpu.enqueue_dma source(%dma_start3A_50 : memref<128x128xf32, #tpu.memory_space<vmem_shared>>) target(%dma_start3A_48 : memref<128x128xf32, #tpu.memory_space<hbm>>) target_semaphore(%run_scoped3A : memref<!tpu.dma_semaphore, #tpu.memory_space<semaphore_mem>>)
      %dma_wait3A = arith.constant 0 : i32
      %dma_wait3A_51 = arith.constant 0 : i32
      %dma_wait3A_52 = tpu.memref_slice %arg5[%arg0, %dma_wait3A, %dma_wait3A_51] : memref<2x10240x128xf32, #tpu.memory_space<hbm>> -> memref<1x10240x128xf32, #tpu.memory_space<hbm>>
      %dma_wait3A_53 = tpu.memref_squeeze %dma_wait3A_52 : memref<1x10240x128xf32, #tpu.memory_space<hbm>> -> memref<10240x128xf32, #tpu.memory_space<hbm>>
      %dma_wait3A_54 = arith.constant 0 : i32
      %dma_wait3A_55 = tpu.memref_slice %dma_wait3A_53[%add3A_31, %dma_wait3A_54] : memref<10240x128xf32, #tpu.memory_space<hbm>> -> memref<128x128xf32, #tpu.memory_space<hbm>>
      %dma_wait3A_56 = arith.constant 0 : i32
      %dma_wait3A_57 = tpu.memref_slice %arg10[%add3A_29, %dma_wait3A_56] : memref<10240x128xf32, #tpu.memory_space<vmem_shared>> -> memref<128x128xf32, #tpu.memory_space<vmem_shared>>
      tpu.wait_dma2 semaphore(%run_scoped3A : memref<!tpu.dma_semaphore, #tpu.memory_space<semaphore_mem>>) src(%dma_wait3A_57 : memref<128x128xf32, #tpu.memory_space<vmem_shared>>) dst(%dma_wait3A_55 : memref<128x128xf32, #tpu.memory_space<hbm>>)
      tpu.yield
    }) : () -> ()
    %add3A_32 = arith.constant 256 : i32
    %add3A_33 = arith.addi %mul3A_7, %add3A_32 : i32
    %add3A_34 = arith.constant 256 : i32
    %add3A_35 = arith.addi %mul3A_7, %add3A_34 : i32
    "tpu.region"() ({
      %run_scoped3A = tpu.sem_alloc : memref<!tpu.dma_semaphore, #tpu.memory_space<semaphore_mem>>
      %dma_start3A = arith.constant 0 : i32
      %dma_start3A_44 = arith.constant 0 : i32
      %dma_start3A_45 = tpu.memref_slice %arg5[%arg0, %dma_start3A, %dma_start3A_44] : memref<2x10240x128xf32, #tpu.memory_space<hbm>> -> memref<1x10240x128xf32, #tpu.memory_space<hbm>>
      %dma_start3A_46 = tpu.memref_squeeze %dma_start3A_45 : memref<1x10240x128xf32, #tpu.memory_space<hbm>> -> memref<10240x128xf32, #tpu.memory_space<hbm>>
      %dma_start3A_47 = arith.constant 0 : i32
      %dma_start3A_48 = tpu.memref_slice %dma_start3A_46[%add3A_35, %dma_start3A_47] : memref<10240x128xf32, #tpu.memory_space<hbm>> -> memref<128x128xf32, #tpu.memory_space<hbm>>
      %dma_start3A_49 = arith.constant 0 : i32
      %dma_start3A_50 = tpu.memref_slice %arg10[%add3A_33, %dma_start3A_49] : memref<10240x128xf32, #tpu.memory_space<vmem_shared>> -> memref<128x128xf32, #tpu.memory_space<vmem_shared>>
      tpu.enqueue_dma source(%dma_start3A_50 : memref<128x128xf32, #tpu.memory_space<vmem_shared>>) target(%dma_start3A_48 : memref<128x128xf32, #tpu.memory_space<hbm>>) target_semaphore(%run_scoped3A : memref<!tpu.dma_semaphore, #tpu.memory_space<semaphore_mem>>)
      %dma_wait3A = arith.constant 0 : i32
      %dma_wait3A_51 = arith.constant 0 : i32
      %dma_wait3A_52 = tpu.memref_slice %arg5[%arg0, %dma_wait3A, %dma_wait3A_51] : memref<2x10240x128xf32, #tpu.memory_space<hbm>> -> memref<1x10240x128xf32, #tpu.memory_space<hbm>>
      %dma_wait3A_53 = tpu.memref_squeeze %dma_wait3A_52 : memref<1x10240x128xf32, #tpu.memory_space<hbm>> -> memref<10240x128xf32, #tpu.memory_space<hbm>>
      %dma_wait3A_54 = arith.constant 0 : i32
      %dma_wait3A_55 = tpu.memref_slice %dma_wait3A_53[%add3A_35, %dma_wait3A_54] : memref<10240x128xf32, #tpu.memory_space<hbm>> -> memref<128x128xf32, #tpu.memory_space<hbm>>
      %dma_wait3A_56 = arith.constant 0 : i32
      %dma_wait3A_57 = tpu.memref_slice %arg10[%add3A_33, %dma_wait3A_56] : memref<10240x128xf32, #tpu.memory_space<vmem_shared>> -> memref<128x128xf32, #tpu.memory_space<vmem_shared>>
      tpu.wait_dma2 semaphore(%run_scoped3A : memref<!tpu.dma_semaphore, #tpu.memory_space<semaphore_mem>>) src(%dma_wait3A_57 : memref<128x128xf32, #tpu.memory_space<vmem_shared>>) dst(%dma_wait3A_55 : memref<128x128xf32, #tpu.memory_space<hbm>>)
      tpu.yield
    }) : () -> ()
    %add3A_36 = arith.constant 384 : i32
    %add3A_37 = arith.addi %mul3A_7, %add3A_36 : i32
    %add3A_38 = arith.constant 384 : i32
    %add3A_39 = arith.addi %mul3A_7, %add3A_38 : i32
    "tpu.region"() ({
      %run_scoped3A = tpu.sem_alloc : memref<!tpu.dma_semaphore, #tpu.memory_space<semaphore_mem>>
      %dma_start3A = arith.constant 0 : i32
      %dma_start3A_44 = arith.constant 0 : i32
      %dma_start3A_45 = tpu.memref_slice %arg5[%arg0, %dma_start3A, %dma_start3A_44] : memref<2x10240x128xf32, #tpu.memory_space<hbm>> -> memref<1x10240x128xf32, #tpu.memory_space<hbm>>
      %dma_start3A_46 = tpu.memref_squeeze %dma_start3A_45 : memref<1x10240x128xf32, #tpu.memory_space<hbm>> -> memref<10240x128xf32, #tpu.memory_space<hbm>>
      %dma_start3A_47 = arith.constant 0 : i32
      %dma_start3A_48 = tpu.memref_slice %dma_start3A_46[%add3A_39, %dma_start3A_47] : memref<10240x128xf32, #tpu.memory_space<hbm>> -> memref<128x128xf32, #tpu.memory_space<hbm>>
      %dma_start3A_49 = arith.constant 0 : i32
      %dma_start3A_50 = tpu.memref_slice %arg10[%add3A_37, %dma_start3A_49] : memref<10240x128xf32, #tpu.memory_space<vmem_shared>> -> memref<128x128xf32, #tpu.memory_space<vmem_shared>>
      tpu.enqueue_dma source(%dma_start3A_50 : memref<128x128xf32, #tpu.memory_space<vmem_shared>>) target(%dma_start3A_48 : memref<128x128xf32, #tpu.memory_space<hbm>>) target_semaphore(%run_scoped3A : memref<!tpu.dma_semaphore, #tpu.memory_space<semaphore_mem>>)
      %dma_wait3A = arith.constant 0 : i32
      %dma_wait3A_51 = arith.constant 0 : i32
      %dma_wait3A_52 = tpu.memref_slice %arg5[%arg0, %dma_wait3A, %dma_wait3A_51] : memref<2x10240x128xf32, #tpu.memory_space<hbm>> -> memref<1x10240x128xf32, #tpu.memory_space<hbm>>
      %dma_wait3A_53 = tpu.memref_squeeze %dma_wait3A_52 : memref<1x10240x128xf32, #tpu.memory_space<hbm>> -> memref<10240x128xf32, #tpu.memory_space<hbm>>
      %dma_wait3A_54 = arith.constant 0 : i32
      %dma_wait3A_55 = tpu.memref_slice %dma_wait3A_53[%add3A_39, %dma_wait3A_54] : memref<10240x128xf32, #tpu.memory_space<hbm>> -> memref<128x128xf32, #tpu.memory_space<hbm>>
      %dma_wait3A_56 = arith.constant 0 : i32
      %dma_wait3A_57 = tpu.memref_slice %arg10[%add3A_37, %dma_wait3A_56] : memref<10240x128xf32, #tpu.memory_space<vmem_shared>> -> memref<128x128xf32, #tpu.memory_space<vmem_shared>>
      tpu.wait_dma2 semaphore(%run_scoped3A : memref<!tpu.dma_semaphore, #tpu.memory_space<semaphore_mem>>) src(%dma_wait3A_57 : memref<128x128xf32, #tpu.memory_space<vmem_shared>>) dst(%dma_wait3A_55 : memref<128x128xf32, #tpu.memory_space<hbm>>)
      tpu.yield
    }) : () -> ()
    %add3A_40 = arith.constant 512 : i32
    %add3A_41 = arith.addi %mul3A_7, %add3A_40 : i32
    %add3A_42 = arith.constant 512 : i32
    %add3A_43 = arith.addi %mul3A_7, %add3A_42 : i32
    "tpu.region"() ({
      %run_scoped3A = tpu.sem_alloc : memref<!tpu.dma_semaphore, #tpu.memory_space<semaphore_mem>>
      %dma_start3A = arith.constant 0 : i32
      %dma_start3A_44 = arith.constant 0 : i32
      %dma_start3A_45 = tpu.memref_slice %arg5[%arg0, %dma_start3A, %dma_start3A_44] : memref<2x10240x128xf32, #tpu.memory_space<hbm>> -> memref<1x10240x128xf32, #tpu.memory_space<hbm>>
      %dma_start3A_46 = tpu.memref_squeeze %dma_start3A_45 : memref<1x10240x128xf32, #tpu.memory_space<hbm>> -> memref<10240x128xf32, #tpu.memory_space<hbm>>
      %dma_start3A_47 = arith.constant 0 : i32
      %dma_start3A_48 = tpu.memref_slice %dma_start3A_46[%add3A_43, %dma_start3A_47] : memref<10240x128xf32, #tpu.memory_space<hbm>> -> memref<128x128xf32, #tpu.memory_space<hbm>>
      %dma_start3A_49 = arith.constant 0 : i32
      %dma_start3A_50 = tpu.memref_slice %arg10[%add3A_41, %dma_start3A_49] : memref<10240x128xf32, #tpu.memory_space<vmem_shared>> -> memref<128x128xf32, #tpu.memory_space<vmem_shared>>
      tpu.enqueue_dma source(%dma_start3A_50 : memref<128x128xf32, #tpu.memory_space<vmem_shared>>) target(%dma_start3A_48 : memref<128x128xf32, #tpu.memory_space<hbm>>) target_semaphore(%run_scoped3A : memref<!tpu.dma_semaphore, #tpu.memory_space<semaphore_mem>>)
      %dma_wait3A = arith.constant 0 : i32
      %dma_wait3A_51 = arith.constant 0 : i32
      %dma_wait3A_52 = tpu.memref_slice %arg5[%arg0, %dma_wait3A, %dma_wait3A_51] : memref<2x10240x128xf32, #tpu.memory_space<hbm>> -> memref<1x10240x128xf32, #tpu.memory_space<hbm>>
      %dma_wait3A_53 = tpu.memref_squeeze %dma_wait3A_52 : memref<1x10240x128xf32, #tpu.memory_space<hbm>> -> memref<10240x128xf32, #tpu.memory_space<hbm>>
      %dma_wait3A_54 = arith.constant 0 : i32
      %dma_wait3A_55 = tpu.memref_slice %dma_wait3A_53[%add3A_43, %dma_wait3A_54] : memref<10240x128xf32, #tpu.memory_space<hbm>> -> memref<128x128xf32, #tpu.memory_space<hbm>>
      %dma_wait3A_56 = arith.constant 0 : i32
      %dma_wait3A_57 = tpu.memref_slice %arg10[%add3A_41, %dma_wait3A_56] : memref<10240x128xf32, #tpu.memory_space<vmem_shared>> -> memref<128x128xf32, #tpu.memory_space<vmem_shared>>
      tpu.wait_dma2 semaphore(%run_scoped3A : memref<!tpu.dma_semaphore, #tpu.memory_space<semaphore_mem>>) src(%dma_wait3A_57 : memref<128x128xf32, #tpu.memory_space<vmem_shared>>) dst(%dma_wait3A_55 : memref<128x128xf32, #tpu.memory_space<hbm>>)
      tpu.yield
    }) : () -> ()
    return
  }
}

#map = affine_map<(d0, d1) -> (0, 0)>
#map1 = affine_map<(d0, d1) -> (0)>
#map2 = affine_map<(d0, d1) -> (0, 0, 0)>
module attributes {stable_mosaic.version = 14 : i64} {
  func.func @k(%arg0: i32, %arg1: i32, %arg2: memref<2560x128xf32, #tpu.memory_space<hbm>>, %arg3: memref<40960xi32, #tpu.memory_space<hbm>>, %arg4: memref<40960xi32, #tpu.memory_space<hbm>>, %arg5: memref<2x2560x128xf32, #tpu.memory_space<hbm>>, %arg6: memref<128xi32, #tpu.memory_space<vmem>>, %arg7: memref<128xi32, #tpu.memory_space<vmem>>, %arg8: memref<128x128xf32, #tpu.memory_space<vmem>>, %arg9: memref<128x128xf32, #tpu.memory_space<vmem>>, %arg10: memref<2560x128xf32, #tpu.memory_space<vmem_shared>>, %arg11: memref<!tpu.dma_semaphore, #tpu.memory_space<semaphore_mem>>) attributes {dimension_semantics = [#tpu.dimension_semantics<core_parallel>, #tpu.dimension_semantics<subcore_parallel>], iteration_bounds = array<i64: 2, 16>, scalar_prefetch = 0 : i64, scratch_operands = 6 : i64, tpu.core_type = #tpu.core_type<sc_vector_subcore>, window_params = [{transform_indices = #map}, {transform_indices = #map1}, {transform_indices = #map1}, {transform_indices = #map2}]} {
    %mul3A = arith.constant 16 : i32
    %mul3A_0 = arith.muli %arg0, %mul3A : i32
    %add3A = arith.addi %mul3A_0, %arg1 : i32
    %broadcast_in_dim3A = arith.constant 0.000000e+00 : f32
    %broadcast_in_dim3A_1 = vector.broadcast %broadcast_in_dim3A : f32 to vector<16xf32>
    %scan3A = arith.constant 0 : i32
    %scan3A_2 = arith.constant 128 : i32
    %scan3A_3 = arith.addi %scan3A, %scan3A_2 : i32
    %scan3A_4 = arith.constant 1 : i32
    scf.for %scan3A_26 = %scan3A to %scan3A_3 step %scan3A_4  : i32 {
      %mul3A_27 = arith.constant 1 : i32
      %mul3A_28 = arith.muli %scan3A_26, %mul3A_27 : i32
      %add3A_29 = arith.constant 0 : i32
      %add3A_30 = arith.addi %add3A_29, %mul3A_28 : i32
      %scan3A_31 = arith.constant 0 : i32
      %scan3A_32 = arith.constant 8 : i32
      %scan3A_33 = arith.addi %scan3A_31, %scan3A_32 : i32
      %scan3A_34 = arith.constant 1 : i32
      scf.for %scan3A_36 = %scan3A_31 to %scan3A_33 step %scan3A_34  : i32 {
        %mul3A_37 = arith.constant 1 : i32
        %mul3A_38 = arith.muli %scan3A_36, %mul3A_37 : i32
        %add3A_39 = arith.constant 0 : i32
        %add3A_40 = arith.addi %add3A_39, %mul3A_38 : i32
        %mul3A_41 = arith.constant 16 : i32
        %mul3A_42 = arith.muli %add3A_40, %mul3A_41 : i32
        %swap3A = arith.index_cast %add3A_30 : i32 to index
        %swap3A_43 = arith.index_cast %mul3A_42 : i32 to index
        %swap3A_44 = tpu.vector_load %arg9[%swap3A, %swap3A_43] {strides = array<i32>} : memref<128x128xf32, #tpu.memory_space<vmem>>, vector<16xf32>,
        tpu.vector_store %arg9[%swap3A, %swap3A_43], %broadcast_in_dim3A_1 {strides = array<i32>} : memref<128x128xf32, #tpu.memory_space<vmem>>, vector<16xf32>,
      }
      %scan3A_35 = arith.constant 8 : i32
    }
    %scan3A_5 = arith.constant 128 : i32
    %mul3A_6 = arith.constant 160 : i32
    %mul3A_7 = arith.muli %arg1, %mul3A_6 : i32
    %add3A_8 = arith.constant 0 : i32
    %add3A_9 = arith.addi %mul3A_7, %add3A_8 : i32
    "tpu.region"() ({
      %run_scoped3A = tpu.sem_alloc : memref<!tpu.dma_semaphore, #tpu.memory_space<semaphore_mem>>
      %dma_start3A = arith.constant 0 : i32
      %dma_start3A_26 = arith.constant 0 : i32
      %dma_start3A_27 = tpu.memref_slice %arg9[%dma_start3A, %dma_start3A_26] : memref<128x128xf32, #tpu.memory_space<vmem>> -> memref<128x128xf32, #tpu.memory_space<vmem>>
      %dma_start3A_28 = arith.constant 0 : i32
      %dma_start3A_29 = tpu.memref_slice %arg10[%add3A_9, %dma_start3A_28] : memref<2560x128xf32, #tpu.memory_space<vmem_shared>> -> memref<128x128xf32, #tpu.memory_space<vmem_shared>>
      %dma_start3A_30 = arith.constant 0 : i32
      %dma_start3A_31 = tpu.memref_slice %arg10[%add3A_9, %dma_start3A_30] : memref<2560x128xf32, #tpu.memory_space<vmem_shared>> -> memref<128x128xf32, #tpu.memory_space<vmem_shared>>
      %dma_start3A_32 = arith.constant 0 : i32
      %dma_start3A_33 = arith.constant 0 : i32
      %dma_start3A_34 = tpu.memref_slice %arg9[%dma_start3A_32, %dma_start3A_33] : memref<128x128xf32, #tpu.memory_space<vmem>> -> memref<128x128xf32, #tpu.memory_space<vmem>>
      tpu.enqueue_dma source(%dma_start3A_34 : memref<128x128xf32, #tpu.memory_space<vmem>>) target(%dma_start3A_31 : memref<128x128xf32, #tpu.memory_space<vmem_shared>>) target_semaphore(%run_scoped3A : memref<!tpu.dma_semaphore, #tpu.memory_space<semaphore_mem>>)
      %dma_wait3A = arith.constant 0 : i32
      %dma_wait3A_35 = arith.constant 0 : i32
      %dma_wait3A_36 = tpu.memref_slice %arg9[%dma_wait3A, %dma_wait3A_35] : memref<128x128xf32, #tpu.memory_space<vmem>> -> memref<128x128xf32, #tpu.memory_space<vmem>>
      %dma_wait3A_37 = arith.constant 0 : i32
      %dma_wait3A_38 = tpu.memref_slice %arg10[%add3A_9, %dma_wait3A_37] : memref<2560x128xf32, #tpu.memory_space<vmem_shared>> -> memref<128x128xf32, #tpu.memory_space<vmem_shared>>
      %dma_wait3A_39 = arith.constant 0 : i32
      %dma_wait3A_40 = tpu.memref_slice %arg10[%add3A_9, %dma_wait3A_39] : memref<2560x128xf32, #tpu.memory_space<vmem_shared>> -> memref<128x128xf32, #tpu.memory_space<vmem_shared>>
      %dma_wait3A_41 = arith.constant 0 : i32
      %dma_wait3A_42 = arith.constant 0 : i32
      %dma_wait3A_43 = tpu.memref_slice %arg9[%dma_wait3A_41, %dma_wait3A_42] : memref<128x128xf32, #tpu.memory_space<vmem>> -> memref<128x128xf32, #tpu.memory_space<vmem>>
      tpu.wait_dma2 semaphore(%run_scoped3A : memref<!tpu.dma_semaphore, #tpu.memory_space<semaphore_mem>>) src(%dma_wait3A_43 : memref<128x128xf32, #tpu.memory_space<vmem>>) dst(%dma_wait3A_40 : memref<128x128xf32, #tpu.memory_space<vmem_shared>>)
      tpu.yield
    }) : () -> ()
    %add3A_10 = arith.constant 128 : i32
    %add3A_11 = arith.addi %mul3A_7, %add3A_10 : i32
    "tpu.region"() ({
      %run_scoped3A = tpu.sem_alloc : memref<!tpu.dma_semaphore, #tpu.memory_space<semaphore_mem>>
      %dma_start3A = arith.constant 0 : i32
      %dma_start3A_26 = arith.constant 0 : i32
      %dma_start3A_27 = tpu.memref_slice %arg9[%dma_start3A, %dma_start3A_26] : memref<128x128xf32, #tpu.memory_space<vmem>> -> memref<32x128xf32, #tpu.memory_space<vmem>>
      %dma_start3A_28 = arith.constant 0 : i32
      %dma_start3A_29 = tpu.memref_slice %arg10[%add3A_11, %dma_start3A_28] : memref<2560x128xf32, #tpu.memory_space<vmem_shared>> -> memref<32x128xf32, #tpu.memory_space<vmem_shared>>
      %dma_start3A_30 = arith.constant 0 : i32
      %dma_start3A_31 = tpu.memref_slice %arg10[%add3A_11, %dma_start3A_30] : memref<2560x128xf32, #tpu.memory_space<vmem_shared>> -> memref<32x128xf32, #tpu.memory_space<vmem_shared>>
      %dma_start3A_32 = arith.constant 0 : i32
      %dma_start3A_33 = arith.constant 0 : i32
      %dma_start3A_34 = tpu.memref_slice %arg9[%dma_start3A_32, %dma_start3A_33] : memref<128x128xf32, #tpu.memory_space<vmem>> -> memref<32x128xf32, #tpu.memory_space<vmem>>
      tpu.enqueue_dma source(%dma_start3A_34 : memref<32x128xf32, #tpu.memory_space<vmem>>) target(%dma_start3A_31 : memref<32x128xf32, #tpu.memory_space<vmem_shared>>) target_semaphore(%run_scoped3A : memref<!tpu.dma_semaphore, #tpu.memory_space<semaphore_mem>>)
      %dma_wait3A = arith.constant 0 : i32
      %dma_wait3A_35 = arith.constant 0 : i32
      %dma_wait3A_36 = tpu.memref_slice %arg9[%dma_wait3A, %dma_wait3A_35] : memref<128x128xf32, #tpu.memory_space<vmem>> -> memref<32x128xf32, #tpu.memory_space<vmem>>
      %dma_wait3A_37 = arith.constant 0 : i32
      %dma_wait3A_38 = tpu.memref_slice %arg10[%add3A_11, %dma_wait3A_37] : memref<2560x128xf32, #tpu.memory_space<vmem_shared>> -> memref<32x128xf32, #tpu.memory_space<vmem_shared>>
      %dma_wait3A_39 = arith.constant 0 : i32
      %dma_wait3A_40 = tpu.memref_slice %arg10[%add3A_11, %dma_wait3A_39] : memref<2560x128xf32, #tpu.memory_space<vmem_shared>> -> memref<32x128xf32, #tpu.memory_space<vmem_shared>>
      %dma_wait3A_41 = arith.constant 0 : i32
      %dma_wait3A_42 = arith.constant 0 : i32
      %dma_wait3A_43 = tpu.memref_slice %arg9[%dma_wait3A_41, %dma_wait3A_42] : memref<128x128xf32, #tpu.memory_space<vmem>> -> memref<32x128xf32, #tpu.memory_space<vmem>>
      tpu.wait_dma2 semaphore(%run_scoped3A : memref<!tpu.dma_semaphore, #tpu.memory_space<semaphore_mem>>) src(%dma_wait3A_43 : memref<32x128xf32, #tpu.memory_space<vmem>>) dst(%dma_wait3A_40 : memref<32x128xf32, #tpu.memory_space<vmem_shared>>)
      tpu.yield
    }) : () -> ()
    %barrier3A = arith.constant 0 : index
    tpu.barrier barrier_id(%barrier3A)
    %scan3A_12 = arith.constant 0 : i32
    %scan3A_13 = arith.constant 10 : i32
    %scan3A_14 = arith.addi %scan3A_12, %scan3A_13 : i32
    %scan3A_15 = arith.constant 1 : i32
    scf.for %scan3A_26 = %scan3A_12 to %scan3A_14 step %scan3A_15  : i32 {
      %mul3A_27 = arith.constant 1 : i32
      %mul3A_28 = arith.muli %scan3A_26, %mul3A_27 : i32
      %add3A_29 = arith.constant 0 : i32
      %add3A_30 = arith.addi %add3A_29, %mul3A_28 : i32
      %mul3A_31 = arith.constant 1280 : i32
      %mul3A_32 = arith.muli %add3A, %mul3A_31 : i32
      %mul3A_33 = arith.constant 128 : i32
      %mul3A_34 = arith.muli %add3A_30, %mul3A_33 : i32
      %add3A_35 = arith.addi %mul3A_32, %mul3A_34 : i32
      "tpu.region"() ({
        %run_scoped3A = tpu.sem_alloc : memref<!tpu.dma_semaphore, #tpu.memory_space<semaphore_mem>>
        %dma_start3A_40 = tpu.memref_slice %arg3[%add3A_35] : memref<40960xi32, #tpu.memory_space<hbm>> -> memref<128xi32, #tpu.memory_space<hbm>>
        %dma_start3A_41 = tpu.memref_slice %arg3[%add3A_35] : memref<40960xi32, #tpu.memory_space<hbm>> -> memref<128xi32, #tpu.memory_space<hbm>>
        tpu.enqueue_dma source(%dma_start3A_41 : memref<128xi32, #tpu.memory_space<hbm>>) target(%arg6 : memref<128xi32, #tpu.memory_space<vmem>>) target_semaphore(%run_scoped3A : memref<!tpu.dma_semaphore, #tpu.memory_space<semaphore_mem>>)
        %dma_wait3A_42 = tpu.memref_slice %arg3[%add3A_35] : memref<40960xi32, #tpu.memory_space<hbm>> -> memref<128xi32, #tpu.memory_space<hbm>>
        %dma_wait3A_43 = tpu.memref_slice %arg3[%add3A_35] : memref<40960xi32, #tpu.memory_space<hbm>> -> memref<128xi32, #tpu.memory_space<hbm>>
        tpu.wait_dma2 semaphore(%run_scoped3A : memref<!tpu.dma_semaphore, #tpu.memory_space<semaphore_mem>>) src(%dma_wait3A_43 : memref<128xi32, #tpu.memory_space<hbm>>) dst(%arg6 : memref<128xi32, #tpu.memory_space<vmem>>)
        tpu.yield
      }) : () -> ()
      "tpu.region"() ({
        %run_scoped3A = tpu.sem_alloc : memref<!tpu.dma_semaphore, #tpu.memory_space<semaphore_mem>>
        %dma_start3A_40 = tpu.memref_slice %arg4[%add3A_35] : memref<40960xi32, #tpu.memory_space<hbm>> -> memref<128xi32, #tpu.memory_space<hbm>>
        %dma_start3A_41 = tpu.memref_slice %arg4[%add3A_35] : memref<40960xi32, #tpu.memory_space<hbm>> -> memref<128xi32, #tpu.memory_space<hbm>>
        tpu.enqueue_dma source(%dma_start3A_41 : memref<128xi32, #tpu.memory_space<hbm>>) target(%arg7 : memref<128xi32, #tpu.memory_space<vmem>>) target_semaphore(%run_scoped3A : memref<!tpu.dma_semaphore, #tpu.memory_space<semaphore_mem>>)
        %dma_wait3A_42 = tpu.memref_slice %arg4[%add3A_35] : memref<40960xi32, #tpu.memory_space<hbm>> -> memref<128xi32, #tpu.memory_space<hbm>>
        %dma_wait3A_43 = tpu.memref_slice %arg4[%add3A_35] : memref<40960xi32, #tpu.memory_space<hbm>> -> memref<128xi32, #tpu.memory_space<hbm>>
        tpu.wait_dma2 semaphore(%run_scoped3A : memref<!tpu.dma_semaphore, #tpu.memory_space<semaphore_mem>>) src(%dma_wait3A_43 : memref<128xi32, #tpu.memory_space<hbm>>) dst(%arg7 : memref<128xi32, #tpu.memory_space<vmem>>)
        tpu.yield
      }) : () -> ()
      %dma_start3A = arith.constant 0 : i32
      %dma_start3A_36 = arith.constant 0 : i32
      %dma_start3A_37 = tpu.memref_slice %arg2[%dma_start3A, %dma_start3A_36] : memref<2560x128xf32, #tpu.memory_space<hbm>> -> memref<2560x128xf32, #tpu.memory_space<hbm>>
      tpu.enqueue_indirect_dma source(%dma_start3A_37 : memref<2560x128xf32, #tpu.memory_space<hbm>>) target(%arg8 : memref<128x128xf32, #tpu.memory_space<vmem>>) offsets(%arg6 : memref<128xi32, #tpu.memory_space<vmem>>) semaphore(%arg11 : memref<!tpu.dma_semaphore, #tpu.memory_space<semaphore_mem>>)
      %dma_wait3A = arith.constant 0 : i32
      %dma_wait3A_38 = arith.constant 0 : i32
      %dma_wait3A_39 = tpu.memref_slice %arg2[%dma_wait3A, %dma_wait3A_38] : memref<2560x128xf32, #tpu.memory_space<hbm>> -> memref<2560x128xf32, #tpu.memory_space<hbm>>
      tpu.wait_indirect_dma semaphore(%arg11 : memref<!tpu.dma_semaphore, #tpu.memory_space<semaphore_mem>>) src(%dma_wait3A_39 : memref<2560x128xf32, #tpu.memory_space<hbm>>) dst(%arg8 : memref<128x128xf32, #tpu.memory_space<vmem>>)
      "tpu.region"() ({
        %run_scoped3A = tpu.sem_alloc : memref<!tpu.dma_semaphore, #tpu.memory_space<semaphore_mem>>
        %dma_start3A_40 = arith.constant 0 : i32
        %dma_start3A_41 = arith.constant 0 : i32
        %dma_start3A_42 = tpu.memref_slice %arg10[%dma_start3A_40, %dma_start3A_41] : memref<2560x128xf32, #tpu.memory_space<vmem_shared>> -> memref<2560x128xf32, #tpu.memory_space<vmem_shared>>
        tpu.enqueue_indirect_dma source(%arg8 : memref<128x128xf32, #tpu.memory_space<vmem>>) target(%dma_start3A_42 : memref<2560x128xf32, #tpu.memory_space<vmem_shared>>) offsets(%arg7 : memref<128xi32, #tpu.memory_space<vmem>>) semaphore(%run_scoped3A : memref<!tpu.dma_semaphore, #tpu.memory_space<semaphore_mem>>) {add = true}
        %dma_wait3A_43 = arith.constant 0 : i32
        %dma_wait3A_44 = arith.constant 0 : i32
        %dma_wait3A_45 = tpu.memref_slice %arg10[%dma_wait3A_43, %dma_wait3A_44] : memref<2560x128xf32, #tpu.memory_space<vmem_shared>> -> memref<2560x128xf32, #tpu.memory_space<vmem_shared>>
        tpu.wait_indirect_dma semaphore(%run_scoped3A : memref<!tpu.dma_semaphore, #tpu.memory_space<semaphore_mem>>) src(%arg8 : memref<128x128xf32, #tpu.memory_space<vmem>>) dst(%dma_wait3A_45 : memref<2560x128xf32, #tpu.memory_space<vmem_shared>>)
        tpu.yield
      }) : () -> ()
    }
    %scan3A_16 = arith.constant 10 : i32
    %barrier3A_17 = arith.constant 0 : index
    tpu.barrier barrier_id(%barrier3A_17)
    %add3A_18 = arith.constant 0 : i32
    %add3A_19 = arith.addi %mul3A_7, %add3A_18 : i32
    %add3A_20 = arith.constant 0 : i32
    %add3A_21 = arith.addi %mul3A_7, %add3A_20 : i32
    "tpu.region"() ({
      %run_scoped3A = tpu.sem_alloc : memref<!tpu.dma_semaphore, #tpu.memory_space<semaphore_mem>>
      %dma_start3A = arith.constant 0 : i32
      %dma_start3A_26 = arith.constant 0 : i32
      %dma_start3A_27 = tpu.memref_slice %arg5[%arg0, %dma_start3A, %dma_start3A_26] : memref<2x2560x128xf32, #tpu.memory_space<hbm>> -> memref<1x2560x128xf32, #tpu.memory_space<hbm>>
      %dma_start3A_28 = tpu.memref_squeeze %dma_start3A_27 : memref<1x2560x128xf32, #tpu.memory_space<hbm>> -> memref<2560x128xf32, #tpu.memory_space<hbm>>
      %dma_start3A_29 = arith.constant 0 : i32
      %dma_start3A_30 = tpu.memref_slice %dma_start3A_28[%add3A_21, %dma_start3A_29] : memref<2560x128xf32, #tpu.memory_space<hbm>> -> memref<128x128xf32, #tpu.memory_space<hbm>>
      %dma_start3A_31 = arith.constant 0 : i32
      %dma_start3A_32 = tpu.memref_slice %arg10[%add3A_19, %dma_start3A_31] : memref<2560x128xf32, #tpu.memory_space<vmem_shared>> -> memref<128x128xf32, #tpu.memory_space<vmem_shared>>
      tpu.enqueue_dma source(%dma_start3A_32 : memref<128x128xf32, #tpu.memory_space<vmem_shared>>) target(%dma_start3A_30 : memref<128x128xf32, #tpu.memory_space<hbm>>) target_semaphore(%run_scoped3A : memref<!tpu.dma_semaphore, #tpu.memory_space<semaphore_mem>>)
      %dma_wait3A = arith.constant 0 : i32
      %dma_wait3A_33 = arith.constant 0 : i32
      %dma_wait3A_34 = tpu.memref_slice %arg5[%arg0, %dma_wait3A, %dma_wait3A_33] : memref<2x2560x128xf32, #tpu.memory_space<hbm>> -> memref<1x2560x128xf32, #tpu.memory_space<hbm>>
      %dma_wait3A_35 = tpu.memref_squeeze %dma_wait3A_34 : memref<1x2560x128xf32, #tpu.memory_space<hbm>> -> memref<2560x128xf32, #tpu.memory_space<hbm>>
      %dma_wait3A_36 = arith.constant 0 : i32
      %dma_wait3A_37 = tpu.memref_slice %dma_wait3A_35[%add3A_21, %dma_wait3A_36] : memref<2560x128xf32, #tpu.memory_space<hbm>> -> memref<128x128xf32, #tpu.memory_space<hbm>>
      %dma_wait3A_38 = arith.constant 0 : i32
      %dma_wait3A_39 = tpu.memref_slice %arg10[%add3A_19, %dma_wait3A_38] : memref<2560x128xf32, #tpu.memory_space<vmem_shared>> -> memref<128x128xf32, #tpu.memory_space<vmem_shared>>
      tpu.wait_dma2 semaphore(%run_scoped3A : memref<!tpu.dma_semaphore, #tpu.memory_space<semaphore_mem>>) src(%dma_wait3A_39 : memref<128x128xf32, #tpu.memory_space<vmem_shared>>) dst(%dma_wait3A_37 : memref<128x128xf32, #tpu.memory_space<hbm>>)
      tpu.yield
    }) : () -> ()
    %add3A_22 = arith.constant 128 : i32
    %add3A_23 = arith.addi %mul3A_7, %add3A_22 : i32
    %add3A_24 = arith.constant 128 : i32
    %add3A_25 = arith.addi %mul3A_7, %add3A_24 : i32
    "tpu.region"() ({
      %run_scoped3A = tpu.sem_alloc : memref<!tpu.dma_semaphore, #tpu.memory_space<semaphore_mem>>
      %dma_start3A = arith.constant 0 : i32
      %dma_start3A_26 = arith.constant 0 : i32
      %dma_start3A_27 = tpu.memref_slice %arg5[%arg0, %dma_start3A, %dma_start3A_26] : memref<2x2560x128xf32, #tpu.memory_space<hbm>> -> memref<1x2560x128xf32, #tpu.memory_space<hbm>>
      %dma_start3A_28 = tpu.memref_squeeze %dma_start3A_27 : memref<1x2560x128xf32, #tpu.memory_space<hbm>> -> memref<2560x128xf32, #tpu.memory_space<hbm>>
      %dma_start3A_29 = arith.constant 0 : i32
      %dma_start3A_30 = tpu.memref_slice %dma_start3A_28[%add3A_25, %dma_start3A_29] : memref<2560x128xf32, #tpu.memory_space<hbm>> -> memref<32x128xf32, #tpu.memory_space<hbm>>
      %dma_start3A_31 = arith.constant 0 : i32
      %dma_start3A_32 = tpu.memref_slice %arg10[%add3A_23, %dma_start3A_31] : memref<2560x128xf32, #tpu.memory_space<vmem_shared>> -> memref<32x128xf32, #tpu.memory_space<vmem_shared>>
      tpu.enqueue_dma source(%dma_start3A_32 : memref<32x128xf32, #tpu.memory_space<vmem_shared>>) target(%dma_start3A_30 : memref<32x128xf32, #tpu.memory_space<hbm>>) target_semaphore(%run_scoped3A : memref<!tpu.dma_semaphore, #tpu.memory_space<semaphore_mem>>)
      %dma_wait3A = arith.constant 0 : i32
      %dma_wait3A_33 = arith.constant 0 : i32
      %dma_wait3A_34 = tpu.memref_slice %arg5[%arg0, %dma_wait3A, %dma_wait3A_33] : memref<2x2560x128xf32, #tpu.memory_space<hbm>> -> memref<1x2560x128xf32, #tpu.memory_space<hbm>>
      %dma_wait3A_35 = tpu.memref_squeeze %dma_wait3A_34 : memref<1x2560x128xf32, #tpu.memory_space<hbm>> -> memref<2560x128xf32, #tpu.memory_space<hbm>>
      %dma_wait3A_36 = arith.constant 0 : i32
      %dma_wait3A_37 = tpu.memref_slice %dma_wait3A_35[%add3A_25, %dma_wait3A_36] : memref<2560x128xf32, #tpu.memory_space<hbm>> -> memref<32x128xf32, #tpu.memory_space<hbm>>
      %dma_wait3A_38 = arith.constant 0 : i32
      %dma_wait3A_39 = tpu.memref_slice %arg10[%add3A_23, %dma_wait3A_38] : memref<2560x128xf32, #tpu.memory_space<vmem_shared>> -> memref<32x128xf32, #tpu.memory_space<vmem_shared>>
      tpu.wait_dma2 semaphore(%run_scoped3A : memref<!tpu.dma_semaphore, #tpu.memory_space<semaphore_mem>>) src(%dma_wait3A_39 : memref<32x128xf32, #tpu.memory_space<vmem_shared>>) dst(%dma_wait3A_37 : memref<32x128xf32, #tpu.memory_space<hbm>>)
      tpu.yield
    }) : () -> ()
    return
  }
}

#map = affine_map<(d0, d1) -> (0, 0)>
#map1 = affine_map<(d0, d1) -> (0)>
#map2 = affine_map<(d0, d1) -> (0, 0, 0)>
module attributes {stable_mosaic.version = 14 : i64} {
  func.func @k(%arg0: i32, %arg1: i32, %arg2: memref<10240x128xf32, #tpu.memory_space<hbm>>, %arg3: memref<12288xi32, #tpu.memory_space<hbm>>, %arg4: memref<12288xi32, #tpu.memory_space<hbm>>, %arg5: memref<2x2560x128xf32, #tpu.memory_space<hbm>>, %arg6: memref<128xi32, #tpu.memory_space<vmem>>, %arg7: memref<128xi32, #tpu.memory_space<vmem>>, %arg8: memref<128x128xf32, #tpu.memory_space<vmem>>, %arg9: memref<128x128xf32, #tpu.memory_space<vmem>>, %arg10: memref<2560x128xf32, #tpu.memory_space<vmem_shared>>, %arg11: memref<!tpu.dma_semaphore, #tpu.memory_space<semaphore_mem>>) attributes {dimension_semantics = [#tpu.dimension_semantics<core_parallel>, #tpu.dimension_semantics<subcore_parallel>], iteration_bounds = array<i64: 2, 16>, scalar_prefetch = 0 : i64, scratch_operands = 6 : i64, tpu.core_type = #tpu.core_type<sc_vector_subcore>, window_params = [{transform_indices = #map}, {transform_indices = #map1}, {transform_indices = #map1}, {transform_indices = #map2}]} {
    %mul3A = arith.constant 16 : i32
    %mul3A_0 = arith.muli %arg0, %mul3A : i32
    %add3A = arith.addi %mul3A_0, %arg1 : i32
    %broadcast_in_dim3A = arith.constant 0.000000e+00 : f32
    %broadcast_in_dim3A_1 = vector.broadcast %broadcast_in_dim3A : f32 to vector<16xf32>
    %scan3A = arith.constant 0 : i32
    %scan3A_2 = arith.constant 128 : i32
    %scan3A_3 = arith.addi %scan3A, %scan3A_2 : i32
    %scan3A_4 = arith.constant 1 : i32
    scf.for %scan3A_26 = %scan3A to %scan3A_3 step %scan3A_4  : i32 {
      %mul3A_27 = arith.constant 1 : i32
      %mul3A_28 = arith.muli %scan3A_26, %mul3A_27 : i32
      %add3A_29 = arith.constant 0 : i32
      %add3A_30 = arith.addi %add3A_29, %mul3A_28 : i32
      %scan3A_31 = arith.constant 0 : i32
      %scan3A_32 = arith.constant 8 : i32
      %scan3A_33 = arith.addi %scan3A_31, %scan3A_32 : i32
      %scan3A_34 = arith.constant 1 : i32
      scf.for %scan3A_36 = %scan3A_31 to %scan3A_33 step %scan3A_34  : i32 {
        %mul3A_37 = arith.constant 1 : i32
        %mul3A_38 = arith.muli %scan3A_36, %mul3A_37 : i32
        %add3A_39 = arith.constant 0 : i32
        %add3A_40 = arith.addi %add3A_39, %mul3A_38 : i32
        %mul3A_41 = arith.constant 16 : i32
        %mul3A_42 = arith.muli %add3A_40, %mul3A_41 : i32
        %swap3A = arith.index_cast %add3A_30 : i32 to index
        %swap3A_43 = arith.index_cast %mul3A_42 : i32 to index
        %swap3A_44 = tpu.vector_load %arg9[%swap3A, %swap3A_43] {strides = array<i32>} : memref<128x128xf32, #tpu.memory_space<vmem>>, vector<16xf32>,
        tpu.vector_store %arg9[%swap3A, %swap3A_43], %broadcast_in_dim3A_1 {strides = array<i32>} : memref<128x128xf32, #tpu.memory_space<vmem>>, vector<16xf32>,
      }
      %scan3A_35 = arith.constant 8 : i32
    }
    %scan3A_5 = arith.constant 128 : i32
    %mul3A_6 = arith.constant 160 : i32
    %mul3A_7 = arith.muli %arg1, %mul3A_6 : i32
    %add3A_8 = arith.constant 0 : i32
    %add3A_9 = arith.addi %mul3A_7, %add3A_8 : i32
    "tpu.region"() ({
      %run_scoped3A = tpu.sem_alloc : memref<!tpu.dma_semaphore, #tpu.memory_space<semaphore_mem>>
      %dma_start3A = arith.constant 0 : i32
      %dma_start3A_26 = arith.constant 0 : i32
      %dma_start3A_27 = tpu.memref_slice %arg9[%dma_start3A, %dma_start3A_26] : memref<128x128xf32, #tpu.memory_space<vmem>> -> memref<128x128xf32, #tpu.memory_space<vmem>>
      %dma_start3A_28 = arith.constant 0 : i32
      %dma_start3A_29 = tpu.memref_slice %arg10[%add3A_9, %dma_start3A_28] : memref<2560x128xf32, #tpu.memory_space<vmem_shared>> -> memref<128x128xf32, #tpu.memory_space<vmem_shared>>
      %dma_start3A_30 = arith.constant 0 : i32
      %dma_start3A_31 = tpu.memref_slice %arg10[%add3A_9, %dma_start3A_30] : memref<2560x128xf32, #tpu.memory_space<vmem_shared>> -> memref<128x128xf32, #tpu.memory_space<vmem_shared>>
      %dma_start3A_32 = arith.constant 0 : i32
      %dma_start3A_33 = arith.constant 0 : i32
      %dma_start3A_34 = tpu.memref_slice %arg9[%dma_start3A_32, %dma_start3A_33] : memref<128x128xf32, #tpu.memory_space<vmem>> -> memref<128x128xf32, #tpu.memory_space<vmem>>
      tpu.enqueue_dma source(%dma_start3A_34 : memref<128x128xf32, #tpu.memory_space<vmem>>) target(%dma_start3A_31 : memref<128x128xf32, #tpu.memory_space<vmem_shared>>) target_semaphore(%run_scoped3A : memref<!tpu.dma_semaphore, #tpu.memory_space<semaphore_mem>>)
      %dma_wait3A = arith.constant 0 : i32
      %dma_wait3A_35 = arith.constant 0 : i32
      %dma_wait3A_36 = tpu.memref_slice %arg9[%dma_wait3A, %dma_wait3A_35] : memref<128x128xf32, #tpu.memory_space<vmem>> -> memref<128x128xf32, #tpu.memory_space<vmem>>
      %dma_wait3A_37 = arith.constant 0 : i32
      %dma_wait3A_38 = tpu.memref_slice %arg10[%add3A_9, %dma_wait3A_37] : memref<2560x128xf32, #tpu.memory_space<vmem_shared>> -> memref<128x128xf32, #tpu.memory_space<vmem_shared>>
      %dma_wait3A_39 = arith.constant 0 : i32
      %dma_wait3A_40 = tpu.memref_slice %arg10[%add3A_9, %dma_wait3A_39] : memref<2560x128xf32, #tpu.memory_space<vmem_shared>> -> memref<128x128xf32, #tpu.memory_space<vmem_shared>>
      %dma_wait3A_41 = arith.constant 0 : i32
      %dma_wait3A_42 = arith.constant 0 : i32
      %dma_wait3A_43 = tpu.memref_slice %arg9[%dma_wait3A_41, %dma_wait3A_42] : memref<128x128xf32, #tpu.memory_space<vmem>> -> memref<128x128xf32, #tpu.memory_space<vmem>>
      tpu.wait_dma2 semaphore(%run_scoped3A : memref<!tpu.dma_semaphore, #tpu.memory_space<semaphore_mem>>) src(%dma_wait3A_43 : memref<128x128xf32, #tpu.memory_space<vmem>>) dst(%dma_wait3A_40 : memref<128x128xf32, #tpu.memory_space<vmem_shared>>)
      tpu.yield
    }) : () -> ()
    %add3A_10 = arith.constant 128 : i32
    %add3A_11 = arith.addi %mul3A_7, %add3A_10 : i32
    "tpu.region"() ({
      %run_scoped3A = tpu.sem_alloc : memref<!tpu.dma_semaphore, #tpu.memory_space<semaphore_mem>>
      %dma_start3A = arith.constant 0 : i32
      %dma_start3A_26 = arith.constant 0 : i32
      %dma_start3A_27 = tpu.memref_slice %arg9[%dma_start3A, %dma_start3A_26] : memref<128x128xf32, #tpu.memory_space<vmem>> -> memref<32x128xf32, #tpu.memory_space<vmem>>
      %dma_start3A_28 = arith.constant 0 : i32
      %dma_start3A_29 = tpu.memref_slice %arg10[%add3A_11, %dma_start3A_28] : memref<2560x128xf32, #tpu.memory_space<vmem_shared>> -> memref<32x128xf32, #tpu.memory_space<vmem_shared>>
      %dma_start3A_30 = arith.constant 0 : i32
      %dma_start3A_31 = tpu.memref_slice %arg10[%add3A_11, %dma_start3A_30] : memref<2560x128xf32, #tpu.memory_space<vmem_shared>> -> memref<32x128xf32, #tpu.memory_space<vmem_shared>>
      %dma_start3A_32 = arith.constant 0 : i32
      %dma_start3A_33 = arith.constant 0 : i32
      %dma_start3A_34 = tpu.memref_slice %arg9[%dma_start3A_32, %dma_start3A_33] : memref<128x128xf32, #tpu.memory_space<vmem>> -> memref<32x128xf32, #tpu.memory_space<vmem>>
      tpu.enqueue_dma source(%dma_start3A_34 : memref<32x128xf32, #tpu.memory_space<vmem>>) target(%dma_start3A_31 : memref<32x128xf32, #tpu.memory_space<vmem_shared>>) target_semaphore(%run_scoped3A : memref<!tpu.dma_semaphore, #tpu.memory_space<semaphore_mem>>)
      %dma_wait3A = arith.constant 0 : i32
      %dma_wait3A_35 = arith.constant 0 : i32
      %dma_wait3A_36 = tpu.memref_slice %arg9[%dma_wait3A, %dma_wait3A_35] : memref<128x128xf32, #tpu.memory_space<vmem>> -> memref<32x128xf32, #tpu.memory_space<vmem>>
      %dma_wait3A_37 = arith.constant 0 : i32
      %dma_wait3A_38 = tpu.memref_slice %arg10[%add3A_11, %dma_wait3A_37] : memref<2560x128xf32, #tpu.memory_space<vmem_shared>> -> memref<32x128xf32, #tpu.memory_space<vmem_shared>>
      %dma_wait3A_39 = arith.constant 0 : i32
      %dma_wait3A_40 = tpu.memref_slice %arg10[%add3A_11, %dma_wait3A_39] : memref<2560x128xf32, #tpu.memory_space<vmem_shared>> -> memref<32x128xf32, #tpu.memory_space<vmem_shared>>
      %dma_wait3A_41 = arith.constant 0 : i32
      %dma_wait3A_42 = arith.constant 0 : i32
      %dma_wait3A_43 = tpu.memref_slice %arg9[%dma_wait3A_41, %dma_wait3A_42] : memref<128x128xf32, #tpu.memory_space<vmem>> -> memref<32x128xf32, #tpu.memory_space<vmem>>
      tpu.wait_dma2 semaphore(%run_scoped3A : memref<!tpu.dma_semaphore, #tpu.memory_space<semaphore_mem>>) src(%dma_wait3A_43 : memref<32x128xf32, #tpu.memory_space<vmem>>) dst(%dma_wait3A_40 : memref<32x128xf32, #tpu.memory_space<vmem_shared>>)
      tpu.yield
    }) : () -> ()
    %barrier3A = arith.constant 0 : index
    tpu.barrier barrier_id(%barrier3A)
    %scan3A_12 = arith.constant 0 : i32
    %scan3A_13 = arith.constant 3 : i32
    %scan3A_14 = arith.addi %scan3A_12, %scan3A_13 : i32
    %scan3A_15 = arith.constant 1 : i32
    scf.for %scan3A_26 = %scan3A_12 to %scan3A_14 step %scan3A_15  : i32 {
      %mul3A_27 = arith.constant 1 : i32
      %mul3A_28 = arith.muli %scan3A_26, %mul3A_27 : i32
      %add3A_29 = arith.constant 0 : i32
      %add3A_30 = arith.addi %add3A_29, %mul3A_28 : i32
      %mul3A_31 = arith.constant 384 : i32
      %mul3A_32 = arith.muli %add3A, %mul3A_31 : i32
      %mul3A_33 = arith.constant 128 : i32
      %mul3A_34 = arith.muli %add3A_30, %mul3A_33 : i32
      %add3A_35 = arith.addi %mul3A_32, %mul3A_34 : i32
      "tpu.region"() ({
        %run_scoped3A = tpu.sem_alloc : memref<!tpu.dma_semaphore, #tpu.memory_space<semaphore_mem>>
        %dma_start3A_40 = tpu.memref_slice %arg3[%add3A_35] : memref<12288xi32, #tpu.memory_space<hbm>> -> memref<128xi32, #tpu.memory_space<hbm>>
        %dma_start3A_41 = tpu.memref_slice %arg3[%add3A_35] : memref<12288xi32, #tpu.memory_space<hbm>> -> memref<128xi32, #tpu.memory_space<hbm>>
        tpu.enqueue_dma source(%dma_start3A_41 : memref<128xi32, #tpu.memory_space<hbm>>) target(%arg6 : memref<128xi32, #tpu.memory_space<vmem>>) target_semaphore(%run_scoped3A : memref<!tpu.dma_semaphore, #tpu.memory_space<semaphore_mem>>)
        %dma_wait3A_42 = tpu.memref_slice %arg3[%add3A_35] : memref<12288xi32, #tpu.memory_space<hbm>> -> memref<128xi32, #tpu.memory_space<hbm>>
        %dma_wait3A_43 = tpu.memref_slice %arg3[%add3A_35] : memref<12288xi32, #tpu.memory_space<hbm>> -> memref<128xi32, #tpu.memory_space<hbm>>
        tpu.wait_dma2 semaphore(%run_scoped3A : memref<!tpu.dma_semaphore, #tpu.memory_space<semaphore_mem>>) src(%dma_wait3A_43 : memref<128xi32, #tpu.memory_space<hbm>>) dst(%arg6 : memref<128xi32, #tpu.memory_space<vmem>>)
        tpu.yield
      }) : () -> ()
      "tpu.region"() ({
        %run_scoped3A = tpu.sem_alloc : memref<!tpu.dma_semaphore, #tpu.memory_space<semaphore_mem>>
        %dma_start3A_40 = tpu.memref_slice %arg4[%add3A_35] : memref<12288xi32, #tpu.memory_space<hbm>> -> memref<128xi32, #tpu.memory_space<hbm>>
        %dma_start3A_41 = tpu.memref_slice %arg4[%add3A_35] : memref<12288xi32, #tpu.memory_space<hbm>> -> memref<128xi32, #tpu.memory_space<hbm>>
        tpu.enqueue_dma source(%dma_start3A_41 : memref<128xi32, #tpu.memory_space<hbm>>) target(%arg7 : memref<128xi32, #tpu.memory_space<vmem>>) target_semaphore(%run_scoped3A : memref<!tpu.dma_semaphore, #tpu.memory_space<semaphore_mem>>)
        %dma_wait3A_42 = tpu.memref_slice %arg4[%add3A_35] : memref<12288xi32, #tpu.memory_space<hbm>> -> memref<128xi32, #tpu.memory_space<hbm>>
        %dma_wait3A_43 = tpu.memref_slice %arg4[%add3A_35] : memref<12288xi32, #tpu.memory_space<hbm>> -> memref<128xi32, #tpu.memory_space<hbm>>
        tpu.wait_dma2 semaphore(%run_scoped3A : memref<!tpu.dma_semaphore, #tpu.memory_space<semaphore_mem>>) src(%dma_wait3A_43 : memref<128xi32, #tpu.memory_space<hbm>>) dst(%arg7 : memref<128xi32, #tpu.memory_space<vmem>>)
        tpu.yield
      }) : () -> ()
      %dma_start3A = arith.constant 0 : i32
      %dma_start3A_36 = arith.constant 0 : i32
      %dma_start3A_37 = tpu.memref_slice %arg2[%dma_start3A, %dma_start3A_36] : memref<10240x128xf32, #tpu.memory_space<hbm>> -> memref<10240x128xf32, #tpu.memory_space<hbm>>
      tpu.enqueue_indirect_dma source(%dma_start3A_37 : memref<10240x128xf32, #tpu.memory_space<hbm>>) target(%arg8 : memref<128x128xf32, #tpu.memory_space<vmem>>) offsets(%arg6 : memref<128xi32, #tpu.memory_space<vmem>>) semaphore(%arg11 : memref<!tpu.dma_semaphore, #tpu.memory_space<semaphore_mem>>)
      %dma_wait3A = arith.constant 0 : i32
      %dma_wait3A_38 = arith.constant 0 : i32
      %dma_wait3A_39 = tpu.memref_slice %arg2[%dma_wait3A, %dma_wait3A_38] : memref<10240x128xf32, #tpu.memory_space<hbm>> -> memref<10240x128xf32, #tpu.memory_space<hbm>>
      tpu.wait_indirect_dma semaphore(%arg11 : memref<!tpu.dma_semaphore, #tpu.memory_space<semaphore_mem>>) src(%dma_wait3A_39 : memref<10240x128xf32, #tpu.memory_space<hbm>>) dst(%arg8 : memref<128x128xf32, #tpu.memory_space<vmem>>)
      "tpu.region"() ({
        %run_scoped3A = tpu.sem_alloc : memref<!tpu.dma_semaphore, #tpu.memory_space<semaphore_mem>>
        %dma_start3A_40 = arith.constant 0 : i32
        %dma_start3A_41 = arith.constant 0 : i32
        %dma_start3A_42 = tpu.memref_slice %arg10[%dma_start3A_40, %dma_start3A_41] : memref<2560x128xf32, #tpu.memory_space<vmem_shared>> -> memref<2560x128xf32, #tpu.memory_space<vmem_shared>>
        tpu.enqueue_indirect_dma source(%arg8 : memref<128x128xf32, #tpu.memory_space<vmem>>) target(%dma_start3A_42 : memref<2560x128xf32, #tpu.memory_space<vmem_shared>>) offsets(%arg7 : memref<128xi32, #tpu.memory_space<vmem>>) semaphore(%run_scoped3A : memref<!tpu.dma_semaphore, #tpu.memory_space<semaphore_mem>>) {add = true}
        %dma_wait3A_43 = arith.constant 0 : i32
        %dma_wait3A_44 = arith.constant 0 : i32
        %dma_wait3A_45 = tpu.memref_slice %arg10[%dma_wait3A_43, %dma_wait3A_44] : memref<2560x128xf32, #tpu.memory_space<vmem_shared>> -> memref<2560x128xf32, #tpu.memory_space<vmem_shared>>
        tpu.wait_indirect_dma semaphore(%run_scoped3A : memref<!tpu.dma_semaphore, #tpu.memory_space<semaphore_mem>>) src(%arg8 : memref<128x128xf32, #tpu.memory_space<vmem>>) dst(%dma_wait3A_45 : memref<2560x128xf32, #tpu.memory_space<vmem_shared>>)
        tpu.yield
      }) : () -> ()
    }
    %scan3A_16 = arith.constant 3 : i32
    %barrier3A_17 = arith.constant 0 : index
    tpu.barrier barrier_id(%barrier3A_17)
    %add3A_18 = arith.constant 0 : i32
    %add3A_19 = arith.addi %mul3A_7, %add3A_18 : i32
    %add3A_20 = arith.constant 0 : i32
    %add3A_21 = arith.addi %mul3A_7, %add3A_20 : i32
    "tpu.region"() ({
      %run_scoped3A = tpu.sem_alloc : memref<!tpu.dma_semaphore, #tpu.memory_space<semaphore_mem>>
      %dma_start3A = arith.constant 0 : i32
      %dma_start3A_26 = arith.constant 0 : i32
      %dma_start3A_27 = tpu.memref_slice %arg5[%arg0, %dma_start3A, %dma_start3A_26] : memref<2x2560x128xf32, #tpu.memory_space<hbm>> -> memref<1x2560x128xf32, #tpu.memory_space<hbm>>
      %dma_start3A_28 = tpu.memref_squeeze %dma_start3A_27 : memref<1x2560x128xf32, #tpu.memory_space<hbm>> -> memref<2560x128xf32, #tpu.memory_space<hbm>>
      %dma_start3A_29 = arith.constant 0 : i32
      %dma_start3A_30 = tpu.memref_slice %dma_start3A_28[%add3A_21, %dma_start3A_29] : memref<2560x128xf32, #tpu.memory_space<hbm>> -> memref<128x128xf32, #tpu.memory_space<hbm>>
      %dma_start3A_31 = arith.constant 0 : i32
      %dma_start3A_32 = tpu.memref_slice %arg10[%add3A_19, %dma_start3A_31] : memref<2560x128xf32, #tpu.memory_space<vmem_shared>> -> memref<128x128xf32, #tpu.memory_space<vmem_shared>>
      tpu.enqueue_dma source(%dma_start3A_32 : memref<128x128xf32, #tpu.memory_space<vmem_shared>>) target(%dma_start3A_30 : memref<128x128xf32, #tpu.memory_space<hbm>>) target_semaphore(%run_scoped3A : memref<!tpu.dma_semaphore, #tpu.memory_space<semaphore_mem>>)
      %dma_wait3A = arith.constant 0 : i32
      %dma_wait3A_33 = arith.constant 0 : i32
      %dma_wait3A_34 = tpu.memref_slice %arg5[%arg0, %dma_wait3A, %dma_wait3A_33] : memref<2x2560x128xf32, #tpu.memory_space<hbm>> -> memref<1x2560x128xf32, #tpu.memory_space<hbm>>
      %dma_wait3A_35 = tpu.memref_squeeze %dma_wait3A_34 : memref<1x2560x128xf32, #tpu.memory_space<hbm>> -> memref<2560x128xf32, #tpu.memory_space<hbm>>
      %dma_wait3A_36 = arith.constant 0 : i32
      %dma_wait3A_37 = tpu.memref_slice %dma_wait3A_35[%add3A_21, %dma_wait3A_36] : memref<2560x128xf32, #tpu.memory_space<hbm>> -> memref<128x128xf32, #tpu.memory_space<hbm>>
      %dma_wait3A_38 = arith.constant 0 : i32
      %dma_wait3A_39 = tpu.memref_slice %arg10[%add3A_19, %dma_wait3A_38] : memref<2560x128xf32, #tpu.memory_space<vmem_shared>> -> memref<128x128xf32, #tpu.memory_space<vmem_shared>>
      tpu.wait_dma2 semaphore(%run_scoped3A : memref<!tpu.dma_semaphore, #tpu.memory_space<semaphore_mem>>) src(%dma_wait3A_39 : memref<128x128xf32, #tpu.memory_space<vmem_shared>>) dst(%dma_wait3A_37 : memref<128x128xf32, #tpu.memory_space<hbm>>)
      tpu.yield
    }) : () -> ()
    %add3A_22 = arith.constant 128 : i32
    %add3A_23 = arith.addi %mul3A_7, %add3A_22 : i32
    %add3A_24 = arith.constant 128 : i32
    %add3A_25 = arith.addi %mul3A_7, %add3A_24 : i32
    "tpu.region"() ({
      %run_scoped3A = tpu.sem_alloc : memref<!tpu.dma_semaphore, #tpu.memory_space<semaphore_mem>>
      %dma_start3A = arith.constant 0 : i32
      %dma_start3A_26 = arith.constant 0 : i32
      %dma_start3A_27 = tpu.memref_slice %arg5[%arg0, %dma_start3A, %dma_start3A_26] : memref<2x2560x128xf32, #tpu.memory_space<hbm>> -> memref<1x2560x128xf32, #tpu.memory_space<hbm>>
      %dma_start3A_28 = tpu.memref_squeeze %dma_start3A_27 : memref<1x2560x128xf32, #tpu.memory_space<hbm>> -> memref<2560x128xf32, #tpu.memory_space<hbm>>
      %dma_start3A_29 = arith.constant 0 : i32
      %dma_start3A_30 = tpu.memref_slice %dma_start3A_28[%add3A_25, %dma_start3A_29] : memref<2560x128xf32, #tpu.memory_space<hbm>> -> memref<32x128xf32, #tpu.memory_space<hbm>>
      %dma_start3A_31 = arith.constant 0 : i32
      %dma_start3A_32 = tpu.memref_slice %arg10[%add3A_23, %dma_start3A_31] : memref<2560x128xf32, #tpu.memory_space<vmem_shared>> -> memref<32x128xf32, #tpu.memory_space<vmem_shared>>
      tpu.enqueue_dma source(%dma_start3A_32 : memref<32x128xf32, #tpu.memory_space<vmem_shared>>) target(%dma_start3A_30 : memref<32x128xf32, #tpu.memory_space<hbm>>) target_semaphore(%run_scoped3A : memref<!tpu.dma_semaphore, #tpu.memory_space<semaphore_mem>>)
      %dma_wait3A = arith.constant 0 : i32
      %dma_wait3A_33 = arith.constant 0 : i32
      %dma_wait3A_34 = tpu.memref_slice %arg5[%arg0, %dma_wait3A, %dma_wait3A_33] : memref<2x2560x128xf32, #tpu.memory_space<hbm>> -> memref<1x2560x128xf32, #tpu.memory_space<hbm>>
      %dma_wait3A_35 = tpu.memref_squeeze %dma_wait3A_34 : memref<1x2560x128xf32, #tpu.memory_space<hbm>> -> memref<2560x128xf32, #tpu.memory_space<hbm>>
      %dma_wait3A_36 = arith.constant 0 : i32
      %dma_wait3A_37 = tpu.memref_slice %dma_wait3A_35[%add3A_25, %dma_wait3A_36] : memref<2560x128xf32, #tpu.memory_space<hbm>> -> memref<32x128xf32, #tpu.memory_space<hbm>>
      %dma_wait3A_38 = arith.constant 0 : i32
      %dma_wait3A_39 = tpu.memref_slice %arg10[%add3A_23, %dma_wait3A_38] : memref<2560x128xf32, #tpu.memory_space<vmem_shared>> -> memref<32x128xf32, #tpu.memory_space<vmem_shared>>
      tpu.wait_dma2 semaphore(%run_scoped3A : memref<!tpu.dma_semaphore, #tpu.memory_space<semaphore_mem>>) src(%dma_wait3A_39 : memref<32x128xf32, #tpu.memory_space<vmem_shared>>) dst(%dma_wait3A_37 : memref<32x128xf32, #tpu.memory_space<hbm>>)
      tpu.yield
    }) : () -> ()
    return
  }
}

#map = affine_map<(d0, d1) -> (0, 0)>
#map1 = affine_map<(d0, d1) -> (0)>
#map2 = affine_map<(d0, d1) -> (0, 0, 0)>
module attributes {stable_mosaic.version = 14 : i64} {
  func.func @k(%arg0: i32, %arg1: i32, %arg2: memref<2560x128xf32, #tpu.memory_space<hbm>>, %arg3: memref<4096xi32, #tpu.memory_space<hbm>>, %arg4: memref<4096xi32, #tpu.memory_space<hbm>>, %arg5: memref<2x640x128xf32, #tpu.memory_space<hbm>>, %arg6: memref<128xi32, #tpu.memory_space<vmem>>, %arg7: memref<128xi32, #tpu.memory_space<vmem>>, %arg8: memref<128x128xf32, #tpu.memory_space<vmem>>, %arg9: memref<128x128xf32, #tpu.memory_space<vmem>>, %arg10: memref<640x128xf32, #tpu.memory_space<vmem_shared>>, %arg11: memref<!tpu.dma_semaphore, #tpu.memory_space<semaphore_mem>>) attributes {dimension_semantics = [#tpu.dimension_semantics<core_parallel>, #tpu.dimension_semantics<subcore_parallel>], iteration_bounds = array<i64: 2, 16>, scalar_prefetch = 0 : i64, scratch_operands = 6 : i64, tpu.core_type = #tpu.core_type<sc_vector_subcore>, window_params = [{transform_indices = #map}, {transform_indices = #map1}, {transform_indices = #map1}, {transform_indices = #map2}]} {
    %mul3A = arith.constant 16 : i32
    %mul3A_0 = arith.muli %arg0, %mul3A : i32
    %add3A = arith.addi %mul3A_0, %arg1 : i32
    %broadcast_in_dim3A = arith.constant 0.000000e+00 : f32
    %broadcast_in_dim3A_1 = vector.broadcast %broadcast_in_dim3A : f32 to vector<16xf32>
    %scan3A = arith.constant 0 : i32
    %scan3A_2 = arith.constant 128 : i32
    %scan3A_3 = arith.addi %scan3A, %scan3A_2 : i32
    %scan3A_4 = arith.constant 1 : i32
    scf.for %scan3A_30 = %scan3A to %scan3A_3 step %scan3A_4  : i32 {
      %mul3A_31 = arith.constant 1 : i32
      %mul3A_32 = arith.muli %scan3A_30, %mul3A_31 : i32
      %add3A_33 = arith.constant 0 : i32
      %add3A_34 = arith.addi %add3A_33, %mul3A_32 : i32
      %scan3A_35 = arith.constant 0 : i32
      %scan3A_36 = arith.constant 8 : i32
      %scan3A_37 = arith.addi %scan3A_35, %scan3A_36 : i32
      %scan3A_38 = arith.constant 1 : i32
      scf.for %scan3A_40 = %scan3A_35 to %scan3A_37 step %scan3A_38  : i32 {
        %mul3A_41 = arith.constant 1 : i32
        %mul3A_42 = arith.muli %scan3A_40, %mul3A_41 : i32
        %add3A_43 = arith.constant 0 : i32
        %add3A_44 = arith.addi %add3A_43, %mul3A_42 : i32
        %mul3A_45 = arith.constant 16 : i32
        %mul3A_46 = arith.muli %add3A_44, %mul3A_45 : i32
        %swap3A = arith.index_cast %add3A_34 : i32 to index
        %swap3A_47 = arith.index_cast %mul3A_46 : i32 to index
        %swap3A_48 = tpu.vector_load %arg9[%swap3A, %swap3A_47] {strides = array<i32>} : memref<128x128xf32, #tpu.memory_space<vmem>>, vector<16xf32>,
        tpu.vector_store %arg9[%swap3A, %swap3A_47], %broadcast_in_dim3A_1 {strides = array<i32>} : memref<128x128xf32, #tpu.memory_space<vmem>>, vector<16xf32>,
      }
      %scan3A_39 = arith.constant 8 : i32
    }
    %scan3A_5 = arith.constant 128 : i32
    %mul3A_6 = arith.constant 40 : i32
    %mul3A_7 = arith.muli %arg1, %mul3A_6 : i32
    %add3A_8 = arith.constant 0 : i32
    %add3A_9 = arith.addi %mul3A_7, %add3A_8 : i32
    "tpu.region"() ({
      %run_scoped3A = tpu.sem_alloc : memref<!tpu.dma_semaphore, #tpu.memory_space<semaphore_mem>>
      %dma_start3A_30 = arith.constant 0 : i32
      %dma_start3A_31 = arith.constant 0 : i32
      %dma_start3A_32 = tpu.memref_slice %arg9[%dma_start3A_30, %dma_start3A_31] : memref<128x128xf32, #tpu.memory_space<vmem>> -> memref<40x128xf32, #tpu.memory_space<vmem>>
      %dma_start3A_33 = arith.constant 0 : i32
      %dma_start3A_34 = tpu.memref_slice %arg10[%add3A_9, %dma_start3A_33] : memref<640x128xf32, #tpu.memory_space<vmem_shared>> -> memref<40x128xf32, #tpu.memory_space<vmem_shared>>
      %dma_start3A_35 = arith.constant 0 : i32
      %dma_start3A_36 = tpu.memref_slice %arg10[%add3A_9, %dma_start3A_35] : memref<640x128xf32, #tpu.memory_space<vmem_shared>> -> memref<40x128xf32, #tpu.memory_space<vmem_shared>>
      %dma_start3A_37 = arith.constant 0 : i32
      %dma_start3A_38 = arith.constant 0 : i32
      %dma_start3A_39 = tpu.memref_slice %arg9[%dma_start3A_37, %dma_start3A_38] : memref<128x128xf32, #tpu.memory_space<vmem>> -> memref<40x128xf32, #tpu.memory_space<vmem>>
      tpu.enqueue_dma source(%dma_start3A_39 : memref<40x128xf32, #tpu.memory_space<vmem>>) target(%dma_start3A_36 : memref<40x128xf32, #tpu.memory_space<vmem_shared>>) target_semaphore(%run_scoped3A : memref<!tpu.dma_semaphore, #tpu.memory_space<semaphore_mem>>)
      %dma_wait3A_40 = arith.constant 0 : i32
      %dma_wait3A_41 = arith.constant 0 : i32
      %dma_wait3A_42 = tpu.memref_slice %arg9[%dma_wait3A_40, %dma_wait3A_41] : memref<128x128xf32, #tpu.memory_space<vmem>> -> memref<40x128xf32, #tpu.memory_space<vmem>>
      %dma_wait3A_43 = arith.constant 0 : i32
      %dma_wait3A_44 = tpu.memref_slice %arg10[%add3A_9, %dma_wait3A_43] : memref<640x128xf32, #tpu.memory_space<vmem_shared>> -> memref<40x128xf32, #tpu.memory_space<vmem_shared>>
      %dma_wait3A_45 = arith.constant 0 : i32
      %dma_wait3A_46 = tpu.memref_slice %arg10[%add3A_9, %dma_wait3A_45] : memref<640x128xf32, #tpu.memory_space<vmem_shared>> -> memref<40x128xf32, #tpu.memory_space<vmem_shared>>
      %dma_wait3A_47 = arith.constant 0 : i32
      %dma_wait3A_48 = arith.constant 0 : i32
      %dma_wait3A_49 = tpu.memref_slice %arg9[%dma_wait3A_47, %dma_wait3A_48] : memref<128x128xf32, #tpu.memory_space<vmem>> -> memref<40x128xf32, #tpu.memory_space<vmem>>
      tpu.wait_dma2 semaphore(%run_scoped3A : memref<!tpu.dma_semaphore, #tpu.memory_space<semaphore_mem>>) src(%dma_wait3A_49 : memref<40x128xf32, #tpu.memory_space<vmem>>) dst(%dma_wait3A_46 : memref<40x128xf32, #tpu.memory_space<vmem_shared>>)
      tpu.yield
    }) : () -> ()
    %barrier3A = arith.constant 0 : index
    tpu.barrier barrier_id(%barrier3A)
    %scan3A_10 = arith.constant 0 : i32
    %mul3A_11 = arith.constant 1 : i32
    %mul3A_12 = arith.muli %scan3A_10, %mul3A_11 : i32
    %add3A_13 = arith.constant 0 : i32
    %add3A_14 = arith.addi %add3A_13, %mul3A_12 : i32
    %mul3A_15 = arith.constant 128 : i32
    %mul3A_16 = arith.muli %add3A, %mul3A_15 : i32
    %mul3A_17 = arith.constant 128 : i32
    %mul3A_18 = arith.muli %add3A_14, %mul3A_17 : i32
    %add3A_19 = arith.addi %mul3A_16, %mul3A_18 : i32
    "tpu.region"() ({
      %run_scoped3A = tpu.sem_alloc : memref<!tpu.dma_semaphore, #tpu.memory_space<semaphore_mem>>
      %dma_start3A_30 = tpu.memref_slice %arg3[%add3A_19] : memref<4096xi32, #tpu.memory_space<hbm>> -> memref<128xi32, #tpu.memory_space<hbm>>
      %dma_start3A_31 = tpu.memref_slice %arg3[%add3A_19] : memref<4096xi32, #tpu.memory_space<hbm>> -> memref<128xi32, #tpu.memory_space<hbm>>
      tpu.enqueue_dma source(%dma_start3A_31 : memref<128xi32, #tpu.memory_space<hbm>>) target(%arg6 : memref<128xi32, #tpu.memory_space<vmem>>) target_semaphore(%run_scoped3A : memref<!tpu.dma_semaphore, #tpu.memory_space<semaphore_mem>>)
      %dma_wait3A_32 = tpu.memref_slice %arg3[%add3A_19] : memref<4096xi32, #tpu.memory_space<hbm>> -> memref<128xi32, #tpu.memory_space<hbm>>
      %dma_wait3A_33 = tpu.memref_slice %arg3[%add3A_19] : memref<4096xi32, #tpu.memory_space<hbm>> -> memref<128xi32, #tpu.memory_space<hbm>>
      tpu.wait_dma2 semaphore(%run_scoped3A : memref<!tpu.dma_semaphore, #tpu.memory_space<semaphore_mem>>) src(%dma_wait3A_33 : memref<128xi32, #tpu.memory_space<hbm>>) dst(%arg6 : memref<128xi32, #tpu.memory_space<vmem>>)
      tpu.yield
    }) : () -> ()
    "tpu.region"() ({
      %run_scoped3A = tpu.sem_alloc : memref<!tpu.dma_semaphore, #tpu.memory_space<semaphore_mem>>
      %dma_start3A_30 = tpu.memref_slice %arg4[%add3A_19] : memref<4096xi32, #tpu.memory_space<hbm>> -> memref<128xi32, #tpu.memory_space<hbm>>
      %dma_start3A_31 = tpu.memref_slice %arg4[%add3A_19] : memref<4096xi32, #tpu.memory_space<hbm>> -> memref<128xi32, #tpu.memory_space<hbm>>
      tpu.enqueue_dma source(%dma_start3A_31 : memref<128xi32, #tpu.memory_space<hbm>>) target(%arg7 : memref<128xi32, #tpu.memory_space<vmem>>) target_semaphore(%run_scoped3A : memref<!tpu.dma_semaphore, #tpu.memory_space<semaphore_mem>>)
      %dma_wait3A_32 = tpu.memref_slice %arg4[%add3A_19] : memref<4096xi32, #tpu.memory_space<hbm>> -> memref<128xi32, #tpu.memory_space<hbm>>
      %dma_wait3A_33 = tpu.memref_slice %arg4[%add3A_19] : memref<4096xi32, #tpu.memory_space<hbm>> -> memref<128xi32, #tpu.memory_space<hbm>>
      tpu.wait_dma2 semaphore(%run_scoped3A : memref<!tpu.dma_semaphore, #tpu.memory_space<semaphore_mem>>) src(%dma_wait3A_33 : memref<128xi32, #tpu.memory_space<hbm>>) dst(%arg7 : memref<128xi32, #tpu.memory_space<vmem>>)
      tpu.yield
    }) : () -> ()
    %dma_start3A = arith.constant 0 : i32
    %dma_start3A_20 = arith.constant 0 : i32
    %dma_start3A_21 = tpu.memref_slice %arg2[%dma_start3A, %dma_start3A_20] : memref<2560x128xf32, #tpu.memory_space<hbm>> -> memref<2560x128xf32, #tpu.memory_space<hbm>>
    tpu.enqueue_indirect_dma source(%dma_start3A_21 : memref<2560x128xf32, #tpu.memory_space<hbm>>) target(%arg8 : memref<128x128xf32, #tpu.memory_space<vmem>>) offsets(%arg6 : memref<128xi32, #tpu.memory_space<vmem>>) semaphore(%arg11 : memref<!tpu.dma_semaphore, #tpu.memory_space<semaphore_mem>>)
    %dma_wait3A = arith.constant 0 : i32
    %dma_wait3A_22 = arith.constant 0 : i32
    %dma_wait3A_23 = tpu.memref_slice %arg2[%dma_wait3A, %dma_wait3A_22] : memref<2560x128xf32, #tpu.memory_space<hbm>> -> memref<2560x128xf32, #tpu.memory_space<hbm>>
    tpu.wait_indirect_dma semaphore(%arg11 : memref<!tpu.dma_semaphore, #tpu.memory_space<semaphore_mem>>) src(%dma_wait3A_23 : memref<2560x128xf32, #tpu.memory_space<hbm>>) dst(%arg8 : memref<128x128xf32, #tpu.memory_space<vmem>>)
    "tpu.region"() ({
      %run_scoped3A = tpu.sem_alloc : memref<!tpu.dma_semaphore, #tpu.memory_space<semaphore_mem>>
      %dma_start3A_30 = arith.constant 0 : i32
      %dma_start3A_31 = arith.constant 0 : i32
      %dma_start3A_32 = tpu.memref_slice %arg10[%dma_start3A_30, %dma_start3A_31] : memref<640x128xf32, #tpu.memory_space<vmem_shared>> -> memref<640x128xf32, #tpu.memory_space<vmem_shared>>
      tpu.enqueue_indirect_dma source(%arg8 : memref<128x128xf32, #tpu.memory_space<vmem>>) target(%dma_start3A_32 : memref<640x128xf32, #tpu.memory_space<vmem_shared>>) offsets(%arg7 : memref<128xi32, #tpu.memory_space<vmem>>) semaphore(%run_scoped3A : memref<!tpu.dma_semaphore, #tpu.memory_space<semaphore_mem>>) {add = true}
      %dma_wait3A_33 = arith.constant 0 : i32
      %dma_wait3A_34 = arith.constant 0 : i32
      %dma_wait3A_35 = tpu.memref_slice %arg10[%dma_wait3A_33, %dma_wait3A_34] : memref<640x128xf32, #tpu.memory_space<vmem_shared>> -> memref<640x128xf32, #tpu.memory_space<vmem_shared>>
      tpu.wait_indirect_dma semaphore(%run_scoped3A : memref<!tpu.dma_semaphore, #tpu.memory_space<semaphore_mem>>) src(%arg8 : memref<128x128xf32, #tpu.memory_space<vmem>>) dst(%dma_wait3A_35 : memref<640x128xf32, #tpu.memory_space<vmem_shared>>)
      tpu.yield
    }) : () -> ()
    %scan3A_24 = arith.constant 1 : i32
    %barrier3A_25 = arith.constant 0 : index
    tpu.barrier barrier_id(%barrier3A_25)
    %add3A_26 = arith.constant 0 : i32
    %add3A_27 = arith.addi %mul3A_7, %add3A_26 : i32
    %add3A_28 = arith.constant 0 : i32
    %add3A_29 = arith.addi %mul3A_7, %add3A_28 : i32
    "tpu.region"() ({
      %run_scoped3A = tpu.sem_alloc : memref<!tpu.dma_semaphore, #tpu.memory_space<semaphore_mem>>
      %dma_start3A_30 = arith.constant 0 : i32
      %dma_start3A_31 = arith.constant 0 : i32
      %dma_start3A_32 = tpu.memref_slice %arg5[%arg0, %dma_start3A_30, %dma_start3A_31] : memref<2x640x128xf32, #tpu.memory_space<hbm>> -> memref<1x640x128xf32, #tpu.memory_space<hbm>>
      %dma_start3A_33 = tpu.memref_squeeze %dma_start3A_32 : memref<1x640x128xf32, #tpu.memory_space<hbm>> -> memref<640x128xf32, #tpu.memory_space<hbm>>
      %dma_start3A_34 = arith.constant 0 : i32
      %dma_start3A_35 = tpu.memref_slice %dma_start3A_33[%add3A_29, %dma_start3A_34] : memref<640x128xf32, #tpu.memory_space<hbm>> -> memref<40x128xf32, #tpu.memory_space<hbm>>
      %dma_start3A_36 = arith.constant 0 : i32
      %dma_start3A_37 = tpu.memref_slice %arg10[%add3A_27, %dma_start3A_36] : memref<640x128xf32, #tpu.memory_space<vmem_shared>> -> memref<40x128xf32, #tpu.memory_space<vmem_shared>>
      tpu.enqueue_dma source(%dma_start3A_37 : memref<40x128xf32, #tpu.memory_space<vmem_shared>>) target(%dma_start3A_35 : memref<40x128xf32, #tpu.memory_space<hbm>>) target_semaphore(%run_scoped3A : memref<!tpu.dma_semaphore, #tpu.memory_space<semaphore_mem>>)
      %dma_wait3A_38 = arith.constant 0 : i32
      %dma_wait3A_39 = arith.constant 0 : i32
      %dma_wait3A_40 = tpu.memref_slice %arg5[%arg0, %dma_wait3A_38, %dma_wait3A_39] : memref<2x640x128xf32, #tpu.memory_space<hbm>> -> memref<1x640x128xf32, #tpu.memory_space<hbm>>
      %dma_wait3A_41 = tpu.memref_squeeze %dma_wait3A_40 : memref<1x640x128xf32, #tpu.memory_space<hbm>> -> memref<640x128xf32, #tpu.memory_space<hbm>>
      %dma_wait3A_42 = arith.constant 0 : i32
      %dma_wait3A_43 = tpu.memref_slice %dma_wait3A_41[%add3A_29, %dma_wait3A_42] : memref<640x128xf32, #tpu.memory_space<hbm>> -> memref<40x128xf32, #tpu.memory_space<hbm>>
      %dma_wait3A_44 = arith.constant 0 : i32
      %dma_wait3A_45 = tpu.memref_slice %arg10[%add3A_27, %dma_wait3A_44] : memref<640x128xf32, #tpu.memory_space<vmem_shared>> -> memref<40x128xf32, #tpu.memory_space<vmem_shared>>
      tpu.wait_dma2 semaphore(%run_scoped3A : memref<!tpu.dma_semaphore, #tpu.memory_space<semaphore_mem>>) src(%dma_wait3A_45 : memref<40x128xf32, #tpu.memory_space<vmem_shared>>) dst(%dma_wait3A_43 : memref<40x128xf32, #tpu.memory_space<hbm>>)
      tpu.yield
    }) : () -> ()
    return
  }
}

#map = affine_map<(d0, d1) -> (0, 0)>
#map1 = affine_map<(d0, d1) -> (0)>
#map2 = affine_map<(d0, d1) -> (0, 0, 0)>
module attributes {stable_mosaic.version = 14 : i64} {
  func.func @k(%arg0: i32, %arg1: i32, %arg2: memref<640x128xf32, #tpu.memory_space<hbm>>, %arg3: memref<12288xi32, #tpu.memory_space<hbm>>, %arg4: memref<12288xi32, #tpu.memory_space<hbm>>, %arg5: memref<2x640x128xf32, #tpu.memory_space<hbm>>, %arg6: memref<128xi32, #tpu.memory_space<vmem>>, %arg7: memref<128xi32, #tpu.memory_space<vmem>>, %arg8: memref<128x128xf32, #tpu.memory_space<vmem>>, %arg9: memref<128x128xf32, #tpu.memory_space<vmem>>, %arg10: memref<640x128xf32, #tpu.memory_space<vmem_shared>>, %arg11: memref<!tpu.dma_semaphore, #tpu.memory_space<semaphore_mem>>) attributes {dimension_semantics = [#tpu.dimension_semantics<core_parallel>, #tpu.dimension_semantics<subcore_parallel>], iteration_bounds = array<i64: 2, 16>, scalar_prefetch = 0 : i64, scratch_operands = 6 : i64, tpu.core_type = #tpu.core_type<sc_vector_subcore>, window_params = [{transform_indices = #map}, {transform_indices = #map1}, {transform_indices = #map1}, {transform_indices = #map2}]} {
    %mul3A = arith.constant 16 : i32
    %mul3A_0 = arith.muli %arg0, %mul3A : i32
    %add3A = arith.addi %mul3A_0, %arg1 : i32
    %broadcast_in_dim3A = arith.constant 0.000000e+00 : f32
    %broadcast_in_dim3A_1 = vector.broadcast %broadcast_in_dim3A : f32 to vector<16xf32>
    %scan3A = arith.constant 0 : i32
    %scan3A_2 = arith.constant 128 : i32
    %scan3A_3 = arith.addi %scan3A, %scan3A_2 : i32
    %scan3A_4 = arith.constant 1 : i32
    scf.for %scan3A_20 = %scan3A to %scan3A_3 step %scan3A_4  : i32 {
      %mul3A_21 = arith.constant 1 : i32
      %mul3A_22 = arith.muli %scan3A_20, %mul3A_21 : i32
      %add3A_23 = arith.constant 0 : i32
      %add3A_24 = arith.addi %add3A_23, %mul3A_22 : i32
      %scan3A_25 = arith.constant 0 : i32
      %scan3A_26 = arith.constant 8 : i32
      %scan3A_27 = arith.addi %scan3A_25, %scan3A_26 : i32
      %scan3A_28 = arith.constant 1 : i32
      scf.for %scan3A_30 = %scan3A_25 to %scan3A_27 step %scan3A_28  : i32 {
        %mul3A_31 = arith.constant 1 : i32
        %mul3A_32 = arith.muli %scan3A_30, %mul3A_31 : i32
        %add3A_33 = arith.constant 0 : i32
        %add3A_34 = arith.addi %add3A_33, %mul3A_32 : i32
        %mul3A_35 = arith.constant 16 : i32
        %mul3A_36 = arith.muli %add3A_34, %mul3A_35 : i32
        %swap3A = arith.index_cast %add3A_24 : i32 to index
        %swap3A_37 = arith.index_cast %mul3A_36 : i32 to index
        %swap3A_38 = tpu.vector_load %arg9[%swap3A, %swap3A_37] {strides = array<i32>} : memref<128x128xf32, #tpu.memory_space<vmem>>, vector<16xf32>,
        tpu.vector_store %arg9[%swap3A, %swap3A_37], %broadcast_in_dim3A_1 {strides = array<i32>} : memref<128x128xf32, #tpu.memory_space<vmem>>, vector<16xf32>,
      }
      %scan3A_29 = arith.constant 8 : i32
    }
    %scan3A_5 = arith.constant 128 : i32
    %mul3A_6 = arith.constant 40 : i32
    %mul3A_7 = arith.muli %arg1, %mul3A_6 : i32
    %add3A_8 = arith.constant 0 : i32
    %add3A_9 = arith.addi %mul3A_7, %add3A_8 : i32
    "tpu.region"() ({
      %run_scoped3A = tpu.sem_alloc : memref<!tpu.dma_semaphore, #tpu.memory_space<semaphore_mem>>
      %dma_start3A = arith.constant 0 : i32
      %dma_start3A_20 = arith.constant 0 : i32
      %dma_start3A_21 = tpu.memref_slice %arg9[%dma_start3A, %dma_start3A_20] : memref<128x128xf32, #tpu.memory_space<vmem>> -> memref<40x128xf32, #tpu.memory_space<vmem>>
      %dma_start3A_22 = arith.constant 0 : i32
      %dma_start3A_23 = tpu.memref_slice %arg10[%add3A_9, %dma_start3A_22] : memref<640x128xf32, #tpu.memory_space<vmem_shared>> -> memref<40x128xf32, #tpu.memory_space<vmem_shared>>
      %dma_start3A_24 = arith.constant 0 : i32
      %dma_start3A_25 = tpu.memref_slice %arg10[%add3A_9, %dma_start3A_24] : memref<640x128xf32, #tpu.memory_space<vmem_shared>> -> memref<40x128xf32, #tpu.memory_space<vmem_shared>>
      %dma_start3A_26 = arith.constant 0 : i32
      %dma_start3A_27 = arith.constant 0 : i32
      %dma_start3A_28 = tpu.memref_slice %arg9[%dma_start3A_26, %dma_start3A_27] : memref<128x128xf32, #tpu.memory_space<vmem>> -> memref<40x128xf32, #tpu.memory_space<vmem>>
      tpu.enqueue_dma source(%dma_start3A_28 : memref<40x128xf32, #tpu.memory_space<vmem>>) target(%dma_start3A_25 : memref<40x128xf32, #tpu.memory_space<vmem_shared>>) target_semaphore(%run_scoped3A : memref<!tpu.dma_semaphore, #tpu.memory_space<semaphore_mem>>)
      %dma_wait3A = arith.constant 0 : i32
      %dma_wait3A_29 = arith.constant 0 : i32
      %dma_wait3A_30 = tpu.memref_slice %arg9[%dma_wait3A, %dma_wait3A_29] : memref<128x128xf32, #tpu.memory_space<vmem>> -> memref<40x128xf32, #tpu.memory_space<vmem>>
      %dma_wait3A_31 = arith.constant 0 : i32
      %dma_wait3A_32 = tpu.memref_slice %arg10[%add3A_9, %dma_wait3A_31] : memref<640x128xf32, #tpu.memory_space<vmem_shared>> -> memref<40x128xf32, #tpu.memory_space<vmem_shared>>
      %dma_wait3A_33 = arith.constant 0 : i32
      %dma_wait3A_34 = tpu.memref_slice %arg10[%add3A_9, %dma_wait3A_33] : memref<640x128xf32, #tpu.memory_space<vmem_shared>> -> memref<40x128xf32, #tpu.memory_space<vmem_shared>>
      %dma_wait3A_35 = arith.constant 0 : i32
      %dma_wait3A_36 = arith.constant 0 : i32
      %dma_wait3A_37 = tpu.memref_slice %arg9[%dma_wait3A_35, %dma_wait3A_36] : memref<128x128xf32, #tpu.memory_space<vmem>> -> memref<40x128xf32, #tpu.memory_space<vmem>>
      tpu.wait_dma2 semaphore(%run_scoped3A : memref<!tpu.dma_semaphore, #tpu.memory_space<semaphore_mem>>) src(%dma_wait3A_37 : memref<40x128xf32, #tpu.memory_space<vmem>>) dst(%dma_wait3A_34 : memref<40x128xf32, #tpu.memory_space<vmem_shared>>)
      tpu.yield
    }) : () -> ()
    %barrier3A = arith.constant 0 : index
    tpu.barrier barrier_id(%barrier3A)
    %scan3A_10 = arith.constant 0 : i32
    %scan3A_11 = arith.constant 3 : i32
    %scan3A_12 = arith.addi %scan3A_10, %scan3A_11 : i32
    %scan3A_13 = arith.constant 1 : i32
    scf.for %scan3A_20 = %scan3A_10 to %scan3A_12 step %scan3A_13  : i32 {
      %mul3A_21 = arith.constant 1 : i32
      %mul3A_22 = arith.muli %scan3A_20, %mul3A_21 : i32
      %add3A_23 = arith.constant 0 : i32
      %add3A_24 = arith.addi %add3A_23, %mul3A_22 : i32
      %mul3A_25 = arith.constant 384 : i32
      %mul3A_26 = arith.muli %add3A, %mul3A_25 : i32
      %mul3A_27 = arith.constant 128 : i32
      %mul3A_28 = arith.muli %add3A_24, %mul3A_27 : i32
      %add3A_29 = arith.addi %mul3A_26, %mul3A_28 : i32
      "tpu.region"() ({
        %run_scoped3A = tpu.sem_alloc : memref<!tpu.dma_semaphore, #tpu.memory_space<semaphore_mem>>
        %dma_start3A_34 = tpu.memref_slice %arg3[%add3A_29] : memref<12288xi32, #tpu.memory_space<hbm>> -> memref<128xi32, #tpu.memory_space<hbm>>
        %dma_start3A_35 = tpu.memref_slice %arg3[%add3A_29] : memref<12288xi32, #tpu.memory_space<hbm>> -> memref<128xi32, #tpu.memory_space<hbm>>
        tpu.enqueue_dma source(%dma_start3A_35 : memref<128xi32, #tpu.memory_space<hbm>>) target(%arg6 : memref<128xi32, #tpu.memory_space<vmem>>) target_semaphore(%run_scoped3A : memref<!tpu.dma_semaphore, #tpu.memory_space<semaphore_mem>>)
        %dma_wait3A_36 = tpu.memref_slice %arg3[%add3A_29] : memref<12288xi32, #tpu.memory_space<hbm>> -> memref<128xi32, #tpu.memory_space<hbm>>
        %dma_wait3A_37 = tpu.memref_slice %arg3[%add3A_29] : memref<12288xi32, #tpu.memory_space<hbm>> -> memref<128xi32, #tpu.memory_space<hbm>>
        tpu.wait_dma2 semaphore(%run_scoped3A : memref<!tpu.dma_semaphore, #tpu.memory_space<semaphore_mem>>) src(%dma_wait3A_37 : memref<128xi32, #tpu.memory_space<hbm>>) dst(%arg6 : memref<128xi32, #tpu.memory_space<vmem>>)
        tpu.yield
      }) : () -> ()
      "tpu.region"() ({
        %run_scoped3A = tpu.sem_alloc : memref<!tpu.dma_semaphore, #tpu.memory_space<semaphore_mem>>
        %dma_start3A_34 = tpu.memref_slice %arg4[%add3A_29] : memref<12288xi32, #tpu.memory_space<hbm>> -> memref<128xi32, #tpu.memory_space<hbm>>
        %dma_start3A_35 = tpu.memref_slice %arg4[%add3A_29] : memref<12288xi32, #tpu.memory_space<hbm>> -> memref<128xi32, #tpu.memory_space<hbm>>
        tpu.enqueue_dma source(%dma_start3A_35 : memref<128xi32, #tpu.memory_space<hbm>>) target(%arg7 : memref<128xi32, #tpu.memory_space<vmem>>) target_semaphore(%run_scoped3A : memref<!tpu.dma_semaphore, #tpu.memory_space<semaphore_mem>>)
        %dma_wait3A_36 = tpu.memref_slice %arg4[%add3A_29] : memref<12288xi32, #tpu.memory_space<hbm>> -> memref<128xi32, #tpu.memory_space<hbm>>
        %dma_wait3A_37 = tpu.memref_slice %arg4[%add3A_29] : memref<12288xi32, #tpu.memory_space<hbm>> -> memref<128xi32, #tpu.memory_space<hbm>>
        tpu.wait_dma2 semaphore(%run_scoped3A : memref<!tpu.dma_semaphore, #tpu.memory_space<semaphore_mem>>) src(%dma_wait3A_37 : memref<128xi32, #tpu.memory_space<hbm>>) dst(%arg7 : memref<128xi32, #tpu.memory_space<vmem>>)
        tpu.yield
      }) : () -> ()
      %dma_start3A = arith.constant 0 : i32
      %dma_start3A_30 = arith.constant 0 : i32
      %dma_start3A_31 = tpu.memref_slice %arg2[%dma_start3A, %dma_start3A_30] : memref<640x128xf32, #tpu.memory_space<hbm>> -> memref<640x128xf32, #tpu.memory_space<hbm>>
      tpu.enqueue_indirect_dma source(%dma_start3A_31 : memref<640x128xf32, #tpu.memory_space<hbm>>) target(%arg8 : memref<128x128xf32, #tpu.memory_space<vmem>>) offsets(%arg6 : memref<128xi32, #tpu.memory_space<vmem>>) semaphore(%arg11 : memref<!tpu.dma_semaphore, #tpu.memory_space<semaphore_mem>>)
      %dma_wait3A = arith.constant 0 : i32
      %dma_wait3A_32 = arith.constant 0 : i32
      %dma_wait3A_33 = tpu.memref_slice %arg2[%dma_wait3A, %dma_wait3A_32] : memref<640x128xf32, #tpu.memory_space<hbm>> -> memref<640x128xf32, #tpu.memory_space<hbm>>
      tpu.wait_indirect_dma semaphore(%arg11 : memref<!tpu.dma_semaphore, #tpu.memory_space<semaphore_mem>>) src(%dma_wait3A_33 : memref<640x128xf32, #tpu.memory_space<hbm>>) dst(%arg8 : memref<128x128xf32, #tpu.memory_space<vmem>>)
      "tpu.region"() ({
        %run_scoped3A = tpu.sem_alloc : memref<!tpu.dma_semaphore, #tpu.memory_space<semaphore_mem>>
        %dma_start3A_34 = arith.constant 0 : i32
        %dma_start3A_35 = arith.constant 0 : i32
        %dma_start3A_36 = tpu.memref_slice %arg10[%dma_start3A_34, %dma_start3A_35] : memref<640x128xf32, #tpu.memory_space<vmem_shared>> -> memref<640x128xf32, #tpu.memory_space<vmem_shared>>
        tpu.enqueue_indirect_dma source(%arg8 : memref<128x128xf32, #tpu.memory_space<vmem>>) target(%dma_start3A_36 : memref<640x128xf32, #tpu.memory_space<vmem_shared>>) offsets(%arg7 : memref<128xi32, #tpu.memory_space<vmem>>) semaphore(%run_scoped3A : memref<!tpu.dma_semaphore, #tpu.memory_space<semaphore_mem>>) {add = true}
        %dma_wait3A_37 = arith.constant 0 : i32
        %dma_wait3A_38 = arith.constant 0 : i32
        %dma_wait3A_39 = tpu.memref_slice %arg10[%dma_wait3A_37, %dma_wait3A_38] : memref<640x128xf32, #tpu.memory_space<vmem_shared>> -> memref<640x128xf32, #tpu.memory_space<vmem_shared>>
        tpu.wait_indirect_dma semaphore(%run_scoped3A : memref<!tpu.dma_semaphore, #tpu.memory_space<semaphore_mem>>) src(%arg8 : memref<128x128xf32, #tpu.memory_space<vmem>>) dst(%dma_wait3A_39 : memref<640x128xf32, #tpu.memory_space<vmem_shared>>)
        tpu.yield
      }) : () -> ()
    }
    %scan3A_14 = arith.constant 3 : i32
    %barrier3A_15 = arith.constant 0 : index
    tpu.barrier barrier_id(%barrier3A_15)
    %add3A_16 = arith.constant 0 : i32
    %add3A_17 = arith.addi %mul3A_7, %add3A_16 : i32
    %add3A_18 = arith.constant 0 : i32
    %add3A_19 = arith.addi %mul3A_7, %add3A_18 : i32
    "tpu.region"() ({
      %run_scoped3A = tpu.sem_alloc : memref<!tpu.dma_semaphore, #tpu.memory_space<semaphore_mem>>
      %dma_start3A = arith.constant 0 : i32
      %dma_start3A_20 = arith.constant 0 : i32
      %dma_start3A_21 = tpu.memref_slice %arg5[%arg0, %dma_start3A, %dma_start3A_20] : memref<2x640x128xf32, #tpu.memory_space<hbm>> -> memref<1x640x128xf32, #tpu.memory_space<hbm>>
      %dma_start3A_22 = tpu.memref_squeeze %dma_start3A_21 : memref<1x640x128xf32, #tpu.memory_space<hbm>> -> memref<640x128xf32, #tpu.memory_space<hbm>>
      %dma_start3A_23 = arith.constant 0 : i32
      %dma_start3A_24 = tpu.memref_slice %dma_start3A_22[%add3A_19, %dma_start3A_23] : memref<640x128xf32, #tpu.memory_space<hbm>> -> memref<40x128xf32, #tpu.memory_space<hbm>>
      %dma_start3A_25 = arith.constant 0 : i32
      %dma_start3A_26 = tpu.memref_slice %arg10[%add3A_17, %dma_start3A_25] : memref<640x128xf32, #tpu.memory_space<vmem_shared>> -> memref<40x128xf32, #tpu.memory_space<vmem_shared>>
      tpu.enqueue_dma source(%dma_start3A_26 : memref<40x128xf32, #tpu.memory_space<vmem_shared>>) target(%dma_start3A_24 : memref<40x128xf32, #tpu.memory_space<hbm>>) target_semaphore(%run_scoped3A : memref<!tpu.dma_semaphore, #tpu.memory_space<semaphore_mem>>)
      %dma_wait3A = arith.constant 0 : i32
      %dma_wait3A_27 = arith.constant 0 : i32
      %dma_wait3A_28 = tpu.memref_slice %arg5[%arg0, %dma_wait3A, %dma_wait3A_27] : memref<2x640x128xf32, #tpu.memory_space<hbm>> -> memref<1x640x128xf32, #tpu.memory_space<hbm>>
      %dma_wait3A_29 = tpu.memref_squeeze %dma_wait3A_28 : memref<1x640x128xf32, #tpu.memory_space<hbm>> -> memref<640x128xf32, #tpu.memory_space<hbm>>
      %dma_wait3A_30 = arith.constant 0 : i32
      %dma_wait3A_31 = tpu.memref_slice %dma_wait3A_29[%add3A_19, %dma_wait3A_30] : memref<640x128xf32, #tpu.memory_space<hbm>> -> memref<40x128xf32, #tpu.memory_space<hbm>>
      %dma_wait3A_32 = arith.constant 0 : i32
      %dma_wait3A_33 = tpu.memref_slice %arg10[%add3A_17, %dma_wait3A_32] : memref<640x128xf32, #tpu.memory_space<vmem_shared>> -> memref<40x128xf32, #tpu.memory_space<vmem_shared>>
      tpu.wait_dma2 semaphore(%run_scoped3A : memref<!tpu.dma_semaphore, #tpu.memory_space<semaphore_mem>>) src(%dma_wait3A_33 : memref<40x128xf32, #tpu.memory_space<vmem_shared>>) dst(%dma_wait3A_31 : memref<40x128xf32, #tpu.memory_space<hbm>>)
      tpu.yield
    }) : () -> ()
    return
  }
}

#map = affine_map<(d0, d1) -> (0, 0)>
#map1 = affine_map<(d0, d1) -> (0)>
module attributes {stable_mosaic.version = 14 : i64} {
  func.func @k(%arg0: i32, %arg1: i32, %arg2: memref<640x128xf32, #tpu.memory_space<hbm>>, %arg3: memref<4096xi32, #tpu.memory_space<hbm>>, %arg4: memref<4096x128xf32, #tpu.memory_space<hbm>>, %arg5: memref<128xi32, #tpu.memory_space<vmem>>, %arg6: memref<128x128xf32, #tpu.memory_space<vmem>>, %arg7: memref<!tpu.dma_semaphore, #tpu.memory_space<semaphore_mem>>) attributes {dimension_semantics = [#tpu.dimension_semantics<core_parallel>, #tpu.dimension_semantics<subcore_parallel>], iteration_bounds = array<i64: 2, 16>, scalar_prefetch = 0 : i64, scratch_operands = 3 : i64, tpu.core_type = #tpu.core_type<sc_vector_subcore>, window_params = [{transform_indices = #map}, {transform_indices = #map1}, {transform_indices = #map}]} {
    %mul3A = arith.constant 16 : i32
    %mul3A_0 = arith.muli %arg0, %mul3A : i32
    %add3A = arith.addi %mul3A_0, %arg1 : i32
    %scan3A = arith.constant 0 : i32
    %mul3A_1 = arith.constant 1 : i32
    %mul3A_2 = arith.muli %scan3A, %mul3A_1 : i32
    %add3A_3 = arith.constant 0 : i32
    %add3A_4 = arith.addi %add3A_3, %mul3A_2 : i32
    %mul3A_5 = arith.constant 128 : i32
    %mul3A_6 = arith.muli %add3A, %mul3A_5 : i32
    %mul3A_7 = arith.constant 128 : i32
    %mul3A_8 = arith.muli %add3A_4, %mul3A_7 : i32
    %add3A_9 = arith.addi %mul3A_6, %mul3A_8 : i32
    "tpu.region"() ({
      %run_scoped3A = tpu.sem_alloc : memref<!tpu.dma_semaphore, #tpu.memory_space<semaphore_mem>>
      %dma_start3A_15 = tpu.memref_slice %arg3[%add3A_9] : memref<4096xi32, #tpu.memory_space<hbm>> -> memref<128xi32, #tpu.memory_space<hbm>>
      %dma_start3A_16 = tpu.memref_slice %arg3[%add3A_9] : memref<4096xi32, #tpu.memory_space<hbm>> -> memref<128xi32, #tpu.memory_space<hbm>>
      tpu.enqueue_dma source(%dma_start3A_16 : memref<128xi32, #tpu.memory_space<hbm>>) target(%arg5 : memref<128xi32, #tpu.memory_space<vmem>>) target_semaphore(%run_scoped3A : memref<!tpu.dma_semaphore, #tpu.memory_space<semaphore_mem>>)
      %dma_wait3A_17 = tpu.memref_slice %arg3[%add3A_9] : memref<4096xi32, #tpu.memory_space<hbm>> -> memref<128xi32, #tpu.memory_space<hbm>>
      %dma_wait3A_18 = tpu.memref_slice %arg3[%add3A_9] : memref<4096xi32, #tpu.memory_space<hbm>> -> memref<128xi32, #tpu.memory_space<hbm>>
      tpu.wait_dma2 semaphore(%run_scoped3A : memref<!tpu.dma_semaphore, #tpu.memory_space<semaphore_mem>>) src(%dma_wait3A_18 : memref<128xi32, #tpu.memory_space<hbm>>) dst(%arg5 : memref<128xi32, #tpu.memory_space<vmem>>)
      tpu.yield
    }) : () -> ()
    %dma_start3A = arith.constant 0 : i32
    %dma_start3A_10 = arith.constant 0 : i32
    %dma_start3A_11 = tpu.memref_slice %arg2[%dma_start3A, %dma_start3A_10] : memref<640x128xf32, #tpu.memory_space<hbm>> -> memref<640x128xf32, #tpu.memory_space<hbm>>
    tpu.enqueue_indirect_dma source(%dma_start3A_11 : memref<640x128xf32, #tpu.memory_space<hbm>>) target(%arg6 : memref<128x128xf32, #tpu.memory_space<vmem>>) offsets(%arg5 : memref<128xi32, #tpu.memory_space<vmem>>) semaphore(%arg7 : memref<!tpu.dma_semaphore, #tpu.memory_space<semaphore_mem>>)
    %dma_wait3A = arith.constant 0 : i32
    %dma_wait3A_12 = arith.constant 0 : i32
    %dma_wait3A_13 = tpu.memref_slice %arg2[%dma_wait3A, %dma_wait3A_12] : memref<640x128xf32, #tpu.memory_space<hbm>> -> memref<640x128xf32, #tpu.memory_space<hbm>>
    tpu.wait_indirect_dma semaphore(%arg7 : memref<!tpu.dma_semaphore, #tpu.memory_space<semaphore_mem>>) src(%dma_wait3A_13 : memref<640x128xf32, #tpu.memory_space<hbm>>) dst(%arg6 : memref<128x128xf32, #tpu.memory_space<vmem>>)
    "tpu.region"() ({
      %run_scoped3A = tpu.sem_alloc : memref<!tpu.dma_semaphore, #tpu.memory_space<semaphore_mem>>
      %dma_start3A_15 = arith.constant 0 : i32
      %dma_start3A_16 = tpu.memref_slice %arg4[%add3A_9, %dma_start3A_15] : memref<4096x128xf32, #tpu.memory_space<hbm>> -> memref<128x128xf32, #tpu.memory_space<hbm>>
      %dma_start3A_17 = arith.constant 0 : i32
      %dma_start3A_18 = tpu.memref_slice %arg4[%add3A_9, %dma_start3A_17] : memref<4096x128xf32, #tpu.memory_space<hbm>> -> memref<128x128xf32, #tpu.memory_space<hbm>>
      tpu.enqueue_dma source(%arg6 : memref<128x128xf32, #tpu.memory_space<vmem>>) target(%dma_start3A_18 : memref<128x128xf32, #tpu.memory_space<hbm>>) target_semaphore(%run_scoped3A : memref<!tpu.dma_semaphore, #tpu.memory_space<semaphore_mem>>)
      %dma_wait3A_19 = arith.constant 0 : i32
      %dma_wait3A_20 = tpu.memref_slice %arg4[%add3A_9, %dma_wait3A_19] : memref<4096x128xf32, #tpu.memory_space<hbm>> -> memref<128x128xf32, #tpu.memory_space<hbm>>
      %dma_wait3A_21 = arith.constant 0 : i32
      %dma_wait3A_22 = tpu.memref_slice %arg4[%add3A_9, %dma_wait3A_21] : memref<4096x128xf32, #tpu.memory_space<hbm>> -> memref<128x128xf32, #tpu.memory_space<hbm>>
      tpu.wait_dma2 semaphore(%run_scoped3A : memref<!tpu.dma_semaphore, #tpu.memory_space<semaphore_mem>>) src(%arg6 : memref<128x128xf32, #tpu.memory_space<vmem>>) dst(%dma_wait3A_22 : memref<128x128xf32, #tpu.memory_space<hbm>>)
      tpu.yield
    }) : () -> ()
    %scan3A_14 = arith.constant 1 : i32
    return
  }
}

#map = affine_map<(d0, d1) -> (0, 0)>
#map1 = affine_map<(d0, d1) -> (0)>
#map2 = affine_map<(d0, d1) -> (0, 0, 0)>
module attributes {stable_mosaic.version = 14 : i64} {
  func.func @k(%arg0: i32, %arg1: i32, %arg2: memref<2560x128xf32, #tpu.memory_space<hbm>>, %arg3: memref<40960xi32, #tpu.memory_space<hbm>>, %arg4: memref<40960xi32, #tpu.memory_space<hbm>>, %arg5: memref<2x2560x128xf32, #tpu.memory_space<hbm>>, %arg6: memref<128xi32, #tpu.memory_space<vmem>>, %arg7: memref<128xi32, #tpu.memory_space<vmem>>, %arg8: memref<128x128xf32, #tpu.memory_space<vmem>>, %arg9: memref<128x128xf32, #tpu.memory_space<vmem>>, %arg10: memref<2560x128xf32, #tpu.memory_space<vmem_shared>>, %arg11: memref<!tpu.dma_semaphore, #tpu.memory_space<semaphore_mem>>) attributes {dimension_semantics = [#tpu.dimension_semantics<core_parallel>, #tpu.dimension_semantics<subcore_parallel>], iteration_bounds = array<i64: 2, 16>, scalar_prefetch = 0 : i64, scratch_operands = 6 : i64, tpu.core_type = #tpu.core_type<sc_vector_subcore>, window_params = [{transform_indices = #map}, {transform_indices = #map1}, {transform_indices = #map1}, {transform_indices = #map2}]} {
    %mul3A = arith.constant 16 : i32
    %mul3A_0 = arith.muli %arg0, %mul3A : i32
    %add3A = arith.addi %mul3A_0, %arg1 : i32
    %broadcast_in_dim3A = arith.constant 0.000000e+00 : f32
    %broadcast_in_dim3A_1 = vector.broadcast %broadcast_in_dim3A : f32 to vector<16xf32>
    %scan3A = arith.constant 0 : i32
    %scan3A_2 = arith.constant 128 : i32
    %scan3A_3 = arith.addi %scan3A, %scan3A_2 : i32
    %scan3A_4 = arith.constant 1 : i32
    scf.for %scan3A_26 = %scan3A to %scan3A_3 step %scan3A_4  : i32 {
      %mul3A_27 = arith.constant 1 : i32
      %mul3A_28 = arith.muli %scan3A_26, %mul3A_27 : i32
      %add3A_29 = arith.constant 0 : i32
      %add3A_30 = arith.addi %add3A_29, %mul3A_28 : i32
      %scan3A_31 = arith.constant 0 : i32
      %scan3A_32 = arith.constant 8 : i32
      %scan3A_33 = arith.addi %scan3A_31, %scan3A_32 : i32
      %scan3A_34 = arith.constant 1 : i32
      scf.for %scan3A_36 = %scan3A_31 to %scan3A_33 step %scan3A_34  : i32 {
        %mul3A_37 = arith.constant 1 : i32
        %mul3A_38 = arith.muli %scan3A_36, %mul3A_37 : i32
        %add3A_39 = arith.constant 0 : i32
        %add3A_40 = arith.addi %add3A_39, %mul3A_38 : i32
        %mul3A_41 = arith.constant 16 : i32
        %mul3A_42 = arith.muli %add3A_40, %mul3A_41 : i32
        %swap3A = arith.index_cast %add3A_30 : i32 to index
        %swap3A_43 = arith.index_cast %mul3A_42 : i32 to index
        %swap3A_44 = tpu.vector_load %arg9[%swap3A, %swap3A_43] {strides = array<i32>} : memref<128x128xf32, #tpu.memory_space<vmem>>, vector<16xf32>,
        tpu.vector_store %arg9[%swap3A, %swap3A_43], %broadcast_in_dim3A_1 {strides = array<i32>} : memref<128x128xf32, #tpu.memory_space<vmem>>, vector<16xf32>,
      }
      %scan3A_35 = arith.constant 8 : i32
    }
    %scan3A_5 = arith.constant 128 : i32
    %mul3A_6 = arith.constant 160 : i32
    %mul3A_7 = arith.muli %arg1, %mul3A_6 : i32
    %add3A_8 = arith.constant 0 : i32
    %add3A_9 = arith.addi %mul3A_7, %add3A_8 : i32
    "tpu.region"() ({
      %run_scoped3A = tpu.sem_alloc : memref<!tpu.dma_semaphore, #tpu.memory_space<semaphore_mem>>
      %dma_start3A = arith.constant 0 : i32
      %dma_start3A_26 = arith.constant 0 : i32
      %dma_start3A_27 = tpu.memref_slice %arg9[%dma_start3A, %dma_start3A_26] : memref<128x128xf32, #tpu.memory_space<vmem>> -> memref<128x128xf32, #tpu.memory_space<vmem>>
      %dma_start3A_28 = arith.constant 0 : i32
      %dma_start3A_29 = tpu.memref_slice %arg10[%add3A_9, %dma_start3A_28] : memref<2560x128xf32, #tpu.memory_space<vmem_shared>> -> memref<128x128xf32, #tpu.memory_space<vmem_shared>>
      %dma_start3A_30 = arith.constant 0 : i32
      %dma_start3A_31 = tpu.memref_slice %arg10[%add3A_9, %dma_start3A_30] : memref<2560x128xf32, #tpu.memory_space<vmem_shared>> -> memref<128x128xf32, #tpu.memory_space<vmem_shared>>
      %dma_start3A_32 = arith.constant 0 : i32
      %dma_start3A_33 = arith.constant 0 : i32
      %dma_start3A_34 = tpu.memref_slice %arg9[%dma_start3A_32, %dma_start3A_33] : memref<128x128xf32, #tpu.memory_space<vmem>> -> memref<128x128xf32, #tpu.memory_space<vmem>>
      tpu.enqueue_dma source(%dma_start3A_34 : memref<128x128xf32, #tpu.memory_space<vmem>>) target(%dma_start3A_31 : memref<128x128xf32, #tpu.memory_space<vmem_shared>>) target_semaphore(%run_scoped3A : memref<!tpu.dma_semaphore, #tpu.memory_space<semaphore_mem>>)
      %dma_wait3A = arith.constant 0 : i32
      %dma_wait3A_35 = arith.constant 0 : i32
      %dma_wait3A_36 = tpu.memref_slice %arg9[%dma_wait3A, %dma_wait3A_35] : memref<128x128xf32, #tpu.memory_space<vmem>> -> memref<128x128xf32, #tpu.memory_space<vmem>>
      %dma_wait3A_37 = arith.constant 0 : i32
      %dma_wait3A_38 = tpu.memref_slice %arg10[%add3A_9, %dma_wait3A_37] : memref<2560x128xf32, #tpu.memory_space<vmem_shared>> -> memref<128x128xf32, #tpu.memory_space<vmem_shared>>
      %dma_wait3A_39 = arith.constant 0 : i32
      %dma_wait3A_40 = tpu.memref_slice %arg10[%add3A_9, %dma_wait3A_39] : memref<2560x128xf32, #tpu.memory_space<vmem_shared>> -> memref<128x128xf32, #tpu.memory_space<vmem_shared>>
      %dma_wait3A_41 = arith.constant 0 : i32
      %dma_wait3A_42 = arith.constant 0 : i32
      %dma_wait3A_43 = tpu.memref_slice %arg9[%dma_wait3A_41, %dma_wait3A_42] : memref<128x128xf32, #tpu.memory_space<vmem>> -> memref<128x128xf32, #tpu.memory_space<vmem>>
      tpu.wait_dma2 semaphore(%run_scoped3A : memref<!tpu.dma_semaphore, #tpu.memory_space<semaphore_mem>>) src(%dma_wait3A_43 : memref<128x128xf32, #tpu.memory_space<vmem>>) dst(%dma_wait3A_40 : memref<128x128xf32, #tpu.memory_space<vmem_shared>>)
      tpu.yield
    }) : () -> ()
    %add3A_10 = arith.constant 128 : i32
    %add3A_11 = arith.addi %mul3A_7, %add3A_10 : i32
    "tpu.region"() ({
      %run_scoped3A = tpu.sem_alloc : memref<!tpu.dma_semaphore, #tpu.memory_space<semaphore_mem>>
      %dma_start3A = arith.constant 0 : i32
      %dma_start3A_26 = arith.constant 0 : i32
      %dma_start3A_27 = tpu.memref_slice %arg9[%dma_start3A, %dma_start3A_26] : memref<128x128xf32, #tpu.memory_space<vmem>> -> memref<32x128xf32, #tpu.memory_space<vmem>>
      %dma_start3A_28 = arith.constant 0 : i32
      %dma_start3A_29 = tpu.memref_slice %arg10[%add3A_11, %dma_start3A_28] : memref<2560x128xf32, #tpu.memory_space<vmem_shared>> -> memref<32x128xf32, #tpu.memory_space<vmem_shared>>
      %dma_start3A_30 = arith.constant 0 : i32
      %dma_start3A_31 = tpu.memref_slice %arg10[%add3A_11, %dma_start3A_30] : memref<2560x128xf32, #tpu.memory_space<vmem_shared>> -> memref<32x128xf32, #tpu.memory_space<vmem_shared>>
      %dma_start3A_32 = arith.constant 0 : i32
      %dma_start3A_33 = arith.constant 0 : i32
      %dma_start3A_34 = tpu.memref_slice %arg9[%dma_start3A_32, %dma_start3A_33] : memref<128x128xf32, #tpu.memory_space<vmem>> -> memref<32x128xf32, #tpu.memory_space<vmem>>
      tpu.enqueue_dma source(%dma_start3A_34 : memref<32x128xf32, #tpu.memory_space<vmem>>) target(%dma_start3A_31 : memref<32x128xf32, #tpu.memory_space<vmem_shared>>) target_semaphore(%run_scoped3A : memref<!tpu.dma_semaphore, #tpu.memory_space<semaphore_mem>>)
      %dma_wait3A = arith.constant 0 : i32
      %dma_wait3A_35 = arith.constant 0 : i32
      %dma_wait3A_36 = tpu.memref_slice %arg9[%dma_wait3A, %dma_wait3A_35] : memref<128x128xf32, #tpu.memory_space<vmem>> -> memref<32x128xf32, #tpu.memory_space<vmem>>
      %dma_wait3A_37 = arith.constant 0 : i32
      %dma_wait3A_38 = tpu.memref_slice %arg10[%add3A_11, %dma_wait3A_37] : memref<2560x128xf32, #tpu.memory_space<vmem_shared>> -> memref<32x128xf32, #tpu.memory_space<vmem_shared>>
      %dma_wait3A_39 = arith.constant 0 : i32
      %dma_wait3A_40 = tpu.memref_slice %arg10[%add3A_11, %dma_wait3A_39] : memref<2560x128xf32, #tpu.memory_space<vmem_shared>> -> memref<32x128xf32, #tpu.memory_space<vmem_shared>>
      %dma_wait3A_41 = arith.constant 0 : i32
      %dma_wait3A_42 = arith.constant 0 : i32
      %dma_wait3A_43 = tpu.memref_slice %arg9[%dma_wait3A_41, %dma_wait3A_42] : memref<128x128xf32, #tpu.memory_space<vmem>> -> memref<32x128xf32, #tpu.memory_space<vmem>>
      tpu.wait_dma2 semaphore(%run_scoped3A : memref<!tpu.dma_semaphore, #tpu.memory_space<semaphore_mem>>) src(%dma_wait3A_43 : memref<32x128xf32, #tpu.memory_space<vmem>>) dst(%dma_wait3A_40 : memref<32x128xf32, #tpu.memory_space<vmem_shared>>)
      tpu.yield
    }) : () -> ()
    %barrier3A = arith.constant 0 : index
    tpu.barrier barrier_id(%barrier3A)
    %scan3A_12 = arith.constant 0 : i32
    %scan3A_13 = arith.constant 10 : i32
    %scan3A_14 = arith.addi %scan3A_12, %scan3A_13 : i32
    %scan3A_15 = arith.constant 1 : i32
    scf.for %scan3A_26 = %scan3A_12 to %scan3A_14 step %scan3A_15  : i32 {
      %mul3A_27 = arith.constant 1 : i32
      %mul3A_28 = arith.muli %scan3A_26, %mul3A_27 : i32
      %add3A_29 = arith.constant 0 : i32
      %add3A_30 = arith.addi %add3A_29, %mul3A_28 : i32
      %mul3A_31 = arith.constant 1280 : i32
      %mul3A_32 = arith.muli %add3A, %mul3A_31 : i32
      %mul3A_33 = arith.constant 128 : i32
      %mul3A_34 = arith.muli %add3A_30, %mul3A_33 : i32
      %add3A_35 = arith.addi %mul3A_32, %mul3A_34 : i32
      "tpu.region"() ({
        %run_scoped3A = tpu.sem_alloc : memref<!tpu.dma_semaphore, #tpu.memory_space<semaphore_mem>>
        %dma_start3A_40 = tpu.memref_slice %arg3[%add3A_35] : memref<40960xi32, #tpu.memory_space<hbm>> -> memref<128xi32, #tpu.memory_space<hbm>>
        %dma_start3A_41 = tpu.memref_slice %arg3[%add3A_35] : memref<40960xi32, #tpu.memory_space<hbm>> -> memref<128xi32, #tpu.memory_space<hbm>>
        tpu.enqueue_dma source(%dma_start3A_41 : memref<128xi32, #tpu.memory_space<hbm>>) target(%arg6 : memref<128xi32, #tpu.memory_space<vmem>>) target_semaphore(%run_scoped3A : memref<!tpu.dma_semaphore, #tpu.memory_space<semaphore_mem>>)
        %dma_wait3A_42 = tpu.memref_slice %arg3[%add3A_35] : memref<40960xi32, #tpu.memory_space<hbm>> -> memref<128xi32, #tpu.memory_space<hbm>>
        %dma_wait3A_43 = tpu.memref_slice %arg3[%add3A_35] : memref<40960xi32, #tpu.memory_space<hbm>> -> memref<128xi32, #tpu.memory_space<hbm>>
        tpu.wait_dma2 semaphore(%run_scoped3A : memref<!tpu.dma_semaphore, #tpu.memory_space<semaphore_mem>>) src(%dma_wait3A_43 : memref<128xi32, #tpu.memory_space<hbm>>) dst(%arg6 : memref<128xi32, #tpu.memory_space<vmem>>)
        tpu.yield
      }) : () -> ()
      "tpu.region"() ({
        %run_scoped3A = tpu.sem_alloc : memref<!tpu.dma_semaphore, #tpu.memory_space<semaphore_mem>>
        %dma_start3A_40 = tpu.memref_slice %arg4[%add3A_35] : memref<40960xi32, #tpu.memory_space<hbm>> -> memref<128xi32, #tpu.memory_space<hbm>>
        %dma_start3A_41 = tpu.memref_slice %arg4[%add3A_35] : memref<40960xi32, #tpu.memory_space<hbm>> -> memref<128xi32, #tpu.memory_space<hbm>>
        tpu.enqueue_dma source(%dma_start3A_41 : memref<128xi32, #tpu.memory_space<hbm>>) target(%arg7 : memref<128xi32, #tpu.memory_space<vmem>>) target_semaphore(%run_scoped3A : memref<!tpu.dma_semaphore, #tpu.memory_space<semaphore_mem>>)
        %dma_wait3A_42 = tpu.memref_slice %arg4[%add3A_35] : memref<40960xi32, #tpu.memory_space<hbm>> -> memref<128xi32, #tpu.memory_space<hbm>>
        %dma_wait3A_43 = tpu.memref_slice %arg4[%add3A_35] : memref<40960xi32, #tpu.memory_space<hbm>> -> memref<128xi32, #tpu.memory_space<hbm>>
        tpu.wait_dma2 semaphore(%run_scoped3A : memref<!tpu.dma_semaphore, #tpu.memory_space<semaphore_mem>>) src(%dma_wait3A_43 : memref<128xi32, #tpu.memory_space<hbm>>) dst(%arg7 : memref<128xi32, #tpu.memory_space<vmem>>)
        tpu.yield
      }) : () -> ()
      %dma_start3A = arith.constant 0 : i32
      %dma_start3A_36 = arith.constant 0 : i32
      %dma_start3A_37 = tpu.memref_slice %arg2[%dma_start3A, %dma_start3A_36] : memref<2560x128xf32, #tpu.memory_space<hbm>> -> memref<2560x128xf32, #tpu.memory_space<hbm>>
      tpu.enqueue_indirect_dma source(%dma_start3A_37 : memref<2560x128xf32, #tpu.memory_space<hbm>>) target(%arg8 : memref<128x128xf32, #tpu.memory_space<vmem>>) offsets(%arg6 : memref<128xi32, #tpu.memory_space<vmem>>) semaphore(%arg11 : memref<!tpu.dma_semaphore, #tpu.memory_space<semaphore_mem>>)
      %dma_wait3A = arith.constant 0 : i32
      %dma_wait3A_38 = arith.constant 0 : i32
      %dma_wait3A_39 = tpu.memref_slice %arg2[%dma_wait3A, %dma_wait3A_38] : memref<2560x128xf32, #tpu.memory_space<hbm>> -> memref<2560x128xf32, #tpu.memory_space<hbm>>
      tpu.wait_indirect_dma semaphore(%arg11 : memref<!tpu.dma_semaphore, #tpu.memory_space<semaphore_mem>>) src(%dma_wait3A_39 : memref<2560x128xf32, #tpu.memory_space<hbm>>) dst(%arg8 : memref<128x128xf32, #tpu.memory_space<vmem>>)
      "tpu.region"() ({
        %run_scoped3A = tpu.sem_alloc : memref<!tpu.dma_semaphore, #tpu.memory_space<semaphore_mem>>
        %dma_start3A_40 = arith.constant 0 : i32
        %dma_start3A_41 = arith.constant 0 : i32
        %dma_start3A_42 = tpu.memref_slice %arg10[%dma_start3A_40, %dma_start3A_41] : memref<2560x128xf32, #tpu.memory_space<vmem_shared>> -> memref<2560x128xf32, #tpu.memory_space<vmem_shared>>
        tpu.enqueue_indirect_dma source(%arg8 : memref<128x128xf32, #tpu.memory_space<vmem>>) target(%dma_start3A_42 : memref<2560x128xf32, #tpu.memory_space<vmem_shared>>) offsets(%arg7 : memref<128xi32, #tpu.memory_space<vmem>>) semaphore(%run_scoped3A : memref<!tpu.dma_semaphore, #tpu.memory_space<semaphore_mem>>) {add = true}
        %dma_wait3A_43 = arith.constant 0 : i32
        %dma_wait3A_44 = arith.constant 0 : i32
        %dma_wait3A_45 = tpu.memref_slice %arg10[%dma_wait3A_43, %dma_wait3A_44] : memref<2560x128xf32, #tpu.memory_space<vmem_shared>> -> memref<2560x128xf32, #tpu.memory_space<vmem_shared>>
        tpu.wait_indirect_dma semaphore(%run_scoped3A : memref<!tpu.dma_semaphore, #tpu.memory_space<semaphore_mem>>) src(%arg8 : memref<128x128xf32, #tpu.memory_space<vmem>>) dst(%dma_wait3A_45 : memref<2560x128xf32, #tpu.memory_space<vmem_shared>>)
        tpu.yield
      }) : () -> ()
    }
    %scan3A_16 = arith.constant 10 : i32
    %barrier3A_17 = arith.constant 0 : index
    tpu.barrier barrier_id(%barrier3A_17)
    %add3A_18 = arith.constant 0 : i32
    %add3A_19 = arith.addi %mul3A_7, %add3A_18 : i32
    %add3A_20 = arith.constant 0 : i32
    %add3A_21 = arith.addi %mul3A_7, %add3A_20 : i32
    "tpu.region"() ({
      %run_scoped3A = tpu.sem_alloc : memref<!tpu.dma_semaphore, #tpu.memory_space<semaphore_mem>>
      %dma_start3A = arith.constant 0 : i32
      %dma_start3A_26 = arith.constant 0 : i32
      %dma_start3A_27 = tpu.memref_slice %arg5[%arg0, %dma_start3A, %dma_start3A_26] : memref<2x2560x128xf32, #tpu.memory_space<hbm>> -> memref<1x2560x128xf32, #tpu.memory_space<hbm>>
      %dma_start3A_28 = tpu.memref_squeeze %dma_start3A_27 : memref<1x2560x128xf32, #tpu.memory_space<hbm>> -> memref<2560x128xf32, #tpu.memory_space<hbm>>
      %dma_start3A_29 = arith.constant 0 : i32
      %dma_start3A_30 = tpu.memref_slice %dma_start3A_28[%add3A_21, %dma_start3A_29] : memref<2560x128xf32, #tpu.memory_space<hbm>> -> memref<128x128xf32, #tpu.memory_space<hbm>>
      %dma_start3A_31 = arith.constant 0 : i32
      %dma_start3A_32 = tpu.memref_slice %arg10[%add3A_19, %dma_start3A_31] : memref<2560x128xf32, #tpu.memory_space<vmem_shared>> -> memref<128x128xf32, #tpu.memory_space<vmem_shared>>
      tpu.enqueue_dma source(%dma_start3A_32 : memref<128x128xf32, #tpu.memory_space<vmem_shared>>) target(%dma_start3A_30 : memref<128x128xf32, #tpu.memory_space<hbm>>) target_semaphore(%run_scoped3A : memref<!tpu.dma_semaphore, #tpu.memory_space<semaphore_mem>>)
      %dma_wait3A = arith.constant 0 : i32
      %dma_wait3A_33 = arith.constant 0 : i32
      %dma_wait3A_34 = tpu.memref_slice %arg5[%arg0, %dma_wait3A, %dma_wait3A_33] : memref<2x2560x128xf32, #tpu.memory_space<hbm>> -> memref<1x2560x128xf32, #tpu.memory_space<hbm>>
      %dma_wait3A_35 = tpu.memref_squeeze %dma_wait3A_34 : memref<1x2560x128xf32, #tpu.memory_space<hbm>> -> memref<2560x128xf32, #tpu.memory_space<hbm>>
      %dma_wait3A_36 = arith.constant 0 : i32
      %dma_wait3A_37 = tpu.memref_slice %dma_wait3A_35[%add3A_21, %dma_wait3A_36] : memref<2560x128xf32, #tpu.memory_space<hbm>> -> memref<128x128xf32, #tpu.memory_space<hbm>>
      %dma_wait3A_38 = arith.constant 0 : i32
      %dma_wait3A_39 = tpu.memref_slice %arg10[%add3A_19, %dma_wait3A_38] : memref<2560x128xf32, #tpu.memory_space<vmem_shared>> -> memref<128x128xf32, #tpu.memory_space<vmem_shared>>
      tpu.wait_dma2 semaphore(%run_scoped3A : memref<!tpu.dma_semaphore, #tpu.memory_space<semaphore_mem>>) src(%dma_wait3A_39 : memref<128x128xf32, #tpu.memory_space<vmem_shared>>) dst(%dma_wait3A_37 : memref<128x128xf32, #tpu.memory_space<hbm>>)
      tpu.yield
    }) : () -> ()
    %add3A_22 = arith.constant 128 : i32
    %add3A_23 = arith.addi %mul3A_7, %add3A_22 : i32
    %add3A_24 = arith.constant 128 : i32
    %add3A_25 = arith.addi %mul3A_7, %add3A_24 : i32
    "tpu.region"() ({
      %run_scoped3A = tpu.sem_alloc : memref<!tpu.dma_semaphore, #tpu.memory_space<semaphore_mem>>
      %dma_start3A = arith.constant 0 : i32
      %dma_start3A_26 = arith.constant 0 : i32
      %dma_start3A_27 = tpu.memref_slice %arg5[%arg0, %dma_start3A, %dma_start3A_26] : memref<2x2560x128xf32, #tpu.memory_space<hbm>> -> memref<1x2560x128xf32, #tpu.memory_space<hbm>>
      %dma_start3A_28 = tpu.memref_squeeze %dma_start3A_27 : memref<1x2560x128xf32, #tpu.memory_space<hbm>> -> memref<2560x128xf32, #tpu.memory_space<hbm>>
      %dma_start3A_29 = arith.constant 0 : i32
      %dma_start3A_30 = tpu.memref_slice %dma_start3A_28[%add3A_25, %dma_start3A_29] : memref<2560x128xf32, #tpu.memory_space<hbm>> -> memref<32x128xf32, #tpu.memory_space<hbm>>
      %dma_start3A_31 = arith.constant 0 : i32
      %dma_start3A_32 = tpu.memref_slice %arg10[%add3A_23, %dma_start3A_31] : memref<2560x128xf32, #tpu.memory_space<vmem_shared>> -> memref<32x128xf32, #tpu.memory_space<vmem_shared>>
      tpu.enqueue_dma source(%dma_start3A_32 : memref<32x128xf32, #tpu.memory_space<vmem_shared>>) target(%dma_start3A_30 : memref<32x128xf32, #tpu.memory_space<hbm>>) target_semaphore(%run_scoped3A : memref<!tpu.dma_semaphore, #tpu.memory_space<semaphore_mem>>)
      %dma_wait3A = arith.constant 0 : i32
      %dma_wait3A_33 = arith.constant 0 : i32
      %dma_wait3A_34 = tpu.memref_slice %arg5[%arg0, %dma_wait3A, %dma_wait3A_33] : memref<2x2560x128xf32, #tpu.memory_space<hbm>> -> memref<1x2560x128xf32, #tpu.memory_space<hbm>>
      %dma_wait3A_35 = tpu.memref_squeeze %dma_wait3A_34 : memref<1x2560x128xf32, #tpu.memory_space<hbm>> -> memref<2560x128xf32, #tpu.memory_space<hbm>>
      %dma_wait3A_36 = arith.constant 0 : i32
      %dma_wait3A_37 = tpu.memref_slice %dma_wait3A_35[%add3A_25, %dma_wait3A_36] : memref<2560x128xf32, #tpu.memory_space<hbm>> -> memref<32x128xf32, #tpu.memory_space<hbm>>
      %dma_wait3A_38 = arith.constant 0 : i32
      %dma_wait3A_39 = tpu.memref_slice %arg10[%add3A_23, %dma_wait3A_38] : memref<2560x128xf32, #tpu.memory_space<vmem_shared>> -> memref<32x128xf32, #tpu.memory_space<vmem_shared>>
      tpu.wait_dma2 semaphore(%run_scoped3A : memref<!tpu.dma_semaphore, #tpu.memory_space<semaphore_mem>>) src(%dma_wait3A_39 : memref<32x128xf32, #tpu.memory_space<vmem_shared>>) dst(%dma_wait3A_37 : memref<32x128xf32, #tpu.memory_space<hbm>>)
      tpu.yield
    }) : () -> ()
    return
  }
}

#map = affine_map<(d0, d1) -> (0, 0)>
#map1 = affine_map<(d0, d1) -> (0)>
module attributes {stable_mosaic.version = 14 : i64} {
  func.func @k(%arg0: i32, %arg1: i32, %arg2: memref<2560x128xf32, #tpu.memory_space<hbm>>, %arg3: memref<12288xi32, #tpu.memory_space<hbm>>, %arg4: memref<12288x128xf32, #tpu.memory_space<hbm>>, %arg5: memref<128xi32, #tpu.memory_space<vmem>>, %arg6: memref<128x128xf32, #tpu.memory_space<vmem>>, %arg7: memref<!tpu.dma_semaphore, #tpu.memory_space<semaphore_mem>>) attributes {dimension_semantics = [#tpu.dimension_semantics<core_parallel>, #tpu.dimension_semantics<subcore_parallel>], iteration_bounds = array<i64: 2, 16>, scalar_prefetch = 0 : i64, scratch_operands = 3 : i64, tpu.core_type = #tpu.core_type<sc_vector_subcore>, window_params = [{transform_indices = #map}, {transform_indices = #map1}, {transform_indices = #map}]} {
    %mul3A = arith.constant 16 : i32
    %mul3A_0 = arith.muli %arg0, %mul3A : i32
    %add3A = arith.addi %mul3A_0, %arg1 : i32
    %scan3A = arith.constant 0 : i32
    %scan3A_1 = arith.constant 3 : i32
    %scan3A_2 = arith.addi %scan3A, %scan3A_1 : i32
    %scan3A_3 = arith.constant 1 : i32
    scf.for %scan3A_5 = %scan3A to %scan3A_2 step %scan3A_3  : i32 {
      %mul3A_6 = arith.constant 1 : i32
      %mul3A_7 = arith.muli %scan3A_5, %mul3A_6 : i32
      %add3A_8 = arith.constant 0 : i32
      %add3A_9 = arith.addi %add3A_8, %mul3A_7 : i32
      %mul3A_10 = arith.constant 384 : i32
      %mul3A_11 = arith.muli %add3A, %mul3A_10 : i32
      %mul3A_12 = arith.constant 128 : i32
      %mul3A_13 = arith.muli %add3A_9, %mul3A_12 : i32
      %add3A_14 = arith.addi %mul3A_11, %mul3A_13 : i32
      "tpu.region"() ({
        %run_scoped3A = tpu.sem_alloc : memref<!tpu.dma_semaphore, #tpu.memory_space<semaphore_mem>>
        %dma_start3A_19 = tpu.memref_slice %arg3[%add3A_14] : memref<12288xi32, #tpu.memory_space<hbm>> -> memref<128xi32, #tpu.memory_space<hbm>>
        %dma_start3A_20 = tpu.memref_slice %arg3[%add3A_14] : memref<12288xi32, #tpu.memory_space<hbm>> -> memref<128xi32, #tpu.memory_space<hbm>>
        tpu.enqueue_dma source(%dma_start3A_20 : memref<128xi32, #tpu.memory_space<hbm>>) target(%arg5 : memref<128xi32, #tpu.memory_space<vmem>>) target_semaphore(%run_scoped3A : memref<!tpu.dma_semaphore, #tpu.memory_space<semaphore_mem>>)
        %dma_wait3A_21 = tpu.memref_slice %arg3[%add3A_14] : memref<12288xi32, #tpu.memory_space<hbm>> -> memref<128xi32, #tpu.memory_space<hbm>>
        %dma_wait3A_22 = tpu.memref_slice %arg3[%add3A_14] : memref<12288xi32, #tpu.memory_space<hbm>> -> memref<128xi32, #tpu.memory_space<hbm>>
        tpu.wait_dma2 semaphore(%run_scoped3A : memref<!tpu.dma_semaphore, #tpu.memory_space<semaphore_mem>>) src(%dma_wait3A_22 : memref<128xi32, #tpu.memory_space<hbm>>) dst(%arg5 : memref<128xi32, #tpu.memory_space<vmem>>)
        tpu.yield
      }) : () -> ()
      %dma_start3A = arith.constant 0 : i32
      %dma_start3A_15 = arith.constant 0 : i32
      %dma_start3A_16 = tpu.memref_slice %arg2[%dma_start3A, %dma_start3A_15] : memref<2560x128xf32, #tpu.memory_space<hbm>> -> memref<2560x128xf32, #tpu.memory_space<hbm>>
      tpu.enqueue_indirect_dma source(%dma_start3A_16 : memref<2560x128xf32, #tpu.memory_space<hbm>>) target(%arg6 : memref<128x128xf32, #tpu.memory_space<vmem>>) offsets(%arg5 : memref<128xi32, #tpu.memory_space<vmem>>) semaphore(%arg7 : memref<!tpu.dma_semaphore, #tpu.memory_space<semaphore_mem>>)
      %dma_wait3A = arith.constant 0 : i32
      %dma_wait3A_17 = arith.constant 0 : i32
      %dma_wait3A_18 = tpu.memref_slice %arg2[%dma_wait3A, %dma_wait3A_17] : memref<2560x128xf32, #tpu.memory_space<hbm>> -> memref<2560x128xf32, #tpu.memory_space<hbm>>
      tpu.wait_indirect_dma semaphore(%arg7 : memref<!tpu.dma_semaphore, #tpu.memory_space<semaphore_mem>>) src(%dma_wait3A_18 : memref<2560x128xf32, #tpu.memory_space<hbm>>) dst(%arg6 : memref<128x128xf32, #tpu.memory_space<vmem>>)
      "tpu.region"() ({
        %run_scoped3A = tpu.sem_alloc : memref<!tpu.dma_semaphore, #tpu.memory_space<semaphore_mem>>
        %dma_start3A_19 = arith.constant 0 : i32
        %dma_start3A_20 = tpu.memref_slice %arg4[%add3A_14, %dma_start3A_19] : memref<12288x128xf32, #tpu.memory_space<hbm>> -> memref<128x128xf32, #tpu.memory_space<hbm>>
        %dma_start3A_21 = arith.constant 0 : i32
        %dma_start3A_22 = tpu.memref_slice %arg4[%add3A_14, %dma_start3A_21] : memref<12288x128xf32, #tpu.memory_space<hbm>> -> memref<128x128xf32, #tpu.memory_space<hbm>>
        tpu.enqueue_dma source(%arg6 : memref<128x128xf32, #tpu.memory_space<vmem>>) target(%dma_start3A_22 : memref<128x128xf32, #tpu.memory_space<hbm>>) target_semaphore(%run_scoped3A : memref<!tpu.dma_semaphore, #tpu.memory_space<semaphore_mem>>)
        %dma_wait3A_23 = arith.constant 0 : i32
        %dma_wait3A_24 = tpu.memref_slice %arg4[%add3A_14, %dma_wait3A_23] : memref<12288x128xf32, #tpu.memory_space<hbm>> -> memref<128x128xf32, #tpu.memory_space<hbm>>
        %dma_wait3A_25 = arith.constant 0 : i32
        %dma_wait3A_26 = tpu.memref_slice %arg4[%add3A_14, %dma_wait3A_25] : memref<12288x128xf32, #tpu.memory_space<hbm>> -> memref<128x128xf32, #tpu.memory_space<hbm>>
        tpu.wait_dma2 semaphore(%run_scoped3A : memref<!tpu.dma_semaphore, #tpu.memory_space<semaphore_mem>>) src(%arg6 : memref<128x128xf32, #tpu.memory_space<vmem>>) dst(%dma_wait3A_26 : memref<128x128xf32, #tpu.memory_space<hbm>>)
        tpu.yield
      }) : () -> ()
    }
    %scan3A_4 = arith.constant 3 : i32
    return
  }
}

#map = affine_map<(d0, d1) -> (0, 0)>
#map1 = affine_map<(d0, d1) -> (0)>
#map2 = affine_map<(d0, d1) -> (0, 0, 0)>
module attributes {stable_mosaic.version = 14 : i64} {
  func.func @k(%arg0: i32, %arg1: i32, %arg2: memref<10240x128xf32, #tpu.memory_space<hbm>>, %arg3: memref<323584xi32, #tpu.memory_space<hbm>>, %arg4: memref<323584xi32, #tpu.memory_space<hbm>>, %arg5: memref<2x10240x128xf32, #tpu.memory_space<hbm>>, %arg6: memref<128xi32, #tpu.memory_space<vmem>>, %arg7: memref<128xi32, #tpu.memory_space<vmem>>, %arg8: memref<128x128xf32, #tpu.memory_space<vmem>>, %arg9: memref<128x128xf32, #tpu.memory_space<vmem>>, %arg10: memref<10240x128xf32, #tpu.memory_space<vmem_shared>>, %arg11: memref<!tpu.dma_semaphore, #tpu.memory_space<semaphore_mem>>) attributes {dimension_semantics = [#tpu.dimension_semantics<core_parallel>, #tpu.dimension_semantics<subcore_parallel>], iteration_bounds = array<i64: 2, 16>, scalar_prefetch = 0 : i64, scratch_operands = 6 : i64, tpu.core_type = #tpu.core_type<sc_vector_subcore>, window_params = [{transform_indices = #map}, {transform_indices = #map1}, {transform_indices = #map1}, {transform_indices = #map2}]} {
    %mul3A = arith.constant 16 : i32
    %mul3A_0 = arith.muli %arg0, %mul3A : i32
    %add3A = arith.addi %mul3A_0, %arg1 : i32
    %broadcast_in_dim3A = arith.constant 0.000000e+00 : f32
    %broadcast_in_dim3A_1 = vector.broadcast %broadcast_in_dim3A : f32 to vector<16xf32>
    %scan3A = arith.constant 0 : i32
    %scan3A_2 = arith.constant 128 : i32
    %scan3A_3 = arith.addi %scan3A, %scan3A_2 : i32
    %scan3A_4 = arith.constant 1 : i32
    scf.for %scan3A_44 = %scan3A to %scan3A_3 step %scan3A_4  : i32 {
      %mul3A_45 = arith.constant 1 : i32
      %mul3A_46 = arith.muli %scan3A_44, %mul3A_45 : i32
      %add3A_47 = arith.constant 0 : i32
      %add3A_48 = arith.addi %add3A_47, %mul3A_46 : i32
      %scan3A_49 = arith.constant 0 : i32
      %scan3A_50 = arith.constant 8 : i32
      %scan3A_51 = arith.addi %scan3A_49, %scan3A_50 : i32
      %scan3A_52 = arith.constant 1 : i32
      scf.for %scan3A_54 = %scan3A_49 to %scan3A_51 step %scan3A_52  : i32 {
        %mul3A_55 = arith.constant 1 : i32
        %mul3A_56 = arith.muli %scan3A_54, %mul3A_55 : i32
        %add3A_57 = arith.constant 0 : i32
        %add3A_58 = arith.addi %add3A_57, %mul3A_56 : i32
        %mul3A_59 = arith.constant 16 : i32
        %mul3A_60 = arith.muli %add3A_58, %mul3A_59 : i32
        %swap3A = arith.index_cast %add3A_48 : i32 to index
        %swap3A_61 = arith.index_cast %mul3A_60 : i32 to index
        %swap3A_62 = tpu.vector_load %arg9[%swap3A, %swap3A_61] {strides = array<i32>} : memref<128x128xf32, #tpu.memory_space<vmem>>, vector<16xf32>,
        tpu.vector_store %arg9[%swap3A, %swap3A_61], %broadcast_in_dim3A_1 {strides = array<i32>} : memref<128x128xf32, #tpu.memory_space<vmem>>, vector<16xf32>,
      }
      %scan3A_53 = arith.constant 8 : i32
    }
    %scan3A_5 = arith.constant 128 : i32
    %mul3A_6 = arith.constant 640 : i32
    %mul3A_7 = arith.muli %arg1, %mul3A_6 : i32
    %add3A_8 = arith.constant 0 : i32
    %add3A_9 = arith.addi %mul3A_7, %add3A_8 : i32
    "tpu.region"() ({
      %run_scoped3A = tpu.sem_alloc : memref<!tpu.dma_semaphore, #tpu.memory_space<semaphore_mem>>
      %dma_start3A = arith.constant 0 : i32
      %dma_start3A_44 = arith.constant 0 : i32
      %dma_start3A_45 = tpu.memref_slice %arg9[%dma_start3A, %dma_start3A_44] : memref<128x128xf32, #tpu.memory_space<vmem>> -> memref<128x128xf32, #tpu.memory_space<vmem>>
      %dma_start3A_46 = arith.constant 0 : i32
      %dma_start3A_47 = tpu.memref_slice %arg10[%add3A_9, %dma_start3A_46] : memref<10240x128xf32, #tpu.memory_space<vmem_shared>> -> memref<128x128xf32, #tpu.memory_space<vmem_shared>>
      %dma_start3A_48 = arith.constant 0 : i32
      %dma_start3A_49 = tpu.memref_slice %arg10[%add3A_9, %dma_start3A_48] : memref<10240x128xf32, #tpu.memory_space<vmem_shared>> -> memref<128x128xf32, #tpu.memory_space<vmem_shared>>
      %dma_start3A_50 = arith.constant 0 : i32
      %dma_start3A_51 = arith.constant 0 : i32
      %dma_start3A_52 = tpu.memref_slice %arg9[%dma_start3A_50, %dma_start3A_51] : memref<128x128xf32, #tpu.memory_space<vmem>> -> memref<128x128xf32, #tpu.memory_space<vmem>>
      tpu.enqueue_dma source(%dma_start3A_52 : memref<128x128xf32, #tpu.memory_space<vmem>>) target(%dma_start3A_49 : memref<128x128xf32, #tpu.memory_space<vmem_shared>>) target_semaphore(%run_scoped3A : memref<!tpu.dma_semaphore, #tpu.memory_space<semaphore_mem>>)
      %dma_wait3A = arith.constant 0 : i32
      %dma_wait3A_53 = arith.constant 0 : i32
      %dma_wait3A_54 = tpu.memref_slice %arg9[%dma_wait3A, %dma_wait3A_53] : memref<128x128xf32, #tpu.memory_space<vmem>> -> memref<128x128xf32, #tpu.memory_space<vmem>>
      %dma_wait3A_55 = arith.constant 0 : i32
      %dma_wait3A_56 = tpu.memref_slice %arg10[%add3A_9, %dma_wait3A_55] : memref<10240x128xf32, #tpu.memory_space<vmem_shared>> -> memref<128x128xf32, #tpu.memory_space<vmem_shared>>
      %dma_wait3A_57 = arith.constant 0 : i32
      %dma_wait3A_58 = tpu.memref_slice %arg10[%add3A_9, %dma_wait3A_57] : memref<10240x128xf32, #tpu.memory_space<vmem_shared>> -> memref<128x128xf32, #tpu.memory_space<vmem_shared>>
      %dma_wait3A_59 = arith.constant 0 : i32
      %dma_wait3A_60 = arith.constant 0 : i32
      %dma_wait3A_61 = tpu.memref_slice %arg9[%dma_wait3A_59, %dma_wait3A_60] : memref<128x128xf32, #tpu.memory_space<vmem>> -> memref<128x128xf32, #tpu.memory_space<vmem>>
      tpu.wait_dma2 semaphore(%run_scoped3A : memref<!tpu.dma_semaphore, #tpu.memory_space<semaphore_mem>>) src(%dma_wait3A_61 : memref<128x128xf32, #tpu.memory_space<vmem>>) dst(%dma_wait3A_58 : memref<128x128xf32, #tpu.memory_space<vmem_shared>>)
      tpu.yield
    }) : () -> ()
    %add3A_10 = arith.constant 128 : i32
    %add3A_11 = arith.addi %mul3A_7, %add3A_10 : i32
    "tpu.region"() ({
      %run_scoped3A = tpu.sem_alloc : memref<!tpu.dma_semaphore, #tpu.memory_space<semaphore_mem>>
      %dma_start3A = arith.constant 0 : i32
      %dma_start3A_44 = arith.constant 0 : i32
      %dma_start3A_45 = tpu.memref_slice %arg9[%dma_start3A, %dma_start3A_44] : memref<128x128xf32, #tpu.memory_space<vmem>> -> memref<128x128xf32, #tpu.memory_space<vmem>>
      %dma_start3A_46 = arith.constant 0 : i32
      %dma_start3A_47 = tpu.memref_slice %arg10[%add3A_11, %dma_start3A_46] : memref<10240x128xf32, #tpu.memory_space<vmem_shared>> -> memref<128x128xf32, #tpu.memory_space<vmem_shared>>
      %dma_start3A_48 = arith.constant 0 : i32
      %dma_start3A_49 = tpu.memref_slice %arg10[%add3A_11, %dma_start3A_48] : memref<10240x128xf32, #tpu.memory_space<vmem_shared>> -> memref<128x128xf32, #tpu.memory_space<vmem_shared>>
      %dma_start3A_50 = arith.constant 0 : i32
      %dma_start3A_51 = arith.constant 0 : i32
      %dma_start3A_52 = tpu.memref_slice %arg9[%dma_start3A_50, %dma_start3A_51] : memref<128x128xf32, #tpu.memory_space<vmem>> -> memref<128x128xf32, #tpu.memory_space<vmem>>
      tpu.enqueue_dma source(%dma_start3A_52 : memref<128x128xf32, #tpu.memory_space<vmem>>) target(%dma_start3A_49 : memref<128x128xf32, #tpu.memory_space<vmem_shared>>) target_semaphore(%run_scoped3A : memref<!tpu.dma_semaphore, #tpu.memory_space<semaphore_mem>>)
      %dma_wait3A = arith.constant 0 : i32
      %dma_wait3A_53 = arith.constant 0 : i32
      %dma_wait3A_54 = tpu.memref_slice %arg9[%dma_wait3A, %dma_wait3A_53] : memref<128x128xf32, #tpu.memory_space<vmem>> -> memref<128x128xf32, #tpu.memory_space<vmem>>
      %dma_wait3A_55 = arith.constant 0 : i32
      %dma_wait3A_56 = tpu.memref_slice %arg10[%add3A_11, %dma_wait3A_55] : memref<10240x128xf32, #tpu.memory_space<vmem_shared>> -> memref<128x128xf32, #tpu.memory_space<vmem_shared>>
      %dma_wait3A_57 = arith.constant 0 : i32
      %dma_wait3A_58 = tpu.memref_slice %arg10[%add3A_11, %dma_wait3A_57] : memref<10240x128xf32, #tpu.memory_space<vmem_shared>> -> memref<128x128xf32, #tpu.memory_space<vmem_shared>>
      %dma_wait3A_59 = arith.constant 0 : i32
      %dma_wait3A_60 = arith.constant 0 : i32
      %dma_wait3A_61 = tpu.memref_slice %arg9[%dma_wait3A_59, %dma_wait3A_60] : memref<128x128xf32, #tpu.memory_space<vmem>> -> memref<128x128xf32, #tpu.memory_space<vmem>>
      tpu.wait_dma2 semaphore(%run_scoped3A : memref<!tpu.dma_semaphore, #tpu.memory_space<semaphore_mem>>) src(%dma_wait3A_61 : memref<128x128xf32, #tpu.memory_space<vmem>>) dst(%dma_wait3A_58 : memref<128x128xf32, #tpu.memory_space<vmem_shared>>)
      tpu.yield
    }) : () -> ()
    %add3A_12 = arith.constant 256 : i32
    %add3A_13 = arith.addi %mul3A_7, %add3A_12 : i32
    "tpu.region"() ({
      %run_scoped3A = tpu.sem_alloc : memref<!tpu.dma_semaphore, #tpu.memory_space<semaphore_mem>>
      %dma_start3A = arith.constant 0 : i32
      %dma_start3A_44 = arith.constant 0 : i32
      %dma_start3A_45 = tpu.memref_slice %arg9[%dma_start3A, %dma_start3A_44] : memref<128x128xf32, #tpu.memory_space<vmem>> -> memref<128x128xf32, #tpu.memory_space<vmem>>
      %dma_start3A_46 = arith.constant 0 : i32
      %dma_start3A_47 = tpu.memref_slice %arg10[%add3A_13, %dma_start3A_46] : memref<10240x128xf32, #tpu.memory_space<vmem_shared>> -> memref<128x128xf32, #tpu.memory_space<vmem_shared>>
      %dma_start3A_48 = arith.constant 0 : i32
      %dma_start3A_49 = tpu.memref_slice %arg10[%add3A_13, %dma_start3A_48] : memref<10240x128xf32, #tpu.memory_space<vmem_shared>> -> memref<128x128xf32, #tpu.memory_space<vmem_shared>>
      %dma_start3A_50 = arith.constant 0 : i32
      %dma_start3A_51 = arith.constant 0 : i32
      %dma_start3A_52 = tpu.memref_slice %arg9[%dma_start3A_50, %dma_start3A_51] : memref<128x128xf32, #tpu.memory_space<vmem>> -> memref<128x128xf32, #tpu.memory_space<vmem>>
      tpu.enqueue_dma source(%dma_start3A_52 : memref<128x128xf32, #tpu.memory_space<vmem>>) target(%dma_start3A_49 : memref<128x128xf32, #tpu.memory_space<vmem_shared>>) target_semaphore(%run_scoped3A : memref<!tpu.dma_semaphore, #tpu.memory_space<semaphore_mem>>)
      %dma_wait3A = arith.constant 0 : i32
      %dma_wait3A_53 = arith.constant 0 : i32
      %dma_wait3A_54 = tpu.memref_slice %arg9[%dma_wait3A, %dma_wait3A_53] : memref<128x128xf32, #tpu.memory_space<vmem>> -> memref<128x128xf32, #tpu.memory_space<vmem>>
      %dma_wait3A_55 = arith.constant 0 : i32
      %dma_wait3A_56 = tpu.memref_slice %arg10[%add3A_13, %dma_wait3A_55] : memref<10240x128xf32, #tpu.memory_space<vmem_shared>> -> memref<128x128xf32, #tpu.memory_space<vmem_shared>>
      %dma_wait3A_57 = arith.constant 0 : i32
      %dma_wait3A_58 = tpu.memref_slice %arg10[%add3A_13, %dma_wait3A_57] : memref<10240x128xf32, #tpu.memory_space<vmem_shared>> -> memref<128x128xf32, #tpu.memory_space<vmem_shared>>
      %dma_wait3A_59 = arith.constant 0 : i32
      %dma_wait3A_60 = arith.constant 0 : i32
      %dma_wait3A_61 = tpu.memref_slice %arg9[%dma_wait3A_59, %dma_wait3A_60] : memref<128x128xf32, #tpu.memory_space<vmem>> -> memref<128x128xf32, #tpu.memory_space<vmem>>
      tpu.wait_dma2 semaphore(%run_scoped3A : memref<!tpu.dma_semaphore, #tpu.memory_space<semaphore_mem>>) src(%dma_wait3A_61 : memref<128x128xf32, #tpu.memory_space<vmem>>) dst(%dma_wait3A_58 : memref<128x128xf32, #tpu.memory_space<vmem_shared>>)
      tpu.yield
    }) : () -> ()
    %add3A_14 = arith.constant 384 : i32
    %add3A_15 = arith.addi %mul3A_7, %add3A_14 : i32
    "tpu.region"() ({
      %run_scoped3A = tpu.sem_alloc : memref<!tpu.dma_semaphore, #tpu.memory_space<semaphore_mem>>
      %dma_start3A = arith.constant 0 : i32
      %dma_start3A_44 = arith.constant 0 : i32
      %dma_start3A_45 = tpu.memref_slice %arg9[%dma_start3A, %dma_start3A_44] : memref<128x128xf32, #tpu.memory_space<vmem>> -> memref<128x128xf32, #tpu.memory_space<vmem>>
      %dma_start3A_46 = arith.constant 0 : i32
      %dma_start3A_47 = tpu.memref_slice %arg10[%add3A_15, %dma_start3A_46] : memref<10240x128xf32, #tpu.memory_space<vmem_shared>> -> memref<128x128xf32, #tpu.memory_space<vmem_shared>>
      %dma_start3A_48 = arith.constant 0 : i32
      %dma_start3A_49 = tpu.memref_slice %arg10[%add3A_15, %dma_start3A_48] : memref<10240x128xf32, #tpu.memory_space<vmem_shared>> -> memref<128x128xf32, #tpu.memory_space<vmem_shared>>
      %dma_start3A_50 = arith.constant 0 : i32
      %dma_start3A_51 = arith.constant 0 : i32
      %dma_start3A_52 = tpu.memref_slice %arg9[%dma_start3A_50, %dma_start3A_51] : memref<128x128xf32, #tpu.memory_space<vmem>> -> memref<128x128xf32, #tpu.memory_space<vmem>>
      tpu.enqueue_dma source(%dma_start3A_52 : memref<128x128xf32, #tpu.memory_space<vmem>>) target(%dma_start3A_49 : memref<128x128xf32, #tpu.memory_space<vmem_shared>>) target_semaphore(%run_scoped3A : memref<!tpu.dma_semaphore, #tpu.memory_space<semaphore_mem>>)
      %dma_wait3A = arith.constant 0 : i32
      %dma_wait3A_53 = arith.constant 0 : i32
      %dma_wait3A_54 = tpu.memref_slice %arg9[%dma_wait3A, %dma_wait3A_53] : memref<128x128xf32, #tpu.memory_space<vmem>> -> memref<128x128xf32, #tpu.memory_space<vmem>>
      %dma_wait3A_55 = arith.constant 0 : i32
      %dma_wait3A_56 = tpu.memref_slice %arg10[%add3A_15, %dma_wait3A_55] : memref<10240x128xf32, #tpu.memory_space<vmem_shared>> -> memref<128x128xf32, #tpu.memory_space<vmem_shared>>
      %dma_wait3A_57 = arith.constant 0 : i32
      %dma_wait3A_58 = tpu.memref_slice %arg10[%add3A_15, %dma_wait3A_57] : memref<10240x128xf32, #tpu.memory_space<vmem_shared>> -> memref<128x128xf32, #tpu.memory_space<vmem_shared>>
      %dma_wait3A_59 = arith.constant 0 : i32
      %dma_wait3A_60 = arith.constant 0 : i32
      %dma_wait3A_61 = tpu.memref_slice %arg9[%dma_wait3A_59, %dma_wait3A_60] : memref<128x128xf32, #tpu.memory_space<vmem>> -> memref<128x128xf32, #tpu.memory_space<vmem>>
      tpu.wait_dma2 semaphore(%run_scoped3A : memref<!tpu.dma_semaphore, #tpu.memory_space<semaphore_mem>>) src(%dma_wait3A_61 : memref<128x128xf32, #tpu.memory_space<vmem>>) dst(%dma_wait3A_58 : memref<128x128xf32, #tpu.memory_space<vmem_shared>>)
      tpu.yield
    }) : () -> ()
    %add3A_16 = arith.constant 512 : i32
    %add3A_17 = arith.addi %mul3A_7, %add3A_16 : i32
    "tpu.region"() ({
      %run_scoped3A = tpu.sem_alloc : memref<!tpu.dma_semaphore, #tpu.memory_space<semaphore_mem>>
      %dma_start3A = arith.constant 0 : i32
      %dma_start3A_44 = arith.constant 0 : i32
      %dma_start3A_45 = tpu.memref_slice %arg9[%dma_start3A, %dma_start3A_44] : memref<128x128xf32, #tpu.memory_space<vmem>> -> memref<128x128xf32, #tpu.memory_space<vmem>>
      %dma_start3A_46 = arith.constant 0 : i32
      %dma_start3A_47 = tpu.memref_slice %arg10[%add3A_17, %dma_start3A_46] : memref<10240x128xf32, #tpu.memory_space<vmem_shared>> -> memref<128x128xf32, #tpu.memory_space<vmem_shared>>
      %dma_start3A_48 = arith.constant 0 : i32
      %dma_start3A_49 = tpu.memref_slice %arg10[%add3A_17, %dma_start3A_48] : memref<10240x128xf32, #tpu.memory_space<vmem_shared>> -> memref<128x128xf32, #tpu.memory_space<vmem_shared>>
      %dma_start3A_50 = arith.constant 0 : i32
      %dma_start3A_51 = arith.constant 0 : i32
      %dma_start3A_52 = tpu.memref_slice %arg9[%dma_start3A_50, %dma_start3A_51] : memref<128x128xf32, #tpu.memory_space<vmem>> -> memref<128x128xf32, #tpu.memory_space<vmem>>
      tpu.enqueue_dma source(%dma_start3A_52 : memref<128x128xf32, #tpu.memory_space<vmem>>) target(%dma_start3A_49 : memref<128x128xf32, #tpu.memory_space<vmem_shared>>) target_semaphore(%run_scoped3A : memref<!tpu.dma_semaphore, #tpu.memory_space<semaphore_mem>>)
      %dma_wait3A = arith.constant 0 : i32
      %dma_wait3A_53 = arith.constant 0 : i32
      %dma_wait3A_54 = tpu.memref_slice %arg9[%dma_wait3A, %dma_wait3A_53] : memref<128x128xf32, #tpu.memory_space<vmem>> -> memref<128x128xf32, #tpu.memory_space<vmem>>
      %dma_wait3A_55 = arith.constant 0 : i32
      %dma_wait3A_56 = tpu.memref_slice %arg10[%add3A_17, %dma_wait3A_55] : memref<10240x128xf32, #tpu.memory_space<vmem_shared>> -> memref<128x128xf32, #tpu.memory_space<vmem_shared>>
      %dma_wait3A_57 = arith.constant 0 : i32
      %dma_wait3A_58 = tpu.memref_slice %arg10[%add3A_17, %dma_wait3A_57] : memref<10240x128xf32, #tpu.memory_space<vmem_shared>> -> memref<128x128xf32, #tpu.memory_space<vmem_shared>>
      %dma_wait3A_59 = arith.constant 0 : i32
      %dma_wait3A_60 = arith.constant 0 : i32
      %dma_wait3A_61 = tpu.memref_slice %arg9[%dma_wait3A_59, %dma_wait3A_60] : memref<128x128xf32, #tpu.memory_space<vmem>> -> memref<128x128xf32, #tpu.memory_space<vmem>>
      tpu.wait_dma2 semaphore(%run_scoped3A : memref<!tpu.dma_semaphore, #tpu.memory_space<semaphore_mem>>) src(%dma_wait3A_61 : memref<128x128xf32, #tpu.memory_space<vmem>>) dst(%dma_wait3A_58 : memref<128x128xf32, #tpu.memory_space<vmem_shared>>)
      tpu.yield
    }) : () -> ()
    %barrier3A = arith.constant 0 : index
    tpu.barrier barrier_id(%barrier3A)
    %scan3A_18 = arith.constant 0 : i32
    %scan3A_19 = arith.constant 79 : i32
    %scan3A_20 = arith.addi %scan3A_18, %scan3A_19 : i32
    %scan3A_21 = arith.constant 1 : i32
    scf.for %scan3A_44 = %scan3A_18 to %scan3A_20 step %scan3A_21  : i32 {
      %mul3A_45 = arith.constant 1 : i32
      %mul3A_46 = arith.muli %scan3A_44, %mul3A_45 : i32
      %add3A_47 = arith.constant 0 : i32
      %add3A_48 = arith.addi %add3A_47, %mul3A_46 : i32
      %mul3A_49 = arith.constant 10112 : i32
      %mul3A_50 = arith.muli %add3A, %mul3A_49 : i32
      %mul3A_51 = arith.constant 128 : i32
      %mul3A_52 = arith.muli %add3A_48, %mul3A_51 : i32
      %add3A_53 = arith.addi %mul3A_50, %mul3A_52 : i32
      "tpu.region"() ({
        %run_scoped3A = tpu.sem_alloc : memref<!tpu.dma_semaphore, #tpu.memory_space<semaphore_mem>>
        %dma_start3A_58 = tpu.memref_slice %arg3[%add3A_53] : memref<323584xi32, #tpu.memory_space<hbm>> -> memref<128xi32, #tpu.memory_space<hbm>>
        %dma_start3A_59 = tpu.memref_slice %arg3[%add3A_53] : memref<323584xi32, #tpu.memory_space<hbm>> -> memref<128xi32, #tpu.memory_space<hbm>>
        tpu.enqueue_dma source(%dma_start3A_59 : memref<128xi32, #tpu.memory_space<hbm>>) target(%arg6 : memref<128xi32, #tpu.memory_space<vmem>>) target_semaphore(%run_scoped3A : memref<!tpu.dma_semaphore, #tpu.memory_space<semaphore_mem>>)
        %dma_wait3A_60 = tpu.memref_slice %arg3[%add3A_53] : memref<323584xi32, #tpu.memory_space<hbm>> -> memref<128xi32, #tpu.memory_space<hbm>>
        %dma_wait3A_61 = tpu.memref_slice %arg3[%add3A_53] : memref<323584xi32, #tpu.memory_space<hbm>> -> memref<128xi32, #tpu.memory_space<hbm>>
        tpu.wait_dma2 semaphore(%run_scoped3A : memref<!tpu.dma_semaphore, #tpu.memory_space<semaphore_mem>>) src(%dma_wait3A_61 : memref<128xi32, #tpu.memory_space<hbm>>) dst(%arg6 : memref<128xi32, #tpu.memory_space<vmem>>)
        tpu.yield
      }) : () -> ()
      "tpu.region"() ({
        %run_scoped3A = tpu.sem_alloc : memref<!tpu.dma_semaphore, #tpu.memory_space<semaphore_mem>>
        %dma_start3A_58 = tpu.memref_slice %arg4[%add3A_53] : memref<323584xi32, #tpu.memory_space<hbm>> -> memref<128xi32, #tpu.memory_space<hbm>>
        %dma_start3A_59 = tpu.memref_slice %arg4[%add3A_53] : memref<323584xi32, #tpu.memory_space<hbm>> -> memref<128xi32, #tpu.memory_space<hbm>>
        tpu.enqueue_dma source(%dma_start3A_59 : memref<128xi32, #tpu.memory_space<hbm>>) target(%arg7 : memref<128xi32, #tpu.memory_space<vmem>>) target_semaphore(%run_scoped3A : memref<!tpu.dma_semaphore, #tpu.memory_space<semaphore_mem>>)
        %dma_wait3A_60 = tpu.memref_slice %arg4[%add3A_53] : memref<323584xi32, #tpu.memory_space<hbm>> -> memref<128xi32, #tpu.memory_space<hbm>>
        %dma_wait3A_61 = tpu.memref_slice %arg4[%add3A_53] : memref<323584xi32, #tpu.memory_space<hbm>> -> memref<128xi32, #tpu.memory_space<hbm>>
        tpu.wait_dma2 semaphore(%run_scoped3A : memref<!tpu.dma_semaphore, #tpu.memory_space<semaphore_mem>>) src(%dma_wait3A_61 : memref<128xi32, #tpu.memory_space<hbm>>) dst(%arg7 : memref<128xi32, #tpu.memory_space<vmem>>)
        tpu.yield
      }) : () -> ()
      %dma_start3A = arith.constant 0 : i32
      %dma_start3A_54 = arith.constant 0 : i32
      %dma_start3A_55 = tpu.memref_slice %arg2[%dma_start3A, %dma_start3A_54] : memref<10240x128xf32, #tpu.memory_space<hbm>> -> memref<10240x128xf32, #tpu.memory_space<hbm>>
      tpu.enqueue_indirect_dma source(%dma_start3A_55 : memref<10240x128xf32, #tpu.memory_space<hbm>>) target(%arg8 : memref<128x128xf32, #tpu.memory_space<vmem>>) offsets(%arg6 : memref<128xi32, #tpu.memory_space<vmem>>) semaphore(%arg11 : memref<!tpu.dma_semaphore, #tpu.memory_space<semaphore_mem>>)
      %dma_wait3A = arith.constant 0 : i32
      %dma_wait3A_56 = arith.constant 0 : i32
      %dma_wait3A_57 = tpu.memref_slice %arg2[%dma_wait3A, %dma_wait3A_56] : memref<10240x128xf32, #tpu.memory_space<hbm>> -> memref<10240x128xf32, #tpu.memory_space<hbm>>
      tpu.wait_indirect_dma semaphore(%arg11 : memref<!tpu.dma_semaphore, #tpu.memory_space<semaphore_mem>>) src(%dma_wait3A_57 : memref<10240x128xf32, #tpu.memory_space<hbm>>) dst(%arg8 : memref<128x128xf32, #tpu.memory_space<vmem>>)
      "tpu.region"() ({
        %run_scoped3A = tpu.sem_alloc : memref<!tpu.dma_semaphore, #tpu.memory_space<semaphore_mem>>
        %dma_start3A_58 = arith.constant 0 : i32
        %dma_start3A_59 = arith.constant 0 : i32
        %dma_start3A_60 = tpu.memref_slice %arg10[%dma_start3A_58, %dma_start3A_59] : memref<10240x128xf32, #tpu.memory_space<vmem_shared>> -> memref<10240x128xf32, #tpu.memory_space<vmem_shared>>
        tpu.enqueue_indirect_dma source(%arg8 : memref<128x128xf32, #tpu.memory_space<vmem>>) target(%dma_start3A_60 : memref<10240x128xf32, #tpu.memory_space<vmem_shared>>) offsets(%arg7 : memref<128xi32, #tpu.memory_space<vmem>>) semaphore(%run_scoped3A : memref<!tpu.dma_semaphore, #tpu.memory_space<semaphore_mem>>) {add = true}
        %dma_wait3A_61 = arith.constant 0 : i32
        %dma_wait3A_62 = arith.constant 0 : i32
        %dma_wait3A_63 = tpu.memref_slice %arg10[%dma_wait3A_61, %dma_wait3A_62] : memref<10240x128xf32, #tpu.memory_space<vmem_shared>> -> memref<10240x128xf32, #tpu.memory_space<vmem_shared>>
        tpu.wait_indirect_dma semaphore(%run_scoped3A : memref<!tpu.dma_semaphore, #tpu.memory_space<semaphore_mem>>) src(%arg8 : memref<128x128xf32, #tpu.memory_space<vmem>>) dst(%dma_wait3A_63 : memref<10240x128xf32, #tpu.memory_space<vmem_shared>>)
        tpu.yield
      }) : () -> ()
    }
    %scan3A_22 = arith.constant 79 : i32
    %barrier3A_23 = arith.constant 0 : index
    tpu.barrier barrier_id(%barrier3A_23)
    %add3A_24 = arith.constant 0 : i32
    %add3A_25 = arith.addi %mul3A_7, %add3A_24 : i32
    %add3A_26 = arith.constant 0 : i32
    %add3A_27 = arith.addi %mul3A_7, %add3A_26 : i32
    "tpu.region"() ({
      %run_scoped3A = tpu.sem_alloc : memref<!tpu.dma_semaphore, #tpu.memory_space<semaphore_mem>>
      %dma_start3A = arith.constant 0 : i32
      %dma_start3A_44 = arith.constant 0 : i32
      %dma_start3A_45 = tpu.memref_slice %arg5[%arg0, %dma_start3A, %dma_start3A_44] : memref<2x10240x128xf32, #tpu.memory_space<hbm>> -> memref<1x10240x128xf32, #tpu.memory_space<hbm>>
      %dma_start3A_46 = tpu.memref_squeeze %dma_start3A_45 : memref<1x10240x128xf32, #tpu.memory_space<hbm>> -> memref<10240x128xf32, #tpu.memory_space<hbm>>
      %dma_start3A_47 = arith.constant 0 : i32
      %dma_start3A_48 = tpu.memref_slice %dma_start3A_46[%add3A_27, %dma_start3A_47] : memref<10240x128xf32, #tpu.memory_space<hbm>> -> memref<128x128xf32, #tpu.memory_space<hbm>>
      %dma_start3A_49 = arith.constant 0 : i32
      %dma_start3A_50 = tpu.memref_slice %arg10[%add3A_25, %dma_start3A_49] : memref<10240x128xf32, #tpu.memory_space<vmem_shared>> -> memref<128x128xf32, #tpu.memory_space<vmem_shared>>
      tpu.enqueue_dma source(%dma_start3A_50 : memref<128x128xf32, #tpu.memory_space<vmem_shared>>) target(%dma_start3A_48 : memref<128x128xf32, #tpu.memory_space<hbm>>) target_semaphore(%run_scoped3A : memref<!tpu.dma_semaphore, #tpu.memory_space<semaphore_mem>>)
      %dma_wait3A = arith.constant 0 : i32
      %dma_wait3A_51 = arith.constant 0 : i32
      %dma_wait3A_52 = tpu.memref_slice %arg5[%arg0, %dma_wait3A, %dma_wait3A_51] : memref<2x10240x128xf32, #tpu.memory_space<hbm>> -> memref<1x10240x128xf32, #tpu.memory_space<hbm>>
      %dma_wait3A_53 = tpu.memref_squeeze %dma_wait3A_52 : memref<1x10240x128xf32, #tpu.memory_space<hbm>> -> memref<10240x128xf32, #tpu.memory_space<hbm>>
      %dma_wait3A_54 = arith.constant 0 : i32
      %dma_wait3A_55 = tpu.memref_slice %dma_wait3A_53[%add3A_27, %dma_wait3A_54] : memref<10240x128xf32, #tpu.memory_space<hbm>> -> memref<128x128xf32, #tpu.memory_space<hbm>>
      %dma_wait3A_56 = arith.constant 0 : i32
      %dma_wait3A_57 = tpu.memref_slice %arg10[%add3A_25, %dma_wait3A_56] : memref<10240x128xf32, #tpu.memory_space<vmem_shared>> -> memref<128x128xf32, #tpu.memory_space<vmem_shared>>
      tpu.wait_dma2 semaphore(%run_scoped3A : memref<!tpu.dma_semaphore, #tpu.memory_space<semaphore_mem>>) src(%dma_wait3A_57 : memref<128x128xf32, #tpu.memory_space<vmem_shared>>) dst(%dma_wait3A_55 : memref<128x128xf32, #tpu.memory_space<hbm>>)
      tpu.yield
    }) : () -> ()
    %add3A_28 = arith.constant 128 : i32
    %add3A_29 = arith.addi %mul3A_7, %add3A_28 : i32
    %add3A_30 = arith.constant 128 : i32
    %add3A_31 = arith.addi %mul3A_7, %add3A_30 : i32
    "tpu.region"() ({
      %run_scoped3A = tpu.sem_alloc : memref<!tpu.dma_semaphore, #tpu.memory_space<semaphore_mem>>
      %dma_start3A = arith.constant 0 : i32
      %dma_start3A_44 = arith.constant 0 : i32
      %dma_start3A_45 = tpu.memref_slice %arg5[%arg0, %dma_start3A, %dma_start3A_44] : memref<2x10240x128xf32, #tpu.memory_space<hbm>> -> memref<1x10240x128xf32, #tpu.memory_space<hbm>>
      %dma_start3A_46 = tpu.memref_squeeze %dma_start3A_45 : memref<1x10240x128xf32, #tpu.memory_space<hbm>> -> memref<10240x128xf32, #tpu.memory_space<hbm>>
      %dma_start3A_47 = arith.constant 0 : i32
      %dma_start3A_48 = tpu.memref_slice %dma_start3A_46[%add3A_31, %dma_start3A_47] : memref<10240x128xf32, #tpu.memory_space<hbm>> -> memref<128x128xf32, #tpu.memory_space<hbm>>
      %dma_start3A_49 = arith.constant 0 : i32
      %dma_start3A_50 = tpu.memref_slice %arg10[%add3A_29, %dma_start3A_49] : memref<10240x128xf32, #tpu.memory_space<vmem_shared>> -> memref<128x128xf32, #tpu.memory_space<vmem_shared>>
      tpu.enqueue_dma source(%dma_start3A_50 : memref<128x128xf32, #tpu.memory_space<vmem_shared>>) target(%dma_start3A_48 : memref<128x128xf32, #tpu.memory_space<hbm>>) target_semaphore(%run_scoped3A : memref<!tpu.dma_semaphore, #tpu.memory_space<semaphore_mem>>)
      %dma_wait3A = arith.constant 0 : i32
      %dma_wait3A_51 = arith.constant 0 : i32
      %dma_wait3A_52 = tpu.memref_slice %arg5[%arg0, %dma_wait3A, %dma_wait3A_51] : memref<2x10240x128xf32, #tpu.memory_space<hbm>> -> memref<1x10240x128xf32, #tpu.memory_space<hbm>>
      %dma_wait3A_53 = tpu.memref_squeeze %dma_wait3A_52 : memref<1x10240x128xf32, #tpu.memory_space<hbm>> -> memref<10240x128xf32, #tpu.memory_space<hbm>>
      %dma_wait3A_54 = arith.constant 0 : i32
      %dma_wait3A_55 = tpu.memref_slice %dma_wait3A_53[%add3A_31, %dma_wait3A_54] : memref<10240x128xf32, #tpu.memory_space<hbm>> -> memref<128x128xf32, #tpu.memory_space<hbm>>
      %dma_wait3A_56 = arith.constant 0 : i32
      %dma_wait3A_57 = tpu.memref_slice %arg10[%add3A_29, %dma_wait3A_56] : memref<10240x128xf32, #tpu.memory_space<vmem_shared>> -> memref<128x128xf32, #tpu.memory_space<vmem_shared>>
      tpu.wait_dma2 semaphore(%run_scoped3A : memref<!tpu.dma_semaphore, #tpu.memory_space<semaphore_mem>>) src(%dma_wait3A_57 : memref<128x128xf32, #tpu.memory_space<vmem_shared>>) dst(%dma_wait3A_55 : memref<128x128xf32, #tpu.memory_space<hbm>>)
      tpu.yield
    }) : () -> ()
    %add3A_32 = arith.constant 256 : i32
    %add3A_33 = arith.addi %mul3A_7, %add3A_32 : i32
    %add3A_34 = arith.constant 256 : i32
    %add3A_35 = arith.addi %mul3A_7, %add3A_34 : i32
    "tpu.region"() ({
      %run_scoped3A = tpu.sem_alloc : memref<!tpu.dma_semaphore, #tpu.memory_space<semaphore_mem>>
      %dma_start3A = arith.constant 0 : i32
      %dma_start3A_44 = arith.constant 0 : i32
      %dma_start3A_45 = tpu.memref_slice %arg5[%arg0, %dma_start3A, %dma_start3A_44] : memref<2x10240x128xf32, #tpu.memory_space<hbm>> -> memref<1x10240x128xf32, #tpu.memory_space<hbm>>
      %dma_start3A_46 = tpu.memref_squeeze %dma_start3A_45 : memref<1x10240x128xf32, #tpu.memory_space<hbm>> -> memref<10240x128xf32, #tpu.memory_space<hbm>>
      %dma_start3A_47 = arith.constant 0 : i32
      %dma_start3A_48 = tpu.memref_slice %dma_start3A_46[%add3A_35, %dma_start3A_47] : memref<10240x128xf32, #tpu.memory_space<hbm>> -> memref<128x128xf32, #tpu.memory_space<hbm>>
      %dma_start3A_49 = arith.constant 0 : i32
      %dma_start3A_50 = tpu.memref_slice %arg10[%add3A_33, %dma_start3A_49] : memref<10240x128xf32, #tpu.memory_space<vmem_shared>> -> memref<128x128xf32, #tpu.memory_space<vmem_shared>>
      tpu.enqueue_dma source(%dma_start3A_50 : memref<128x128xf32, #tpu.memory_space<vmem_shared>>) target(%dma_start3A_48 : memref<128x128xf32, #tpu.memory_space<hbm>>) target_semaphore(%run_scoped3A : memref<!tpu.dma_semaphore, #tpu.memory_space<semaphore_mem>>)
      %dma_wait3A = arith.constant 0 : i32
      %dma_wait3A_51 = arith.constant 0 : i32
      %dma_wait3A_52 = tpu.memref_slice %arg5[%arg0, %dma_wait3A, %dma_wait3A_51] : memref<2x10240x128xf32, #tpu.memory_space<hbm>> -> memref<1x10240x128xf32, #tpu.memory_space<hbm>>
      %dma_wait3A_53 = tpu.memref_squeeze %dma_wait3A_52 : memref<1x10240x128xf32, #tpu.memory_space<hbm>> -> memref<10240x128xf32, #tpu.memory_space<hbm>>
      %dma_wait3A_54 = arith.constant 0 : i32
      %dma_wait3A_55 = tpu.memref_slice %dma_wait3A_53[%add3A_35, %dma_wait3A_54] : memref<10240x128xf32, #tpu.memory_space<hbm>> -> memref<128x128xf32, #tpu.memory_space<hbm>>
      %dma_wait3A_56 = arith.constant 0 : i32
      %dma_wait3A_57 = tpu.memref_slice %arg10[%add3A_33, %dma_wait3A_56] : memref<10240x128xf32, #tpu.memory_space<vmem_shared>> -> memref<128x128xf32, #tpu.memory_space<vmem_shared>>
      tpu.wait_dma2 semaphore(%run_scoped3A : memref<!tpu.dma_semaphore, #tpu.memory_space<semaphore_mem>>) src(%dma_wait3A_57 : memref<128x128xf32, #tpu.memory_space<vmem_shared>>) dst(%dma_wait3A_55 : memref<128x128xf32, #tpu.memory_space<hbm>>)
      tpu.yield
    }) : () -> ()
    %add3A_36 = arith.constant 384 : i32
    %add3A_37 = arith.addi %mul3A_7, %add3A_36 : i32
    %add3A_38 = arith.constant 384 : i32
    %add3A_39 = arith.addi %mul3A_7, %add3A_38 : i32
    "tpu.region"() ({
      %run_scoped3A = tpu.sem_alloc : memref<!tpu.dma_semaphore, #tpu.memory_space<semaphore_mem>>
      %dma_start3A = arith.constant 0 : i32
      %dma_start3A_44 = arith.constant 0 : i32
      %dma_start3A_45 = tpu.memref_slice %arg5[%arg0, %dma_start3A, %dma_start3A_44] : memref<2x10240x128xf32, #tpu.memory_space<hbm>> -> memref<1x10240x128xf32, #tpu.memory_space<hbm>>
      %dma_start3A_46 = tpu.memref_squeeze %dma_start3A_45 : memref<1x10240x128xf32, #tpu.memory_space<hbm>> -> memref<10240x128xf32, #tpu.memory_space<hbm>>
      %dma_start3A_47 = arith.constant 0 : i32
      %dma_start3A_48 = tpu.memref_slice %dma_start3A_46[%add3A_39, %dma_start3A_47] : memref<10240x128xf32, #tpu.memory_space<hbm>> -> memref<128x128xf32, #tpu.memory_space<hbm>>
      %dma_start3A_49 = arith.constant 0 : i32
      %dma_start3A_50 = tpu.memref_slice %arg10[%add3A_37, %dma_start3A_49] : memref<10240x128xf32, #tpu.memory_space<vmem_shared>> -> memref<128x128xf32, #tpu.memory_space<vmem_shared>>
      tpu.enqueue_dma source(%dma_start3A_50 : memref<128x128xf32, #tpu.memory_space<vmem_shared>>) target(%dma_start3A_48 : memref<128x128xf32, #tpu.memory_space<hbm>>) target_semaphore(%run_scoped3A : memref<!tpu.dma_semaphore, #tpu.memory_space<semaphore_mem>>)
      %dma_wait3A = arith.constant 0 : i32
      %dma_wait3A_51 = arith.constant 0 : i32
      %dma_wait3A_52 = tpu.memref_slice %arg5[%arg0, %dma_wait3A, %dma_wait3A_51] : memref<2x10240x128xf32, #tpu.memory_space<hbm>> -> memref<1x10240x128xf32, #tpu.memory_space<hbm>>
      %dma_wait3A_53 = tpu.memref_squeeze %dma_wait3A_52 : memref<1x10240x128xf32, #tpu.memory_space<hbm>> -> memref<10240x128xf32, #tpu.memory_space<hbm>>
      %dma_wait3A_54 = arith.constant 0 : i32
      %dma_wait3A_55 = tpu.memref_slice %dma_wait3A_53[%add3A_39, %dma_wait3A_54] : memref<10240x128xf32, #tpu.memory_space<hbm>> -> memref<128x128xf32, #tpu.memory_space<hbm>>
      %dma_wait3A_56 = arith.constant 0 : i32
      %dma_wait3A_57 = tpu.memref_slice %arg10[%add3A_37, %dma_wait3A_56] : memref<10240x128xf32, #tpu.memory_space<vmem_shared>> -> memref<128x128xf32, #tpu.memory_space<vmem_shared>>
      tpu.wait_dma2 semaphore(%run_scoped3A : memref<!tpu.dma_semaphore, #tpu.memory_space<semaphore_mem>>) src(%dma_wait3A_57 : memref<128x128xf32, #tpu.memory_space<vmem_shared>>) dst(%dma_wait3A_55 : memref<128x128xf32, #tpu.memory_space<hbm>>)
      tpu.yield
    }) : () -> ()
    %add3A_40 = arith.constant 512 : i32
    %add3A_41 = arith.addi %mul3A_7, %add3A_40 : i32
    %add3A_42 = arith.constant 512 : i32
    %add3A_43 = arith.addi %mul3A_7, %add3A_42 : i32
    "tpu.region"() ({
      %run_scoped3A = tpu.sem_alloc : memref<!tpu.dma_semaphore, #tpu.memory_space<semaphore_mem>>
      %dma_start3A = arith.constant 0 : i32
      %dma_start3A_44 = arith.constant 0 : i32
      %dma_start3A_45 = tpu.memref_slice %arg5[%arg0, %dma_start3A, %dma_start3A_44] : memref<2x10240x128xf32, #tpu.memory_space<hbm>> -> memref<1x10240x128xf32, #tpu.memory_space<hbm>>
      %dma_start3A_46 = tpu.memref_squeeze %dma_start3A_45 : memref<1x10240x128xf32, #tpu.memory_space<hbm>> -> memref<10240x128xf32, #tpu.memory_space<hbm>>
      %dma_start3A_47 = arith.constant 0 : i32
      %dma_start3A_48 = tpu.memref_slice %dma_start3A_46[%add3A_43, %dma_start3A_47] : memref<10240x128xf32, #tpu.memory_space<hbm>> -> memref<128x128xf32, #tpu.memory_space<hbm>>
      %dma_start3A_49 = arith.constant 0 : i32
      %dma_start3A_50 = tpu.memref_slice %arg10[%add3A_41, %dma_start3A_49] : memref<10240x128xf32, #tpu.memory_space<vmem_shared>> -> memref<128x128xf32, #tpu.memory_space<vmem_shared>>
      tpu.enqueue_dma source(%dma_start3A_50 : memref<128x128xf32, #tpu.memory_space<vmem_shared>>) target(%dma_start3A_48 : memref<128x128xf32, #tpu.memory_space<hbm>>) target_semaphore(%run_scoped3A : memref<!tpu.dma_semaphore, #tpu.memory_space<semaphore_mem>>)
      %dma_wait3A = arith.constant 0 : i32
      %dma_wait3A_51 = arith.constant 0 : i32
      %dma_wait3A_52 = tpu.memref_slice %arg5[%arg0, %dma_wait3A, %dma_wait3A_51] : memref<2x10240x128xf32, #tpu.memory_space<hbm>> -> memref<1x10240x128xf32, #tpu.memory_space<hbm>>
      %dma_wait3A_53 = tpu.memref_squeeze %dma_wait3A_52 : memref<1x10240x128xf32, #tpu.memory_space<hbm>> -> memref<10240x128xf32, #tpu.memory_space<hbm>>
      %dma_wait3A_54 = arith.constant 0 : i32
      %dma_wait3A_55 = tpu.memref_slice %dma_wait3A_53[%add3A_43, %dma_wait3A_54] : memref<10240x128xf32, #tpu.memory_space<hbm>> -> memref<128x128xf32, #tpu.memory_space<hbm>>
      %dma_wait3A_56 = arith.constant 0 : i32
      %dma_wait3A_57 = tpu.memref_slice %arg10[%add3A_41, %dma_wait3A_56] : memref<10240x128xf32, #tpu.memory_space<vmem_shared>> -> memref<128x128xf32, #tpu.memory_space<vmem_shared>>
      tpu.wait_dma2 semaphore(%run_scoped3A : memref<!tpu.dma_semaphore, #tpu.memory_space<semaphore_mem>>) src(%dma_wait3A_57 : memref<128x128xf32, #tpu.memory_space<vmem_shared>>) dst(%dma_wait3A_55 : memref<128x128xf32, #tpu.memory_space<hbm>>)
      tpu.yield
    }) : () -> ()
    return
  }
}

module attributes {stable_mosaic.version = 14 : i64} {
  func.func @body(%arg0: memref<2x10000x1xf32, #tpu.memory_space<vmem>>, %arg1: memref<2x2560x1xf32, #tpu.memory_space<vmem>>, %arg2: memref<2x2560x1xf32, #tpu.memory_space<vmem>>, %arg3: memref<2x640x1xf32, #tpu.memory_space<vmem>>, %arg4: memref<2x640x1xf32, #tpu.memory_space<vmem>>, %arg5: memref<10000x128xf32, #tpu.memory_space<vmem>>, %arg6: memref<10240x1xf32, #tpu.memory_space<vmem>>, %arg7: memref<2560x1xf32, #tpu.memory_space<vmem>>, %arg8: memref<2560x1xf32, #tpu.memory_space<vmem>>, %arg9: memref<640x1xf32, #tpu.memory_space<vmem>>, %arg10: memref<640x1xf32, #tpu.memory_space<vmem>>, %arg11: memref<10000x128xf32, #tpu.memory_space<vmem>>) attributes {dimension_semantics = [], scalar_prefetch = 0 : i64, scratch_operands = 0 : i64, tpu.core_type = #tpu.core_type<tc>} {
    %get3A = arith.constant 0 : index
    %get3A_0 = arith.constant 0 : index
    %get3A_1 = arith.constant 0 : index
    %get3A_2 = vector.load %arg0[%get3A, %get3A_0, %get3A_1] : memref<2x10000x1xf32, #tpu.memory_space<vmem>>, vector<1x10000x1xf32>
    %get3A_3 = vector.shape_cast %get3A_2 : vector<1x10000x1xf32> to vector<10000x1xf32>
    %get3A_4 = arith.constant 1 : index
    %get3A_5 = arith.constant 0 : index
    %get3A_6 = arith.constant 0 : index
    %get3A_7 = vector.load %arg0[%get3A_4, %get3A_5, %get3A_6] : memref<2x10000x1xf32, #tpu.memory_space<vmem>>, vector<1x10000x1xf32>
    %get3A_8 = vector.shape_cast %get3A_7 : vector<1x10000x1xf32> to vector<10000x1xf32>
    %add3A = arith.addf %get3A_3, %get3A_8 : vector<10000x1xf32>
    %max3A = arith.constant 1.000000e+00 : f32
    %max3A_9 = vector.broadcast %max3A : f32 to vector<10000x1xf32>
    %max3A_10 = arith.maximumf %add3A, %max3A_9 : vector<10000x1xf32>
    %rsqrt3A = math.rsqrt %max3A_10 : vector<10000x1xf32>
    %broadcast_in_dim3A = arith.constant 1.000000e+00 : f32
    %broadcast_in_dim3A_11 = vector.broadcast %broadcast_in_dim3A : f32 to vector<240x1xf32>
    %concatenate3A = tpu.concatenate %rsqrt3A, %broadcast_in_dim3A_11 in 0 : vector<10000x1xf32>, vector<240x1xf32> -> vector<10240x1xf32>
    %swap3A = arith.constant 0 : index
    %swap3A_12 = arith.constant 0 : index
    %swap3A_13 = vector.load %arg6[%swap3A, %swap3A_12] : memref<10240x1xf32, #tpu.memory_space<vmem>>, vector<10240x1xf32>
    tpu.vector_store %arg6[%swap3A, %swap3A_12], %concatenate3A {strides = array<i32>} : memref<10240x1xf32, #tpu.memory_space<vmem>>, vector<10240x1xf32>,
    %get3A_14 = arith.constant 0 : index
    %get3A_15 = arith.constant 0 : index
    %get3A_16 = arith.constant 0 : index
    %get3A_17 = vector.load %arg1[%get3A_14, %get3A_15, %get3A_16] : memref<2x2560x1xf32, #tpu.memory_space<vmem>>, vector<1x2560x1xf32>
    %get3A_18 = vector.shape_cast %get3A_17 : vector<1x2560x1xf32> to vector<2560x1xf32>
    %get3A_19 = arith.constant 1 : index
    %get3A_20 = arith.constant 0 : index
    %get3A_21 = arith.constant 0 : index
    %get3A_22 = vector.load %arg1[%get3A_19, %get3A_20, %get3A_21] : memref<2x2560x1xf32, #tpu.memory_space<vmem>>, vector<1x2560x1xf32>
    %get3A_23 = vector.shape_cast %get3A_22 : vector<1x2560x1xf32> to vector<2560x1xf32>
    %add3A_24 = arith.addf %get3A_18, %get3A_23 : vector<2560x1xf32>
    %max3A_25 = arith.constant 1.000000e+00 : f32
    %max3A_26 = vector.broadcast %max3A_25 : f32 to vector<2560x1xf32>
    %max3A_27 = arith.maximumf %add3A_24, %max3A_26 : vector<2560x1xf32>
    %rsqrt3A_28 = math.rsqrt %max3A_27 : vector<2560x1xf32>
    %swap3A_29 = arith.constant 0 : index
    %swap3A_30 = arith.constant 0 : index
    %swap3A_31 = vector.load %arg8[%swap3A_29, %swap3A_30] : memref<2560x1xf32, #tpu.memory_space<vmem>>, vector<2560x1xf32>
    tpu.vector_store %arg8[%swap3A_29, %swap3A_30], %rsqrt3A_28 {strides = array<i32>} : memref<2560x1xf32, #tpu.memory_space<vmem>>, vector<2560x1xf32>,
    %get3A_32 = arith.constant 0 : index
    %get3A_33 = arith.constant 0 : index
    %get3A_34 = arith.constant 0 : index
    %get3A_35 = vector.load %arg2[%get3A_32, %get3A_33, %get3A_34] : memref<2x2560x1xf32, #tpu.memory_space<vmem>>, vector<1x2560x1xf32>
    %get3A_36 = vector.shape_cast %get3A_35 : vector<1x2560x1xf32> to vector<2560x1xf32>
    %get3A_37 = arith.constant 1 : index
    %get3A_38 = arith.constant 0 : index
    %get3A_39 = arith.constant 0 : index
    %get3A_40 = vector.load %arg2[%get3A_37, %get3A_38, %get3A_39] : memref<2x2560x1xf32, #tpu.memory_space<vmem>>, vector<1x2560x1xf32>
    %get3A_41 = vector.shape_cast %get3A_40 : vector<1x2560x1xf32> to vector<2560x1xf32>
    %add3A_42 = arith.addf %get3A_36, %get3A_41 : vector<2560x1xf32>
    %max3A_43 = arith.constant 1.000000e+00 : f32
    %max3A_44 = vector.broadcast %max3A_43 : f32 to vector<2560x1xf32>
    %max3A_45 = arith.maximumf %add3A_42, %max3A_44 : vector<2560x1xf32>
    %div3A = arith.divf %rsqrt3A_28, %max3A_45 : vector<2560x1xf32>
    %swap3A_46 = arith.constant 0 : index
    %swap3A_47 = arith.constant 0 : index
    %swap3A_48 = vector.load %arg7[%swap3A_46, %swap3A_47] : memref<2560x1xf32, #tpu.memory_space<vmem>>, vector<2560x1xf32>
    tpu.vector_store %arg7[%swap3A_46, %swap3A_47], %div3A {strides = array<i32>} : memref<2560x1xf32, #tpu.memory_space<vmem>>, vector<2560x1xf32>,
    %get3A_49 = arith.constant 0 : index
    %get3A_50 = arith.constant 0 : index
    %get3A_51 = arith.constant 0 : index
    %get3A_52 = vector.load %arg3[%get3A_49, %get3A_50, %get3A_51] : memref<2x640x1xf32, #tpu.memory_space<vmem>>, vector<1x640x1xf32>
    %get3A_53 = vector.shape_cast %get3A_52 : vector<1x640x1xf32> to vector<640x1xf32>
    %get3A_54 = arith.constant 1 : index
    %get3A_55 = arith.constant 0 : index
    %get3A_56 = arith.constant 0 : index
    %get3A_57 = vector.load %arg3[%get3A_54, %get3A_55, %get3A_56] : memref<2x640x1xf32, #tpu.memory_space<vmem>>, vector<1x640x1xf32>
    %get3A_58 = vector.shape_cast %get3A_57 : vector<1x640x1xf32> to vector<640x1xf32>
    %add3A_59 = arith.addf %get3A_53, %get3A_58 : vector<640x1xf32>
    %max3A_60 = arith.constant 1.000000e+00 : f32
    %max3A_61 = vector.broadcast %max3A_60 : f32 to vector<640x1xf32>
    %max3A_62 = arith.maximumf %add3A_59, %max3A_61 : vector<640x1xf32>
    %rsqrt3A_63 = math.rsqrt %max3A_62 : vector<640x1xf32>
    %swap3A_64 = arith.constant 0 : index
    %swap3A_65 = arith.constant 0 : index
    %swap3A_66 = vector.load %arg10[%swap3A_64, %swap3A_65] : memref<640x1xf32, #tpu.memory_space<vmem>>, vector<640x1xf32>
    tpu.vector_store %arg10[%swap3A_64, %swap3A_65], %rsqrt3A_63 {strides = array<i32>} : memref<640x1xf32, #tpu.memory_space<vmem>>, vector<640x1xf32>,
    %get3A_67 = arith.constant 0 : index
    %get3A_68 = arith.constant 0 : index
    %get3A_69 = arith.constant 0 : index
    %get3A_70 = vector.load %arg4[%get3A_67, %get3A_68, %get3A_69] : memref<2x640x1xf32, #tpu.memory_space<vmem>>, vector<1x640x1xf32>
    %get3A_71 = vector.shape_cast %get3A_70 : vector<1x640x1xf32> to vector<640x1xf32>
    %get3A_72 = arith.constant 1 : index
    %get3A_73 = arith.constant 0 : index
    %get3A_74 = arith.constant 0 : index
    %get3A_75 = vector.load %arg4[%get3A_72, %get3A_73, %get3A_74] : memref<2x640x1xf32, #tpu.memory_space<vmem>>, vector<1x640x1xf32>
    %get3A_76 = vector.shape_cast %get3A_75 : vector<1x640x1xf32> to vector<640x1xf32>
    %add3A_77 = arith.addf %get3A_71, %get3A_76 : vector<640x1xf32>
    %max3A_78 = arith.constant 1.000000e+00 : f32
    %max3A_79 = vector.broadcast %max3A_78 : f32 to vector<640x1xf32>
    %max3A_80 = arith.maximumf %add3A_77, %max3A_79 : vector<640x1xf32>
    %div3A_81 = arith.divf %rsqrt3A_63, %max3A_80 : vector<640x1xf32>
    %swap3A_82 = arith.constant 0 : index
    %swap3A_83 = arith.constant 0 : index
    %swap3A_84 = vector.load %arg9[%swap3A_82, %swap3A_83] : memref<640x1xf32, #tpu.memory_space<vmem>>, vector<640x1xf32>
    tpu.vector_store %arg9[%swap3A_82, %swap3A_83], %div3A_81 {strides = array<i32>} : memref<640x1xf32, #tpu.memory_space<vmem>>, vector<640x1xf32>,
    %get3A_85 = arith.constant 0 : index
    %get3A_86 = arith.constant 0 : index
    %get3A_87 = vector.load %arg5[%get3A_85, %get3A_86] : memref<10000x128xf32, #tpu.memory_space<vmem>>, vector<10000x128xf32>
    %mul3A = vector.broadcast %rsqrt3A : vector<10000x1xf32> to vector<10000x128xf32>
    %mul3A_88 = arith.mulf %get3A_87, %mul3A : vector<10000x128xf32>
    %swap3A_89 = arith.constant 0 : index
    %swap3A_90 = arith.constant 0 : index
    %swap3A_91 = vector.load %arg11[%swap3A_89, %swap3A_90] : memref<10000x128xf32, #tpu.memory_space<vmem>>, vector<10000x128xf32>
    tpu.vector_store %arg11[%swap3A_89, %swap3A_90], %mul3A_88 {strides = array<i32>} : memref<10000x128xf32, #tpu.memory_space<vmem>>, vector<10000x128xf32>,
    return
  }
}

module attributes {stable_mosaic.version = 14 : i64} {
  func.func @body(%arg0: memref<2x10240x128xf32, #tpu.memory_space<vmem>>, %arg1: memref<10240x1xf32, #tpu.memory_space<vmem>>, %arg2: memref<128x128xf32, #tpu.memory_space<vmem>>, %arg3: memref<1x128xf32, #tpu.memory_space<vmem>>, %arg4: memref<10240x128xf32, #tpu.memory_space<vmem>>) attributes {dimension_semantics = [], scalar_prefetch = 0 : i64, scratch_operands = 0 : i64, tpu.core_type = #tpu.core_type<tc>} {
    %get3A = arith.constant 0 : index
    %get3A_0 = arith.constant 0 : index
    %get3A_1 = arith.constant 0 : index
    %get3A_2 = vector.load %arg0[%get3A, %get3A_0, %get3A_1] : memref<2x10240x128xf32, #tpu.memory_space<vmem>>, vector<1x10240x128xf32>
    %get3A_3 = vector.shape_cast %get3A_2 : vector<1x10240x128xf32> to vector<10240x128xf32>
    %get3A_4 = arith.constant 1 : index
    %get3A_5 = arith.constant 0 : index
    %get3A_6 = arith.constant 0 : index
    %get3A_7 = vector.load %arg0[%get3A_4, %get3A_5, %get3A_6] : memref<2x10240x128xf32, #tpu.memory_space<vmem>>, vector<1x10240x128xf32>
    %get3A_8 = vector.shape_cast %get3A_7 : vector<1x10240x128xf32> to vector<10240x128xf32>
    %add3A = arith.addf %get3A_3, %get3A_8 : vector<10240x128xf32>
    %get3A_9 = arith.constant 0 : index
    %get3A_10 = arith.constant 0 : index
    %get3A_11 = vector.load %arg1[%get3A_9, %get3A_10] : memref<10240x1xf32, #tpu.memory_space<vmem>>, vector<10240x1xf32>
    %mul3A = vector.broadcast %get3A_11 : vector<10240x1xf32> to vector<10240x128xf32>
    %mul3A_12 = arith.mulf %add3A, %mul3A : vector<10240x128xf32>
    %get3A_13 = arith.constant 0 : index
    %get3A_14 = arith.constant 0 : index
    %get3A_15 = vector.load %arg2[%get3A_13, %get3A_14] : memref<128x128xf32, #tpu.memory_space<vmem>>, vector<128x128xf32>
    %dot_general3A = arith.constant dense<0.000000e+00> : vector<10240x128xf32>
    %dot_general3A_16 = tpu.matmul %mul3A_12, %get3A_15, %dot_general3A {dimension_numbers = #tpu.dot_dimension_numbers<[1], [0], [0], [1], [0, 0, 1, 1], [], []>, precision = #tpu.contract_precision<fp32>, transpose_lhs_hint = false} : vector<10240x128xf32>, vector<128x128xf32>, vector<10240x128xf32> -> vector<10240x128xf32>
    %get3A_17 = arith.constant 0 : index
    %get3A_18 = arith.constant 0 : index
    %get3A_19 = vector.load %arg3[%get3A_17, %get3A_18] : memref<1x128xf32, #tpu.memory_space<vmem>>, vector<1x128xf32>
    %add3A_20 = vector.broadcast %get3A_19 : vector<1x128xf32> to vector<10240x128xf32>
    %add3A_21 = arith.addf %dot_general3A_16, %add3A_20 : vector<10240x128xf32>
    %max3A = arith.constant 0.000000e+00 : f32
    %max3A_22 = vector.broadcast %max3A : f32 to vector<10240x128xf32>
    %max3A_23 = arith.maximumf %add3A_21, %max3A_22 : vector<10240x128xf32>
    %swap3A = arith.constant 0 : index
    %swap3A_24 = arith.constant 0 : index
    %swap3A_25 = vector.load %arg4[%swap3A, %swap3A_24] : memref<10240x128xf32, #tpu.memory_space<vmem>>, vector<10240x128xf32>
    tpu.vector_store %arg4[%swap3A, %swap3A_24], %max3A_23 {strides = array<i32>} : memref<10240x128xf32, #tpu.memory_space<vmem>>, vector<10240x128xf32>,
    return
  }
}

module attributes {stable_mosaic.version = 14 : i64} {
  func.func @body(%arg0: memref<2x2560x128xf32, #tpu.memory_space<vmem>>, %arg1: memref<2560x1xf32, #tpu.memory_space<vmem>>, %arg2: memref<2560x128xf32, #tpu.memory_space<vmem>>) attributes {dimension_semantics = [], scalar_prefetch = 0 : i64, scratch_operands = 0 : i64, tpu.core_type = #tpu.core_type<tc>} {
    %get3A = arith.constant 0 : index
    %get3A_0 = arith.constant 0 : index
    %get3A_1 = arith.constant 0 : index
    %get3A_2 = vector.load %arg0[%get3A, %get3A_0, %get3A_1] : memref<2x2560x128xf32, #tpu.memory_space<vmem>>, vector<1x2560x128xf32>
    %get3A_3 = vector.shape_cast %get3A_2 : vector<1x2560x128xf32> to vector<2560x128xf32>
    %get3A_4 = arith.constant 1 : index
    %get3A_5 = arith.constant 0 : index
    %get3A_6 = arith.constant 0 : index
    %get3A_7 = vector.load %arg0[%get3A_4, %get3A_5, %get3A_6] : memref<2x2560x128xf32, #tpu.memory_space<vmem>>, vector<1x2560x128xf32>
    %get3A_8 = vector.shape_cast %get3A_7 : vector<1x2560x128xf32> to vector<2560x128xf32>
    %add3A = arith.addf %get3A_3, %get3A_8 : vector<2560x128xf32>
    %get3A_9 = arith.constant 0 : index
    %get3A_10 = arith.constant 0 : index
    %get3A_11 = vector.load %arg1[%get3A_9, %get3A_10] : memref<2560x1xf32, #tpu.memory_space<vmem>>, vector<2560x1xf32>
    %mul3A = vector.broadcast %get3A_11 : vector<2560x1xf32> to vector<2560x128xf32>
    %mul3A_12 = arith.mulf %add3A, %mul3A : vector<2560x128xf32>
    %swap3A = arith.constant 0 : index
    %swap3A_13 = arith.constant 0 : index
    %swap3A_14 = vector.load %arg2[%swap3A, %swap3A_13] : memref<2560x128xf32, #tpu.memory_space<vmem>>, vector<2560x128xf32>
    tpu.vector_store %arg2[%swap3A, %swap3A_13], %mul3A_12 {strides = array<i32>} : memref<2560x128xf32, #tpu.memory_space<vmem>>, vector<2560x128xf32>,
    return
  }
}

module attributes {stable_mosaic.version = 14 : i64} {
  func.func @body(%arg0: memref<2x2560x128xf32, #tpu.memory_space<vmem>>, %arg1: memref<2560x1xf32, #tpu.memory_space<vmem>>, %arg2: memref<128x128xf32, #tpu.memory_space<vmem>>, %arg3: memref<1x128xf32, #tpu.memory_space<vmem>>, %arg4: memref<2560x128xf32, #tpu.memory_space<vmem>>) attributes {dimension_semantics = [], scalar_prefetch = 0 : i64, scratch_operands = 0 : i64, tpu.core_type = #tpu.core_type<tc>} {
    %get3A = arith.constant 0 : index
    %get3A_0 = arith.constant 0 : index
    %get3A_1 = arith.constant 0 : index
    %get3A_2 = vector.load %arg0[%get3A, %get3A_0, %get3A_1] : memref<2x2560x128xf32, #tpu.memory_space<vmem>>, vector<1x2560x128xf32>
    %get3A_3 = vector.shape_cast %get3A_2 : vector<1x2560x128xf32> to vector<2560x128xf32>
    %get3A_4 = arith.constant 1 : index
    %get3A_5 = arith.constant 0 : index
    %get3A_6 = arith.constant 0 : index
    %get3A_7 = vector.load %arg0[%get3A_4, %get3A_5, %get3A_6] : memref<2x2560x128xf32, #tpu.memory_space<vmem>>, vector<1x2560x128xf32>
    %get3A_8 = vector.shape_cast %get3A_7 : vector<1x2560x128xf32> to vector<2560x128xf32>
    %add3A = arith.addf %get3A_3, %get3A_8 : vector<2560x128xf32>
    %get3A_9 = arith.constant 0 : index
    %get3A_10 = arith.constant 0 : index
    %get3A_11 = vector.load %arg1[%get3A_9, %get3A_10] : memref<2560x1xf32, #tpu.memory_space<vmem>>, vector<2560x1xf32>
    %mul3A = vector.broadcast %get3A_11 : vector<2560x1xf32> to vector<2560x128xf32>
    %mul3A_12 = arith.mulf %add3A, %mul3A : vector<2560x128xf32>
    %get3A_13 = arith.constant 0 : index
    %get3A_14 = arith.constant 0 : index
    %get3A_15 = vector.load %arg2[%get3A_13, %get3A_14] : memref<128x128xf32, #tpu.memory_space<vmem>>, vector<128x128xf32>
    %dot_general3A = arith.constant dense<0.000000e+00> : vector<2560x128xf32>
    %dot_general3A_16 = tpu.matmul %mul3A_12, %get3A_15, %dot_general3A {dimension_numbers = #tpu.dot_dimension_numbers<[1], [0], [0], [1], [0, 0, 1, 1], [], []>, precision = #tpu.contract_precision<fp32>, transpose_lhs_hint = false} : vector<2560x128xf32>, vector<128x128xf32>, vector<2560x128xf32> -> vector<2560x128xf32>
    %get3A_17 = arith.constant 0 : index
    %get3A_18 = arith.constant 0 : index
    %get3A_19 = vector.load %arg3[%get3A_17, %get3A_18] : memref<1x128xf32, #tpu.memory_space<vmem>>, vector<1x128xf32>
    %add3A_20 = vector.broadcast %get3A_19 : vector<1x128xf32> to vector<2560x128xf32>
    %add3A_21 = arith.addf %dot_general3A_16, %add3A_20 : vector<2560x128xf32>
    %max3A = arith.constant 0.000000e+00 : f32
    %max3A_22 = vector.broadcast %max3A : f32 to vector<2560x128xf32>
    %max3A_23 = arith.maximumf %add3A_21, %max3A_22 : vector<2560x128xf32>
    %swap3A = arith.constant 0 : index
    %swap3A_24 = arith.constant 0 : index
    %swap3A_25 = vector.load %arg4[%swap3A, %swap3A_24] : memref<2560x128xf32, #tpu.memory_space<vmem>>, vector<2560x128xf32>
    tpu.vector_store %arg4[%swap3A, %swap3A_24], %max3A_23 {strides = array<i32>} : memref<2560x128xf32, #tpu.memory_space<vmem>>, vector<2560x128xf32>,
    return
  }
}

module attributes {stable_mosaic.version = 14 : i64} {
  func.func @body(%arg0: memref<2x640x128xf32, #tpu.memory_space<vmem>>, %arg1: memref<640x1xf32, #tpu.memory_space<vmem>>, %arg2: memref<640x128xf32, #tpu.memory_space<vmem>>) attributes {dimension_semantics = [], scalar_prefetch = 0 : i64, scratch_operands = 0 : i64, tpu.core_type = #tpu.core_type<tc>} {
    %get3A = arith.constant 0 : index
    %get3A_0 = arith.constant 0 : index
    %get3A_1 = arith.constant 0 : index
    %get3A_2 = vector.load %arg0[%get3A, %get3A_0, %get3A_1] : memref<2x640x128xf32, #tpu.memory_space<vmem>>, vector<1x640x128xf32>
    %get3A_3 = vector.shape_cast %get3A_2 : vector<1x640x128xf32> to vector<640x128xf32>
    %get3A_4 = arith.constant 1 : index
    %get3A_5 = arith.constant 0 : index
    %get3A_6 = arith.constant 0 : index
    %get3A_7 = vector.load %arg0[%get3A_4, %get3A_5, %get3A_6] : memref<2x640x128xf32, #tpu.memory_space<vmem>>, vector<1x640x128xf32>
    %get3A_8 = vector.shape_cast %get3A_7 : vector<1x640x128xf32> to vector<640x128xf32>
    %add3A = arith.addf %get3A_3, %get3A_8 : vector<640x128xf32>
    %get3A_9 = arith.constant 0 : index
    %get3A_10 = arith.constant 0 : index
    %get3A_11 = vector.load %arg1[%get3A_9, %get3A_10] : memref<640x1xf32, #tpu.memory_space<vmem>>, vector<640x1xf32>
    %mul3A = vector.broadcast %get3A_11 : vector<640x1xf32> to vector<640x128xf32>
    %mul3A_12 = arith.mulf %add3A, %mul3A : vector<640x128xf32>
    %swap3A = arith.constant 0 : index
    %swap3A_13 = arith.constant 0 : index
    %swap3A_14 = vector.load %arg2[%swap3A, %swap3A_13] : memref<640x128xf32, #tpu.memory_space<vmem>>, vector<640x128xf32>
    tpu.vector_store %arg2[%swap3A, %swap3A_13], %mul3A_12 {strides = array<i32>} : memref<640x128xf32, #tpu.memory_space<vmem>>, vector<640x128xf32>,
    return
  }
}

module attributes {stable_mosaic.version = 14 : i64} {
  func.func @body(%arg0: memref<2x640x128xf32, #tpu.memory_space<vmem>>, %arg1: memref<640x1xf32, #tpu.memory_space<vmem>>, %arg2: memref<128x128xf32, #tpu.memory_space<vmem>>, %arg3: memref<1x128xf32, #tpu.memory_space<vmem>>, %arg4: memref<640x128xf32, #tpu.memory_space<vmem>>) attributes {dimension_semantics = [], scalar_prefetch = 0 : i64, scratch_operands = 0 : i64, tpu.core_type = #tpu.core_type<tc>} {
    %get3A = arith.constant 0 : index
    %get3A_0 = arith.constant 0 : index
    %get3A_1 = arith.constant 0 : index
    %get3A_2 = vector.load %arg0[%get3A, %get3A_0, %get3A_1] : memref<2x640x128xf32, #tpu.memory_space<vmem>>, vector<1x640x128xf32>
    %get3A_3 = vector.shape_cast %get3A_2 : vector<1x640x128xf32> to vector<640x128xf32>
    %get3A_4 = arith.constant 1 : index
    %get3A_5 = arith.constant 0 : index
    %get3A_6 = arith.constant 0 : index
    %get3A_7 = vector.load %arg0[%get3A_4, %get3A_5, %get3A_6] : memref<2x640x128xf32, #tpu.memory_space<vmem>>, vector<1x640x128xf32>
    %get3A_8 = vector.shape_cast %get3A_7 : vector<1x640x128xf32> to vector<640x128xf32>
    %add3A = arith.addf %get3A_3, %get3A_8 : vector<640x128xf32>
    %get3A_9 = arith.constant 0 : index
    %get3A_10 = arith.constant 0 : index
    %get3A_11 = vector.load %arg1[%get3A_9, %get3A_10] : memref<640x1xf32, #tpu.memory_space<vmem>>, vector<640x1xf32>
    %mul3A = vector.broadcast %get3A_11 : vector<640x1xf32> to vector<640x128xf32>
    %mul3A_12 = arith.mulf %add3A, %mul3A : vector<640x128xf32>
    %get3A_13 = arith.constant 0 : index
    %get3A_14 = arith.constant 0 : index
    %get3A_15 = vector.load %arg2[%get3A_13, %get3A_14] : memref<128x128xf32, #tpu.memory_space<vmem>>, vector<128x128xf32>
    %dot_general3A = arith.constant dense<0.000000e+00> : vector<640x128xf32>
    %dot_general3A_16 = tpu.matmul %mul3A_12, %get3A_15, %dot_general3A {dimension_numbers = #tpu.dot_dimension_numbers<[1], [0], [0], [1], [0, 0, 1, 1], [], []>, precision = #tpu.contract_precision<fp32>, transpose_lhs_hint = false} : vector<640x128xf32>, vector<128x128xf32>, vector<640x128xf32> -> vector<640x128xf32>
    %get3A_17 = arith.constant 0 : index
    %get3A_18 = arith.constant 0 : index
    %get3A_19 = vector.load %arg3[%get3A_17, %get3A_18] : memref<1x128xf32, #tpu.memory_space<vmem>>, vector<1x128xf32>
    %add3A_20 = vector.broadcast %get3A_19 : vector<1x128xf32> to vector<640x128xf32>
    %add3A_21 = arith.addf %dot_general3A_16, %add3A_20 : vector<640x128xf32>
    %max3A = arith.constant 0.000000e+00 : f32
    %max3A_22 = vector.broadcast %max3A : f32 to vector<640x128xf32>
    %max3A_23 = arith.maximumf %add3A_21, %max3A_22 : vector<640x128xf32>
    %swap3A = arith.constant 0 : index
    %swap3A_24 = arith.constant 0 : index
    %swap3A_25 = vector.load %arg4[%swap3A, %swap3A_24] : memref<640x128xf32, #tpu.memory_space<vmem>>, vector<640x128xf32>
    tpu.vector_store %arg4[%swap3A, %swap3A_24], %max3A_23 {strides = array<i32>} : memref<640x128xf32, #tpu.memory_space<vmem>>, vector<640x128xf32>,
    return
  }
}

module attributes {stable_mosaic.version = 14 : i64} {
  func.func @body(%arg0: i32, %arg1: memref<2560x128xf32, #tpu.memory_space<vmem>>, %arg2: memref<2560x128xf32, #tpu.memory_space<vmem>>, %arg3: memref<2560x1xf32, #tpu.memory_space<vmem>>, %arg4: memref<2560x128xf32, #tpu.memory_space<vmem>>) attributes {dimension_semantics = [#tpu.dimension_semantics<arbitrary>], iteration_bounds = array<i64: 1>, scalar_prefetch = 0 : i64, scratch_operands = 0 : i64, tpu.core_type = #tpu.core_type<tc>, window_params = [{transform_indices = @transform_0, window_bounds = array<i64: 2560, 128>}, {pipeline_mode = #tpu.pipeline_mode<synchronous>, transform_indices = @transform_1, window_bounds = array<i64: 2560, 128>}, {pipeline_mode = #tpu.pipeline_mode<synchronous>, transform_indices = @transform_2, window_bounds = array<i64: 2560, 1>}, {pipeline_mode = #tpu.pipeline_mode<synchronous>, transform_indices = @transform_3, window_bounds = array<i64: 2560, 128>}]} {
    %get3A = arith.constant 0 : index
    %get3A_0 = arith.constant 0 : index
    %get3A_1 = vector.load %arg1[%get3A, %get3A_0] : memref<2560x128xf32, #tpu.memory_space<vmem>>, vector<2560x128xf32>
    %get3A_2 = arith.constant 0 : index
    %get3A_3 = arith.constant 0 : index
    %get3A_4 = vector.load %arg2[%get3A_2, %get3A_3] : memref<2560x128xf32, #tpu.memory_space<vmem>>, vector<2560x128xf32>
    %add3A = arith.addf %get3A_1, %get3A_4 : vector<2560x128xf32>
    %get3A_5 = arith.constant 0 : index
    %get3A_6 = arith.constant 0 : index
    %get3A_7 = vector.load %arg3[%get3A_5, %get3A_6] : memref<2560x1xf32, #tpu.memory_space<vmem>>, vector<2560x1xf32>
    %mul3A = vector.broadcast %get3A_7 : vector<2560x1xf32> to vector<2560x128xf32>
    %mul3A_8 = arith.mulf %add3A, %mul3A : vector<2560x128xf32>
    %swap3A = arith.constant 0 : index
    %swap3A_9 = arith.constant 0 : index
    %swap3A_10 = vector.load %arg4[%swap3A, %swap3A_9] : memref<2560x128xf32, #tpu.memory_space<vmem>>, vector<2560x128xf32>
    tpu.vector_store %arg4[%swap3A, %swap3A_9], %mul3A_8 {strides = array<i32>} : memref<2560x128xf32, #tpu.memory_space<vmem>>, vector<2560x128xf32>,
    return
  }
  func.func @transform_0(%arg0: i32) -> (i32, i32) {
    %c0_i32 = arith.constant 0 : i32
    %c0_i32_0 = arith.constant 0 : i32
    %c0_i32_1 = arith.constant 0 : i32
    return %c0_i32, %c0_i32_0 : i32, i32
  }
  func.func @transform_1(%arg0: i32) -> (i32, i32) {
    %c0_i32 = arith.constant 0 : i32
    %c0_i32_0 = arith.constant 0 : i32
    %c0_i32_1 = arith.constant 0 : i32
    return %c0_i32, %c0_i32_0 : i32, i32
  }
  func.func @transform_2(%arg0: i32) -> (i32, i32) {
    %c0_i32 = arith.constant 0 : i32
    %c0_i32_0 = arith.constant 0 : i32
    %c0_i32_1 = arith.constant 0 : i32
    return %c0_i32, %c0_i32_0 : i32, i32
  }
  func.func @transform_3(%arg0: i32) -> (i32, i32) {
    %c0_i32 = arith.constant 0 : i32
    %c0_i32_0 = arith.constant 0 : i32
    %c0_i32_1 = arith.constant 0 : i32
    return %c0_i32, %c0_i32_0 : i32, i32
  }
}

module attributes {stable_mosaic.version = 14 : i64} {
  func.func @body(%arg0: i32, %arg1: memref<10240x128xf32, #tpu.memory_space<vmem>>, %arg2: memref<10240x128xf32, #tpu.memory_space<vmem>>, %arg3: memref<10240x1xf32, #tpu.memory_space<vmem>>, %arg4: memref<10240x128xf32, #tpu.memory_space<vmem>>) attributes {dimension_semantics = [#tpu.dimension_semantics<arbitrary>], iteration_bounds = array<i64: 1>, scalar_prefetch = 0 : i64, scratch_operands = 0 : i64, tpu.core_type = #tpu.core_type<tc>, window_params = [{transform_indices = @transform_0, window_bounds = array<i64: 10240, 128>}, {pipeline_mode = #tpu.pipeline_mode<synchronous>, transform_indices = @transform_1, window_bounds = array<i64: 10240, 128>}, {pipeline_mode = #tpu.pipeline_mode<synchronous>, transform_indices = @transform_2, window_bounds = array<i64: 10240, 1>}, {pipeline_mode = #tpu.pipeline_mode<synchronous>, transform_indices = @transform_3, window_bounds = array<i64: 10240, 128>}]} {
    %get3A = arith.constant 0 : index
    %get3A_0 = arith.constant 0 : index
    %get3A_1 = vector.load %arg1[%get3A, %get3A_0] : memref<10240x128xf32, #tpu.memory_space<vmem>>, vector<10240x128xf32>
    %get3A_2 = arith.constant 0 : index
    %get3A_3 = arith.constant 0 : index
    %get3A_4 = vector.load %arg2[%get3A_2, %get3A_3] : memref<10240x128xf32, #tpu.memory_space<vmem>>, vector<10240x128xf32>
    %add3A = arith.addf %get3A_1, %get3A_4 : vector<10240x128xf32>
    %get3A_5 = arith.constant 0 : index
    %get3A_6 = arith.constant 0 : index
    %get3A_7 = vector.load %arg3[%get3A_5, %get3A_6] : memref<10240x1xf32, #tpu.memory_space<vmem>>, vector<10240x1xf32>
    %mul3A = vector.broadcast %get3A_7 : vector<10240x1xf32> to vector<10240x128xf32>
    %mul3A_8 = arith.mulf %add3A, %mul3A : vector<10240x128xf32>
    %swap3A = arith.constant 0 : index
    %swap3A_9 = arith.constant 0 : index
    %swap3A_10 = vector.load %arg4[%swap3A, %swap3A_9] : memref<10240x128xf32, #tpu.memory_space<vmem>>, vector<10240x128xf32>
    tpu.vector_store %arg4[%swap3A, %swap3A_9], %mul3A_8 {strides = array<i32>} : memref<10240x128xf32, #tpu.memory_space<vmem>>, vector<10240x128xf32>,
    return
  }
  func.func @transform_0(%arg0: i32) -> (i32, i32) {
    %c0_i32 = arith.constant 0 : i32
    %c0_i32_0 = arith.constant 0 : i32
    %c0_i32_1 = arith.constant 0 : i32
    return %c0_i32, %c0_i32_0 : i32, i32
  }
  func.func @transform_1(%arg0: i32) -> (i32, i32) {
    %c0_i32 = arith.constant 0 : i32
    %c0_i32_0 = arith.constant 0 : i32
    %c0_i32_1 = arith.constant 0 : i32
    return %c0_i32, %c0_i32_0 : i32, i32
  }
  func.func @transform_2(%arg0: i32) -> (i32, i32) {
    %c0_i32 = arith.constant 0 : i32
    %c0_i32_0 = arith.constant 0 : i32
    %c0_i32_1 = arith.constant 0 : i32
    return %c0_i32, %c0_i32_0 : i32, i32
  }
  func.func @transform_3(%arg0: i32) -> (i32, i32) {
    %c0_i32 = arith.constant 0 : i32
    %c0_i32_0 = arith.constant 0 : i32
    %c0_i32_1 = arith.constant 0 : i32
    return %c0_i32, %c0_i32_0 : i32, i32
  }
}

module attributes {stable_mosaic.version = 14 : i64} {
  func.func @body(%arg0: memref<2x10240x128xf32, #tpu.memory_space<vmem>>, %arg1: memref<10240x1xf32, #tpu.memory_space<vmem>>, %arg2: memref<128x128xf32, #tpu.memory_space<vmem>>, %arg3: memref<1x128xf32, #tpu.memory_space<vmem>>, %arg4: memref<10240x128xf32, #tpu.memory_space<vmem>>) attributes {dimension_semantics = [], scalar_prefetch = 0 : i64, scratch_operands = 0 : i64, tpu.core_type = #tpu.core_type<tc>} {
    %get3A = arith.constant 0 : index
    %get3A_0 = arith.constant 0 : index
    %get3A_1 = arith.constant 0 : index
    %get3A_2 = vector.load %arg0[%get3A, %get3A_0, %get3A_1] : memref<2x10240x128xf32, #tpu.memory_space<vmem>>, vector<1x10240x128xf32>
    %get3A_3 = vector.shape_cast %get3A_2 : vector<1x10240x128xf32> to vector<10240x128xf32>
    %get3A_4 = arith.constant 1 : index
    %get3A_5 = arith.constant 0 : index
    %get3A_6 = arith.constant 0 : index
    %get3A_7 = vector.load %arg0[%get3A_4, %get3A_5, %get3A_6] : memref<2x10240x128xf32, #tpu.memory_space<vmem>>, vector<1x10240x128xf32>
    %get3A_8 = vector.shape_cast %get3A_7 : vector<1x10240x128xf32> to vector<10240x128xf32>
    %add3A = arith.addf %get3A_3, %get3A_8 : vector<10240x128xf32>
    %get3A_9 = arith.constant 0 : index
    %get3A_10 = arith.constant 0 : index
    %get3A_11 = vector.load %arg1[%get3A_9, %get3A_10] : memref<10240x1xf32, #tpu.memory_space<vmem>>, vector<10240x1xf32>
    %mul3A = vector.broadcast %get3A_11 : vector<10240x1xf32> to vector<10240x128xf32>
    %mul3A_12 = arith.mulf %add3A, %mul3A : vector<10240x128xf32>
    %get3A_13 = arith.constant 0 : index
    %get3A_14 = arith.constant 0 : index
    %get3A_15 = vector.load %arg2[%get3A_13, %get3A_14] : memref<128x128xf32, #tpu.memory_space<vmem>>, vector<128x128xf32>
    %dot_general3A = arith.constant dense<0.000000e+00> : vector<10240x128xf32>
    %dot_general3A_16 = tpu.matmul %mul3A_12, %get3A_15, %dot_general3A {dimension_numbers = #tpu.dot_dimension_numbers<[1], [0], [0], [1], [0, 0, 1, 1], [], []>, precision = #tpu.contract_precision<fp32>, transpose_lhs_hint = false} : vector<10240x128xf32>, vector<128x128xf32>, vector<10240x128xf32> -> vector<10240x128xf32>
    %get3A_17 = arith.constant 0 : index
    %get3A_18 = arith.constant 0 : index
    %get3A_19 = vector.load %arg3[%get3A_17, %get3A_18] : memref<1x128xf32, #tpu.memory_space<vmem>>, vector<1x128xf32>
    %add3A_20 = vector.broadcast %get3A_19 : vector<1x128xf32> to vector<10240x128xf32>
    %add3A_21 = arith.addf %dot_general3A_16, %add3A_20 : vector<10240x128xf32>
    %swap3A = arith.constant 0 : index
    %swap3A_22 = arith.constant 0 : index
    %swap3A_23 = vector.load %arg4[%swap3A, %swap3A_22] : memref<10240x128xf32, #tpu.memory_space<vmem>>, vector<10240x128xf32>
    tpu.vector_store %arg4[%swap3A, %swap3A_22], %add3A_21 {strides = array<i32>} : memref<10240x128xf32, #tpu.memory_space<vmem>>, vector<10240x128xf32>,
    return
  }
}

</mosaic_0001>

<sc_bundles>
// kernel: kernel.22.cloned.1.call-start
scs
__scs_entry_jumppad:
0x0: {  	(pc) =	sbr.rel $0x88, $3  }
0x1: {  	(tag) =	ssettag $0x0;
	lr =	simm.s32 $0x1  }
0x2: {  	[smem:$0x3F91] =	sst lr;
	_ =	strace $0xD0000000  }
0x3: {  	_ = 	snop  }
0x4: {  	_ = 	snop  }
0x5: {  	_ = 	snop  }
0x6: {  	_ = 	snop  }
0x7: {  	_ = 	snop  }
__scs_overlays_trampoline_lowered:
0x8: {  	[smem:$0x3FA0] =	sst s0  }
0x9: {  	[smem:$0x3FA1] =	sst s1  }
0xa: {  	[smem:$0x3FA2] =	sst s2  }
0xb: {  	[smem:$0x3FA3] =	sst s3  }
0xc: {  	[smem:$0x3FA4] =	sst s4  }
0xd: {  	[smem:$0x3FA5] =	sst s5  }
0xe: {  	[smem:$0x3FA6] =	sst s6  }
0xf: {  	[smem:$0x3FA7] =	sst s7  }
0x10: {  	[smem:$0x3FA8] =	sst s8  }
0x11: {  	[smem:$0x3FA9] =	sst s9;
	s0 =	simm.s32 @!p0 $0x0  }
0x12: {  	s1 =	sld [smem:$0x3F8F];
	s0 =	simm.s32 @p0 $0x1  }
0x13: {  	[smem:$0x3FAA] =	sst s0;
	s0 =	simm.s32 @!p1 $0x0  }
0x14: {  	s2 =	sld [smem:$0x3F8E];
	s0 =	simm.s32 @p1 $0x1  }
0x15: {  	[smem:$0x3FAB] =	sst s0;
	s0 =	simm.s32 @!p2 $0x0  }
0x16: {  	s3 =	sld [smem:$0x3FDB];
	s0 =	simm.s32 @p2 $0x1  }
0x17: {  	s4 =	simm.s32 $0x1BF5;
	[smem:$0x3FAD] =	sst s0  }
0x18: {  	s0 =	sld [smem:$0x3F90];
	_ =	swait.ge [sflag:s4], $0x0  }
0x19: {  	s7 =	sld [smem:$0x3F91]  }
0x1a: {  	s8 =	sadd.s32 $0xFFFFE003, lr  }
0x1b: {  	s9 =	sadd.s32 $0xFFFFFEF7, lr;
	s5 =	simm.s32 $0xFFFFFFFF;
	p2 =	slt.u32 s8, $0xFFFFF086  }
0x1c: {  	p1 =	slt.u32 s9, $0xF7A;
	s5 =	simm.s32 @!p2 $0x0  }
0x1d: {  	s5 =	simm.s32 @p1 $0x1;
	p0 =	seq.s32 s7, s2  }
0x1e: {  	s7 =	smul.u32 @!p0 $0xF7A, s2;
	p2 =	seq.s32 @!p0 s5, $0x0  }
0x1f: {  	s9 =	smul.u32 $0xF7A, s1;
	s8 =	simm.s32 @!p0 $0x1BF5;
	p2 =	por !p2, p0  }
0x20: {  	[sflag:s8] =	ssyncset.s32 @!p0 $0xFFFFF086;
	s6 =	sadd.s32 @!p0 s3, s7;
	s7 =	simm.s32 @!p0 $0x108  }
0x21: {  	s3 =	sadd.s32 s3, s9;
	s6 =	sadd.s32 @!p0 $0x88, s6;
	s7 =	simm.s32 @p2 $0x1082  }
0x22: {  	[simem:s7], [sflag:s8] =	dma.local @!p0 [hbm:s6], $0xF7A  }
0x23: {  	s9 =	sor.u32 $0xD0000000, s2;
	s6 =	simm.s32 $0x108;
	_ =	swait.ge @!p0 [sflag:s8], $0x0  }
0x24: {  	s3 =	sadd.s32 $0x88, s3;
	s6 =	simm.s32 @!p1 $0x1082;
	[sflag:s4] =	ssyncset.s32 $0xFFFFF086  }
0x25: {  	[simem:s6], [sflag:s4] =	dma.local [hbm:s3], $0xF7A  }
0x26: {  	[smem:$0x3F91] =	sst s1;
	(tag) =	ssettag s2;
	_ =	strace s9  }
0x27: {  	s1 =	sld [smem:$0x3FA1]  }
0x28: {  	s2 =	sld [smem:$0x3FA2]  }
0x29: {  	s4 =	sld [smem:$0x3FA4]  }
0x2a: {  	p0 =	seq.s32 s5, $0x0;
	s5 =	sld [smem:$0x3FA5]  }
0x2b: {  	s6 =	sld [smem:$0x3FA6]  }
0x2c: {  	s7 =	sld [smem:$0x3FA7]  }
0x2d: {  	s3 =	simm.s32 $0x108;
	s8 =	sld [smem:$0x3FA8]  }
0x2e: {  	s3 =	simm.s32 @!p0 $0x1082;
	s9 =	sld [smem:$0x3FA9]  }
0x2f: {  	lr =	sadd.s32 s0, s3;
	s0 =	sld [smem:$0x3FA0]  }
0x30: {  	s3 =	sld [smem:$0x3FA3]  }
0x31: {  	[smem:$0x3FAC] =	sst s10  }
0x32: {  	s10 =	sld [smem:$0x3FAA];
	_ =	sdelay $0x3  }
0x33: {  	p0 =	seq.s32 s10, $0x1;
	s10 =	sld [smem:$0x3FAC];
	_ =	sdelay $0x3  }
0x34: {  	[smem:$0x3FAC] =	sst s10  }
0x35: {  	s10 =	sld [smem:$0x3FAB];
	_ =	sdelay $0x3  }
0x36: {  	p1 =	seq.s32 s10, $0x1;
	s10 =	sld [smem:$0x3FAC];
	_ =	sdelay $0x3  }
0x37: {  	[smem:$0x3FAC] =	sst s10  }
0x38: {  	s10 =	sld [smem:$0x3FAD]  }
0x39: {  	_ = 	snop;
	(pc) =	sbr.ind lr, $3  }
0x3a: {  	_ = 	snop  }
0x3b: {  	_ = 	snop  }
0x3c: {  	p2 =	seq.s32 s10, $0x1;
	s10 =	sld [smem:$0x3FAC]  }
0x3d: {  	_ =	shalt  }
0x3e: {  	_ =	shalt  }
0x3f: {  	_ =	shalt  }
0x40: {  	_ =	shalt  }
0x41: {  	_ =	shalt  }
0x42: {  	_ =	shalt  }
0x43: {  	_ =	shalt  }
0x44: {  	_ =	shalt  }
0x45: {  	_ =	shalt  }
0x46: {  	_ =	shalt  }
0x47: {  	_ =	shalt  }
0x48: {  	_ =	shalt  }
0x49: {  	_ =	shalt  }
0x4a: {  	_ =	shalt  }
0x4b: {  	_ =	shalt  }
0x4c: {  	_ =	shalt  }
0x4d: {  	_ =	shalt  }
0x4e: {  	_ =	shalt  }
0x4f: {  	_ =	shalt  }
0x50: {  	_ =	shalt  }
0x51: {  	_ =	shalt  }
0x52: {  	_ =	shalt  }
0x53: {  	_ =	shalt  }
0x54: {  	_ =	shalt  }
0x55: {  	_ =	shalt  }
0x56: {  	_ =	shalt  }
0x57: {  	_ =	shalt  }
0x58: {  	_ =	shalt  }
0x59: {  	_ =	shalt  }
0x5a: {  	_ =	shalt  }
0x5b: {  	_ =	shalt  }
0x5c: {  	_ =	shalt  }
0x5d: {  	_ =	shalt  }
0x5e: {  	_ =	shalt  }
0x5f: {  	_ =	shalt  }
0x60: {  	_ =	shalt  }
0x61: {  	_ =	shalt  }
0x62: {  	_ =	shalt  }
0x63: {  	_ =	shalt  }
0x64: {  	_ =	shalt  }
0x65: {  	_ =	shalt  }
0x66: {  	_ =	shalt  }
0x67: {  	_ =	shalt  }
0x68: {  	_ =	shalt  }
0x69: {  	_ =	shalt  }
0x6a: {  	_ =	shalt  }
0x6b: {  	_ =	shalt  }
0x6c: {  	_ =	shalt  }
0x6d: {  	_ =	shalt  }
0x6e: {  	_ =	shalt  }
0x6f: {  	_ =	shalt  }
0x70: {  	_ =	shalt  }
0x71: {  	_ =	shalt  }
0x72: {  	_ =	shalt  }
0x73: {  	_ =	shalt  }
0x74: {  	_ =	shalt  }
0x75: {  	_ =	shalt  }
0x76: {  	_ =	shalt  }
0x77: {  	_ =	shalt  }
0x78: {  	_ =	shalt  }
0x79: {  	_ =	shalt  }
0x7a: {  	_ =	shalt  }
0x7b: {  	_ =	shalt  }
0x7c: {  	_ =	shalt  }
0x7d: {  	_ =	shalt  }
0x7e: {  	_ =	shalt  }
0x7f: {  	_ =	shalt  }
0x80: {  	_ =	shalt  }
0x81: {  	_ =	shalt  }
0x82: {  	_ =	shalt  }
0x83: {  	_ =	shalt  }
0x84: {  	_ =	shalt  }
0x85: {  	_ =	shalt  }
0x86: {  	_ =	shalt  }
0x87: {  	_ =	shalt  }
.Lfunc_end0:
.L_simem_size_0:
called_computation_lowered:
.L_overlay_start_0:
0x88: {  	s2 =	sld [smem:$0x3FD9]  }
0x89: {  	s3 =	sld [smem:$0x3FFE];
	_ =	sdelay $0x1  }
0x8a: {  	s1 =	srdreg.scid  }
0x8b: {  	s0 =	sand.u32 $0x1, s1  }
0x8c: {  	s17 =	sshll.u32 s0, $0xA;
	s2 =	sadd.s32 s3, s2  }
0x8d: {  	s2 =	sadd.s32 s2, s17  }
0x8e: {  	[smem:$0x3FB8] =	sst s2  }
0x8f: {  	_ = 	snop  }
0x90: {  	s2 =	sld [smem:$0x3FD0];
	(tm) =	ssettm $0x1  }
0x91: {  	s18 =	sld [smem:$0x3FFB];
	_ =	sdelay $0x3  }
0x92: {  	_ =	strace s18  }
0x93: {  	s3 =	sld [smem:$0x3FFC];
	_ =	sdelay $0x3  }
0x94: {  	_ =	strace s3  }
0x95: {  	s3 =	sld [smem:$0x3FFD];
	_ =	sdelay $0x3  }
0x96: {  	_ =	strace s3  }
0x97: {  	_ =	strace $0x8FFFFFFF  }
0x98: {  	s19 =	sld [smem:$0x3FDB];
	_ =	sdelay $0x1  }
0x99: {  	s4 =	simm.s32 $_scs_section_size  }
0x9a: {  	s5 =	simm.s32 $_size__tile_overlayer_lowered;
	s6 =	simm.s32 $_tile_overlayer_lowered  }
0x9b: {  	s22 =	simm.s32 $0x1BFF;
	s21 =	sshll.u32 s6, $0x1;
	s3 =	sadd.s32 s4, s19  }
0x9c: {  	s7 =	simm.s32 $0x0;
	s20 =	sshll.u32 s5, $0x1;
	s5 =	sadd.s32 s21, s3  }
0x9d: {  	[timem:s7], [sflag:s22] =	dma.local [hbm:s5], s20  }
0x9e: {  	_ =	swait.ge [sflag:s22], s20  }
0x9f: {  	s4 =	ssub.s32 $0x0, s20;
	[sflag:s22] =	ssyncset.done $0x0  }
0xa0: {  	[sflag:s22] =	ssyncadd.s32 s4;
	_ =	sdelay $0x1  }
0xa1: {  	s23 =	simm.s32 $0x1B8B  }
0xa2: {  	_ =	swait.ge [sflag:s23], $0x1  }
0xa3: {  	[sflag:s23] =	ssyncset.done $0x0  }
0xa4: {  	s25 =	simm.s32 $0x1B8E;
	s24 =	sld [smem:$0x3FFE];
	[sflag:s23] =	ssyncadd.s32 $0xFFFFFFFF  }
0xa5: {  	s26 =	simm.s32 $execute0_lowered;
	[smem:$0x3FD2] =	sst s25  }
0xa6: {  	s5 =	sshll.u32 s26, $0x1;
	_ =	strace $0x80000046;
	[dreg:$0x1] =	wrdreg $0xFFFFFFFF  }
0xa7: {  	s28 =	simm.s32 $_size_execute0_lowered;
	s3 =	sadd.s32 s3, s5;
	[dreg:$0x0] =	wrdreg $0x0  }
0xa8: {  	s5 =	sshll.u32 s28, $0x1;
	[dreg:$0x2] =	wrdreg s3  }
0xa9: {  	[dreg:$0x3] =	wrdreg s5  }
0xaa: {  	[dreg:$0x4] =	wrdreg $0xC0  }
0xab: {  	_ =	task [dreg:s7], $0x5FFFF  }
0xac: {  	[dreg:$0x1] =	wrdreg $0xFFFFFFFF  }
0xad: {  	[dreg:$0x0] =	wrdreg $0x60  }
0xae: {  	[dreg:$0x2] =	wrdreg s2  }
0xaf: {  	[dreg:$0x3] =	wrdreg s24  }
0xb0: {  	[dreg:$0x4] =	wrdreg $0x43800  }
0xb1: {  	[dreg:$0x5] =	wrdreg $0x9  }
0xb2: {  	_ =	task.clear_ibuf [dreg:s7], $0x6FFFF;
	_ =	strace $0x90000046  }
0xb3: {  	s29 =	simm.s32 $0x9;
	_ =	strace $0x80000048  }
0xb4: {  	_ =	swait.ge [sflag:s29], $0x1  }
0xb5: {  	[sflag:s29] =	ssyncadd.s32 $0xFFFFFFFF  }
0xb6: {  	_ =	strace $0x90000048  }
0xb7: {  	_ =	sfence  }
0xb8: {  	s30 =	sld [smem:$0x0];
	_ =	sdelay $0x2  }
0xb9: {  	s31 =	sshll.u32 s1, $0xD;
	s1 =	sshrl.u32 s1, $0x2  }
0xba: {  	s3 =	sand.u32 $0x4000, s31;
	s1 =	sadd.s32 s1, s30  }
0xbb: {  	s0 =	sor.u32 s3, s0;
	s1 =	sshll.u32 s1, $0x11  }
0xbc: {  	s0 =	sor.u32 s1, s0  }
0xbd: {  	s0 =	sadd.s32 $0x8F2B, s0  }
0xbe: {  	[sflag:s0] =	ssyncadd.remote.s32 $0x1  }
0xbf: {  	_ =	sfence.sel $0xFFFF  }
0xc0: {  	[dreg:$0x0] =	wrdreg $0xFFFFFFFF;
	(pc) =	sbr.abs _section_cstart, $3  }
0xc1: {  	[dreg:$0x1] =	wrdreg $0xFFFFFFFF  }
0xc2: {  	_ =	task.clear_ibuf [dreg:s7], $0x2FFFF;
	_ =	strace $0x9FFFFFFF  }
0xc3: {  	(tm) =	ssettm $0x7FFFFFFF  }
tec
execute0_lowered:
.L_overlay_start_1:
0x0: {  	(tag) =	ssettag $0x1  }
0x1: {  	s1 =	rddreg [dreg:$0x0]  }
0x2: {  	s4 =	rddreg [dreg:$0x1]  }
0x3: {  	s2 =	rddreg [dreg:$0x2]  }
0x4: {  	s0 =	rddreg [dreg:$0x3];
	s3 =	simm.s32 $0x0  }
0x5: {  	s5 =	srdreg.scid;
	s10 =	simm.s32 $0x300;
	s11 =	simm.s32 $0x80  }
0x6: {  	s12 =	simm.s32 $0x4300;
	[smem:$0x7FF] =	sst s3;
	s5 =	sand.u32 $0x1, s5  }
0x7: {  	_ =	strace $0x80000047;
	s6 =	sshll.u32 s5, $0xB;
	s7 =	ssub.s32 $0x2, s5  }
0x8: {  	s8 =	sadd.s32 s6, s4;
	s4 =	stileid.u32;
	s29 =	sshrl.u32 s7, $0x1  }
0x9: {  	s5 =	sshll.u32 s5, $0x4;
	s9 =	ssub.s32 s7, s29;
	s30 =	sshll.u32 s4, $0xA  }
0xa: {  	v0 =	vlaneseq.u32;
	s31 =	sor.u32 s4, s5;
	s13 =	sadd.s32 $0x7400, s8;
	s14 =	sshll.u32 s4, $0x7  }
0xb: {  	v1 =	vimm.f32 $0.0e+00;
	v9 =	vimm.f32 $1.000000000e+00;
	v2 =	vor.u32 $0x10, v0;
	s15 =	sshll.u32 s4, $0x6;
	s5 =	sadd.s32 s30, s2;
	s6 =	sor.u32 $0x300, s30  }
0xc: {  	v3 =	vor.u32 $0x20, v0;
	v4 =	vor.u32 $0x30, v0;
	v5 =	vor.u32 $0x40, v0;
	s7 =	smul.u32 $0x2F00, s31;
	s8 =	smax.u32 s9, $0x1;
	s9 =	simm.s32 $0x1  }
0xd: {  	v6 =	vor.u32 $0x50, v0;
	v7 =	vor.u32 $0x60, v0;
	v8 =	vor.u32 $0x70, v0;
	s13 =	sadd.s32 s14, s13;
	s14 =	sor.u32 $0x1C01, s15;
	s15 =	sshrl.u32 s5, $0x3  }
.LBB2_1:
0xe: {  	s16 =	simm.s32 $0x0;
	s17 =	simm.s32 $0x200  }
.LBB2_2:
0xf: {  	p0 =	sne.s32 s17, $0xFE00;
	[tilespmem:s16+$0x370] =	vst v1  }
0x10: {  	[tilespmem:s16+$0x300] =	vst v1  }
0x11: {  	[tilespmem:s16+$0x310] =	vst v1  }
.Ltmp0:
0x12: {  	[tilespmem:s16+$0x320] =	vst v1;
	(pc) =	sbr.rel @p0 .LBB2_2-.Ltmp0, $4  }
0x13: {  	[tilespmem:s16+$0x330] =	vst v1  }
0x14: {  	[tilespmem:s16+$0x340] =	vst v1  }
0x15: {  	[tilespmem:s16+$0x350] =	vst v1  }
0x16: {  	[tilespmem:s16+$0x360] =	vst v1;
	s16 =	sshra.s32 s17, $0x2;
	s17 =	sadd.s32 $0x200, s17  }
0x17: {  	[tilespmem:s16+$0x370] =	vst v1  }
0x18: {  	[tilespmem:s16+$0x300] =	vst v1  }
0x19: {  	[tilespmem:s16+$0x310] =	vst v1  }
0x1a: {  	[tilespmem:s16+$0x320] =	vst v1  }
0x1b: {  	[tilespmem:s16+$0x330] =	vst v1  }
0x1c: {  	[tilespmem:s16+$0x340] =	vst v1  }
0x1d: {  	[tilespmem:s16+$0x350] =	vst v1  }
0x1e: {  	[tilespmem:s16+$0x360] =	vst v1  }
0x1f: {  	[tilespmem:$0x4300] =	vst v0  }
0x20: {  	[tilespmem:$0x4310] =	vst v2  }
0x21: {  	[tilespmem:$0x4320] =	vst v3  }
0x22: {  	[tilespmem:$0x4330] =	vst v4  }
0x23: {  	[tilespmem:$0x4340] =	vst v5  }
0x24: {  	[tilespmem:$0x4350] =	vst v6  }
0x25: {  	[tilespmem:$0x4360] =	vst v7  }
0x26: {  	[tilespmem:$0x4370] =	vst v8  }
0x27: {  	[spmem:s5] =	stream.linear.scatter [tilespmem:s6], [sflag:$0x1], $0x400, $0x38;
	[tilespmem:$0x4780] =	vst v63  }
0x28: {  	_ =	swait.ge [sflag:s9], $0x400  }
0x29: {  	[sflag:s9] =	ssyncset.done $0x0  }
0x2a: {  	[sflag:s9] =	ssyncadd.s32 $0xFFFFFC00  }
0x2b: {  	s16 =	simm.s32 $0x0;
	s17 =	simm.s32 $0x0;
	[bflag:$0x0] =	sbarrier.arrive $0xFFFF  }
.LBB2_4:
0x2c: {  	s18 =	smul.u32 $0x2F0, s17;
	_ =	sdelay $0x1  }
0x2d: {  	s18 =	sadd.s32 s7, s18  }
0x2e: {  	s18 =	sshrl.u32 s18, $0x3  }
0x2f: {  	s18 =	sadd.s32 s1, s18  }
0x30: {  	[tilespmem:s16], [sflag:$0x1] =	stream.linear.gather [hbm4b:s18+s16], $0x2F0, $0x38;
	[tilespmem:$0x4780] =	vst v63  }
0x31: {  	_ =	swait.ge [sflag:s9], $0x2F0  }
0x32: {  	[sflag:s9] =	ssyncset.done $0x0  }
0x33: {  	s19 =	simm.s32 $0x0;
	s18 =	simm.s32 $0x40;
	[sflag:s9] =	ssyncadd.s32 $0xFFFFFD10  }
.LBB2_5:
0x34: {  	p0 =	sne.s32 s18, $0xB80;
	v10 =	vld [tilespmem:s19+$0x0];
	_ =	sdelay $0x3  }
.Ltmp1:
0x35: {  	(pc) =	sbr.rel @p0 .LBB2_5-.Ltmp1, $2  }
0x36: {  	_ =	sdelay $0x2  }
0x37: {  	s19 =	sshra.s32 s18, $0x2;
	s18 =	sadd.s32 $0x40, s18;
	[tilespmem:v10+s10+$0x0] =	vst.idx.add.f32.msk $0xffff, v9  }
0x38: {  	v10 =	vld [tilespmem:s19+$0x0];
	_ =	sdelay $0x1  }
0x39: {  	s17 =	sadd.s32 $0x1, s17  }
0x3a: {  	p0 =	sne.s32 s17, $0x10  }
.Ltmp2:
0x3b: {  	_ = 	snop;
	(pc) =	sbr.rel @p0 .LBB2_4-.Ltmp2, $2  }
0x3c: {  	_ =	sdelay $0x2  }
0x3d: {  	[tilespmem:v10+s10+$0x0] =	vst.idx.add.f32.msk $0xffff, v9  }
0x3e: {  	[spmem:s2] =	stream.indirect.scatter.add.f32 [tilespmem:s10], [sflag:$0x1], $0x80, s12, s11, $0xb8;
	[tilespmem:$0x4780] =	vst v63  }
0x3f: {  	_ =	swait.ge [sflag:s9], $0x4000  }
0x40: {  	s3 =	sadd.s32 $0x1, s3;
	[sflag:s9] =	ssyncset.done $0x0  }
0x41: {  	p0 =	sne.s32 s3, s8;
	[sflag:s9] =	ssyncadd.s32 $0xFFFFC000  }
.Ltmp3:
0x42: {  	[bflag:$0x0] =	sbarrier.arrive $0xFFFF;
	(pc) =	sbr.rel @p0 .LBB2_1-.Ltmp3, $4  }
0x43: {  	[hbm:s13], [sflag:s14] =	dma.local [spmem:s15], $0x80  }
0x44: {  	_ =	swait.ge [sflag:s9], $0x80  }
0x45: {  	[sflag:s9] =	ssyncset.done $0x0  }
0x46: {  	[sflag:s9] =	ssyncadd.s32 $0xFFFFFF80  }
0x47: {  	_ =	sfence.sel $0x180000  }
0x48: {  	[bflag:$0x0] =	sbarrier.arrive $0xFFFF  }
0x49: {  	p0 =	sne.s32 s4, $0x0;
	_ =	strace $0x90000047  }
0x4a: {  	s0 =	sadd.s32 @!p0 $0x100000, s0;
	[bflag:$0x2] =	sbarrier.arrive $0xFFFF  }
0x4b: {  	[sflag:s0] =	ssyncadd.tile.s32 @!p0 $0x1;
	_ =	shalt  }
.Lfunc_end2:
_tile_overlayer_lowered:
.L_overlay_start_2:
0x4c: {  	(tag) =	ssettag $0x2  }
0x4d: {  	s0 =	rddreg [dreg:$0x0];
	s2 =	stileid.u32  }
0x4e: {  	s1 =	rddreg [dreg:$0x1];
	p0 =	sne.s32 s2, $0x0  }
0x4f: {  	s3 =	rddreg [dreg:$0x2];
	[bflag:$0x3] =	sbarrier.arrive $0xFFFF;
	s2 =	simm.s32 @!p0 $0x1C01  }
0x50: {  	[timem:s3], [sflag:s2] =	dma.local @!p0 [hbm:s0], s1  }
0x51: {  	s0 =	simm.s32 @!p0 $0x1  }
0x52: {  	_ =	swait.ge @!p0 [sflag:s0], s1  }
0x53: {  	s1 =	ssub.s32 @!p0 $0x0, s1;
	[sflag:s0] =	ssyncset.done @!p0 $0x0  }
0x54: {  	[sflag:s0] =	ssyncadd.s32 @!p0 s1  }
0x55: {  	[bflag:$0x3] =	sbarrier.arrive $0xFFFF  }
0x56: {  	_ =	shalt  }

// kernel: kernel.25.cloned.1.call-start
scs
__scs_entry_jumppad:
0x0: {  	(pc) =	sbr.rel $0x88, $3  }
0x1: {  	(tag) =	ssettag $0x0;
	lr =	simm.s32 $0x1  }
0x2: {  	[smem:$0x3F91] =	sst lr;
	_ =	strace $0xD0000000  }
0x3: {  	_ = 	snop  }
0x4: {  	_ = 	snop  }
0x5: {  	_ = 	snop  }
0x6: {  	_ = 	snop  }
0x7: {  	_ = 	snop  }
__scs_overlays_trampoline_lowered:
0x8: {  	[smem:$0x3FA0] =	sst s0  }
0x9: {  	[smem:$0x3FA1] =	sst s1  }
0xa: {  	[smem:$0x3FA2] =	sst s2  }
0xb: {  	[smem:$0x3FA3] =	sst s3  }
0xc: {  	[smem:$0x3FA4] =	sst s4  }
0xd: {  	[smem:$0x3FA5] =	sst s5  }
0xe: {  	[smem:$0x3FA6] =	sst s6  }
0xf: {  	[smem:$0x3FA7] =	sst s7  }
0x10: {  	[smem:$0x3FA8] =	sst s8  }
0x11: {  	[smem:$0x3FA9] =	sst s9;
	s0 =	simm.s32 @!p0 $0x0  }
0x12: {  	s1 =	sld [smem:$0x3F8F];
	s0 =	simm.s32 @p0 $0x1  }
0x13: {  	[smem:$0x3FAA] =	sst s0;
	s0 =	simm.s32 @!p1 $0x0  }
0x14: {  	s2 =	sld [smem:$0x3F8E];
	s0 =	simm.s32 @p1 $0x1  }
0x15: {  	[smem:$0x3FAB] =	sst s0;
	s0 =	simm.s32 @!p2 $0x0  }
0x16: {  	s3 =	sld [smem:$0x3FDB];
	s0 =	simm.s32 @p2 $0x1  }
0x17: {  	s4 =	simm.s32 $0x1BF5;
	[smem:$0x3FAD] =	sst s0  }
0x18: {  	s0 =	sld [smem:$0x3F90];
	_ =	swait.ge [sflag:s4], $0x0  }
0x19: {  	s7 =	sld [smem:$0x3F91]  }
0x1a: {  	s8 =	sadd.s32 $0xFFFFE003, lr  }
0x1b: {  	s9 =	sadd.s32 $0xFFFFFEF7, lr;
	s5 =	simm.s32 $0xFFFFFFFF;
	p2 =	slt.u32 s8, $0xFFFFF086  }
0x1c: {  	p1 =	slt.u32 s9, $0xF7A;
	s5 =	simm.s32 @!p2 $0x0  }
0x1d: {  	s5 =	simm.s32 @p1 $0x1;
	p0 =	seq.s32 s7, s2  }
0x1e: {  	s7 =	smul.u32 @!p0 $0xF7A, s2;
	p2 =	seq.s32 @!p0 s5, $0x0  }
0x1f: {  	s9 =	smul.u32 $0xF7A, s1;
	s8 =	simm.s32 @!p0 $0x1BF5;
	p2 =	por !p2, p0  }
0x20: {  	[sflag:s8] =	ssyncset.s32 @!p0 $0xFFFFF086;
	s6 =	sadd.s32 @!p0 s3, s7;
	s7 =	simm.s32 @!p0 $0x108  }
0x21: {  	s3 =	sadd.s32 s3, s9;
	s6 =	sadd.s32 @!p0 $0x88, s6;
	s7 =	simm.s32 @p2 $0x1082  }
0x22: {  	[simem:s7], [sflag:s8] =	dma.local @!p0 [hbm:s6], $0xF7A  }
0x23: {  	s9 =	sor.u32 $0xD0000000, s2;
	s6 =	simm.s32 $0x108;
	_ =	swait.ge @!p0 [sflag:s8], $0x0  }
0x24: {  	s3 =	sadd.s32 $0x88, s3;
	s6 =	simm.s32 @!p1 $0x1082;
	[sflag:s4] =	ssyncset.s32 $0xFFFFF086  }
0x25: {  	[simem:s6], [sflag:s4] =	dma.local [hbm:s3], $0xF7A  }
0x26: {  	[smem:$0x3F91] =	sst s1;
	(tag) =	ssettag s2;
	_ =	strace s9  }
0x27: {  	s1 =	sld [smem:$0x3FA1]  }
0x28: {  	s2 =	sld [smem:$0x3FA2]  }
0x29: {  	s4 =	sld [smem:$0x3FA4]  }
0x2a: {  	p0 =	seq.s32 s5, $0x0;
	s5 =	sld [smem:$0x3FA5]  }
0x2b: {  	s6 =	sld [smem:$0x3FA6]  }
0x2c: {  	s7 =	sld [smem:$0x3FA7]  }
0x2d: {  	s3 =	simm.s32 $0x108;
	s8 =	sld [smem:$0x3FA8]  }
0x2e: {  	s3 =	simm.s32 @!p0 $0x1082;
	s9 =	sld [smem:$0x3FA9]  }
0x2f: {  	lr =	sadd.s32 s0, s3;
	s0 =	sld [smem:$0x3FA0]  }
0x30: {  	s3 =	sld [smem:$0x3FA3]  }
0x31: {  	[smem:$0x3FAC] =	sst s10  }
0x32: {  	s10 =	sld [smem:$0x3FAA];
	_ =	sdelay $0x3  }
0x33: {  	p0 =	seq.s32 s10, $0x1;
	s10 =	sld [smem:$0x3FAC];
	_ =	sdelay $0x3  }
0x34: {  	[smem:$0x3FAC] =	sst s10  }
0x35: {  	s10 =	sld [smem:$0x3FAB];
	_ =	sdelay $0x3  }
0x36: {  	p1 =	seq.s32 s10, $0x1;
	s10 =	sld [smem:$0x3FAC];
	_ =	sdelay $0x3  }
0x37: {  	[smem:$0x3FAC] =	sst s10  }
0x38: {  	s10 =	sld [smem:$0x3FAD]  }
0x39: {  	_ = 	snop;
	(pc) =	sbr.ind lr, $3  }
0x3a: {  	_ = 	snop  }
0x3b: {  	_ = 	snop  }
0x3c: {  	p2 =	seq.s32 s10, $0x1;
	s10 =	sld [smem:$0x3FAC]  }
0x3d: {  	_ =	shalt  }
0x3e: {  	_ =	shalt  }
0x3f: {  	_ =	shalt  }
0x40: {  	_ =	shalt  }
0x41: {  	_ =	shalt  }
0x42: {  	_ =	shalt  }
0x43: {  	_ =	shalt  }
0x44: {  	_ =	shalt  }
0x45: {  	_ =	shalt  }
0x46: {  	_ =	shalt  }
0x47: {  	_ =	shalt  }
0x48: {  	_ =	shalt  }
0x49: {  	_ =	shalt  }
0x4a: {  	_ =	shalt  }
0x4b: {  	_ =	shalt  }
0x4c: {  	_ =	shalt  }
0x4d: {  	_ =	shalt  }
0x4e: {  	_ =	shalt  }
0x4f: {  	_ =	shalt  }
0x50: {  	_ =	shalt  }
0x51: {  	_ =	shalt  }
0x52: {  	_ =	shalt  }
0x53: {  	_ =	shalt  }
0x54: {  	_ =	shalt  }
0x55: {  	_ =	shalt  }
0x56: {  	_ =	shalt  }
0x57: {  	_ =	shalt  }
0x58: {  	_ =	shalt  }
0x59: {  	_ =	shalt  }
0x5a: {  	_ =	shalt  }
0x5b: {  	_ =	shalt  }
0x5c: {  	_ =	shalt  }
0x5d: {  	_ =	shalt  }
0x5e: {  	_ =	shalt  }
0x5f: {  	_ =	shalt  }
0x60: {  	_ =	shalt  }
0x61: {  	_ =	shalt  }
0x62: {  	_ =	shalt  }
0x63: {  	_ =	shalt  }
0x64: {  	_ =	shalt  }
0x65: {  	_ =	shalt  }
0x66: {  	_ =	shalt  }
0x67: {  	_ =	shalt  }
0x68: {  	_ =	shalt  }
0x69: {  	_ =	shalt  }
0x6a: {  	_ =	shalt  }
0x6b: {  	_ =	shalt  }
0x6c: {  	_ =	shalt  }
0x6d: {  	_ =	shalt  }
0x6e: {  	_ =	shalt  }
0x6f: {  	_ =	shalt  }
0x70: {  	_ =	shalt  }
0x71: {  	_ =	shalt  }
0x72: {  	_ =	shalt  }
0x73: {  	_ =	shalt  }
0x74: {  	_ =	shalt  }
0x75: {  	_ =	shalt  }
0x76: {  	_ =	shalt  }
0x77: {  	_ =	shalt  }
0x78: {  	_ =	shalt  }
0x79: {  	_ =	shalt  }
0x7a: {  	_ =	shalt  }
0x7b: {  	_ =	shalt  }
0x7c: {  	_ =	shalt  }
0x7d: {  	_ =	shalt  }
0x7e: {  	_ =	shalt  }
0x7f: {  	_ =	shalt  }
0x80: {  	_ =	shalt  }
0x81: {  	_ =	shalt  }
0x82: {  	_ =	shalt  }
0x83: {  	_ =	shalt  }
0x84: {  	_ =	shalt  }
0x85: {  	_ =	shalt  }
0x86: {  	_ =	shalt  }
0x87: {  	_ =	shalt  }
.Lfunc_end0:
.L_simem_size_0:
called_computation.1_lowered:
.L_overlay_start_0:
0x88: {  	s2 =	sld [smem:$0x3FD9]  }
0x89: {  	s3 =	sld [smem:$0x3FFE];
	_ =	sdelay $0x1  }
0x8a: {  	s1 =	srdreg.scid  }
0x8b: {  	s0 =	sand.u32 $0x1, s1  }
0x8c: {  	s17 =	sshll.u32 s0, $0xA;
	s2 =	sadd.s32 s3, s2  }
0x8d: {  	s2 =	sadd.s32 s2, s17  }
0x8e: {  	[smem:$0x3FB8] =	sst s2  }
0x8f: {  	_ = 	snop  }
0x90: {  	s2 =	sld [smem:$0x3FD0];
	(tm) =	ssettm $0x1  }
0x91: {  	s18 =	sld [smem:$0x3FFB];
	_ =	sdelay $0x3  }
0x92: {  	_ =	strace s18  }
0x93: {  	s3 =	sld [smem:$0x3FFC];
	_ =	sdelay $0x3  }
0x94: {  	_ =	strace s3  }
0x95: {  	s3 =	sld [smem:$0x3FFD];
	_ =	sdelay $0x3  }
0x96: {  	_ =	strace s3  }
0x97: {  	_ =	strace $0x8FFFFFFF  }
0x98: {  	s19 =	sld [smem:$0x3FDB];
	_ =	sdelay $0x1  }
0x99: {  	s4 =	simm.s32 $_scs_section_size  }
0x9a: {  	s5 =	simm.s32 $_size__tile_overlayer_lowered;
	s6 =	simm.s32 $_tile_overlayer_lowered  }
0x9b: {  	s22 =	simm.s32 $0x1BFF;
	s21 =	sshll.u32 s6, $0x1;
	s3 =	sadd.s32 s4, s19  }
0x9c: {  	s7 =	simm.s32 $0x0;
	s20 =	sshll.u32 s5, $0x1;
	s5 =	sadd.s32 s21, s3  }
0x9d: {  	[timem:s7], [sflag:s22] =	dma.local [hbm:s5], s20  }
0x9e: {  	_ =	swait.ge [sflag:s22], s20  }
0x9f: {  	s4 =	ssub.s32 $0x0, s20;
	[sflag:s22] =	ssyncset.done $0x0  }
0xa0: {  	[sflag:s22] =	ssyncadd.s32 s4;
	_ =	sdelay $0x1  }
0xa1: {  	s23 =	simm.s32 $0x1B8B  }
0xa2: {  	_ =	swait.ge [sflag:s23], $0x1  }
0xa3: {  	[sflag:s23] =	ssyncset.done $0x0  }
0xa4: {  	s25 =	simm.s32 $0x1B8E;
	s24 =	sld [smem:$0x3FFE];
	[sflag:s23] =	ssyncadd.s32 $0xFFFFFFFF  }
0xa5: {  	s26 =	simm.s32 $execute0_lowered;
	[smem:$0x3FD2] =	sst s25  }
0xa6: {  	s5 =	sshll.u32 s26, $0x1;
	_ =	strace $0x80000049;
	[dreg:$0x1] =	wrdreg $0xFFFFFFFF  }
0xa7: {  	s28 =	simm.s32 $_size_execute0_lowered;
	s3 =	sadd.s32 s3, s5;
	[dreg:$0x0] =	wrdreg $0x0  }
0xa8: {  	s5 =	sshll.u32 s28, $0x1;
	[dreg:$0x2] =	wrdreg s3  }
0xa9: {  	[dreg:$0x3] =	wrdreg s5  }
0xaa: {  	[dreg:$0x4] =	wrdreg $0xC0  }
0xab: {  	_ =	task [dreg:s7], $0x5FFFF  }
0xac: {  	[dreg:$0x1] =	wrdreg $0xFFFFFFFF  }
0xad: {  	[dreg:$0x0] =	wrdreg $0x60  }
0xae: {  	[dreg:$0x2] =	wrdreg s2  }
0xaf: {  	[dreg:$0x3] =	wrdreg s24  }
0xb0: {  	[dreg:$0x4] =	wrdreg $0x81000  }
0xb1: {  	[dreg:$0x5] =	wrdreg $0x9  }
0xb2: {  	_ =	task.clear_ibuf [dreg:s7], $0x6FFFF;
	_ =	strace $0x90000049  }
0xb3: {  	s29 =	simm.s32 $0x9;
	_ =	strace $0x8000004B  }
0xb4: {  	_ =	swait.ge [sflag:s29], $0x1  }
0xb5: {  	[sflag:s29] =	ssyncadd.s32 $0xFFFFFFFF  }
0xb6: {  	_ =	strace $0x9000004B  }
0xb7: {  	_ =	sfence  }
0xb8: {  	s30 =	sld [smem:$0x0];
	_ =	sdelay $0x2  }
0xb9: {  	s31 =	sshll.u32 s1, $0xD;
	s1 =	sshrl.u32 s1, $0x2  }
0xba: {  	s3 =	sand.u32 $0x4000, s31;
	s1 =	sadd.s32 s1, s30  }
0xbb: {  	s0 =	sor.u32 s3, s0;
	s1 =	sshll.u32 s1, $0x11  }
0xbc: {  	s0 =	sor.u32 s1, s0  }
0xbd: {  	s0 =	sadd.s32 $0x8F2B, s0  }
0xbe: {  	[sflag:s0] =	ssyncadd.remote.s32 $0x1  }
0xbf: {  	_ =	sfence.sel $0xFFFF  }
0xc0: {  	[dreg:$0x0] =	wrdreg $0xFFFFFFFF;
	(pc) =	sbr.abs _section_cstart, $3  }
0xc1: {  	[dreg:$0x1] =	wrdreg $0xFFFFFFFF  }
0xc2: {  	_ =	task.clear_ibuf [dreg:s7], $0x2FFFF;
	_ =	strace $0x9FFFFFFF  }
0xc3: {  	(tm) =	ssettm $0x7FFFFFFF  }
tec
execute0_lowered:
.L_overlay_start_1:
0x0: {  	(tag) =	ssettag $0x1  }
0x1: {  	s1 =	rddreg [dreg:$0x0];
	s4 =	srdreg.scid  }
0x2: {  	s5 =	rddreg [dreg:$0x1];
	s6 =	sand.u32 $0x1, s4  }
0x3: {  	s2 =	rddreg [dreg:$0x2];
	s7 =	smul.u32 $0x4F00, s6  }
0x4: {  	s4 =	stileid.u32;
	s8 =	smul.u32 $0x28000, s6  }
0x5: {  	s0 =	rddreg [dreg:$0x3];
	s3 =	simm.s32 $0x0;
	s9 =	smul.u32 $0x280, s4  }
0x6: {  	[smem:$0x7FF] =	sst s3;
	s24 =	smul.u32 $0x50000, s4  }
0x7: {  	_ =	strace $0x8000004A;
	s6 =	ssub.s32 $0x2, s6;
	s17 =	smul.u32 $0x4F0, s4  }
0x8: {  	s18 =	smul.u32 $0x2800, s4;
	s25 =	sshrl.u32 s6, $0x1;
	s10 =	sadd.s32 s7, s5  }
0x9: {  	s11 =	sadd.s32 s8, s5;
	s12 =	sadd.s32 $0x80, s9;
	s13 =	ssub.s32 s6, s25  }
0xa: {  	s26 =	sshrl.u32 s24, $0x2;
	s14 =	sadd.s32 $0x100, s9;
	s15 =	sadd.s32 $0x180, s9  }
0xb: {  	s16 =	sadd.s32 $0x200, s9;
	s28 =	sshll.u32 s12, $0x7;
	s5 =	sadd.s32 s26, s2  }
0xc: {  	s29 =	sshll.u32 s14, $0x7;
	s30 =	sshll.u32 s15, $0x7;
	s9 =	sshll.u32 s16, $0x7  }
0xd: {  	s22 =	sadd.s32 $0x92200, s11;
	s19 =	sshll.u32 s12, $0x4;
	s20 =	sshll.u32 s14, $0x4  }
0xe: {  	s21 =	sshll.u32 s15, $0x4;
	s31 =	sadd.s32 s17, s10;
	s23 =	sshll.u32 s16, $0x4  }
0xf: {  	s10 =	smax.u32 s13, $0x1;
	s13 =	simm.s32 $0x4100;
	s14 =	simm.s32 $0x2  }
0x10: {  	s15 =	simm.s32 $0x80;
	s16 =	simm.s32 $0x100;
	s17 =	simm.s32 $0x1  }
0x11: {  	s6 =	sadd.s32 s28, s2;
	s7 =	sadd.s32 s29, s2;
	s8 =	sadd.s32 s30, s2  }
0x12: {  	s9 =	sadd.s32 s9, s2;
	s11 =	sadd.s32 $0x12200, s31;
	s12 =	sadd.s32 $0x8400, s31  }
0x13: {  	s18 =	sadd.s32 s18, s22;
	s19 =	sadd.s32 s19, s22;
	s20 =	sadd.s32 s20, s22  }
0x14: {  	v0 =	vimm.f32 $0.0e+00;
	s21 =	sadd.s32 s21, s22;
	s22 =	sadd.s32 s23, s22;
	s23 =	simm.s32 $0x0  }
.LBB2_1:
0x15: {  	s24 =	simm.s32 $0x0;
	s25 =	simm.s32 $0x200  }
.LBB2_2:
0x16: {  	p0 =	sne.s32 s25, $0xFE00;
	[tilespmem:s24+$0x4170] =	vst v0  }
0x17: {  	[tilespmem:s24+$0x4100] =	vst v0  }
0x18: {  	[tilespmem:s24+$0x4110] =	vst v0  }
.Ltmp0:
0x19: {  	[tilespmem:s24+$0x4120] =	vst v0;
	(pc) =	sbr.rel @p0 .LBB2_2-.Ltmp0, $4  }
0x1a: {  	[tilespmem:s24+$0x4130] =	vst v0  }
0x1b: {  	[tilespmem:s24+$0x4140] =	vst v0  }
0x1c: {  	[tilespmem:s24+$0x4150] =	vst v0  }
0x1d: {  	[tilespmem:s24+$0x4160] =	vst v0;
	s24 =	sshra.s32 s25, $0x2;
	s25 =	sadd.s32 $0x200, s25  }
0x1e: {  	[tilespmem:s24+$0x4170] =	vst v0  }
0x1f: {  	[tilespmem:s24+$0x4100] =	vst v0  }
0x20: {  	[tilespmem:s24+$0x4110] =	vst v0  }
0x21: {  	[tilespmem:s24+$0x4120] =	vst v0  }
0x22: {  	[tilespmem:s24+$0x4130] =	vst v0  }
0x23: {  	[tilespmem:s24+$0x4140] =	vst v0  }
0x24: {  	[tilespmem:s24+$0x4150] =	vst v0  }
0x25: {  	[tilespmem:s24+$0x4160] =	vst v0  }
0x26: {  	[spmem:s5] =	stream.linear.scatter [tilespmem:s13], [sflag:$0x2], $0x4000, $0x38;
	[tilespmem:$0x1C100] =	vst v63  }
0x27: {  	_ =	swait.ge [sflag:s14], $0x4000  }
0x28: {  	[sflag:s14] =	ssyncset.done $0x0  }
0x29: {  	[sflag:s14] =	ssyncadd.s32 $0xFFFFC000  }
0x2a: {  	[spmem:s6] =	stream.linear.scatter [tilespmem:s13], [sflag:$0x2], $0x4000, $0x38;
	[tilespmem:$0x1C100] =	vst v63  }
0x2b: {  	_ =	swait.ge [sflag:s14], $0x4000  }
0x2c: {  	[sflag:s14] =	ssyncset.done $0x0  }
0x2d: {  	[sflag:s14] =	ssyncadd.s32 $0xFFFFC000  }
0x2e: {  	[spmem:s7] =	stream.linear.scatter [tilespmem:s13], [sflag:$0x2], $0x4000, $0x38;
	[tilespmem:$0x1C100] =	vst v63  }
0x2f: {  	_ =	swait.ge [sflag:s14], $0x4000  }
0x30: {  	[sflag:s14] =	ssyncset.done $0x0  }
0x31: {  	[sflag:s14] =	ssyncadd.s32 $0xFFFFC000  }
0x32: {  	[spmem:s8] =	stream.linear.scatter [tilespmem:s13], [sflag:$0x2], $0x4000, $0x38;
	[tilespmem:$0x1C100] =	vst v63  }
0x33: {  	_ =	swait.ge [sflag:s14], $0x4000  }
0x34: {  	[sflag:s14] =	ssyncset.done $0x0  }
0x35: {  	[sflag:s14] =	ssyncadd.s32 $0xFFFFC000  }
0x36: {  	[spmem:s9] =	stream.linear.scatter [tilespmem:s13], [sflag:$0x2], $0x4000, $0x38;
	[tilespmem:$0x1C100] =	vst v63  }
0x37: {  	_ =	swait.ge [sflag:s14], $0x4000  }
0x38: {  	[sflag:s14] =	ssyncset.done $0x0  }
0x39: {  	[sflag:s14] =	ssyncadd.s32 $0xFFFFC000  }
0x3a: {  	s30 =	sadd.s32 $0x0, s12;
	[bflag:$0x0] =	sbarrier.arrive $0xFFFF  }
0x3b: {  	[tilespmem:s3], [sflag:$0x2] =	stream.linear.gather [hbm4b:s30+s3], $0x80, $0x38;
	[tilespmem:$0x1C100] =	vst v63  }
0x3c: {  	_ =	swait.ge [sflag:s14], $0x80  }
0x3d: {  	[sflag:s14] =	ssyncset.done $0x0  }
0x3e: {  	s31 =	sadd.s32 $0x0, s11;
	[sflag:s14] =	ssyncadd.s32 $0xFFFFFF80  }
0x3f: {  	[tilespmem:s15], [sflag:$0x2] =	stream.linear.gather [hbm4b:s31+s3], $0x80, $0x38;
	[tilespmem:$0x1C100] =	vst v63  }
0x40: {  	_ =	swait.ge [sflag:s14], $0x80  }
0x41: {  	[sflag:s14] =	ssyncset.done $0x0  }
0x42: {  	[sflag:s14] =	ssyncadd.s32 $0xFFFFFF80  }
0x43: {  	[tilespmem:s16], [sflag:$0x1] =	stream.indirect.gather [hbm4b:s1+s15], $0x80, s3, s15, $0xb8;
	[tilespmem:$0x1C100] =	vst v63  }
0x44: {  	_ =	swait.ge [sflag:s17], $0x4000  }
0x45: {  	[sflag:s17] =	ssyncset.done $0x0  }
0x46: {  	[sflag:s17] =	ssyncadd.s32 $0xFFFFC000  }
0x47: {  	[spmem:s2] =	stream.indirect.scatter.add.f32 [tilespmem:s16], [sflag:$0x2], $0x80, s15, s15, $0xb8;
	[tilespmem:$0x1C100] =	vst v63  }
0x48: {  	_ =	swait.ge [sflag:s14], $0x4000  }
0x49: {  	s24 =	simm.s32 $0x10;
	s25 =	simm.s32 $0x20;
	[sflag:s14] =	ssyncset.done $0x0  }
.LBB2_4:
0x4a: {  	s26 =	sadd.s32 s24, s12  }
0x4b: {  	[sflag:s14] =	ssyncadd.s32 $0xFFFFC000;
	s28 =	smov.u32 s25;
	s29 =	sadd.s32 $0x10, s25  }
0x4c: {  	[tilespmem:s3], [sflag:$0x2] =	stream.linear.gather [hbm4b:s26+s3], $0x80, $0x38;
	[tilespmem:$0x1C100] =	vst v63  }
0x4d: {  	p0 =	sne.s32 s25, $0x4E0;
	_ =	swait.ge [sflag:s14], $0x80  }
0x4e: {  	[sflag:s14] =	ssyncset.done $0x0  }
0x4f: {  	s25 =	sadd.s32 s24, s11;
	s24 =	smov.u32 s28;
	[sflag:s14] =	ssyncadd.s32 $0xFFFFFF80  }
0x50: {  	[tilespmem:s15], [sflag:$0x2] =	stream.linear.gather [hbm4b:s25+s3], $0x80, $0x38;
	[tilespmem:$0x1C100] =	vst v63  }
0x51: {  	_ =	swait.ge [sflag:s14], $0x80  }
0x52: {  	[sflag:s14] =	ssyncset.done $0x0  }
0x53: {  	[sflag:s14] =	ssyncadd.s32 $0xFFFFFF80  }
0x54: {  	[tilespmem:s16], [sflag:$0x1] =	stream.indirect.gather [hbm4b:s1+s15], $0x80, s3, s15, $0xb8;
	[tilespmem:$0x1C100] =	vst v63  }
0x55: {  	_ =	swait.ge [sflag:s17], $0x4000  }
.Ltmp1:
0x56: {  	[sflag:s17] =	ssyncset.done $0x0;
	(pc) =	sbr.rel @p0 .LBB2_4-.Ltmp1, $4  }
0x57: {  	[sflag:s17] =	ssyncadd.s32 $0xFFFFC000  }
0x58: {  	[spmem:s2] =	stream.indirect.scatter.add.f32 [tilespmem:s16], [sflag:$0x2], $0x80, s15, s15, $0xb8;
	[tilespmem:$0x1C100] =	vst v63  }
0x59: {  	_ =	swait.ge [sflag:s14], $0x4000  }
0x5a: {  	s25 =	smov.u32 s29;
	[sflag:s14] =	ssyncset.done $0x0  }
0x5b: {  	s25 =	sadd.s32 s24, s12;
	[sflag:s14] =	ssyncadd.s32 $0xFFFFC000  }
0x5c: {  	[tilespmem:s3], [sflag:$0x2] =	stream.linear.gather [hbm4b:s25+s3], $0x80, $0x38;
	[tilespmem:$0x1C100] =	vst v63  }
0x5d: {  	_ =	swait.ge [sflag:s14], $0x80  }
0x5e: {  	[sflag:s14] =	ssyncset.done $0x0  }
0x5f: {  	s31 =	sadd.s32 s24, s11;
	[sflag:s14] =	ssyncadd.s32 $0xFFFFFF80  }
0x60: {  	[tilespmem:s15], [sflag:$0x2] =	stream.linear.gather [hbm4b:s31+s3], $0x80, $0x38;
	[tilespmem:$0x1C100] =	vst v63  }
0x61: {  	_ =	swait.ge [sflag:s14], $0x80  }
0x62: {  	[sflag:s14] =	ssyncset.done $0x0  }
0x63: {  	[sflag:s14] =	ssyncadd.s32 $0xFFFFFF80  }
0x64: {  	[tilespmem:s16], [sflag:$0x1] =	stream.indirect.gather [hbm4b:s1+s15], $0x80, s3, s15, $0xb8;
	[tilespmem:$0x1C100] =	vst v63  }
0x65: {  	_ =	swait.ge [sflag:s17], $0x4000  }
0x66: {  	[sflag:s17] =	ssyncset.done $0x0  }
0x67: {  	[sflag:s17] =	ssyncadd.s32 $0xFFFFC000  }
0x68: {  	[spmem:s2] =	stream.indirect.scatter.add.f32 [tilespmem:s16], [sflag:$0x2], $0x80, s15, s15, $0xb8;
	[tilespmem:$0x1C100] =	vst v63  }
0x69: {  	_ =	swait.ge [sflag:s14], $0x4000  }
0x6a: {  	[sflag:s14] =	ssyncset.done $0x0  }
0x6b: {  	s25 =	sshll.u32 s4, $0x6;
	[sflag:s14] =	ssyncadd.s32 $0xFFFFC000  }
0x6c: {  	s26 =	sshrl.u32 s5, $0x3;
	s24 =	sor.u32 $0x1C02, s25;
	[bflag:$0x0] =	sbarrier.arrive $0xFFFF  }
0x6d: {  	[hbm:s18], [sflag:s24] =	dma.local [spmem:s26], $0x800  }
0x6e: {  	_ =	swait.ge [sflag:s14], $0x800  }
0x6f: {  	[sflag:s14] =	ssyncset.done $0x0  }
0x70: {  	s28 =	sshrl.u32 s6, $0x3;
	[sflag:s14] =	ssyncadd.s32 $0xFFFFF800  }
0x71: {  	[hbm:s19], [sflag:s24] =	dma.local [spmem:s28], $0x800  }
0x72: {  	_ =	swait.ge [sflag:s14], $0x800  }
0x73: {  	[sflag:s14] =	ssyncset.done $0x0  }
0x74: {  	s29 =	sshrl.u32 s7, $0x3;
	[sflag:s14] =	ssyncadd.s32 $0xFFFFF800  }
0x75: {  	[hbm:s20], [sflag:s24] =	dma.local [spmem:s29], $0x800  }
0x76: {  	_ =	swait.ge [sflag:s14], $0x800  }
0x77: {  	[sflag:s14] =	ssyncset.done $0x0  }
0x78: {  	s30 =	sshrl.u32 s8, $0x3;
	[sflag:s14] =	ssyncadd.s32 $0xFFFFF800  }
0x79: {  	[hbm:s21], [sflag:s24] =	dma.local [spmem:s30], $0x800  }
0x7a: {  	s23 =	sadd.s32 $0x1, s23;
	_ =	swait.ge [sflag:s14], $0x800  }
0x7b: {  	p0 =	sne.s32 s23, s10;
	[sflag:s14] =	ssyncset.done $0x0  }
.Ltmp2:
0x7c: {  	s31 =	sshrl.u32 s9, $0x3;
	[sflag:s14] =	ssyncadd.s32 $0xFFFFF800;
	(pc) =	sbr.rel @p0 .LBB2_1-.Ltmp2, $4  }
0x7d: {  	[hbm:s22], [sflag:s24] =	dma.local [spmem:s31], $0x800  }
0x7e: {  	_ =	swait.ge [sflag:s14], $0x800  }
0x7f: {  	[sflag:s14] =	ssyncset.done $0x0  }
0x80: {  	[sflag:s14] =	ssyncadd.s32 $0xFFFFF800  }
0x81: {  	_ =	sfence.sel $0x180000  }
0x82: {  	[bflag:$0x0] =	sbarrier.arrive $0xFFFF  }
0x83: {  	p0 =	sne.s32 s4, $0x0;
	_ =	strace $0x9000004A  }
0x84: {  	s0 =	sadd.s32 @!p0 $0x100000, s0;
	[bflag:$0x2] =	sbarrier.arrive $0xFFFF  }
0x85: {  	[sflag:s0] =	ssyncadd.tile.s32 @!p0 $0x1;
	_ =	shalt  }
.Lfunc_end2:
_tile_overlayer_lowered:
.L_overlay_start_2:
0x86: {  	(tag) =	ssettag $0x2  }
0x87: {  	s0 =	rddreg [dreg:$0x0];
	s2 =	stileid.u32  }
0x88: {  	s1 =	rddreg [dreg:$0x1];
	p0 =	sne.s32 s2, $0x0  }
0x89: {  	s3 =	rddreg [dreg:$0x2];
	[bflag:$0x3] =	sbarrier.arrive $0xFFFF;
	s2 =	simm.s32 @!p0 $0x1C02  }
0x8a: {  	[timem:s3], [sflag:s2] =	dma.local @!p0 [hbm:s0], s1  }
0x8b: {  	s0 =	simm.s32 @!p0 $0x2  }
0x8c: {  	_ =	swait.ge @!p0 [sflag:s0], s1  }
0x8d: {  	s1 =	ssub.s32 @!p0 $0x0, s1;
	[sflag:s0] =	ssyncset.done @!p0 $0x0  }
0x8e: {  	[sflag:s0] =	ssyncadd.s32 @!p0 s1  }
0x8f: {  	[bflag:$0x3] =	sbarrier.arrive $0xFFFF  }
0x90: {  	_ =	shalt  }

// kernel: kernel.28.cloned.1.call-start
scs
__scs_entry_jumppad:
0x0: {  	(pc) =	sbr.rel $0x88, $3  }
0x1: {  	(tag) =	ssettag $0x0;
	lr =	simm.s32 $0x1  }
0x2: {  	[smem:$0x3F91] =	sst lr;
	_ =	strace $0xD0000000  }
0x3: {  	_ = 	snop  }
0x4: {  	_ = 	snop  }
0x5: {  	_ = 	snop  }
0x6: {  	_ = 	snop  }
0x7: {  	_ = 	snop  }
__scs_overlays_trampoline_lowered:
0x8: {  	[smem:$0x3FA0] =	sst s0  }
0x9: {  	[smem:$0x3FA1] =	sst s1  }
0xa: {  	[smem:$0x3FA2] =	sst s2  }
0xb: {  	[smem:$0x3FA3] =	sst s3  }
0xc: {  	[smem:$0x3FA4] =	sst s4  }
0xd: {  	[smem:$0x3FA5] =	sst s5  }
0xe: {  	[smem:$0x3FA6] =	sst s6  }
0xf: {  	[smem:$0x3FA7] =	sst s7  }
0x10: {  	[smem:$0x3FA8] =	sst s8  }
0x11: {  	[smem:$0x3FA9] =	sst s9;
	s0 =	simm.s32 @!p0 $0x0  }
0x12: {  	s1 =	sld [smem:$0x3F8F];
	s0 =	simm.s32 @p0 $0x1  }
0x13: {  	[smem:$0x3FAA] =	sst s0;
	s0 =	simm.s32 @!p1 $0x0  }
0x14: {  	s2 =	sld [smem:$0x3F8E];
	s0 =	simm.s32 @p1 $0x1  }
0x15: {  	[smem:$0x3FAB] =	sst s0;
	s0 =	simm.s32 @!p2 $0x0  }
0x16: {  	s3 =	sld [smem:$0x3FDB];
	s0 =	simm.s32 @p2 $0x1  }
0x17: {  	s4 =	simm.s32 $0x1BF5;
	[smem:$0x3FAD] =	sst s0  }
0x18: {  	s0 =	sld [smem:$0x3F90];
	_ =	swait.ge [sflag:s4], $0x0  }
0x19: {  	s7 =	sld [smem:$0x3F91]  }
0x1a: {  	s8 =	sadd.s32 $0xFFFFE003, lr  }
0x1b: {  	s9 =	sadd.s32 $0xFFFFFEF7, lr;
	s5 =	simm.s32 $0xFFFFFFFF;
	p2 =	slt.u32 s8, $0xFFFFF086  }
0x1c: {  	p1 =	slt.u32 s9, $0xF7A;
	s5 =	simm.s32 @!p2 $0x0  }
0x1d: {  	s5 =	simm.s32 @p1 $0x1;
	p0 =	seq.s32 s7, s2  }
0x1e: {  	s7 =	smul.u32 @!p0 $0xF7A, s2;
	p2 =	seq.s32 @!p0 s5, $0x0  }
0x1f: {  	s9 =	smul.u32 $0xF7A, s1;
	s8 =	simm.s32 @!p0 $0x1BF5;
	p2 =	por !p2, p0  }
0x20: {  	[sflag:s8] =	ssyncset.s32 @!p0 $0xFFFFF086;
	s6 =	sadd.s32 @!p0 s3, s7;
	s7 =	simm.s32 @!p0 $0x108  }
0x21: {  	s3 =	sadd.s32 s3, s9;
	s6 =	sadd.s32 @!p0 $0x88, s6;
	s7 =	simm.s32 @p2 $0x1082  }
0x22: {  	[simem:s7], [sflag:s8] =	dma.local @!p0 [hbm:s6], $0xF7A  }
0x23: {  	s9 =	sor.u32 $0xD0000000, s2;
	s6 =	simm.s32 $0x108;
	_ =	swait.ge @!p0 [sflag:s8], $0x0  }
0x24: {  	s3 =	sadd.s32 $0x88, s3;
	s6 =	simm.s32 @!p1 $0x1082;
	[sflag:s4] =	ssyncset.s32 $0xFFFFF086  }
0x25: {  	[simem:s6], [sflag:s4] =	dma.local [hbm:s3], $0xF7A  }
0x26: {  	[smem:$0x3F91] =	sst s1;
	(tag) =	ssettag s2;
	_ =	strace s9  }
0x27: {  	s1 =	sld [smem:$0x3FA1]  }
0x28: {  	s2 =	sld [smem:$0x3FA2]  }
0x29: {  	s4 =	sld [smem:$0x3FA4]  }
0x2a: {  	p0 =	seq.s32 s5, $0x0;
	s5 =	sld [smem:$0x3FA5]  }
0x2b: {  	s6 =	sld [smem:$0x3FA6]  }
0x2c: {  	s7 =	sld [smem:$0x3FA7]  }
0x2d: {  	s3 =	simm.s32 $0x108;
	s8 =	sld [smem:$0x3FA8]  }
0x2e: {  	s3 =	simm.s32 @!p0 $0x1082;
	s9 =	sld [smem:$0x3FA9]  }
0x2f: {  	lr =	sadd.s32 s0, s3;
	s0 =	sld [smem:$0x3FA0]  }
0x30: {  	s3 =	sld [smem:$0x3FA3]  }
0x31: {  	[smem:$0x3FAC] =	sst s10  }
0x32: {  	s10 =	sld [smem:$0x3FAA];
	_ =	sdelay $0x3  }
0x33: {  	p0 =	seq.s32 s10, $0x1;
	s10 =	sld [smem:$0x3FAC];
	_ =	sdelay $0x3  }
0x34: {  	[smem:$0x3FAC] =	sst s10  }
0x35: {  	s10 =	sld [smem:$0x3FAB];
	_ =	sdelay $0x3  }
0x36: {  	p1 =	seq.s32 s10, $0x1;
	s10 =	sld [smem:$0x3FAC];
	_ =	sdelay $0x3  }
0x37: {  	[smem:$0x3FAC] =	sst s10  }
0x38: {  	s10 =	sld [smem:$0x3FAD]  }
0x39: {  	_ = 	snop;
	(pc) =	sbr.ind lr, $3  }
0x3a: {  	_ = 	snop  }
0x3b: {  	_ = 	snop  }
0x3c: {  	p2 =	seq.s32 s10, $0x1;
	s10 =	sld [smem:$0x3FAC]  }
0x3d: {  	_ =	shalt  }
0x3e: {  	_ =	shalt  }
0x3f: {  	_ =	shalt  }
0x40: {  	_ =	shalt  }
0x41: {  	_ =	shalt  }
0x42: {  	_ =	shalt  }
0x43: {  	_ =	shalt  }
0x44: {  	_ =	shalt  }
0x45: {  	_ =	shalt  }
0x46: {  	_ =	shalt  }
0x47: {  	_ =	shalt  }
0x48: {  	_ =	shalt  }
0x49: {  	_ =	shalt  }
0x4a: {  	_ =	shalt  }
0x4b: {  	_ =	shalt  }
0x4c: {  	_ =	shalt  }
0x4d: {  	_ =	shalt  }
0x4e: {  	_ =	shalt  }
0x4f: {  	_ =	shalt  }
0x50: {  	_ =	shalt  }
0x51: {  	_ =	shalt  }
0x52: {  	_ =	shalt  }
0x53: {  	_ =	shalt  }
0x54: {  	_ =	shalt  }
0x55: {  	_ =	shalt  }
0x56: {  	_ =	shalt  }
0x57: {  	_ =	shalt  }
0x58: {  	_ =	shalt  }
0x59: {  	_ =	shalt  }
0x5a: {  	_ =	shalt  }
0x5b: {  	_ =	shalt  }
0x5c: {  	_ =	shalt  }
0x5d: {  	_ =	shalt  }
0x5e: {  	_ =	shalt  }
0x5f: {  	_ =	shalt  }
0x60: {  	_ =	shalt  }
0x61: {  	_ =	shalt  }
0x62: {  	_ =	shalt  }
0x63: {  	_ =	shalt  }
0x64: {  	_ =	shalt  }
0x65: {  	_ =	shalt  }
0x66: {  	_ =	shalt  }
0x67: {  	_ =	shalt  }
0x68: {  	_ =	shalt  }
0x69: {  	_ =	shalt  }
0x6a: {  	_ =	shalt  }
0x6b: {  	_ =	shalt  }
0x6c: {  	_ =	shalt  }
0x6d: {  	_ =	shalt  }
0x6e: {  	_ =	shalt  }
0x6f: {  	_ =	shalt  }
0x70: {  	_ =	shalt  }
0x71: {  	_ =	shalt  }
0x72: {  	_ =	shalt  }
0x73: {  	_ =	shalt  }
0x74: {  	_ =	shalt  }
0x75: {  	_ =	shalt  }
0x76: {  	_ =	shalt  }
0x77: {  	_ =	shalt  }
0x78: {  	_ =	shalt  }
0x79: {  	_ =	shalt  }
0x7a: {  	_ =	shalt  }
0x7b: {  	_ =	shalt  }
0x7c: {  	_ =	shalt  }
0x7d: {  	_ =	shalt  }
0x7e: {  	_ =	shalt  }
0x7f: {  	_ =	shalt  }
0x80: {  	_ =	shalt  }
0x81: {  	_ =	shalt  }
0x82: {  	_ =	shalt  }
0x83: {  	_ =	shalt  }
0x84: {  	_ =	shalt  }
0x85: {  	_ =	shalt  }
0x86: {  	_ =	shalt  }
0x87: {  	_ =	shalt  }
.Lfunc_end0:
.L_simem_size_0:
called_computation.2_lowered:
.L_overlay_start_0:
0x88: {  	s2 =	sld [smem:$0x3FD9]  }
0x89: {  	s3 =	sld [smem:$0x3FFE];
	_ =	sdelay $0x1  }
0x8a: {  	s1 =	srdreg.scid  }
0x8b: {  	s0 =	sand.u32 $0x1, s1  }
0x8c: {  	s17 =	sshll.u32 s0, $0xA;
	s2 =	sadd.s32 s3, s2  }
0x8d: {  	s2 =	sadd.s32 s2, s17  }
0x8e: {  	[smem:$0x3FB8] =	sst s2  }
0x8f: {  	_ = 	snop  }
0x90: {  	s2 =	sld [smem:$0x3FD0];
	(tm) =	ssettm $0x1  }
0x91: {  	s18 =	sld [smem:$0x3FFB];
	_ =	sdelay $0x3  }
0x92: {  	_ =	strace s18  }
0x93: {  	s3 =	sld [smem:$0x3FFC];
	_ =	sdelay $0x3  }
0x94: {  	_ =	strace s3  }
0x95: {  	s3 =	sld [smem:$0x3FFD];
	_ =	sdelay $0x3  }
0x96: {  	_ =	strace s3  }
0x97: {  	_ =	strace $0x8FFFFFFF  }
0x98: {  	s19 =	sld [smem:$0x3FDB];
	_ =	sdelay $0x1  }
0x99: {  	s4 =	simm.s32 $_scs_section_size  }
0x9a: {  	s5 =	simm.s32 $_size__tile_overlayer_lowered;
	s6 =	simm.s32 $_tile_overlayer_lowered  }
0x9b: {  	s22 =	simm.s32 $0x1BFF;
	s21 =	sshll.u32 s6, $0x1;
	s3 =	sadd.s32 s4, s19  }
0x9c: {  	s7 =	simm.s32 $0x0;
	s20 =	sshll.u32 s5, $0x1;
	s5 =	sadd.s32 s21, s3  }
0x9d: {  	[timem:s7], [sflag:s22] =	dma.local [hbm:s5], s20  }
0x9e: {  	_ =	swait.ge [sflag:s22], s20  }
0x9f: {  	s4 =	ssub.s32 $0x0, s20;
	[sflag:s22] =	ssyncset.done $0x0  }
0xa0: {  	[sflag:s22] =	ssyncadd.s32 s4;
	_ =	sdelay $0x1  }
0xa1: {  	s23 =	simm.s32 $0x1B8B  }
0xa2: {  	_ =	swait.ge [sflag:s23], $0x1  }
0xa3: {  	[sflag:s23] =	ssyncset.done $0x0  }
0xa4: {  	s25 =	simm.s32 $0x1B8E;
	s24 =	sld [smem:$0x3FFE];
	[sflag:s23] =	ssyncadd.s32 $0xFFFFFFFF  }
0xa5: {  	s26 =	simm.s32 $execute0_lowered;
	[smem:$0x3FD2] =	sst s25  }
0xa6: {  	s5 =	sshll.u32 s26, $0x1;
	_ =	strace $0x8000004C;
	[dreg:$0x1] =	wrdreg $0xFFFFFFFF  }
0xa7: {  	s28 =	simm.s32 $_size_execute0_lowered;
	s3 =	sadd.s32 s3, s5;
	[dreg:$0x0] =	wrdreg $0x0  }
0xa8: {  	s5 =	sshll.u32 s28, $0x1;
	[dreg:$0x2] =	wrdreg s3  }
0xa9: {  	[dreg:$0x3] =	wrdreg s5  }
0xaa: {  	[dreg:$0x4] =	wrdreg $0xC0  }
0xab: {  	_ =	task [dreg:s7], $0x5FFFF  }
0xac: {  	[dreg:$0x1] =	wrdreg $0xFFFFFFFF  }
0xad: {  	[dreg:$0x0] =	wrdreg $0x60  }
0xae: {  	[dreg:$0x2] =	wrdreg s24  }
0xaf: {  	[dreg:$0x3] =	wrdreg s2  }
0xb0: {  	[dreg:$0x4] =	wrdreg $0x81000  }
0xb1: {  	[dreg:$0x5] =	wrdreg $0x9  }
0xb2: {  	_ =	task.clear_ibuf [dreg:s7], $0x6FFFF;
	_ =	strace $0x9000004C  }
0xb3: {  	s29 =	simm.s32 $0x9;
	_ =	strace $0x8000004E  }
0xb4: {  	_ =	swait.ge [sflag:s29], $0x1  }
0xb5: {  	[sflag:s29] =	ssyncadd.s32 $0xFFFFFFFF  }
0xb6: {  	_ =	strace $0x9000004E  }
0xb7: {  	_ =	sfence  }
0xb8: {  	s30 =	sld [smem:$0x0];
	_ =	sdelay $0x2  }
0xb9: {  	s31 =	sshll.u32 s1, $0xD;
	s1 =	sshrl.u32 s1, $0x2  }
0xba: {  	s3 =	sand.u32 $0x4000, s31;
	s1 =	sadd.s32 s1, s30  }
0xbb: {  	s0 =	sor.u32 s3, s0;
	s1 =	sshll.u32 s1, $0x11  }
0xbc: {  	s0 =	sor.u32 s1, s0  }
0xbd: {  	s0 =	sadd.s32 $0x8F2B, s0  }
0xbe: {  	[sflag:s0] =	ssyncadd.remote.s32 $0x1  }
0xbf: {  	_ =	sfence.sel $0xFFFF  }
0xc0: {  	[dreg:$0x0] =	wrdreg $0xFFFFFFFF;
	(pc) =	sbr.abs _section_cstart, $3  }
0xc1: {  	[dreg:$0x1] =	wrdreg $0xFFFFFFFF  }
0xc2: {  	_ =	task.clear_ibuf [dreg:s7], $0x2FFFF;
	_ =	strace $0x9FFFFFFF  }
0xc3: {  	(tm) =	ssettm $0x7FFFFFFF  }
tec
execute0_lowered:
.L_overlay_start_1:
0x0: {  	(tag) =	ssettag $0x1  }
0x1: {  	s5 =	rddreg [dreg:$0x0]  }
0x2: {  	s7 =	rddreg [dreg:$0x1]  }
0x3: {  	s1 =	rddreg [dreg:$0x2]  }
0x4: {  	s0 =	rddreg [dreg:$0x3];
	s2 =	simm.s32 $0x0  }
0x5: {  	s6 =	srdreg.scid;
	s3 =	stileid.u32;
	s15 =	simm.s32 $0x2  }
0x6: {  	s16 =	simm.s32 $0x80;
	s17 =	simm.s32 $0x100;
	s18 =	simm.s32 $0x1  }
0x7: {  	[smem:$0x7FF] =	sst s2;
	s4 =	sadd.s32 $0x1C000, s5;
	s9 =	smul.u32 $0xA0, s3  }
0x8: {  	s6 =	sand.u32 $0x1, s6;
	s12 =	sadd.s32 $0x44000, s5;
	s13 =	smul.u32 $0x14000, s3  }
0x9: {  	s14 =	sadd.s32 $0x7400, s5;
	s19 =	smul.u32 $0xA00, s3;
	_ =	strace $0x8000004D  }
0xa: {  	s8 =	ssub.s32 $0x2, s6;
	s11 =	sshll.u32 s6, $0x4;
	s28 =	smul.u32 $0xA000, s6  }
0xb: {  	s10 =	sshrl.u32 s8, $0x1;
	s25 =	sor.u32 s3, s11;
	s26 =	sshrl.u32 s13, $0x2  }
0xc: {  	s9 =	sadd.s32 $0x80, s9;
	s8 =	ssub.s32 s8, s10;
	s5 =	sadd.s32 s26, s1  }
0xd: {  	s29 =	sshll.u32 s9, $0x7;
	s10 =	smul.u32 $0x30, s25;
	s20 =	sadd.s32 s7, s28  }
0xe: {  	s21 =	sshll.u32 s9, $0x4;
	s6 =	sadd.s32 s29, s1;
	s8 =	smax.u32 s8, $0x1  }
0xf: {  	s19 =	sadd.s32 s19, s20;
	s20 =	sadd.s32 s21, s20;
	s21 =	simm.s32 $0x0  }
0x10: {  	s7 =	sadd.s32 s12, s10;
	s9 =	sadd.s32 s14, s10;
	s30 =	sadd.s32 $0x10, s10  }
0x11: {  	s31 =	sadd.s32 $0x20, s10;
	s10 =	sadd.s32 s12, s30;
	s11 =	sadd.s32 s14, s30  }
0x12: {  	v0 =	vimm.f32 $0.0e+00;
	s12 =	sadd.s32 s12, s31;
	s13 =	sadd.s32 s14, s31;
	s14 =	simm.s32 $0x4100  }
.LBB2_1:
0x13: {  	s22 =	simm.s32 $0x0;
	s23 =	simm.s32 $0x200  }
.LBB2_2:
0x14: {  	p0 =	sne.s32 s23, $0xFE00;
	[tilespmem:s22+$0x4170] =	vst v0  }
0x15: {  	[tilespmem:s22+$0x4100] =	vst v0  }
0x16: {  	[tilespmem:s22+$0x4110] =	vst v0  }
.Ltmp0:
0x17: {  	[tilespmem:s22+$0x4120] =	vst v0;
	(pc) =	sbr.rel @p0 .LBB2_2-.Ltmp0, $4  }
0x18: {  	[tilespmem:s22+$0x4130] =	vst v0  }
0x19: {  	[tilespmem:s22+$0x4140] =	vst v0  }
0x1a: {  	[tilespmem:s22+$0x4150] =	vst v0  }
0x1b: {  	[tilespmem:s22+$0x4160] =	vst v0;
	s22 =	sshra.s32 s23, $0x2;
	s23 =	sadd.s32 $0x200, s23  }
0x1c: {  	[tilespmem:s22+$0x4170] =	vst v0  }
0x1d: {  	[tilespmem:s22+$0x4100] =	vst v0  }
0x1e: {  	[tilespmem:s22+$0x4110] =	vst v0  }
0x1f: {  	[tilespmem:s22+$0x4120] =	vst v0  }
0x20: {  	[tilespmem:s22+$0x4130] =	vst v0  }
0x21: {  	[tilespmem:s22+$0x4140] =	vst v0  }
0x22: {  	[tilespmem:s22+$0x4150] =	vst v0  }
0x23: {  	[tilespmem:s22+$0x4160] =	vst v0  }
0x24: {  	[spmem:s5] =	stream.linear.scatter [tilespmem:s14], [sflag:$0x2], $0x4000, $0x38;
	[tilespmem:$0xD100] =	vst v63  }
0x25: {  	_ =	swait.ge [sflag:s15], $0x4000  }
0x26: {  	[sflag:s15] =	ssyncset.done $0x0  }
0x27: {  	[sflag:s15] =	ssyncadd.s32 $0xFFFFC000  }
0x28: {  	[spmem:s6] =	stream.linear.scatter [tilespmem:s14], [sflag:$0x2], $0x1000, $0x38;
	[tilespmem:$0xD100] =	vst v63  }
0x29: {  	_ =	swait.ge [sflag:s15], $0x1000  }
0x2a: {  	[sflag:s15] =	ssyncset.done $0x0  }
0x2b: {  	[sflag:s15] =	ssyncadd.s32 $0xFFFFF000  }
0x2c: {  	[bflag:$0x0] =	sbarrier.arrive $0xFFFF  }
0x2d: {  	[tilespmem:s2], [sflag:$0x2] =	stream.linear.gather [hbm4b:s7+s2], $0x80, $0x38;
	[tilespmem:$0xD100] =	vst v63  }
0x2e: {  	_ =	swait.ge [sflag:s15], $0x80  }
0x2f: {  	[sflag:s15] =	ssyncset.done $0x0  }
0x30: {  	[sflag:s15] =	ssyncadd.s32 $0xFFFFFF80  }
0x31: {  	[tilespmem:s16], [sflag:$0x2] =	stream.linear.gather [hbm4b:s9+s2], $0x80, $0x38;
	[tilespmem:$0xD100] =	vst v63  }
0x32: {  	_ =	swait.ge [sflag:s15], $0x80  }
0x33: {  	[sflag:s15] =	ssyncset.done $0x0  }
0x34: {  	[sflag:s15] =	ssyncadd.s32 $0xFFFFFF80  }
0x35: {  	[tilespmem:s17], [sflag:$0x1] =	stream.indirect.gather [hbm4b:s4+s16], $0x80, s2, s16, $0xb8;
	[tilespmem:$0xD100] =	vst v63  }
0x36: {  	_ =	swait.ge [sflag:s18], $0x4000  }
0x37: {  	[sflag:s18] =	ssyncset.done $0x0  }
0x38: {  	[sflag:s18] =	ssyncadd.s32 $0xFFFFC000  }
0x39: {  	[spmem:s1] =	stream.indirect.scatter.add.f32 [tilespmem:s17], [sflag:$0x2], $0x80, s16, s16, $0xb8;
	[tilespmem:$0xD100] =	vst v63  }
0x3a: {  	_ =	swait.ge [sflag:s15], $0x4000  }
0x3b: {  	[sflag:s15] =	ssyncset.done $0x0  }
0x3c: {  	[sflag:s15] =	ssyncadd.s32 $0xFFFFC000  }
0x3d: {  	[tilespmem:s2], [sflag:$0x2] =	stream.linear.gather [hbm4b:s10+s2], $0x80, $0x38;
	[tilespmem:$0xD100] =	vst v63  }
0x3e: {  	_ =	swait.ge [sflag:s15], $0x80  }
0x3f: {  	[sflag:s15] =	ssyncset.done $0x0  }
0x40: {  	[sflag:s15] =	ssyncadd.s32 $0xFFFFFF80  }
0x41: {  	[tilespmem:s16], [sflag:$0x2] =	stream.linear.gather [hbm4b:s11+s2], $0x80, $0x38;
	[tilespmem:$0xD100] =	vst v63  }
0x42: {  	_ =	swait.ge [sflag:s15], $0x80  }
0x43: {  	[sflag:s15] =	ssyncset.done $0x0  }
0x44: {  	[sflag:s15] =	ssyncadd.s32 $0xFFFFFF80  }
0x45: {  	[tilespmem:s17], [sflag:$0x1] =	stream.indirect.gather [hbm4b:s4+s16], $0x80, s2, s16, $0xb8;
	[tilespmem:$0xD100] =	vst v63  }
0x46: {  	_ =	swait.ge [sflag:s18], $0x4000  }
0x47: {  	[sflag:s18] =	ssyncset.done $0x0  }
0x48: {  	[sflag:s18] =	ssyncadd.s32 $0xFFFFC000  }
0x49: {  	[spmem:s1] =	stream.indirect.scatter.add.f32 [tilespmem:s17], [sflag:$0x2], $0x80, s16, s16, $0xb8;
	[tilespmem:$0xD100] =	vst v63  }
0x4a: {  	_ =	swait.ge [sflag:s15], $0x4000  }
0x4b: {  	[sflag:s15] =	ssyncset.done $0x0  }
0x4c: {  	[sflag:s15] =	ssyncadd.s32 $0xFFFFC000  }
0x4d: {  	[tilespmem:s2], [sflag:$0x2] =	stream.linear.gather [hbm4b:s12+s2], $0x80, $0x38;
	[tilespmem:$0xD100] =	vst v63  }
0x4e: {  	_ =	swait.ge [sflag:s15], $0x80  }
0x4f: {  	[sflag:s15] =	ssyncset.done $0x0  }
0x50: {  	[sflag:s15] =	ssyncadd.s32 $0xFFFFFF80  }
0x51: {  	[tilespmem:s16], [sflag:$0x2] =	stream.linear.gather [hbm4b:s13+s2], $0x80, $0x38;
	[tilespmem:$0xD100] =	vst v63  }
0x52: {  	_ =	swait.ge [sflag:s15], $0x80  }
0x53: {  	[sflag:s15] =	ssyncset.done $0x0  }
0x54: {  	[sflag:s15] =	ssyncadd.s32 $0xFFFFFF80  }
0x55: {  	[tilespmem:s17], [sflag:$0x1] =	stream.indirect.gather [hbm4b:s4+s16], $0x80, s2, s16, $0xb8;
	[tilespmem:$0xD100] =	vst v63  }
0x56: {  	_ =	swait.ge [sflag:s18], $0x4000  }
0x57: {  	[sflag:s18] =	ssyncset.done $0x0  }
0x58: {  	[sflag:s18] =	ssyncadd.s32 $0xFFFFC000  }
0x59: {  	[spmem:s1] =	stream.indirect.scatter.add.f32 [tilespmem:s17], [sflag:$0x2], $0x80, s16, s16, $0xb8;
	[tilespmem:$0xD100] =	vst v63  }
0x5a: {  	_ =	swait.ge [sflag:s15], $0x4000  }
0x5b: {  	[sflag:s15] =	ssyncset.done $0x0  }
0x5c: {  	s30 =	sshll.u32 s3, $0x6;
	[sflag:s15] =	ssyncadd.s32 $0xFFFFC000  }
0x5d: {  	s23 =	sshrl.u32 s5, $0x3;
	s22 =	sor.u32 $0x1C02, s30;
	[bflag:$0x0] =	sbarrier.arrive $0xFFFF  }
0x5e: {  	[hbm:s19], [sflag:s22] =	dma.local [spmem:s23], $0x800  }
0x5f: {  	s21 =	sadd.s32 $0x1, s21;
	_ =	swait.ge [sflag:s15], $0x800  }
0x60: {  	p0 =	sne.s32 s21, s8;
	[sflag:s15] =	ssyncset.done $0x0  }
.Ltmp1:
0x61: {  	s31 =	sshrl.u32 s6, $0x3;
	[sflag:s15] =	ssyncadd.s32 $0xFFFFF800;
	(pc) =	sbr.rel @p0 .LBB2_1-.Ltmp1, $4  }
0x62: {  	[hbm:s20], [sflag:s22] =	dma.local [spmem:s31], $0x200  }
0x63: {  	_ =	swait.ge [sflag:s15], $0x200  }
0x64: {  	[sflag:s15] =	ssyncset.done $0x0  }
0x65: {  	[sflag:s15] =	ssyncadd.s32 $0xFFFFFE00  }
0x66: {  	_ =	sfence.sel $0x180000  }
0x67: {  	[bflag:$0x0] =	sbarrier.arrive $0xFFFF  }
0x68: {  	p0 =	sne.s32 s3, $0x0;
	_ =	strace $0x9000004D  }
0x69: {  	s0 =	sadd.s32 @!p0 $0x100000, s0;
	[bflag:$0x2] =	sbarrier.arrive $0xFFFF  }
0x6a: {  	[sflag:s0] =	ssyncadd.tile.s32 @!p0 $0x1;
	_ =	shalt  }
.Lfunc_end2:
_tile_overlayer_lowered:
.L_overlay_start_2:
0x6b: {  	(tag) =	ssettag $0x2  }
0x6c: {  	s0 =	rddreg [dreg:$0x0];
	s2 =	stileid.u32  }
0x6d: {  	s1 =	rddreg [dreg:$0x1];
	p0 =	sne.s32 s2, $0x0  }
0x6e: {  	s3 =	rddreg [dreg:$0x2];
	[bflag:$0x3] =	sbarrier.arrive $0xFFFF;
	s2 =	simm.s32 @!p0 $0x1C02  }
0x6f: {  	[timem:s3], [sflag:s2] =	dma.local @!p0 [hbm:s0], s1  }
0x70: {  	s0 =	simm.s32 @!p0 $0x2  }
0x71: {  	_ =	swait.ge @!p0 [sflag:s0], s1  }
0x72: {  	s1 =	ssub.s32 @!p0 $0x0, s1;
	[sflag:s0] =	ssyncset.done @!p0 $0x0  }
0x73: {  	[sflag:s0] =	ssyncadd.s32 @!p0 s1  }
0x74: {  	[bflag:$0x3] =	sbarrier.arrive $0xFFFF  }
0x75: {  	_ =	shalt  }

// kernel: kernel.31.cloned.1.call-start
scs
__scs_entry_jumppad:
0x0: {  	(pc) =	sbr.rel $0x88, $3  }
0x1: {  	(tag) =	ssettag $0x0;
	lr =	simm.s32 $0x1  }
0x2: {  	[smem:$0x3F91] =	sst lr;
	_ =	strace $0xD0000000  }
0x3: {  	_ = 	snop  }
0x4: {  	_ = 	snop  }
0x5: {  	_ = 	snop  }
0x6: {  	_ = 	snop  }
0x7: {  	_ = 	snop  }
__scs_overlays_trampoline_lowered:
0x8: {  	[smem:$0x3FA0] =	sst s0  }
0x9: {  	[smem:$0x3FA1] =	sst s1  }
0xa: {  	[smem:$0x3FA2] =	sst s2  }
0xb: {  	[smem:$0x3FA3] =	sst s3  }
0xc: {  	[smem:$0x3FA4] =	sst s4  }
0xd: {  	[smem:$0x3FA5] =	sst s5  }
0xe: {  	[smem:$0x3FA6] =	sst s6  }
0xf: {  	[smem:$0x3FA7] =	sst s7  }
0x10: {  	[smem:$0x3FA8] =	sst s8  }
0x11: {  	[smem:$0x3FA9] =	sst s9;
	s0 =	simm.s32 @!p0 $0x0  }
0x12: {  	s1 =	sld [smem:$0x3F8F];
	s0 =	simm.s32 @p0 $0x1  }
0x13: {  	[smem:$0x3FAA] =	sst s0;
	s0 =	simm.s32 @!p1 $0x0  }
0x14: {  	s2 =	sld [smem:$0x3F8E];
	s0 =	simm.s32 @p1 $0x1  }
0x15: {  	[smem:$0x3FAB] =	sst s0;
	s0 =	simm.s32 @!p2 $0x0  }
0x16: {  	s3 =	sld [smem:$0x3FDB];
	s0 =	simm.s32 @p2 $0x1  }
0x17: {  	s4 =	simm.s32 $0x1BF5;
	[smem:$0x3FAD] =	sst s0  }
0x18: {  	s0 =	sld [smem:$0x3F90];
	_ =	swait.ge [sflag:s4], $0x0  }
0x19: {  	s7 =	sld [smem:$0x3F91]  }
0x1a: {  	s8 =	sadd.s32 $0xFFFFE003, lr  }
0x1b: {  	s9 =	sadd.s32 $0xFFFFFEF7, lr;
	s5 =	simm.s32 $0xFFFFFFFF;
	p2 =	slt.u32 s8, $0xFFFFF086  }
0x1c: {  	p1 =	slt.u32 s9, $0xF7A;
	s5 =	simm.s32 @!p2 $0x0  }
0x1d: {  	s5 =	simm.s32 @p1 $0x1;
	p0 =	seq.s32 s7, s2  }
0x1e: {  	s7 =	smul.u32 @!p0 $0xF7A, s2;
	p2 =	seq.s32 @!p0 s5, $0x0  }
0x1f: {  	s9 =	smul.u32 $0xF7A, s1;
	s8 =	simm.s32 @!p0 $0x1BF5;
	p2 =	por !p2, p0  }
0x20: {  	[sflag:s8] =	ssyncset.s32 @!p0 $0xFFFFF086;
	s6 =	sadd.s32 @!p0 s3, s7;
	s7 =	simm.s32 @!p0 $0x108  }
0x21: {  	s3 =	sadd.s32 s3, s9;
	s6 =	sadd.s32 @!p0 $0x88, s6;
	s7 =	simm.s32 @p2 $0x1082  }
0x22: {  	[simem:s7], [sflag:s8] =	dma.local @!p0 [hbm:s6], $0xF7A  }
0x23: {  	s9 =	sor.u32 $0xD0000000, s2;
	s6 =	simm.s32 $0x108;
	_ =	swait.ge @!p0 [sflag:s8], $0x0  }
0x24: {  	s3 =	sadd.s32 $0x88, s3;
	s6 =	simm.s32 @!p1 $0x1082;
	[sflag:s4] =	ssyncset.s32 $0xFFFFF086  }
0x25: {  	[simem:s6], [sflag:s4] =	dma.local [hbm:s3], $0xF7A  }
0x26: {  	[smem:$0x3F91] =	sst s1;
	(tag) =	ssettag s2;
	_ =	strace s9  }
0x27: {  	s1 =	sld [smem:$0x3FA1]  }
0x28: {  	s2 =	sld [smem:$0x3FA2]  }
0x29: {  	s4 =	sld [smem:$0x3FA4]  }
0x2a: {  	p0 =	seq.s32 s5, $0x0;
	s5 =	sld [smem:$0x3FA5]  }
0x2b: {  	s6 =	sld [smem:$0x3FA6]  }
0x2c: {  	s7 =	sld [smem:$0x3FA7]  }
0x2d: {  	s3 =	simm.s32 $0x108;
	s8 =	sld [smem:$0x3FA8]  }
0x2e: {  	s3 =	simm.s32 @!p0 $0x1082;
	s9 =	sld [smem:$0x3FA9]  }
0x2f: {  	lr =	sadd.s32 s0, s3;
	s0 =	sld [smem:$0x3FA0]  }
0x30: {  	s3 =	sld [smem:$0x3FA3]  }
0x31: {  	[smem:$0x3FAC] =	sst s10  }
0x32: {  	s10 =	sld [smem:$0x3FAA];
	_ =	sdelay $0x3  }
0x33: {  	p0 =	seq.s32 s10, $0x1;
	s10 =	sld [smem:$0x3FAC];
	_ =	sdelay $0x3  }
0x34: {  	[smem:$0x3FAC] =	sst s10  }
0x35: {  	s10 =	sld [smem:$0x3FAB];
	_ =	sdelay $0x3  }
0x36: {  	p1 =	seq.s32 s10, $0x1;
	s10 =	sld [smem:$0x3FAC];
	_ =	sdelay $0x3  }
0x37: {  	[smem:$0x3FAC] =	sst s10  }
0x38: {  	s10 =	sld [smem:$0x3FAD]  }
0x39: {  	_ = 	snop;
	(pc) =	sbr.ind lr, $3  }
0x3a: {  	_ = 	snop  }
0x3b: {  	_ = 	snop  }
0x3c: {  	p2 =	seq.s32 s10, $0x1;
	s10 =	sld [smem:$0x3FAC]  }
0x3d: {  	_ =	shalt  }
0x3e: {  	_ =	shalt  }
0x3f: {  	_ =	shalt  }
0x40: {  	_ =	shalt  }
0x41: {  	_ =	shalt  }
0x42: {  	_ =	shalt  }
0x43: {  	_ =	shalt  }
0x44: {  	_ =	shalt  }
0x45: {  	_ =	shalt  }
0x46: {  	_ =	shalt  }
0x47: {  	_ =	shalt  }
0x48: {  	_ =	shalt  }
0x49: {  	_ =	shalt  }
0x4a: {  	_ =	shalt  }
0x4b: {  	_ =	shalt  }
0x4c: {  	_ =	shalt  }
0x4d: {  	_ =	shalt  }
0x4e: {  	_ =	shalt  }
0x4f: {  	_ =	shalt  }
0x50: {  	_ =	shalt  }
0x51: {  	_ =	shalt  }
0x52: {  	_ =	shalt  }
0x53: {  	_ =	shalt  }
0x54: {  	_ =	shalt  }
0x55: {  	_ =	shalt  }
0x56: {  	_ =	shalt  }
0x57: {  	_ =	shalt  }
0x58: {  	_ =	shalt  }
0x59: {  	_ =	shalt  }
0x5a: {  	_ =	shalt  }
0x5b: {  	_ =	shalt  }
0x5c: {  	_ =	shalt  }
0x5d: {  	_ =	shalt  }
0x5e: {  	_ =	shalt  }
0x5f: {  	_ =	shalt  }
0x60: {  	_ =	shalt  }
0x61: {  	_ =	shalt  }
0x62: {  	_ =	shalt  }
0x63: {  	_ =	shalt  }
0x64: {  	_ =	shalt  }
0x65: {  	_ =	shalt  }
0x66: {  	_ =	shalt  }
0x67: {  	_ =	shalt  }
0x68: {  	_ =	shalt  }
0x69: {  	_ =	shalt  }
0x6a: {  	_ =	shalt  }
0x6b: {  	_ =	shalt  }
0x6c: {  	_ =	shalt  }
0x6d: {  	_ =	shalt  }
0x6e: {  	_ =	shalt  }
0x6f: {  	_ =	shalt  }
0x70: {  	_ =	shalt  }
0x71: {  	_ =	shalt  }
0x72: {  	_ =	shalt  }
0x73: {  	_ =	shalt  }
0x74: {  	_ =	shalt  }
0x75: {  	_ =	shalt  }
0x76: {  	_ =	shalt  }
0x77: {  	_ =	shalt  }
0x78: {  	_ =	shalt  }
0x79: {  	_ =	shalt  }
0x7a: {  	_ =	shalt  }
0x7b: {  	_ =	shalt  }
0x7c: {  	_ =	shalt  }
0x7d: {  	_ =	shalt  }
0x7e: {  	_ =	shalt  }
0x7f: {  	_ =	shalt  }
0x80: {  	_ =	shalt  }
0x81: {  	_ =	shalt  }
0x82: {  	_ =	shalt  }
0x83: {  	_ =	shalt  }
0x84: {  	_ =	shalt  }
0x85: {  	_ =	shalt  }
0x86: {  	_ =	shalt  }
0x87: {  	_ =	shalt  }
.Lfunc_end0:
.L_simem_size_0:
called_computation.3_lowered:
.L_overlay_start_0:
0x88: {  	s2 =	sld [smem:$0x3FD9]  }
0x89: {  	s3 =	sld [smem:$0x3FFE];
	_ =	sdelay $0x1  }
0x8a: {  	s1 =	srdreg.scid  }
0x8b: {  	s0 =	sand.u32 $0x1, s1  }
0x8c: {  	s17 =	sshll.u32 s0, $0xA;
	s2 =	sadd.s32 s3, s2  }
0x8d: {  	s2 =	sadd.s32 s2, s17  }
0x8e: {  	[smem:$0x3FB8] =	sst s2  }
0x8f: {  	_ = 	snop  }
0x90: {  	s2 =	sld [smem:$0x3FD0];
	(tm) =	ssettm $0x1  }
0x91: {  	s18 =	sld [smem:$0x3FFB];
	_ =	sdelay $0x3  }
0x92: {  	_ =	strace s18  }
0x93: {  	s3 =	sld [smem:$0x3FFC];
	_ =	sdelay $0x3  }
0x94: {  	_ =	strace s3  }
0x95: {  	s3 =	sld [smem:$0x3FFD];
	_ =	sdelay $0x3  }
0x96: {  	_ =	strace s3  }
0x97: {  	_ =	strace $0x8FFFFFFF  }
0x98: {  	s19 =	sld [smem:$0x3FDB];
	_ =	sdelay $0x1  }
0x99: {  	s4 =	simm.s32 $_scs_section_size  }
0x9a: {  	s5 =	simm.s32 $_size__tile_overlayer_lowered;
	s6 =	simm.s32 $_tile_overlayer_lowered  }
0x9b: {  	s22 =	simm.s32 $0x1BFF;
	s21 =	sshll.u32 s6, $0x1;
	s3 =	sadd.s32 s4, s19  }
0x9c: {  	s7 =	simm.s32 $0x0;
	s20 =	sshll.u32 s5, $0x1;
	s5 =	sadd.s32 s21, s3  }
0x9d: {  	[timem:s7], [sflag:s22] =	dma.local [hbm:s5], s20  }
0x9e: {  	_ =	swait.ge [sflag:s22], s20  }
0x9f: {  	s4 =	ssub.s32 $0x0, s20;
	[sflag:s22] =	ssyncset.done $0x0  }
0xa0: {  	[sflag:s22] =	ssyncadd.s32 s4;
	_ =	sdelay $0x1  }
0xa1: {  	s23 =	simm.s32 $0x1B8B  }
0xa2: {  	_ =	swait.ge [sflag:s23], $0x1  }
0xa3: {  	[sflag:s23] =	ssyncset.done $0x0  }
0xa4: {  	s25 =	simm.s32 $0x1B8E;
	s24 =	sld [smem:$0x3FFE];
	[sflag:s23] =	ssyncadd.s32 $0xFFFFFFFF  }
0xa5: {  	s26 =	simm.s32 $execute0_lowered;
	[smem:$0x3FD2] =	sst s25  }
0xa6: {  	s5 =	sshll.u32 s26, $0x1;
	_ =	strace $0x8000004F;
	[dreg:$0x1] =	wrdreg $0xFFFFFFFF  }
0xa7: {  	s28 =	simm.s32 $_size_execute0_lowered;
	s3 =	sadd.s32 s3, s5;
	[dreg:$0x0] =	wrdreg $0x0  }
0xa8: {  	s5 =	sshll.u32 s28, $0x1;
	[dreg:$0x2] =	wrdreg s3  }
0xa9: {  	[dreg:$0x3] =	wrdreg s5  }
0xaa: {  	[dreg:$0x4] =	wrdreg $0xC0  }
0xab: {  	_ =	task [dreg:s7], $0x5FFFF  }
0xac: {  	[dreg:$0x1] =	wrdreg $0xFFFFFFFF  }
0xad: {  	[dreg:$0x0] =	wrdreg $0x60  }
0xae: {  	[dreg:$0x2] =	wrdreg s24  }
0xaf: {  	[dreg:$0x3] =	wrdreg s2  }
0xb0: {  	[dreg:$0x4] =	wrdreg $0x81000  }
0xb1: {  	[dreg:$0x5] =	wrdreg $0x9  }
0xb2: {  	_ =	task.clear_ibuf [dreg:s7], $0x6FFFF;
	_ =	strace $0x9000004F  }
0xb3: {  	s29 =	simm.s32 $0x9;
	_ =	strace $0x80000051  }
0xb4: {  	_ =	swait.ge [sflag:s29], $0x1  }
0xb5: {  	[sflag:s29] =	ssyncadd.s32 $0xFFFFFFFF  }
0xb6: {  	_ =	strace $0x90000051  }
0xb7: {  	_ =	sfence  }
0xb8: {  	s30 =	sld [smem:$0x0];
	_ =	sdelay $0x2  }
0xb9: {  	s31 =	sshll.u32 s1, $0xD;
	s1 =	sshrl.u32 s1, $0x2  }
0xba: {  	s3 =	sand.u32 $0x4000, s31;
	s1 =	sadd.s32 s1, s30  }
0xbb: {  	s0 =	sor.u32 s3, s0;
	s1 =	sshll.u32 s1, $0x11  }
0xbc: {  	s0 =	sor.u32 s1, s0  }
0xbd: {  	s0 =	sadd.s32 $0x8F2B, s0  }
0xbe: {  	[sflag:s0] =	ssyncadd.remote.s32 $0x1  }
0xbf: {  	_ =	sfence.sel $0xFFFF  }
0xc0: {  	[dreg:$0x0] =	wrdreg $0xFFFFFFFF;
	(pc) =	sbr.abs _section_cstart, $3  }
0xc1: {  	[dreg:$0x1] =	wrdreg $0xFFFFFFFF  }
0xc2: {  	_ =	task.clear_ibuf [dreg:s7], $0x2FFFF;
	_ =	strace $0x9FFFFFFF  }
0xc3: {  	(tm) =	ssettm $0x7FFFFFFF  }
tec
execute0_lowered:
.L_overlay_start_1:
0x0: {  	(tag) =	ssettag $0x1  }
0x1: {  	s5 =	rddreg [dreg:$0x0]  }
0x2: {  	s7 =	rddreg [dreg:$0x1]  }
0x3: {  	s1 =	rddreg [dreg:$0x2];
	s2 =	srdreg.scid  }
0x4: {  	s0 =	rddreg [dreg:$0x3];
	s6 =	sand.u32 $0x1, s2  }
0x5: {  	s2 =	stileid.u32;
	s8 =	smul.u32 $0xA00, s6  }
0x6: {  	s3 =	simm.s32 $0x0;
	s14 =	simm.s32 $0x1;
	s9 =	smul.u32 $0xA0, s2  }
0x7: {  	[smem:$0x7FF] =	sst s3;
	s4 =	sadd.s32 $0x46E00, s5;
	s11 =	smul.u32 $0x14000, s2  }
0x8: {  	_ =	strace $0x80000050;
	s10 =	ssub.s32 $0x2, s6;
	s13 =	smul.u32 $0xA000, s6  }
0x9: {  	s15 =	smul.u32 $0xA00, s2;
	s16 =	sshll.u32 s2, $0x6;
	s30 =	sshrl.u32 s10, $0x1  }
0xa: {  	s16 =	sor.u32 $0x1C02, s16;
	s8 =	sadd.s32 s8, s5;
	s11 =	sshrl.u32 s11, $0x2  }
0xb: {  	s12 =	sadd.s32 $0x80, s9;
	s10 =	ssub.s32 s10, s30;
	s17 =	sadd.s32 s7, s13  }
0xc: {  	s13 =	simm.s32 $0x100;
	s5 =	sadd.s32 s11, s1;
	s31 =	sshll.u32 s12, $0x7  }
0xd: {  	s18 =	sshll.u32 s12, $0x4;
	s7 =	smax.u32 s10, $0x1;
	s9 =	sadd.s32 s9, s8  }
0xe: {  	s10 =	simm.s32 $0x4100;
	s11 =	simm.s32 $0x2;
	s12 =	simm.s32 $0x80  }
0xf: {  	s15 =	sadd.s32 s15, s17;
	s6 =	sadd.s32 s31, s1;
	s8 =	sadd.s32 $0x45A00, s9  }
0x10: {  	v0 =	vimm.f32 $0.0e+00;
	s9 =	sadd.s32 $0x44600, s9;
	s17 =	sadd.s32 s18, s17;
	s18 =	simm.s32 $0x0  }
.LBB2_1:
0x11: {  	s19 =	simm.s32 $0x0;
	s20 =	simm.s32 $0x200  }
.LBB2_2:
0x12: {  	p0 =	sne.s32 s20, $0xFE00;
	[tilespmem:s19+$0x4170] =	vst v0  }
0x13: {  	[tilespmem:s19+$0x4100] =	vst v0  }
0x14: {  	[tilespmem:s19+$0x4110] =	vst v0  }
.Ltmp0:
0x15: {  	[tilespmem:s19+$0x4120] =	vst v0;
	(pc) =	sbr.rel @p0 .LBB2_2-.Ltmp0, $4  }
0x16: {  	[tilespmem:s19+$0x4130] =	vst v0  }
0x17: {  	[tilespmem:s19+$0x4140] =	vst v0  }
0x18: {  	[tilespmem:s19+$0x4150] =	vst v0  }
0x19: {  	[tilespmem:s19+$0x4160] =	vst v0;
	s19 =	sshra.s32 s20, $0x2;
	s20 =	sadd.s32 $0x200, s20  }
0x1a: {  	[tilespmem:s19+$0x4170] =	vst v0  }
0x1b: {  	[tilespmem:s19+$0x4100] =	vst v0  }
0x1c: {  	[tilespmem:s19+$0x4110] =	vst v0  }
0x1d: {  	[tilespmem:s19+$0x4120] =	vst v0  }
0x1e: {  	[tilespmem:s19+$0x4130] =	vst v0  }
0x1f: {  	[tilespmem:s19+$0x4140] =	vst v0  }
0x20: {  	[tilespmem:s19+$0x4150] =	vst v0  }
0x21: {  	[tilespmem:s19+$0x4160] =	vst v0  }
0x22: {  	[spmem:s5] =	stream.linear.scatter [tilespmem:s10], [sflag:$0x2], $0x4000, $0x38;
	[tilespmem:$0xD100] =	vst v63  }
0x23: {  	_ =	swait.ge [sflag:s11], $0x4000  }
0x24: {  	[sflag:s11] =	ssyncset.done $0x0  }
0x25: {  	[sflag:s11] =	ssyncadd.s32 $0xFFFFC000  }
0x26: {  	[spmem:s6] =	stream.linear.scatter [tilespmem:s10], [sflag:$0x2], $0x1000, $0x38;
	[tilespmem:$0xD100] =	vst v63  }
0x27: {  	_ =	swait.ge [sflag:s11], $0x1000  }
0x28: {  	[sflag:s11] =	ssyncset.done $0x0  }
0x29: {  	[sflag:s11] =	ssyncadd.s32 $0xFFFFF000  }
0x2a: {  	s30 =	sadd.s32 $0x0, s9;
	[bflag:$0x0] =	sbarrier.arrive $0xFFFF  }
0x2b: {  	[tilespmem:s3], [sflag:$0x2] =	stream.linear.gather [hbm4b:s30+s3], $0x80, $0x38;
	[tilespmem:$0xD100] =	vst v63  }
0x2c: {  	_ =	swait.ge [sflag:s11], $0x80  }
0x2d: {  	[sflag:s11] =	ssyncset.done $0x0  }
0x2e: {  	s31 =	sadd.s32 $0x0, s8;
	[sflag:s11] =	ssyncadd.s32 $0xFFFFFF80  }
0x2f: {  	[tilespmem:s12], [sflag:$0x2] =	stream.linear.gather [hbm4b:s31+s3], $0x80, $0x38;
	[tilespmem:$0xD100] =	vst v63  }
0x30: {  	_ =	swait.ge [sflag:s11], $0x80  }
0x31: {  	[sflag:s11] =	ssyncset.done $0x0  }
0x32: {  	[sflag:s11] =	ssyncadd.s32 $0xFFFFFF80  }
0x33: {  	[tilespmem:s13], [sflag:$0x1] =	stream.indirect.gather [hbm4b:s4+s12], $0x80, s3, s12, $0xb8;
	[tilespmem:$0xD100] =	vst v63  }
0x34: {  	_ =	swait.ge [sflag:s14], $0x4000  }
0x35: {  	[sflag:s14] =	ssyncset.done $0x0  }
0x36: {  	[sflag:s14] =	ssyncadd.s32 $0xFFFFC000  }
0x37: {  	[spmem:s1] =	stream.indirect.scatter.add.f32 [tilespmem:s13], [sflag:$0x2], $0x80, s12, s12, $0xb8;
	[tilespmem:$0xD100] =	vst v63  }
0x38: {  	_ =	swait.ge [sflag:s11], $0x4000  }
0x39: {  	s19 =	simm.s32 $0x10;
	s20 =	simm.s32 $0x20;
	[sflag:s11] =	ssyncset.done $0x0  }
.LBB2_4:
0x3a: {  	s21 =	sadd.s32 s19, s9  }
0x3b: {  	[sflag:s11] =	ssyncadd.s32 $0xFFFFC000;
	s22 =	smov.u32 s20;
	s23 =	sadd.s32 $0x10, s20  }
0x3c: {  	[tilespmem:s3], [sflag:$0x2] =	stream.linear.gather [hbm4b:s21+s3], $0x80, $0x38;
	[tilespmem:$0xD100] =	vst v63  }
0x3d: {  	p0 =	sne.s32 s20, $0x90;
	_ =	swait.ge [sflag:s11], $0x80  }
0x3e: {  	[sflag:s11] =	ssyncset.done $0x0  }
0x3f: {  	s20 =	sadd.s32 s19, s8;
	s19 =	smov.u32 s22;
	[sflag:s11] =	ssyncadd.s32 $0xFFFFFF80  }
0x40: {  	[tilespmem:s12], [sflag:$0x2] =	stream.linear.gather [hbm4b:s20+s3], $0x80, $0x38;
	[tilespmem:$0xD100] =	vst v63  }
0x41: {  	_ =	swait.ge [sflag:s11], $0x80  }
0x42: {  	[sflag:s11] =	ssyncset.done $0x0  }
0x43: {  	[sflag:s11] =	ssyncadd.s32 $0xFFFFFF80  }
0x44: {  	[tilespmem:s13], [sflag:$0x1] =	stream.indirect.gather [hbm4b:s4+s12], $0x80, s3, s12, $0xb8;
	[tilespmem:$0xD100] =	vst v63  }
0x45: {  	_ =	swait.ge [sflag:s14], $0x4000  }
.Ltmp1:
0x46: {  	[sflag:s14] =	ssyncset.done $0x0;
	(pc) =	sbr.rel @p0 .LBB2_4-.Ltmp1, $4  }
0x47: {  	[sflag:s14] =	ssyncadd.s32 $0xFFFFC000  }
0x48: {  	[spmem:s1] =	stream.indirect.scatter.add.f32 [tilespmem:s13], [sflag:$0x2], $0x80, s12, s12, $0xb8;
	[tilespmem:$0xD100] =	vst v63  }
0x49: {  	_ =	swait.ge [sflag:s11], $0x4000  }
0x4a: {  	s20 =	smov.u32 s23;
	[sflag:s11] =	ssyncset.done $0x0  }
0x4b: {  	s20 =	sadd.s32 s19, s9;
	[sflag:s11] =	ssyncadd.s32 $0xFFFFC000  }
0x4c: {  	[tilespmem:s3], [sflag:$0x2] =	stream.linear.gather [hbm4b:s20+s3], $0x80, $0x38;
	[tilespmem:$0xD100] =	vst v63  }
0x4d: {  	_ =	swait.ge [sflag:s11], $0x80  }
0x4e: {  	[sflag:s11] =	ssyncset.done $0x0  }
0x4f: {  	s29 =	sadd.s32 s19, s8;
	[sflag:s11] =	ssyncadd.s32 $0xFFFFFF80  }
0x50: {  	[tilespmem:s12], [sflag:$0x2] =	stream.linear.gather [hbm4b:s29+s3], $0x80, $0x38;
	[tilespmem:$0xD100] =	vst v63  }
0x51: {  	_ =	swait.ge [sflag:s11], $0x80  }
0x52: {  	[sflag:s11] =	ssyncset.done $0x0  }
0x53: {  	[sflag:s11] =	ssyncadd.s32 $0xFFFFFF80  }
0x54: {  	[tilespmem:s13], [sflag:$0x1] =	stream.indirect.gather [hbm4b:s4+s12], $0x80, s3, s12, $0xb8;
	[tilespmem:$0xD100] =	vst v63  }
0x55: {  	_ =	swait.ge [sflag:s14], $0x4000  }
0x56: {  	[sflag:s14] =	ssyncset.done $0x0  }
0x57: {  	[sflag:s14] =	ssyncadd.s32 $0xFFFFC000  }
0x58: {  	[spmem:s1] =	stream.indirect.scatter.add.f32 [tilespmem:s13], [sflag:$0x2], $0x80, s12, s12, $0xb8;
	[tilespmem:$0xD100] =	vst v63  }
0x59: {  	_ =	swait.ge [sflag:s11], $0x4000  }
0x5a: {  	[sflag:s11] =	ssyncset.done $0x0  }
0x5b: {  	[sflag:s11] =	ssyncadd.s32 $0xFFFFC000  }
0x5c: {  	s30 =	sshrl.u32 s5, $0x3;
	[bflag:$0x0] =	sbarrier.arrive $0xFFFF  }
0x5d: {  	[hbm:s15], [sflag:s16] =	dma.local [spmem:s30], $0x800  }
0x5e: {  	s18 =	sadd.s32 $0x1, s18;
	_ =	swait.ge [sflag:s11], $0x800  }
0x5f: {  	p0 =	sne.s32 s18, s7;
	[sflag:s11] =	ssyncset.done $0x0  }
.Ltmp2:
0x60: {  	s31 =	sshrl.u32 s6, $0x3;
	[sflag:s11] =	ssyncadd.s32 $0xFFFFF800;
	(pc) =	sbr.rel @p0 .LBB2_1-.Ltmp2, $4  }
0x61: {  	[hbm:s17], [sflag:s16] =	dma.local [spmem:s31], $0x200  }
0x62: {  	_ =	swait.ge [sflag:s11], $0x200  }
0x63: {  	[sflag:s11] =	ssyncset.done $0x0  }
0x64: {  	[sflag:s11] =	ssyncadd.s32 $0xFFFFFE00  }
0x65: {  	_ =	sfence.sel $0x180000  }
0x66: {  	[bflag:$0x0] =	sbarrier.arrive $0xFFFF  }
0x67: {  	p0 =	sne.s32 s2, $0x0;
	_ =	strace $0x90000050  }
0x68: {  	s0 =	sadd.s32 @!p0 $0x100000, s0;
	[bflag:$0x2] =	sbarrier.arrive $0xFFFF  }
0x69: {  	[sflag:s0] =	ssyncadd.tile.s32 @!p0 $0x1;
	_ =	shalt  }
.Lfunc_end2:
_tile_overlayer_lowered:
.L_overlay_start_2:
0x6a: {  	(tag) =	ssettag $0x2  }
0x6b: {  	s0 =	rddreg [dreg:$0x0];
	s2 =	stileid.u32  }
0x6c: {  	s1 =	rddreg [dreg:$0x1];
	p0 =	sne.s32 s2, $0x0  }
0x6d: {  	s3 =	rddreg [dreg:$0x2];
	[bflag:$0x3] =	sbarrier.arrive $0xFFFF;
	s2 =	simm.s32 @!p0 $0x1C02  }
0x6e: {  	[timem:s3], [sflag:s2] =	dma.local @!p0 [hbm:s0], s1  }
0x6f: {  	s0 =	simm.s32 @!p0 $0x2  }
0x70: {  	_ =	swait.ge @!p0 [sflag:s0], s1  }
0x71: {  	s1 =	ssub.s32 @!p0 $0x0, s1;
	[sflag:s0] =	ssyncset.done @!p0 $0x0  }
0x72: {  	[sflag:s0] =	ssyncadd.s32 @!p0 s1  }
0x73: {  	[bflag:$0x3] =	sbarrier.arrive $0xFFFF  }
0x74: {  	_ =	shalt  }

// kernel: kernel.34.cloned.1.call-start
scs
__scs_entry_jumppad:
0x0: {  	(pc) =	sbr.rel $0x88, $3  }
0x1: {  	(tag) =	ssettag $0x0;
	lr =	simm.s32 $0x1  }
0x2: {  	[smem:$0x3F91] =	sst lr;
	_ =	strace $0xD0000000  }
0x3: {  	_ = 	snop  }
0x4: {  	_ = 	snop  }
0x5: {  	_ = 	snop  }
0x6: {  	_ = 	snop  }
0x7: {  	_ = 	snop  }
__scs_overlays_trampoline_lowered:
0x8: {  	[smem:$0x3FA0] =	sst s0  }
0x9: {  	[smem:$0x3FA1] =	sst s1  }
0xa: {  	[smem:$0x3FA2] =	sst s2  }
0xb: {  	[smem:$0x3FA3] =	sst s3  }
0xc: {  	[smem:$0x3FA4] =	sst s4  }
0xd: {  	[smem:$0x3FA5] =	sst s5  }
0xe: {  	[smem:$0x3FA6] =	sst s6  }
0xf: {  	[smem:$0x3FA7] =	sst s7  }
0x10: {  	[smem:$0x3FA8] =	sst s8  }
0x11: {  	[smem:$0x3FA9] =	sst s9;
	s0 =	simm.s32 @!p0 $0x0  }
0x12: {  	s1 =	sld [smem:$0x3F8F];
	s0 =	simm.s32 @p0 $0x1  }
0x13: {  	[smem:$0x3FAA] =	sst s0;
	s0 =	simm.s32 @!p1 $0x0  }
0x14: {  	s2 =	sld [smem:$0x3F8E];
	s0 =	simm.s32 @p1 $0x1  }
0x15: {  	[smem:$0x3FAB] =	sst s0;
	s0 =	simm.s32 @!p2 $0x0  }
0x16: {  	s3 =	sld [smem:$0x3FDB];
	s0 =	simm.s32 @p2 $0x1  }
0x17: {  	s4 =	simm.s32 $0x1BF5;
	[smem:$0x3FAD] =	sst s0  }
0x18: {  	s0 =	sld [smem:$0x3F90];
	_ =	swait.ge [sflag:s4], $0x0  }
0x19: {  	s7 =	sld [smem:$0x3F91]  }
0x1a: {  	s8 =	sadd.s32 $0xFFFFE003, lr  }
0x1b: {  	s9 =	sadd.s32 $0xFFFFFEF7, lr;
	s5 =	simm.s32 $0xFFFFFFFF;
	p2 =	slt.u32 s8, $0xFFFFF086  }
0x1c: {  	p1 =	slt.u32 s9, $0xF7A;
	s5 =	simm.s32 @!p2 $0x0  }
0x1d: {  	s5 =	simm.s32 @p1 $0x1;
	p0 =	seq.s32 s7, s2  }
0x1e: {  	s7 =	smul.u32 @!p0 $0xF7A, s2;
	p2 =	seq.s32 @!p0 s5, $0x0  }
0x1f: {  	s9 =	smul.u32 $0xF7A, s1;
	s8 =	simm.s32 @!p0 $0x1BF5;
	p2 =	por !p2, p0  }
0x20: {  	[sflag:s8] =	ssyncset.s32 @!p0 $0xFFFFF086;
	s6 =	sadd.s32 @!p0 s3, s7;
	s7 =	simm.s32 @!p0 $0x108  }
0x21: {  	s3 =	sadd.s32 s3, s9;
	s6 =	sadd.s32 @!p0 $0x88, s6;
	s7 =	simm.s32 @p2 $0x1082  }
0x22: {  	[simem:s7], [sflag:s8] =	dma.local @!p0 [hbm:s6], $0xF7A  }
0x23: {  	s9 =	sor.u32 $0xD0000000, s2;
	s6 =	simm.s32 $0x108;
	_ =	swait.ge @!p0 [sflag:s8], $0x0  }
0x24: {  	s3 =	sadd.s32 $0x88, s3;
	s6 =	simm.s32 @!p1 $0x1082;
	[sflag:s4] =	ssyncset.s32 $0xFFFFF086  }
0x25: {  	[simem:s6], [sflag:s4] =	dma.local [hbm:s3], $0xF7A  }
0x26: {  	[smem:$0x3F91] =	sst s1;
	(tag) =	ssettag s2;
	_ =	strace s9  }
0x27: {  	s1 =	sld [smem:$0x3FA1]  }
0x28: {  	s2 =	sld [smem:$0x3FA2]  }
0x29: {  	s4 =	sld [smem:$0x3FA4]  }
0x2a: {  	p0 =	seq.s32 s5, $0x0;
	s5 =	sld [smem:$0x3FA5]  }
0x2b: {  	s6 =	sld [smem:$0x3FA6]  }
0x2c: {  	s7 =	sld [smem:$0x3FA7]  }
0x2d: {  	s3 =	simm.s32 $0x108;
	s8 =	sld [smem:$0x3FA8]  }
0x2e: {  	s3 =	simm.s32 @!p0 $0x1082;
	s9 =	sld [smem:$0x3FA9]  }
0x2f: {  	lr =	sadd.s32 s0, s3;
	s0 =	sld [smem:$0x3FA0]  }
0x30: {  	s3 =	sld [smem:$0x3FA3]  }
0x31: {  	[smem:$0x3FAC] =	sst s10  }
0x32: {  	s10 =	sld [smem:$0x3FAA];
	_ =	sdelay $0x3  }
0x33: {  	p0 =	seq.s32 s10, $0x1;
	s10 =	sld [smem:$0x3FAC];
	_ =	sdelay $0x3  }
0x34: {  	[smem:$0x3FAC] =	sst s10  }
0x35: {  	s10 =	sld [smem:$0x3FAB];
	_ =	sdelay $0x3  }
0x36: {  	p1 =	seq.s32 s10, $0x1;
	s10 =	sld [smem:$0x3FAC];
	_ =	sdelay $0x3  }
0x37: {  	[smem:$0x3FAC] =	sst s10  }
0x38: {  	s10 =	sld [smem:$0x3FAD]  }
0x39: {  	_ = 	snop;
	(pc) =	sbr.ind lr, $3  }
0x3a: {  	_ = 	snop  }
0x3b: {  	_ = 	snop  }
0x3c: {  	p2 =	seq.s32 s10, $0x1;
	s10 =	sld [smem:$0x3FAC]  }
0x3d: {  	_ =	shalt  }
0x3e: {  	_ =	shalt  }
0x3f: {  	_ =	shalt  }
0x40: {  	_ =	shalt  }
0x41: {  	_ =	shalt  }
0x42: {  	_ =	shalt  }
0x43: {  	_ =	shalt  }
0x44: {  	_ =	shalt  }
0x45: {  	_ =	shalt  }
0x46: {  	_ =	shalt  }
0x47: {  	_ =	shalt  }
0x48: {  	_ =	shalt  }
0x49: {  	_ =	shalt  }
0x4a: {  	_ =	shalt  }
0x4b: {  	_ =	shalt  }
0x4c: {  	_ =	shalt  }
0x4d: {  	_ =	shalt  }
0x4e: {  	_ =	shalt  }
0x4f: {  	_ =	shalt  }
0x50: {  	_ =	shalt  }
0x51: {  	_ =	shalt  }
0x52: {  	_ =	shalt  }
0x53: {  	_ =	shalt  }
0x54: {  	_ =	shalt  }
0x55: {  	_ =	shalt  }
0x56: {  	_ =	shalt  }
0x57: {  	_ =	shalt  }
0x58: {  	_ =	shalt  }
0x59: {  	_ =	shalt  }
0x5a: {  	_ =	shalt  }
0x5b: {  	_ =	shalt  }
0x5c: {  	_ =	shalt  }
0x5d: {  	_ =	shalt  }
0x5e: {  	_ =	shalt  }
0x5f: {  	_ =	shalt  }
0x60: {  	_ =	shalt  }
0x61: {  	_ =	shalt  }
0x62: {  	_ =	shalt  }
0x63: {  	_ =	shalt  }
0x64: {  	_ =	shalt  }
0x65: {  	_ =	shalt  }
0x66: {  	_ =	shalt  }
0x67: {  	_ =	shalt  }
0x68: {  	_ =	shalt  }
0x69: {  	_ =	shalt  }
0x6a: {  	_ =	shalt  }
0x6b: {  	_ =	shalt  }
0x6c: {  	_ =	shalt  }
0x6d: {  	_ =	shalt  }
0x6e: {  	_ =	shalt  }
0x6f: {  	_ =	shalt  }
0x70: {  	_ =	shalt  }
0x71: {  	_ =	shalt  }
0x72: {  	_ =	shalt  }
0x73: {  	_ =	shalt  }
0x74: {  	_ =	shalt  }
0x75: {  	_ =	shalt  }
0x76: {  	_ =	shalt  }
0x77: {  	_ =	shalt  }
0x78: {  	_ =	shalt  }
0x79: {  	_ =	shalt  }
0x7a: {  	_ =	shalt  }
0x7b: {  	_ =	shalt  }
0x7c: {  	_ =	shalt  }
0x7d: {  	_ =	shalt  }
0x7e: {  	_ =	shalt  }
0x7f: {  	_ =	shalt  }
0x80: {  	_ =	shalt  }
0x81: {  	_ =	shalt  }
0x82: {  	_ =	shalt  }
0x83: {  	_ =	shalt  }
0x84: {  	_ =	shalt  }
0x85: {  	_ =	shalt  }
0x86: {  	_ =	shalt  }
0x87: {  	_ =	shalt  }
.Lfunc_end0:
.L_simem_size_0:
called_computation.4_lowered:
.L_overlay_start_0:
0x88: {  	s2 =	sld [smem:$0x3FD9]  }
0x89: {  	s3 =	sld [smem:$0x3FFE];
	_ =	sdelay $0x1  }
0x8a: {  	s1 =	srdreg.scid  }
0x8b: {  	s0 =	sand.u32 $0x1, s1  }
0x8c: {  	s17 =	sshll.u32 s0, $0xA;
	s2 =	sadd.s32 s3, s2  }
0x8d: {  	s2 =	sadd.s32 s2, s17  }
0x8e: {  	[smem:$0x3FB8] =	sst s2  }
0x8f: {  	_ = 	snop  }
0x90: {  	s2 =	sld [smem:$0x3FD0];
	(tm) =	ssettm $0x1  }
0x91: {  	s18 =	sld [smem:$0x3FFB];
	_ =	sdelay $0x3  }
0x92: {  	_ =	strace s18  }
0x93: {  	s3 =	sld [smem:$0x3FFC];
	_ =	sdelay $0x3  }
0x94: {  	_ =	strace s3  }
0x95: {  	s3 =	sld [smem:$0x3FFD];
	_ =	sdelay $0x3  }
0x96: {  	_ =	strace s3  }
0x97: {  	_ =	strace $0x8FFFFFFF  }
0x98: {  	s19 =	sld [smem:$0x3FDB];
	_ =	sdelay $0x1  }
0x99: {  	s4 =	simm.s32 $_scs_section_size  }
0x9a: {  	s5 =	simm.s32 $_size__tile_overlayer_lowered;
	s6 =	simm.s32 $_tile_overlayer_lowered  }
0x9b: {  	s22 =	simm.s32 $0x1BFF;
	s21 =	sshll.u32 s6, $0x1;
	s3 =	sadd.s32 s4, s19  }
0x9c: {  	s7 =	simm.s32 $0x0;
	s20 =	sshll.u32 s5, $0x1;
	s5 =	sadd.s32 s21, s3  }
0x9d: {  	[timem:s7], [sflag:s22] =	dma.local [hbm:s5], s20  }
0x9e: {  	_ =	swait.ge [sflag:s22], s20  }
0x9f: {  	s4 =	ssub.s32 $0x0, s20;
	[sflag:s22] =	ssyncset.done $0x0  }
0xa0: {  	[sflag:s22] =	ssyncadd.s32 s4;
	_ =	sdelay $0x1  }
0xa1: {  	s23 =	simm.s32 $0x1B8B  }
0xa2: {  	_ =	swait.ge [sflag:s23], $0x1  }
0xa3: {  	[sflag:s23] =	ssyncset.done $0x0  }
0xa4: {  	s25 =	simm.s32 $0x1B8E;
	s24 =	sld [smem:$0x3FFE];
	[sflag:s23] =	ssyncadd.s32 $0xFFFFFFFF  }
0xa5: {  	s26 =	simm.s32 $execute0_lowered;
	[smem:$0x3FD2] =	sst s25  }
0xa6: {  	s5 =	sshll.u32 s26, $0x1;
	_ =	strace $0x80000052;
	[dreg:$0x1] =	wrdreg $0xFFFFFFFF  }
0xa7: {  	s28 =	simm.s32 $_size_execute0_lowered;
	s3 =	sadd.s32 s3, s5;
	[dreg:$0x0] =	wrdreg $0x0  }
0xa8: {  	s5 =	sshll.u32 s28, $0x1;
	[dreg:$0x2] =	wrdreg s3  }
0xa9: {  	[dreg:$0x3] =	wrdreg s5  }
0xaa: {  	[dreg:$0x4] =	wrdreg $0xC0  }
0xab: {  	_ =	task [dreg:s7], $0x5FFFF  }
0xac: {  	[dreg:$0x1] =	wrdreg $0xFFFFFFFF  }
0xad: {  	[dreg:$0x0] =	wrdreg $0x60  }
0xae: {  	[dreg:$0x2] =	wrdreg s24  }
0xaf: {  	[dreg:$0x3] =	wrdreg s2  }
0xb0: {  	[dreg:$0x4] =	wrdreg $0x81000  }
0xb1: {  	[dreg:$0x5] =	wrdreg $0x9  }
0xb2: {  	_ =	task.clear_ibuf [dreg:s7], $0x6FFFF;
	_ =	strace $0x90000052  }
0xb3: {  	s29 =	simm.s32 $0x9;
	_ =	strace $0x80000054  }
0xb4: {  	_ =	swait.ge [sflag:s29], $0x1  }
0xb5: {  	[sflag:s29] =	ssyncadd.s32 $0xFFFFFFFF  }
0xb6: {  	_ =	strace $0x90000054  }
0xb7: {  	_ =	sfence  }
0xb8: {  	s30 =	sld [smem:$0x0];
	_ =	sdelay $0x2  }
0xb9: {  	s31 =	sshll.u32 s1, $0xD;
	s1 =	sshrl.u32 s1, $0x2  }
0xba: {  	s3 =	sand.u32 $0x4000, s31;
	s1 =	sadd.s32 s1, s30  }
0xbb: {  	s0 =	sor.u32 s3, s0;
	s1 =	sshll.u32 s1, $0x11  }
0xbc: {  	s0 =	sor.u32 s1, s0  }
0xbd: {  	s0 =	sadd.s32 $0x8F2B, s0  }
0xbe: {  	[sflag:s0] =	ssyncadd.remote.s32 $0x1  }
0xbf: {  	_ =	sfence.sel $0xFFFF  }
0xc0: {  	[dreg:$0x0] =	wrdreg $0xFFFFFFFF;
	(pc) =	sbr.abs _section_cstart, $3  }
0xc1: {  	[dreg:$0x1] =	wrdreg $0xFFFFFFFF  }
0xc2: {  	_ =	task.clear_ibuf [dreg:s7], $0x2FFFF;
	_ =	strace $0x9FFFFFFF  }
0xc3: {  	(tm) =	ssettm $0x7FFFFFFF  }
tec
execute0_lowered:
.L_overlay_start_1:
0x0: {  	(tag) =	ssettag $0x1  }
0x1: {  	s5 =	rddreg [dreg:$0x0]  }
0x2: {  	s8 =	rddreg [dreg:$0x1]  }
0x3: {  	s1 =	rddreg [dreg:$0x2]  }
0x4: {  	s0 =	rddreg [dreg:$0x3]  }
0x5: {  	s3 =	simm.s32 $0x0;
	s4 =	srdreg.scid;
	s2 =	stileid.u32  }
0x6: {  	s13 =	simm.s32 $0x1;
	s17 =	simm.s32 $0x0;
	[smem:$0x7FF] =	sst s3  }
0x7: {  	s6 =	sand.u32 $0x1, s4;
	s9 =	sshll.u32 s2, $0x4;
	s10 =	smul.u32 $0x5000, s2  }
0x8: {  	s4 =	sadd.s32 $0x46E00, s5;
	s15 =	smul.u32 $0x280, s2;
	s31 =	sshll.u32 s2, $0x6  }
0x9: {  	_ =	strace $0x80000053;
	s7 =	sshll.u32 s6, $0x8;
	s30 =	ssub.s32 $0x2, s6  }
0xa: {  	s12 =	smul.u32 $0x2800, s6;
	s7 =	sor.u32 s9, s7;
	s11 =	sshrl.u32 s30, $0x1  }
0xb: {  	s10 =	sshrl.u32 s10, $0x2;
	s7 =	sadd.s32 s7, s5;
	s9 =	ssub.s32 s30, s11  }
0xc: {  	s5 =	sadd.s32 s10, s1;
	s14 =	sadd.s32 s8, s12;
	s10 =	simm.s32 $0x2  }
0xd: {  	s11 =	simm.s32 $0x80;
	s12 =	simm.s32 $0x100;
	s6 =	sadd.s32 $0x7400, s7  }
0xe: {  	s7 =	sadd.s32 $0x8000, s7;
	s8 =	smax.u32 s9, $0x1;
	s9 =	simm.s32 $0x4100  }
0xf: {  	v0 =	vimm.f32 $0.0e+00;
	s14 =	sadd.s32 s15, s14;
	s15 =	sor.u32 $0x1C02, s31;
	s16 =	sshrl.u32 s5, $0x3  }
.LBB2_1:
0x10: {  	s18 =	simm.s32 $0x0;
	s19 =	simm.s32 $0x200  }
.LBB2_2:
0x11: {  	p0 =	sne.s32 s19, $0xFE00;
	[tilespmem:s18+$0x4170] =	vst v0  }
0x12: {  	[tilespmem:s18+$0x4100] =	vst v0  }
0x13: {  	[tilespmem:s18+$0x4110] =	vst v0  }
.Ltmp0:
0x14: {  	[tilespmem:s18+$0x4120] =	vst v0;
	(pc) =	sbr.rel @p0 .LBB2_2-.Ltmp0, $4  }
0x15: {  	[tilespmem:s18+$0x4130] =	vst v0  }
0x16: {  	[tilespmem:s18+$0x4140] =	vst v0  }
0x17: {  	[tilespmem:s18+$0x4150] =	vst v0  }
0x18: {  	[tilespmem:s18+$0x4160] =	vst v0;
	s18 =	sshra.s32 s19, $0x2;
	s19 =	sadd.s32 $0x200, s19  }
0x19: {  	[tilespmem:s18+$0x4170] =	vst v0  }
0x1a: {  	[tilespmem:s18+$0x4100] =	vst v0  }
0x1b: {  	[tilespmem:s18+$0x4110] =	vst v0  }
0x1c: {  	[tilespmem:s18+$0x4120] =	vst v0  }
0x1d: {  	[tilespmem:s18+$0x4130] =	vst v0  }
0x1e: {  	[tilespmem:s18+$0x4140] =	vst v0  }
0x1f: {  	[tilespmem:s18+$0x4150] =	vst v0  }
0x20: {  	[tilespmem:s18+$0x4160] =	vst v0  }
0x21: {  	[spmem:s5] =	stream.linear.scatter [tilespmem:s9], [sflag:$0x2], $0x1400, $0x38;
	[tilespmem:$0x9500] =	vst v63  }
0x22: {  	_ =	swait.ge [sflag:s10], $0x1400  }
0x23: {  	[sflag:s10] =	ssyncset.done $0x0  }
0x24: {  	[sflag:s10] =	ssyncadd.s32 $0xFFFFEC00  }
0x25: {  	[bflag:$0x0] =	sbarrier.arrive $0xFFFF  }
0x26: {  	[tilespmem:s3], [sflag:$0x2] =	stream.linear.gather [hbm4b:s6+s3], $0x80, $0x38;
	[tilespmem:$0x9500] =	vst v63  }
0x27: {  	_ =	swait.ge [sflag:s10], $0x80  }
0x28: {  	[sflag:s10] =	ssyncset.done $0x0  }
0x29: {  	[sflag:s10] =	ssyncadd.s32 $0xFFFFFF80  }
0x2a: {  	[tilespmem:s11], [sflag:$0x2] =	stream.linear.gather [hbm4b:s7+s3], $0x80, $0x38;
	[tilespmem:$0x9500] =	vst v63  }
0x2b: {  	_ =	swait.ge [sflag:s10], $0x80  }
0x2c: {  	[sflag:s10] =	ssyncset.done $0x0  }
0x2d: {  	[sflag:s10] =	ssyncadd.s32 $0xFFFFFF80  }
0x2e: {  	[tilespmem:s12], [sflag:$0x1] =	stream.indirect.gather [hbm4b:s4+s11], $0x80, s3, s11, $0xb8;
	[tilespmem:$0x9500] =	vst v63  }
0x2f: {  	_ =	swait.ge [sflag:s13], $0x4000  }
0x30: {  	[sflag:s13] =	ssyncset.done $0x0  }
0x31: {  	[sflag:s13] =	ssyncadd.s32 $0xFFFFC000  }
0x32: {  	[spmem:s1] =	stream.indirect.scatter.add.f32 [tilespmem:s12], [sflag:$0x2], $0x80, s11, s11, $0xb8;
	[tilespmem:$0x9500] =	vst v63  }
0x33: {  	_ =	swait.ge [sflag:s10], $0x4000  }
0x34: {  	s17 =	sadd.s32 $0x1, s17;
	[sflag:s10] =	ssyncset.done $0x0  }
0x35: {  	p0 =	sne.s32 s17, s8;
	[sflag:s10] =	ssyncadd.s32 $0xFFFFC000  }
.Ltmp1:
0x36: {  	[bflag:$0x0] =	sbarrier.arrive $0xFFFF;
	(pc) =	sbr.rel @p0 .LBB2_1-.Ltmp1, $4  }
0x37: {  	[hbm:s14], [sflag:s15] =	dma.local [spmem:s16], $0x280  }
0x38: {  	_ =	swait.ge [sflag:s10], $0x280  }
0x39: {  	[sflag:s10] =	ssyncset.done $0x0  }
0x3a: {  	[sflag:s10] =	ssyncadd.s32 $0xFFFFFD80  }
0x3b: {  	_ =	sfence.sel $0x180000  }
0x3c: {  	[bflag:$0x0] =	sbarrier.arrive $0xFFFF  }
0x3d: {  	p0 =	sne.s32 s2, $0x0;
	_ =	strace $0x90000053  }
0x3e: {  	s0 =	sadd.s32 @!p0 $0x100000, s0;
	[bflag:$0x2] =	sbarrier.arrive $0xFFFF  }
0x3f: {  	[sflag:s0] =	ssyncadd.tile.s32 @!p0 $0x1;
	_ =	shalt  }
.Lfunc_end2:
_tile_overlayer_lowered:
.L_overlay_start_2:
0x40: {  	(tag) =	ssettag $0x2  }
0x41: {  	s0 =	rddreg [dreg:$0x0];
	s2 =	stileid.u32  }
0x42: {  	s1 =	rddreg [dreg:$0x1];
	p0 =	sne.s32 s2, $0x0  }
0x43: {  	s3 =	rddreg [dreg:$0x2];
	[bflag:$0x3] =	sbarrier.arrive $0xFFFF;
	s2 =	simm.s32 @!p0 $0x1C02  }
0x44: {  	[timem:s3], [sflag:s2] =	dma.local @!p0 [hbm:s0], s1  }
0x45: {  	s0 =	simm.s32 @!p0 $0x2  }
0x46: {  	_ =	swait.ge @!p0 [sflag:s0], s1  }
0x47: {  	s1 =	ssub.s32 @!p0 $0x0, s1;
	[sflag:s0] =	ssyncset.done @!p0 $0x0  }
0x48: {  	[sflag:s0] =	ssyncadd.s32 @!p0 s1  }
0x49: {  	[bflag:$0x3] =	sbarrier.arrive $0xFFFF  }
0x4a: {  	_ =	shalt  }

// kernel: kernel.37.cloned.1.call-start
scs
__scs_entry_jumppad:
0x0: {  	(pc) =	sbr.rel $0x88, $3  }
0x1: {  	(tag) =	ssettag $0x0;
	lr =	simm.s32 $0x1  }
0x2: {  	[smem:$0x3F91] =	sst lr;
	_ =	strace $0xD0000000  }
0x3: {  	_ = 	snop  }
0x4: {  	_ = 	snop  }
0x5: {  	_ = 	snop  }
0x6: {  	_ = 	snop  }
0x7: {  	_ = 	snop  }
__scs_overlays_trampoline_lowered:
0x8: {  	[smem:$0x3FA0] =	sst s0  }
0x9: {  	[smem:$0x3FA1] =	sst s1  }
0xa: {  	[smem:$0x3FA2] =	sst s2  }
0xb: {  	[smem:$0x3FA3] =	sst s3  }
0xc: {  	[smem:$0x3FA4] =	sst s4  }
0xd: {  	[smem:$0x3FA5] =	sst s5  }
0xe: {  	[smem:$0x3FA6] =	sst s6  }
0xf: {  	[smem:$0x3FA7] =	sst s7  }
0x10: {  	[smem:$0x3FA8] =	sst s8  }
0x11: {  	[smem:$0x3FA9] =	sst s9;
	s0 =	simm.s32 @!p0 $0x0  }
0x12: {  	s1 =	sld [smem:$0x3F8F];
	s0 =	simm.s32 @p0 $0x1  }
0x13: {  	[smem:$0x3FAA] =	sst s0;
	s0 =	simm.s32 @!p1 $0x0  }
0x14: {  	s2 =	sld [smem:$0x3F8E];
	s0 =	simm.s32 @p1 $0x1  }
0x15: {  	[smem:$0x3FAB] =	sst s0;
	s0 =	simm.s32 @!p2 $0x0  }
0x16: {  	s3 =	sld [smem:$0x3FDB];
	s0 =	simm.s32 @p2 $0x1  }
0x17: {  	s4 =	simm.s32 $0x1BF5;
	[smem:$0x3FAD] =	sst s0  }
0x18: {  	s0 =	sld [smem:$0x3F90];
	_ =	swait.ge [sflag:s4], $0x0  }
0x19: {  	s7 =	sld [smem:$0x3F91]  }
0x1a: {  	s8 =	sadd.s32 $0xFFFFE003, lr  }
0x1b: {  	s9 =	sadd.s32 $0xFFFFFEF7, lr;
	s5 =	simm.s32 $0xFFFFFFFF;
	p2 =	slt.u32 s8, $0xFFFFF086  }
0x1c: {  	p1 =	slt.u32 s9, $0xF7A;
	s5 =	simm.s32 @!p2 $0x0  }
0x1d: {  	s5 =	simm.s32 @p1 $0x1;
	p0 =	seq.s32 s7, s2  }
0x1e: {  	s7 =	smul.u32 @!p0 $0xF7A, s2;
	p2 =	seq.s32 @!p0 s5, $0x0  }
0x1f: {  	s9 =	smul.u32 $0xF7A, s1;
	s8 =	simm.s32 @!p0 $0x1BF5;
	p2 =	por !p2, p0  }
0x20: {  	[sflag:s8] =	ssyncset.s32 @!p0 $0xFFFFF086;
	s6 =	sadd.s32 @!p0 s3, s7;
	s7 =	simm.s32 @!p0 $0x108  }
0x21: {  	s3 =	sadd.s32 s3, s9;
	s6 =	sadd.s32 @!p0 $0x88, s6;
	s7 =	simm.s32 @p2 $0x1082  }
0x22: {  	[simem:s7], [sflag:s8] =	dma.local @!p0 [hbm:s6], $0xF7A  }
0x23: {  	s9 =	sor.u32 $0xD0000000, s2;
	s6 =	simm.s32 $0x108;
	_ =	swait.ge @!p0 [sflag:s8], $0x0  }
0x24: {  	s3 =	sadd.s32 $0x88, s3;
	s6 =	simm.s32 @!p1 $0x1082;
	[sflag:s4] =	ssyncset.s32 $0xFFFFF086  }
0x25: {  	[simem:s6], [sflag:s4] =	dma.local [hbm:s3], $0xF7A  }
0x26: {  	[smem:$0x3F91] =	sst s1;
	(tag) =	ssettag s2;
	_ =	strace s9  }
0x27: {  	s1 =	sld [smem:$0x3FA1]  }
0x28: {  	s2 =	sld [smem:$0x3FA2]  }
0x29: {  	s4 =	sld [smem:$0x3FA4]  }
0x2a: {  	p0 =	seq.s32 s5, $0x0;
	s5 =	sld [smem:$0x3FA5]  }
0x2b: {  	s6 =	sld [smem:$0x3FA6]  }
0x2c: {  	s7 =	sld [smem:$0x3FA7]  }
0x2d: {  	s3 =	simm.s32 $0x108;
	s8 =	sld [smem:$0x3FA8]  }
0x2e: {  	s3 =	simm.s32 @!p0 $0x1082;
	s9 =	sld [smem:$0x3FA9]  }
0x2f: {  	lr =	sadd.s32 s0, s3;
	s0 =	sld [smem:$0x3FA0]  }
0x30: {  	s3 =	sld [smem:$0x3FA3]  }
0x31: {  	[smem:$0x3FAC] =	sst s10  }
0x32: {  	s10 =	sld [smem:$0x3FAA];
	_ =	sdelay $0x3  }
0x33: {  	p0 =	seq.s32 s10, $0x1;
	s10 =	sld [smem:$0x3FAC];
	_ =	sdelay $0x3  }
0x34: {  	[smem:$0x3FAC] =	sst s10  }
0x35: {  	s10 =	sld [smem:$0x3FAB];
	_ =	sdelay $0x3  }
0x36: {  	p1 =	seq.s32 s10, $0x1;
	s10 =	sld [smem:$0x3FAC];
	_ =	sdelay $0x3  }
0x37: {  	[smem:$0x3FAC] =	sst s10  }
0x38: {  	s10 =	sld [smem:$0x3FAD]  }
0x39: {  	_ = 	snop;
	(pc) =	sbr.ind lr, $3  }
0x3a: {  	_ = 	snop  }
0x3b: {  	_ = 	snop  }
0x3c: {  	p2 =	seq.s32 s10, $0x1;
	s10 =	sld [smem:$0x3FAC]  }
0x3d: {  	_ =	shalt  }
0x3e: {  	_ =	shalt  }
0x3f: {  	_ =	shalt  }
0x40: {  	_ =	shalt  }
0x41: {  	_ =	shalt  }
0x42: {  	_ =	shalt  }
0x43: {  	_ =	shalt  }
0x44: {  	_ =	shalt  }
0x45: {  	_ =	shalt  }
0x46: {  	_ =	shalt  }
0x47: {  	_ =	shalt  }
0x48: {  	_ =	shalt  }
0x49: {  	_ =	shalt  }
0x4a: {  	_ =	shalt  }
0x4b: {  	_ =	shalt  }
0x4c: {  	_ =	shalt  }
0x4d: {  	_ =	shalt  }
0x4e: {  	_ =	shalt  }
0x4f: {  	_ =	shalt  }
0x50: {  	_ =	shalt  }
0x51: {  	_ =	shalt  }
0x52: {  	_ =	shalt  }
0x53: {  	_ =	shalt  }
0x54: {  	_ =	shalt  }
0x55: {  	_ =	shalt  }
0x56: {  	_ =	shalt  }
0x57: {  	_ =	shalt  }
0x58: {  	_ =	shalt  }
0x59: {  	_ =	shalt  }
0x5a: {  	_ =	shalt  }
0x5b: {  	_ =	shalt  }
0x5c: {  	_ =	shalt  }
0x5d: {  	_ =	shalt  }
0x5e: {  	_ =	shalt  }
0x5f: {  	_ =	shalt  }
0x60: {  	_ =	shalt  }
0x61: {  	_ =	shalt  }
0x62: {  	_ =	shalt  }
0x63: {  	_ =	shalt  }
0x64: {  	_ =	shalt  }
0x65: {  	_ =	shalt  }
0x66: {  	_ =	shalt  }
0x67: {  	_ =	shalt  }
0x68: {  	_ =	shalt  }
0x69: {  	_ =	shalt  }
0x6a: {  	_ =	shalt  }
0x6b: {  	_ =	shalt  }
0x6c: {  	_ =	shalt  }
0x6d: {  	_ =	shalt  }
0x6e: {  	_ =	shalt  }
0x6f: {  	_ =	shalt  }
0x70: {  	_ =	shalt  }
0x71: {  	_ =	shalt  }
0x72: {  	_ =	shalt  }
0x73: {  	_ =	shalt  }
0x74: {  	_ =	shalt  }
0x75: {  	_ =	shalt  }
0x76: {  	_ =	shalt  }
0x77: {  	_ =	shalt  }
0x78: {  	_ =	shalt  }
0x79: {  	_ =	shalt  }
0x7a: {  	_ =	shalt  }
0x7b: {  	_ =	shalt  }
0x7c: {  	_ =	shalt  }
0x7d: {  	_ =	shalt  }
0x7e: {  	_ =	shalt  }
0x7f: {  	_ =	shalt  }
0x80: {  	_ =	shalt  }
0x81: {  	_ =	shalt  }
0x82: {  	_ =	shalt  }
0x83: {  	_ =	shalt  }
0x84: {  	_ =	shalt  }
0x85: {  	_ =	shalt  }
0x86: {  	_ =	shalt  }
0x87: {  	_ =	shalt  }
.Lfunc_end0:
.L_simem_size_0:
called_computation.5_lowered:
.L_overlay_start_0:
0x88: {  	s2 =	sld [smem:$0x3FD9]  }
0x89: {  	s3 =	sld [smem:$0x3FFE];
	_ =	sdelay $0x1  }
0x8a: {  	s1 =	srdreg.scid  }
0x8b: {  	s0 =	sand.u32 $0x1, s1  }
0x8c: {  	s17 =	sshll.u32 s0, $0xA;
	s2 =	sadd.s32 s3, s2  }
0x8d: {  	s2 =	sadd.s32 s2, s17  }
0x8e: {  	[smem:$0x3FB8] =	sst s2  }
0x8f: {  	_ = 	snop  }
0x90: {  	s2 =	sld [smem:$0x3FD0];
	(tm) =	ssettm $0x1  }
0x91: {  	s18 =	sld [smem:$0x3FFB];
	_ =	sdelay $0x3  }
0x92: {  	_ =	strace s18  }
0x93: {  	s3 =	sld [smem:$0x3FFC];
	_ =	sdelay $0x3  }
0x94: {  	_ =	strace s3  }
0x95: {  	s3 =	sld [smem:$0x3FFD];
	_ =	sdelay $0x3  }
0x96: {  	_ =	strace s3  }
0x97: {  	_ =	strace $0x8FFFFFFF  }
0x98: {  	s19 =	sld [smem:$0x3FDB];
	_ =	sdelay $0x1  }
0x99: {  	s4 =	simm.s32 $_scs_section_size  }
0x9a: {  	s5 =	simm.s32 $_size__tile_overlayer_lowered;
	s6 =	simm.s32 $_tile_overlayer_lowered  }
0x9b: {  	s22 =	simm.s32 $0x1BFF;
	s21 =	sshll.u32 s6, $0x1;
	s3 =	sadd.s32 s4, s19  }
0x9c: {  	s7 =	simm.s32 $0x0;
	s20 =	sshll.u32 s5, $0x1;
	s5 =	sadd.s32 s21, s3  }
0x9d: {  	[timem:s7], [sflag:s22] =	dma.local [hbm:s5], s20  }
0x9e: {  	_ =	swait.ge [sflag:s22], s20  }
0x9f: {  	s4 =	ssub.s32 $0x0, s20;
	[sflag:s22] =	ssyncset.done $0x0  }
0xa0: {  	[sflag:s22] =	ssyncadd.s32 s4;
	_ =	sdelay $0x1  }
0xa1: {  	s23 =	simm.s32 $0x1B8B  }
0xa2: {  	_ =	swait.ge [sflag:s23], $0x1  }
0xa3: {  	[sflag:s23] =	ssyncset.done $0x0  }
0xa4: {  	s25 =	simm.s32 $0x1B8E;
	s24 =	sld [smem:$0x3FFE];
	[sflag:s23] =	ssyncadd.s32 $0xFFFFFFFF  }
0xa5: {  	s26 =	simm.s32 $execute0_lowered;
	[smem:$0x3FD2] =	sst s25  }
0xa6: {  	s5 =	sshll.u32 s26, $0x1;
	_ =	strace $0x80000055;
	[dreg:$0x1] =	wrdreg $0xFFFFFFFF  }
0xa7: {  	s28 =	simm.s32 $_size_execute0_lowered;
	s3 =	sadd.s32 s3, s5;
	[dreg:$0x0] =	wrdreg $0x0  }
0xa8: {  	s5 =	sshll.u32 s28, $0x1;
	[dreg:$0x2] =	wrdreg s3  }
0xa9: {  	[dreg:$0x3] =	wrdreg s5  }
0xaa: {  	[dreg:$0x4] =	wrdreg $0xC0  }
0xab: {  	_ =	task [dreg:s7], $0x5FFFF  }
0xac: {  	[dreg:$0x1] =	wrdreg $0xFFFFFFFF  }
0xad: {  	[dreg:$0x0] =	wrdreg $0x60  }
0xae: {  	[dreg:$0x2] =	wrdreg s24  }
0xaf: {  	[dreg:$0x3] =	wrdreg s2  }
0xb0: {  	[dreg:$0x4] =	wrdreg $0x81000  }
0xb1: {  	[dreg:$0x5] =	wrdreg $0x9  }
0xb2: {  	_ =	task.clear_ibuf [dreg:s7], $0x6FFFF;
	_ =	strace $0x90000055  }
0xb3: {  	s29 =	simm.s32 $0x9;
	_ =	strace $0x80000057  }
0xb4: {  	_ =	swait.ge [sflag:s29], $0x1  }
0xb5: {  	[sflag:s29] =	ssyncadd.s32 $0xFFFFFFFF  }
0xb6: {  	_ =	strace $0x90000057  }
0xb7: {  	_ =	sfence  }
0xb8: {  	s30 =	sld [smem:$0x0];
	_ =	sdelay $0x2  }
0xb9: {  	s31 =	sshll.u32 s1, $0xD;
	s1 =	sshrl.u32 s1, $0x2  }
0xba: {  	s3 =	sand.u32 $0x4000, s31;
	s1 =	sadd.s32 s1, s30  }
0xbb: {  	s0 =	sor.u32 s3, s0;
	s1 =	sshll.u32 s1, $0x11  }
0xbc: {  	s0 =	sor.u32 s1, s0  }
0xbd: {  	s0 =	sadd.s32 $0x8F2B, s0  }
0xbe: {  	[sflag:s0] =	ssyncadd.remote.s32 $0x1  }
0xbf: {  	_ =	sfence.sel $0xFFFF  }
0xc0: {  	[dreg:$0x0] =	wrdreg $0xFFFFFFFF;
	(pc) =	sbr.abs _section_cstart, $3  }
0xc1: {  	[dreg:$0x1] =	wrdreg $0xFFFFFFFF  }
0xc2: {  	_ =	task.clear_ibuf [dreg:s7], $0x2FFFF;
	_ =	strace $0x9FFFFFFF  }
0xc3: {  	(tm) =	ssettm $0x7FFFFFFF  }
tec
execute0_lowered:
.L_overlay_start_1:
0x0: {  	(tag) =	ssettag $0x1  }
0x1: {  	s5 =	rddreg [dreg:$0x0]  }
0x2: {  	s6 =	rddreg [dreg:$0x1]  }
0x3: {  	s1 =	rddreg [dreg:$0x2]  }
0x4: {  	s0 =	rddreg [dreg:$0x3];
	s2 =	simm.s32 $0x0  }
0x5: {  	s7 =	srdreg.scid;
	s3 =	stileid.u32;
	s15 =	simm.s32 $0x80  }
0x6: {  	s16 =	simm.s32 $0x100;
	s17 =	simm.s32 $0x1;
	[smem:$0x7FF] =	sst s2  }
0x7: {  	s4 =	sadd.s32 $0x51400, s5;
	s7 =	sand.u32 $0x1, s7;
	s9 =	smul.u32 $0x5000, s3  }
0x8: {  	s11 =	sadd.s32 $0x44000, s5;
	s14 =	sadd.s32 $0x50E00, s5;
	s19 =	smul.u32 $0x280, s3  }
0x9: {  	_ =	strace $0x80000056;
	s8 =	sshll.u32 s7, $0x4;
	s10 =	ssub.s32 $0x2, s7  }
0xa: {  	s7 =	smul.u32 $0x2800, s7;
	s8 =	sor.u32 s3, s8;
	s12 =	sshrl.u32 s10, $0x1  }
0xb: {  	s9 =	sshrl.u32 s9, $0x2;
	s13 =	smul.u32 $0x30, s8;
	s29 =	ssub.s32 s10, s12  }
0xc: {  	s5 =	sadd.s32 s9, s1;
	s18 =	sadd.s32 s6, s7;
	s7 =	smax.u32 s29, $0x1  }
0xd: {  	s18 =	sadd.s32 s19, s18;
	s19 =	simm.s32 $0x0;
	s6 =	sadd.s32 s11, s13  }
0xe: {  	s8 =	sadd.s32 s14, s13;
	s30 =	sadd.s32 $0x10, s13;
	s31 =	sadd.s32 $0x20, s13  }
0xf: {  	s13 =	simm.s32 $0x4100;
	s9 =	sadd.s32 s11, s30;
	s10 =	sadd.s32 s14, s30  }
0x10: {  	v0 =	vimm.f32 $0.0e+00;
	s11 =	sadd.s32 s11, s31;
	s12 =	sadd.s32 s14, s31;
	s14 =	simm.s32 $0x2  }
.LBB2_1:
0x11: {  	s20 =	simm.s32 $0x0;
	s21 =	simm.s32 $0x200  }
.LBB2_2:
0x12: {  	p0 =	sne.s32 s21, $0xFE00;
	[tilespmem:s20+$0x4170] =	vst v0  }
0x13: {  	[tilespmem:s20+$0x4100] =	vst v0  }
0x14: {  	[tilespmem:s20+$0x4110] =	vst v0  }
.Ltmp0:
0x15: {  	[tilespmem:s20+$0x4120] =	vst v0;
	(pc) =	sbr.rel @p0 .LBB2_2-.Ltmp0, $4  }
0x16: {  	[tilespmem:s20+$0x4130] =	vst v0  }
0x17: {  	[tilespmem:s20+$0x4140] =	vst v0  }
0x18: {  	[tilespmem:s20+$0x4150] =	vst v0  }
0x19: {  	[tilespmem:s20+$0x4160] =	vst v0;
	s20 =	sshra.s32 s21, $0x2;
	s21 =	sadd.s32 $0x200, s21  }
0x1a: {  	[tilespmem:s20+$0x4170] =	vst v0  }
0x1b: {  	[tilespmem:s20+$0x4100] =	vst v0  }
0x1c: {  	[tilespmem:s20+$0x4110] =	vst v0  }
0x1d: {  	[tilespmem:s20+$0x4120] =	vst v0  }
0x1e: {  	[tilespmem:s20+$0x4130] =	vst v0  }
0x1f: {  	[tilespmem:s20+$0x4140] =	vst v0  }
0x20: {  	[tilespmem:s20+$0x4150] =	vst v0  }
0x21: {  	[tilespmem:s20+$0x4160] =	vst v0  }
0x22: {  	[spmem:s5] =	stream.linear.scatter [tilespmem:s13], [sflag:$0x2], $0x1400, $0x38;
	[tilespmem:$0x9500] =	vst v63  }
0x23: {  	_ =	swait.ge [sflag:s14], $0x1400  }
0x24: {  	[sflag:s14] =	ssyncset.done $0x0  }
0x25: {  	[sflag:s14] =	ssyncadd.s32 $0xFFFFEC00  }
0x26: {  	[bflag:$0x0] =	sbarrier.arrive $0xFFFF  }
0x27: {  	[tilespmem:s2], [sflag:$0x2] =	stream.linear.gather [hbm4b:s6+s2], $0x80, $0x38;
	[tilespmem:$0x9500] =	vst v63  }
0x28: {  	_ =	swait.ge [sflag:s14], $0x80  }
0x29: {  	[sflag:s14] =	ssyncset.done $0x0  }
0x2a: {  	[sflag:s14] =	ssyncadd.s32 $0xFFFFFF80  }
0x2b: {  	[tilespmem:s15], [sflag:$0x2] =	stream.linear.gather [hbm4b:s8+s2], $0x80, $0x38;
	[tilespmem:$0x9500] =	vst v63  }
0x2c: {  	_ =	swait.ge [sflag:s14], $0x80  }
0x2d: {  	[sflag:s14] =	ssyncset.done $0x0  }
0x2e: {  	[sflag:s14] =	ssyncadd.s32 $0xFFFFFF80  }
0x2f: {  	[tilespmem:s16], [sflag:$0x1] =	stream.indirect.gather [hbm4b:s4+s15], $0x80, s2, s15, $0xb8;
	[tilespmem:$0x9500] =	vst v63  }
0x30: {  	_ =	swait.ge [sflag:s17], $0x4000  }
0x31: {  	[sflag:s17] =	ssyncset.done $0x0  }
0x32: {  	[sflag:s17] =	ssyncadd.s32 $0xFFFFC000  }
0x33: {  	[spmem:s1] =	stream.indirect.scatter.add.f32 [tilespmem:s16], [sflag:$0x2], $0x80, s15, s15, $0xb8;
	[tilespmem:$0x9500] =	vst v63  }
0x34: {  	_ =	swait.ge [sflag:s14], $0x4000  }
0x35: {  	[sflag:s14] =	ssyncset.done $0x0  }
0x36: {  	[sflag:s14] =	ssyncadd.s32 $0xFFFFC000  }
0x37: {  	[tilespmem:s2], [sflag:$0x2] =	stream.linear.gather [hbm4b:s9+s2], $0x80, $0x38;
	[tilespmem:$0x9500] =	vst v63  }
0x38: {  	_ =	swait.ge [sflag:s14], $0x80  }
0x39: {  	[sflag:s14] =	ssyncset.done $0x0  }
0x3a: {  	[sflag:s14] =	ssyncadd.s32 $0xFFFFFF80  }
0x3b: {  	[tilespmem:s15], [sflag:$0x2] =	stream.linear.gather [hbm4b:s10+s2], $0x80, $0x38;
	[tilespmem:$0x9500] =	vst v63  }
0x3c: {  	_ =	swait.ge [sflag:s14], $0x80  }
0x3d: {  	[sflag:s14] =	ssyncset.done $0x0  }
0x3e: {  	[sflag:s14] =	ssyncadd.s32 $0xFFFFFF80  }
0x3f: {  	[tilespmem:s16], [sflag:$0x1] =	stream.indirect.gather [hbm4b:s4+s15], $0x80, s2, s15, $0xb8;
	[tilespmem:$0x9500] =	vst v63  }
0x40: {  	_ =	swait.ge [sflag:s17], $0x4000  }
0x41: {  	[sflag:s17] =	ssyncset.done $0x0  }
0x42: {  	[sflag:s17] =	ssyncadd.s32 $0xFFFFC000  }
0x43: {  	[spmem:s1] =	stream.indirect.scatter.add.f32 [tilespmem:s16], [sflag:$0x2], $0x80, s15, s15, $0xb8;
	[tilespmem:$0x9500] =	vst v63  }
0x44: {  	_ =	swait.ge [sflag:s14], $0x4000  }
0x45: {  	[sflag:s14] =	ssyncset.done $0x0  }
0x46: {  	[sflag:s14] =	ssyncadd.s32 $0xFFFFC000  }
0x47: {  	[tilespmem:s2], [sflag:$0x2] =	stream.linear.gather [hbm4b:s11+s2], $0x80, $0x38;
	[tilespmem:$0x9500] =	vst v63  }
0x48: {  	_ =	swait.ge [sflag:s14], $0x80  }
0x49: {  	[sflag:s14] =	ssyncset.done $0x0  }
0x4a: {  	[sflag:s14] =	ssyncadd.s32 $0xFFFFFF80  }
0x4b: {  	[tilespmem:s15], [sflag:$0x2] =	stream.linear.gather [hbm4b:s12+s2], $0x80, $0x38;
	[tilespmem:$0x9500] =	vst v63  }
0x4c: {  	_ =	swait.ge [sflag:s14], $0x80  }
0x4d: {  	[sflag:s14] =	ssyncset.done $0x0  }
0x4e: {  	[sflag:s14] =	ssyncadd.s32 $0xFFFFFF80  }
0x4f: {  	[tilespmem:s16], [sflag:$0x1] =	stream.indirect.gather [hbm4b:s4+s15], $0x80, s2, s15, $0xb8;
	[tilespmem:$0x9500] =	vst v63  }
0x50: {  	_ =	swait.ge [sflag:s17], $0x4000  }
0x51: {  	[sflag:s17] =	ssyncset.done $0x0  }
0x52: {  	[sflag:s17] =	ssyncadd.s32 $0xFFFFC000  }
0x53: {  	[spmem:s1] =	stream.indirect.scatter.add.f32 [tilespmem:s16], [sflag:$0x2], $0x80, s15, s15, $0xb8;
	[tilespmem:$0x9500] =	vst v63  }
0x54: {  	_ =	swait.ge [sflag:s14], $0x4000  }
0x55: {  	s31 =	sshll.u32 s3, $0x6;
	s19 =	sadd.s32 $0x1, s19;
	[sflag:s14] =	ssyncset.done $0x0  }
0x56: {  	s21 =	sshrl.u32 s5, $0x3;
	p0 =	sne.s32 s19, s7;
	[sflag:s14] =	ssyncadd.s32 $0xFFFFC000  }
.Ltmp1:
0x57: {  	s20 =	sor.u32 $0x1C02, s31;
	[bflag:$0x0] =	sbarrier.arrive $0xFFFF;
	(pc) =	sbr.rel @p0 .LBB2_1-.Ltmp1, $4  }
0x58: {  	[hbm:s18], [sflag:s20] =	dma.local [spmem:s21], $0x280  }
0x59: {  	_ =	swait.ge [sflag:s14], $0x280  }
0x5a: {  	[sflag:s14] =	ssyncset.done $0x0  }
0x5b: {  	[sflag:s14] =	ssyncadd.s32 $0xFFFFFD80  }
0x5c: {  	_ =	sfence.sel $0x180000  }
0x5d: {  	[bflag:$0x0] =	sbarrier.arrive $0xFFFF  }
0x5e: {  	p0 =	sne.s32 s3, $0x0;
	_ =	strace $0x90000056  }
0x5f: {  	s0 =	sadd.s32 @!p0 $0x100000, s0;
	[bflag:$0x2] =	sbarrier.arrive $0xFFFF  }
0x60: {  	[sflag:s0] =	ssyncadd.tile.s32 @!p0 $0x1;
	_ =	shalt  }
.Lfunc_end2:
_tile_overlayer_lowered:
.L_overlay_start_2:
0x61: {  	(tag) =	ssettag $0x2  }
0x62: {  	s0 =	rddreg [dreg:$0x0];
	s2 =	stileid.u32  }
0x63: {  	s1 =	rddreg [dreg:$0x1];
	p0 =	sne.s32 s2, $0x0  }
0x64: {  	s3 =	rddreg [dreg:$0x2];
	[bflag:$0x3] =	sbarrier.arrive $0xFFFF;
	s2 =	simm.s32 @!p0 $0x1C02  }
0x65: {  	[timem:s3], [sflag:s2] =	dma.local @!p0 [hbm:s0], s1  }
0x66: {  	s0 =	simm.s32 @!p0 $0x2  }
0x67: {  	_ =	swait.ge @!p0 [sflag:s0], s1  }
0x68: {  	s1 =	ssub.s32 @!p0 $0x0, s1;
	[sflag:s0] =	ssyncset.done @!p0 $0x0  }
0x69: {  	[sflag:s0] =	ssyncadd.s32 @!p0 s1  }
0x6a: {  	[bflag:$0x3] =	sbarrier.arrive $0xFFFF  }
0x6b: {  	_ =	shalt  }

// kernel: kernel.40.cloned.1.call-start
scs
__scs_entry_jumppad:
0x0: {  	(pc) =	sbr.rel $0x88, $3  }
0x1: {  	(tag) =	ssettag $0x0;
	lr =	simm.s32 $0x1  }
0x2: {  	[smem:$0x3F91] =	sst lr;
	_ =	strace $0xD0000000  }
0x3: {  	_ = 	snop  }
0x4: {  	_ = 	snop  }
0x5: {  	_ = 	snop  }
0x6: {  	_ = 	snop  }
0x7: {  	_ = 	snop  }
__scs_overlays_trampoline_lowered:
0x8: {  	[smem:$0x3FA0] =	sst s0  }
0x9: {  	[smem:$0x3FA1] =	sst s1  }
0xa: {  	[smem:$0x3FA2] =	sst s2  }
0xb: {  	[smem:$0x3FA3] =	sst s3  }
0xc: {  	[smem:$0x3FA4] =	sst s4  }
0xd: {  	[smem:$0x3FA5] =	sst s5  }
0xe: {  	[smem:$0x3FA6] =	sst s6  }
0xf: {  	[smem:$0x3FA7] =	sst s7  }
0x10: {  	[smem:$0x3FA8] =	sst s8  }
0x11: {  	[smem:$0x3FA9] =	sst s9;
	s0 =	simm.s32 @!p0 $0x0  }
0x12: {  	s1 =	sld [smem:$0x3F8F];
	s0 =	simm.s32 @p0 $0x1  }
0x13: {  	[smem:$0x3FAA] =	sst s0;
	s0 =	simm.s32 @!p1 $0x0  }
0x14: {  	s2 =	sld [smem:$0x3F8E];
	s0 =	simm.s32 @p1 $0x1  }
0x15: {  	[smem:$0x3FAB] =	sst s0;
	s0 =	simm.s32 @!p2 $0x0  }
0x16: {  	s3 =	sld [smem:$0x3FDB];
	s0 =	simm.s32 @p2 $0x1  }
0x17: {  	s4 =	simm.s32 $0x1BF5;
	[smem:$0x3FAD] =	sst s0  }
0x18: {  	s0 =	sld [smem:$0x3F90];
	_ =	swait.ge [sflag:s4], $0x0  }
0x19: {  	s7 =	sld [smem:$0x3F91]  }
0x1a: {  	s8 =	sadd.s32 $0xFFFFE003, lr  }
0x1b: {  	s9 =	sadd.s32 $0xFFFFFEF7, lr;
	s5 =	simm.s32 $0xFFFFFFFF;
	p2 =	slt.u32 s8, $0xFFFFF086  }
0x1c: {  	p1 =	slt.u32 s9, $0xF7A;
	s5 =	simm.s32 @!p2 $0x0  }
0x1d: {  	s5 =	simm.s32 @p1 $0x1;
	p0 =	seq.s32 s7, s2  }
0x1e: {  	s7 =	smul.u32 @!p0 $0xF7A, s2;
	p2 =	seq.s32 @!p0 s5, $0x0  }
0x1f: {  	s9 =	smul.u32 $0xF7A, s1;
	s8 =	simm.s32 @!p0 $0x1BF5;
	p2 =	por !p2, p0  }
0x20: {  	[sflag:s8] =	ssyncset.s32 @!p0 $0xFFFFF086;
	s6 =	sadd.s32 @!p0 s3, s7;
	s7 =	simm.s32 @!p0 $0x108  }
0x21: {  	s3 =	sadd.s32 s3, s9;
	s6 =	sadd.s32 @!p0 $0x88, s6;
	s7 =	simm.s32 @p2 $0x1082  }
0x22: {  	[simem:s7], [sflag:s8] =	dma.local @!p0 [hbm:s6], $0xF7A  }
0x23: {  	s9 =	sor.u32 $0xD0000000, s2;
	s6 =	simm.s32 $0x108;
	_ =	swait.ge @!p0 [sflag:s8], $0x0  }
0x24: {  	s3 =	sadd.s32 $0x88, s3;
	s6 =	simm.s32 @!p1 $0x1082;
	[sflag:s4] =	ssyncset.s32 $0xFFFFF086  }
0x25: {  	[simem:s6], [sflag:s4] =	dma.local [hbm:s3], $0xF7A  }
0x26: {  	[smem:$0x3F91] =	sst s1;
	(tag) =	ssettag s2;
	_ =	strace s9  }
0x27: {  	s1 =	sld [smem:$0x3FA1]  }
0x28: {  	s2 =	sld [smem:$0x3FA2]  }
0x29: {  	s4 =	sld [smem:$0x3FA4]  }
0x2a: {  	p0 =	seq.s32 s5, $0x0;
	s5 =	sld [smem:$0x3FA5]  }
0x2b: {  	s6 =	sld [smem:$0x3FA6]  }
0x2c: {  	s7 =	sld [smem:$0x3FA7]  }
0x2d: {  	s3 =	simm.s32 $0x108;
	s8 =	sld [smem:$0x3FA8]  }
0x2e: {  	s3 =	simm.s32 @!p0 $0x1082;
	s9 =	sld [smem:$0x3FA9]  }
0x2f: {  	lr =	sadd.s32 s0, s3;
	s0 =	sld [smem:$0x3FA0]  }
0x30: {  	s3 =	sld [smem:$0x3FA3]  }
0x31: {  	[smem:$0x3FAC] =	sst s10  }
0x32: {  	s10 =	sld [smem:$0x3FAA];
	_ =	sdelay $0x3  }
0x33: {  	p0 =	seq.s32 s10, $0x1;
	s10 =	sld [smem:$0x3FAC];
	_ =	sdelay $0x3  }
0x34: {  	[smem:$0x3FAC] =	sst s10  }
0x35: {  	s10 =	sld [smem:$0x3FAB];
	_ =	sdelay $0x3  }
0x36: {  	p1 =	seq.s32 s10, $0x1;
	s10 =	sld [smem:$0x3FAC];
	_ =	sdelay $0x3  }
0x37: {  	[smem:$0x3FAC] =	sst s10  }
0x38: {  	s10 =	sld [smem:$0x3FAD]  }
0x39: {  	_ = 	snop;
	(pc) =	sbr.ind lr, $3  }
0x3a: {  	_ = 	snop  }
0x3b: {  	_ = 	snop  }
0x3c: {  	p2 =	seq.s32 s10, $0x1;
	s10 =	sld [smem:$0x3FAC]  }
0x3d: {  	_ =	shalt  }
0x3e: {  	_ =	shalt  }
0x3f: {  	_ =	shalt  }
0x40: {  	_ =	shalt  }
0x41: {  	_ =	shalt  }
0x42: {  	_ =	shalt  }
0x43: {  	_ =	shalt  }
0x44: {  	_ =	shalt  }
0x45: {  	_ =	shalt  }
0x46: {  	_ =	shalt  }
0x47: {  	_ =	shalt  }
0x48: {  	_ =	shalt  }
0x49: {  	_ =	shalt  }
0x4a: {  	_ =	shalt  }
0x4b: {  	_ =	shalt  }
0x4c: {  	_ =	shalt  }
0x4d: {  	_ =	shalt  }
0x4e: {  	_ =	shalt  }
0x4f: {  	_ =	shalt  }
0x50: {  	_ =	shalt  }
0x51: {  	_ =	shalt  }
0x52: {  	_ =	shalt  }
0x53: {  	_ =	shalt  }
0x54: {  	_ =	shalt  }
0x55: {  	_ =	shalt  }
0x56: {  	_ =	shalt  }
0x57: {  	_ =	shalt  }
0x58: {  	_ =	shalt  }
0x59: {  	_ =	shalt  }
0x5a: {  	_ =	shalt  }
0x5b: {  	_ =	shalt  }
0x5c: {  	_ =	shalt  }
0x5d: {  	_ =	shalt  }
0x5e: {  	_ =	shalt  }
0x5f: {  	_ =	shalt  }
0x60: {  	_ =	shalt  }
0x61: {  	_ =	shalt  }
0x62: {  	_ =	shalt  }
0x63: {  	_ =	shalt  }
0x64: {  	_ =	shalt  }
0x65: {  	_ =	shalt  }
0x66: {  	_ =	shalt  }
0x67: {  	_ =	shalt  }
0x68: {  	_ =	shalt  }
0x69: {  	_ =	shalt  }
0x6a: {  	_ =	shalt  }
0x6b: {  	_ =	shalt  }
0x6c: {  	_ =	shalt  }
0x6d: {  	_ =	shalt  }
0x6e: {  	_ =	shalt  }
0x6f: {  	_ =	shalt  }
0x70: {  	_ =	shalt  }
0x71: {  	_ =	shalt  }
0x72: {  	_ =	shalt  }
0x73: {  	_ =	shalt  }
0x74: {  	_ =	shalt  }
0x75: {  	_ =	shalt  }
0x76: {  	_ =	shalt  }
0x77: {  	_ =	shalt  }
0x78: {  	_ =	shalt  }
0x79: {  	_ =	shalt  }
0x7a: {  	_ =	shalt  }
0x7b: {  	_ =	shalt  }
0x7c: {  	_ =	shalt  }
0x7d: {  	_ =	shalt  }
0x7e: {  	_ =	shalt  }
0x7f: {  	_ =	shalt  }
0x80: {  	_ =	shalt  }
0x81: {  	_ =	shalt  }
0x82: {  	_ =	shalt  }
0x83: {  	_ =	shalt  }
0x84: {  	_ =	shalt  }
0x85: {  	_ =	shalt  }
0x86: {  	_ =	shalt  }
0x87: {  	_ =	shalt  }
.Lfunc_end0:
.L_simem_size_0:
called_computation.6_lowered:
.L_overlay_start_0:
0x88: {  	s2 =	sld [smem:$0x3FD9]  }
0x89: {  	s3 =	sld [smem:$0x3FFE];
	_ =	sdelay $0x1  }
0x8a: {  	s1 =	srdreg.scid  }
0x8b: {  	s0 =	sand.u32 $0x1, s1  }
0x8c: {  	s17 =	sshll.u32 s0, $0xA;
	s2 =	sadd.s32 s3, s2  }
0x8d: {  	s2 =	sadd.s32 s2, s17  }
0x8e: {  	[smem:$0x3FB8] =	sst s2  }
0x8f: {  	_ = 	snop  }
0x90: {  	s2 =	sld [smem:$0x3FD0];
	(tm) =	ssettm $0x1  }
0x91: {  	s18 =	sld [smem:$0x3FFB];
	_ =	sdelay $0x3  }
0x92: {  	_ =	strace s18  }
0x93: {  	s3 =	sld [smem:$0x3FFC];
	_ =	sdelay $0x3  }
0x94: {  	_ =	strace s3  }
0x95: {  	s3 =	sld [smem:$0x3FFD];
	_ =	sdelay $0x3  }
0x96: {  	_ =	strace s3  }
0x97: {  	_ =	strace $0x8FFFFFFF  }
0x98: {  	s19 =	sld [smem:$0x3FDB];
	_ =	sdelay $0x1  }
0x99: {  	s4 =	simm.s32 $_scs_section_size  }
0x9a: {  	s5 =	simm.s32 $_size__tile_overlayer_lowered;
	s6 =	simm.s32 $_tile_overlayer_lowered  }
0x9b: {  	s22 =	simm.s32 $0x1BFF;
	s21 =	sshll.u32 s6, $0x1;
	s3 =	sadd.s32 s4, s19  }
0x9c: {  	s7 =	simm.s32 $0x0;
	s20 =	sshll.u32 s5, $0x1;
	s5 =	sadd.s32 s21, s3  }
0x9d: {  	[timem:s7], [sflag:s22] =	dma.local [hbm:s5], s20  }
0x9e: {  	_ =	swait.ge [sflag:s22], s20  }
0x9f: {  	s4 =	ssub.s32 $0x0, s20;
	[sflag:s22] =	ssyncset.done $0x0  }
0xa0: {  	[sflag:s22] =	ssyncadd.s32 s4;
	_ =	sdelay $0x1  }
0xa1: {  	s23 =	simm.s32 $0x1B8B  }
0xa2: {  	_ =	swait.ge [sflag:s23], $0x1  }
0xa3: {  	[sflag:s23] =	ssyncset.done $0x0  }
0xa4: {  	s25 =	simm.s32 $0x1B8E;
	s24 =	sld [smem:$0x3FFE];
	[sflag:s23] =	ssyncadd.s32 $0xFFFFFFFF  }
0xa5: {  	s26 =	simm.s32 $execute0_lowered;
	[smem:$0x3FD2] =	sst s25  }
0xa6: {  	s5 =	sshll.u32 s26, $0x1;
	_ =	strace $0x80000058;
	[dreg:$0x1] =	wrdreg $0xFFFFFFFF  }
0xa7: {  	s28 =	simm.s32 $_size_execute0_lowered;
	s3 =	sadd.s32 s3, s5;
	[dreg:$0x0] =	wrdreg $0x0  }
0xa8: {  	s5 =	sshll.u32 s28, $0x1;
	[dreg:$0x2] =	wrdreg s3  }
0xa9: {  	[dreg:$0x3] =	wrdreg s5  }
0xaa: {  	[dreg:$0x4] =	wrdreg $0xC0  }
0xab: {  	_ =	task [dreg:s7], $0x5FFFF  }
0xac: {  	[dreg:$0x1] =	wrdreg $0xFFFFFFFF  }
0xad: {  	[dreg:$0x0] =	wrdreg $0x60  }
0xae: {  	[dreg:$0x2] =	wrdreg s24  }
0xaf: {  	[dreg:$0x3] =	wrdreg s2  }
0xb0: {  	[dreg:$0x4] =	wrdreg $0x9  }
0xb1: {  	_ =	task.clear_ibuf [dreg:s7], $0x5FFFF;
	_ =	strace $0x90000058  }
0xb2: {  	s29 =	simm.s32 $0x9;
	_ =	strace $0x8000005A  }
0xb3: {  	_ =	swait.ge [sflag:s29], $0x1  }
0xb4: {  	[sflag:s29] =	ssyncadd.s32 $0xFFFFFFFF  }
0xb5: {  	_ =	strace $0x9000005A  }
0xb6: {  	_ =	sfence  }
0xb7: {  	s30 =	sld [smem:$0x0];
	_ =	sdelay $0x2  }
0xb8: {  	s31 =	sshll.u32 s1, $0xD;
	s1 =	sshrl.u32 s1, $0x2  }
0xb9: {  	s3 =	sand.u32 $0x4000, s31;
	s1 =	sadd.s32 s1, s30  }
0xba: {  	s0 =	sor.u32 s3, s0;
	s1 =	sshll.u32 s1, $0x11  }
0xbb: {  	s0 =	sor.u32 s1, s0  }
0xbc: {  	s0 =	sadd.s32 $0x8F2B, s0  }
0xbd: {  	[sflag:s0] =	ssyncadd.remote.s32 $0x1  }
0xbe: {  	_ =	sfence.sel $0xFFFF  }
0xbf: {  	[dreg:$0x0] =	wrdreg $0xFFFFFFFF;
	(pc) =	sbr.abs _section_cstart, $3  }
0xc0: {  	[dreg:$0x1] =	wrdreg $0xFFFFFFFF  }
0xc1: {  	_ =	task.clear_ibuf [dreg:s7], $0x2FFFF;
	_ =	strace $0x9FFFFFFF  }
0xc2: {  	(tm) =	ssettm $0x7FFFFFFF  }
0xc3: {  	_ =	shalt  }
tec
execute0_lowered:
.L_overlay_start_1:
0x0: {  	(tag) =	ssettag $0x1  }
0x1: {  	s1 =	srdreg.scid  }
0x2: {  	s0 =	stileid.u32;
	s6 =	sand.u32 $0x1, s1  }
0x3: {  	s5 =	rddreg [dreg:$0x0];
	s2 =	sshll.u32 s0, $0x7;
	s1 =	sshll.u32 s6, $0xB  }
0x4: {  	s8 =	rddreg [dreg:$0x1];
	s9 =	sor.u32 s2, s1  }
0x5: {  	s1 =	rddreg [dreg:$0x2];
	s2 =	simm.s32 $0x0;
	s3 =	sshrl.u32 s9, $0x3  }
0x6: {  	s10 =	ssub.s32 $0x2, s6;
	[smem:$0x7FF] =	sst s2;
	s3 =	sadd.s32 s3, s5  }
0x7: {  	_ =	strace $0x80000059;
	s4 =	sadd.s32 $0x8200, s3;
	s3 =	simm.s32 $0x2  }
0x8: {  	[tilespmem:s2], [sflag:$0x2] =	stream.linear.gather [hbm4b:s4+s2], $0x80, $0x38;
	[tilespmem:$0x4080] =	vst v63  }
0x9: {  	s7 =	simm.s32 $0x1;
	s11 =	sshrl.u32 s10, $0x1;
	_ =	swait.ge [sflag:s3], $0x80  }
0xa: {  	s6 =	simm.s32 $0x80;
	s10 =	ssub.s32 s10, s11;
	[sflag:s3] =	ssyncset.done $0x0  }
0xb: {  	s5 =	sadd.s32 $0x50E00, s5;
	s31 =	smax.u32 s10, $0x1;
	[sflag:s3] =	ssyncadd.s32 $0xFFFFFF80  }
0xc: {  	[tilespmem:s6], [sflag:$0x1] =	stream.indirect.gather [hbm4b:s5+s6], $0x80, s2, s6, $0xb8;
	[tilespmem:$0x4080] =	vst v63  }
0xd: {  	p0 =	sne.s32 s31, $0x1;
	_ =	swait.ge [sflag:s7], $0x4000  }
.Ltmp0:
0xe: {  	s9 =	sshll.u32 s9, $0x4;
	[sflag:s7] =	ssyncset.done $0x0;
	(pc) =	sbr.rel @!p0 .LBB2_2-.Ltmp0, $4  }
0xf: {  	s8 =	sadd.s32 s8, s9;
	[sflag:s7] =	ssyncadd.s32 $0xFFFFC000  }
0x10: {  	[hbm4b:s8+s2] =	stream.linear.scatter [tilespmem:s6], [sflag:$0x2], $0x4000, $0x38;
	[tilespmem:$0x4080] =	vst v63  }
0x11: {  	_ =	swait.ge [sflag:s3], $0x4000  }
0x12: {  	s9 =	sadd.s32 $0xFFFFFFFF, s31;
	[sflag:s3] =	ssyncset.done $0x0  }
.LBB2_1:
0x13: {  	p0 =	sne.s32 s9, $0x1;
	s9 =	sadd.s32 $0xFFFFFFFF, s9;
	[sflag:s3] =	ssyncadd.s32 $0xFFFFC000  }
0x14: {  	[tilespmem:s2], [sflag:$0x2] =	stream.linear.gather [hbm4b:s4+s2], $0x80, $0x38;
	[tilespmem:$0x4080] =	vst v63  }
0x15: {  	_ =	swait.ge [sflag:s3], $0x80  }
0x16: {  	[sflag:s3] =	ssyncset.done $0x0  }
0x17: {  	[sflag:s3] =	ssyncadd.s32 $0xFFFFFF80  }
0x18: {  	[tilespmem:s6], [sflag:$0x1] =	stream.indirect.gather [hbm4b:s5+s6], $0x80, s2, s6, $0xb8;
	[tilespmem:$0x4080] =	vst v63  }
0x19: {  	_ =	swait.ge [sflag:s7], $0x4000  }
.Ltmp1:
0x1a: {  	[sflag:s7] =	ssyncset.done $0x0;
	(pc) =	sbr.rel @p0 .LBB2_1-.Ltmp1, $4  }
0x1b: {  	[sflag:s7] =	ssyncadd.s32 $0xFFFFC000  }
0x1c: {  	[hbm4b:s8+s2] =	stream.linear.scatter [tilespmem:s6], [sflag:$0x2], $0x4000, $0x38;
	[tilespmem:$0x4080] =	vst v63  }
0x1d: {  	_ =	swait.ge [sflag:s3], $0x4000  }
0x1e: {  	[sflag:s3] =	ssyncset.done $0x0  }
.LBB2_2:
0x1f: {  	[sflag:s3] =	ssyncadd.s32 $0xFFFFC000  }
0x20: {  	_ =	sfence.sel $0x180000  }
0x21: {  	[bflag:$0x0] =	sbarrier.arrive $0xFFFF  }
0x22: {  	p0 =	sne.s32 s0, $0x0;
	_ =	strace $0x90000059  }
0x23: {  	s0 =	sadd.s32 @!p0 $0x100000, s1;
	[bflag:$0x2] =	sbarrier.arrive $0xFFFF  }
0x24: {  	[sflag:s0] =	ssyncadd.tile.s32 @!p0 $0x1;
	_ =	shalt  }
.Lfunc_end2:
_tile_overlayer_lowered:
.L_overlay_start_2:
0x25: {  	(tag) =	ssettag $0x2  }
0x26: {  	s0 =	rddreg [dreg:$0x0];
	s2 =	stileid.u32  }
0x27: {  	s1 =	rddreg [dreg:$0x1];
	p0 =	sne.s32 s2, $0x0  }
0x28: {  	s3 =	rddreg [dreg:$0x2];
	[bflag:$0x3] =	sbarrier.arrive $0xFFFF;
	s2 =	simm.s32 @!p0 $0x1C02  }
0x29: {  	[timem:s3], [sflag:s2] =	dma.local @!p0 [hbm:s0], s1  }
0x2a: {  	s0 =	simm.s32 @!p0 $0x2  }
0x2b: {  	_ =	swait.ge @!p0 [sflag:s0], s1  }
0x2c: {  	s1 =	ssub.s32 @!p0 $0x0, s1;
	[sflag:s0] =	ssyncset.done @!p0 $0x0  }
0x2d: {  	[sflag:s0] =	ssyncadd.s32 @!p0 s1  }
0x2e: {  	[bflag:$0x3] =	sbarrier.arrive $0xFFFF  }
0x2f: {  	_ =	shalt  }

// kernel: kernel.43.cloned.1.call-start
scs
__scs_entry_jumppad:
0x0: {  	(pc) =	sbr.rel $0x88, $3  }
0x1: {  	(tag) =	ssettag $0x0;
	lr =	simm.s32 $0x1  }
0x2: {  	[smem:$0x3F91] =	sst lr;
	_ =	strace $0xD0000000  }
0x3: {  	_ = 	snop  }
0x4: {  	_ = 	snop  }
0x5: {  	_ = 	snop  }
0x6: {  	_ = 	snop  }
0x7: {  	_ = 	snop  }
__scs_overlays_trampoline_lowered:
0x8: {  	[smem:$0x3FA0] =	sst s0  }
0x9: {  	[smem:$0x3FA1] =	sst s1  }
0xa: {  	[smem:$0x3FA2] =	sst s2  }
0xb: {  	[smem:$0x3FA3] =	sst s3  }
0xc: {  	[smem:$0x3FA4] =	sst s4  }
0xd: {  	[smem:$0x3FA5] =	sst s5  }
0xe: {  	[smem:$0x3FA6] =	sst s6  }
0xf: {  	[smem:$0x3FA7] =	sst s7  }
0x10: {  	[smem:$0x3FA8] =	sst s8  }
0x11: {  	[smem:$0x3FA9] =	sst s9;
	s0 =	simm.s32 @!p0 $0x0  }
0x12: {  	s1 =	sld [smem:$0x3F8F];
	s0 =	simm.s32 @p0 $0x1  }
0x13: {  	[smem:$0x3FAA] =	sst s0;
	s0 =	simm.s32 @!p1 $0x0  }
0x14: {  	s2 =	sld [smem:$0x3F8E];
	s0 =	simm.s32 @p1 $0x1  }
0x15: {  	[smem:$0x3FAB] =	sst s0;
	s0 =	simm.s32 @!p2 $0x0  }
0x16: {  	s3 =	sld [smem:$0x3FDB];
	s0 =	simm.s32 @p2 $0x1  }
0x17: {  	s4 =	simm.s32 $0x1BF5;
	[smem:$0x3FAD] =	sst s0  }
0x18: {  	s0 =	sld [smem:$0x3F90];
	_ =	swait.ge [sflag:s4], $0x0  }
0x19: {  	s7 =	sld [smem:$0x3F91]  }
0x1a: {  	s8 =	sadd.s32 $0xFFFFE003, lr  }
0x1b: {  	s9 =	sadd.s32 $0xFFFFFEF7, lr;
	s5 =	simm.s32 $0xFFFFFFFF;
	p2 =	slt.u32 s8, $0xFFFFF086  }
0x1c: {  	p1 =	slt.u32 s9, $0xF7A;
	s5 =	simm.s32 @!p2 $0x0  }
0x1d: {  	s5 =	simm.s32 @p1 $0x1;
	p0 =	seq.s32 s7, s2  }
0x1e: {  	s7 =	smul.u32 @!p0 $0xF7A, s2;
	p2 =	seq.s32 @!p0 s5, $0x0  }
0x1f: {  	s9 =	smul.u32 $0xF7A, s1;
	s8 =	simm.s32 @!p0 $0x1BF5;
	p2 =	por !p2, p0  }
0x20: {  	[sflag:s8] =	ssyncset.s32 @!p0 $0xFFFFF086;
	s6 =	sadd.s32 @!p0 s3, s7;
	s7 =	simm.s32 @!p0 $0x108  }
0x21: {  	s3 =	sadd.s32 s3, s9;
	s6 =	sadd.s32 @!p0 $0x88, s6;
	s7 =	simm.s32 @p2 $0x1082  }
0x22: {  	[simem:s7], [sflag:s8] =	dma.local @!p0 [hbm:s6], $0xF7A  }
0x23: {  	s9 =	sor.u32 $0xD0000000, s2;
	s6 =	simm.s32 $0x108;
	_ =	swait.ge @!p0 [sflag:s8], $0x0  }
0x24: {  	s3 =	sadd.s32 $0x88, s3;
	s6 =	simm.s32 @!p1 $0x1082;
	[sflag:s4] =	ssyncset.s32 $0xFFFFF086  }
0x25: {  	[simem:s6], [sflag:s4] =	dma.local [hbm:s3], $0xF7A  }
0x26: {  	[smem:$0x3F91] =	sst s1;
	(tag) =	ssettag s2;
	_ =	strace s9  }
0x27: {  	s1 =	sld [smem:$0x3FA1]  }
0x28: {  	s2 =	sld [smem:$0x3FA2]  }
0x29: {  	s4 =	sld [smem:$0x3FA4]  }
0x2a: {  	p0 =	seq.s32 s5, $0x0;
	s5 =	sld [smem:$0x3FA5]  }
0x2b: {  	s6 =	sld [smem:$0x3FA6]  }
0x2c: {  	s7 =	sld [smem:$0x3FA7]  }
0x2d: {  	s3 =	simm.s32 $0x108;
	s8 =	sld [smem:$0x3FA8]  }
0x2e: {  	s3 =	simm.s32 @!p0 $0x1082;
	s9 =	sld [smem:$0x3FA9]  }
0x2f: {  	lr =	sadd.s32 s0, s3;
	s0 =	sld [smem:$0x3FA0]  }
0x30: {  	s3 =	sld [smem:$0x3FA3]  }
0x31: {  	[smem:$0x3FAC] =	sst s10  }
0x32: {  	s10 =	sld [smem:$0x3FAA];
	_ =	sdelay $0x3  }
0x33: {  	p0 =	seq.s32 s10, $0x1;
	s10 =	sld [smem:$0x3FAC];
	_ =	sdelay $0x3  }
0x34: {  	[smem:$0x3FAC] =	sst s10  }
0x35: {  	s10 =	sld [smem:$0x3FAB];
	_ =	sdelay $0x3  }
0x36: {  	p1 =	seq.s32 s10, $0x1;
	s10 =	sld [smem:$0x3FAC];
	_ =	sdelay $0x3  }
0x37: {  	[smem:$0x3FAC] =	sst s10  }
0x38: {  	s10 =	sld [smem:$0x3FAD]  }
0x39: {  	_ = 	snop;
	(pc) =	sbr.ind lr, $3  }
0x3a: {  	_ = 	snop  }
0x3b: {  	_ = 	snop  }
0x3c: {  	p2 =	seq.s32 s10, $0x1;
	s10 =	sld [smem:$0x3FAC]  }
0x3d: {  	_ =	shalt  }
0x3e: {  	_ =	shalt  }
0x3f: {  	_ =	shalt  }
0x40: {  	_ =	shalt  }
0x41: {  	_ =	shalt  }
0x42: {  	_ =	shalt  }
0x43: {  	_ =	shalt  }
0x44: {  	_ =	shalt  }
0x45: {  	_ =	shalt  }
0x46: {  	_ =	shalt  }
0x47: {  	_ =	shalt  }
0x48: {  	_ =	shalt  }
0x49: {  	_ =	shalt  }
0x4a: {  	_ =	shalt  }
0x4b: {  	_ =	shalt  }
0x4c: {  	_ =	shalt  }
0x4d: {  	_ =	shalt  }
0x4e: {  	_ =	shalt  }
0x4f: {  	_ =	shalt  }
0x50: {  	_ =	shalt  }
0x51: {  	_ =	shalt  }
0x52: {  	_ =	shalt  }
0x53: {  	_ =	shalt  }
0x54: {  	_ =	shalt  }
0x55: {  	_ =	shalt  }
0x56: {  	_ =	shalt  }
0x57: {  	_ =	shalt  }
0x58: {  	_ =	shalt  }
0x59: {  	_ =	shalt  }
0x5a: {  	_ =	shalt  }
0x5b: {  	_ =	shalt  }
0x5c: {  	_ =	shalt  }
0x5d: {  	_ =	shalt  }
0x5e: {  	_ =	shalt  }
0x5f: {  	_ =	shalt  }
0x60: {  	_ =	shalt  }
0x61: {  	_ =	shalt  }
0x62: {  	_ =	shalt  }
0x63: {  	_ =	shalt  }
0x64: {  	_ =	shalt  }
0x65: {  	_ =	shalt  }
0x66: {  	_ =	shalt  }
0x67: {  	_ =	shalt  }
0x68: {  	_ =	shalt  }
0x69: {  	_ =	shalt  }
0x6a: {  	_ =	shalt  }
0x6b: {  	_ =	shalt  }
0x6c: {  	_ =	shalt  }
0x6d: {  	_ =	shalt  }
0x6e: {  	_ =	shalt  }
0x6f: {  	_ =	shalt  }
0x70: {  	_ =	shalt  }
0x71: {  	_ =	shalt  }
0x72: {  	_ =	shalt  }
0x73: {  	_ =	shalt  }
0x74: {  	_ =	shalt  }
0x75: {  	_ =	shalt  }
0x76: {  	_ =	shalt  }
0x77: {  	_ =	shalt  }
0x78: {  	_ =	shalt  }
0x79: {  	_ =	shalt  }
0x7a: {  	_ =	shalt  }
0x7b: {  	_ =	shalt  }
0x7c: {  	_ =	shalt  }
0x7d: {  	_ =	shalt  }
0x7e: {  	_ =	shalt  }
0x7f: {  	_ =	shalt  }
0x80: {  	_ =	shalt  }
0x81: {  	_ =	shalt  }
0x82: {  	_ =	shalt  }
0x83: {  	_ =	shalt  }
0x84: {  	_ =	shalt  }
0x85: {  	_ =	shalt  }
0x86: {  	_ =	shalt  }
0x87: {  	_ =	shalt  }
.Lfunc_end0:
.L_simem_size_0:
called_computation.7_lowered:
.L_overlay_start_0:
0x88: {  	s2 =	sld [smem:$0x3FD9]  }
0x89: {  	s3 =	sld [smem:$0x3FFE];
	_ =	sdelay $0x1  }
0x8a: {  	s1 =	srdreg.scid  }
0x8b: {  	s0 =	sand.u32 $0x1, s1  }
0x8c: {  	s17 =	sshll.u32 s0, $0xA;
	s2 =	sadd.s32 s3, s2  }
0x8d: {  	s2 =	sadd.s32 s2, s17  }
0x8e: {  	[smem:$0x3FB8] =	sst s2  }
0x8f: {  	_ = 	snop  }
0x90: {  	s2 =	sld [smem:$0x3FD0];
	(tm) =	ssettm $0x1  }
0x91: {  	s18 =	sld [smem:$0x3FFB];
	_ =	sdelay $0x3  }
0x92: {  	_ =	strace s18  }
0x93: {  	s3 =	sld [smem:$0x3FFC];
	_ =	sdelay $0x3  }
0x94: {  	_ =	strace s3  }
0x95: {  	s3 =	sld [smem:$0x3FFD];
	_ =	sdelay $0x3  }
0x96: {  	_ =	strace s3  }
0x97: {  	_ =	strace $0x8FFFFFFF  }
0x98: {  	s19 =	sld [smem:$0x3FDB];
	_ =	sdelay $0x1  }
0x99: {  	s4 =	simm.s32 $_scs_section_size  }
0x9a: {  	s5 =	simm.s32 $_size__tile_overlayer_lowered;
	s6 =	simm.s32 $_tile_overlayer_lowered  }
0x9b: {  	s22 =	simm.s32 $0x1BFF;
	s21 =	sshll.u32 s6, $0x1;
	s3 =	sadd.s32 s4, s19  }
0x9c: {  	s7 =	simm.s32 $0x0;
	s20 =	sshll.u32 s5, $0x1;
	s5 =	sadd.s32 s21, s3  }
0x9d: {  	[timem:s7], [sflag:s22] =	dma.local [hbm:s5], s20  }
0x9e: {  	_ =	swait.ge [sflag:s22], s20  }
0x9f: {  	s4 =	ssub.s32 $0x0, s20;
	[sflag:s22] =	ssyncset.done $0x0  }
0xa0: {  	[sflag:s22] =	ssyncadd.s32 s4;
	_ =	sdelay $0x1  }
0xa1: {  	s23 =	simm.s32 $0x1B8B  }
0xa2: {  	_ =	swait.ge [sflag:s23], $0x1  }
0xa3: {  	[sflag:s23] =	ssyncset.done $0x0  }
0xa4: {  	s25 =	simm.s32 $0x1B8E;
	s24 =	sld [smem:$0x3FFE];
	[sflag:s23] =	ssyncadd.s32 $0xFFFFFFFF  }
0xa5: {  	s26 =	simm.s32 $execute0_lowered;
	[smem:$0x3FD2] =	sst s25  }
0xa6: {  	s5 =	sshll.u32 s26, $0x1;
	_ =	strace $0x8000005B;
	[dreg:$0x1] =	wrdreg $0xFFFFFFFF  }
0xa7: {  	s28 =	simm.s32 $_size_execute0_lowered;
	s3 =	sadd.s32 s3, s5;
	[dreg:$0x0] =	wrdreg $0x0  }
0xa8: {  	s5 =	sshll.u32 s28, $0x1;
	[dreg:$0x2] =	wrdreg s3  }
0xa9: {  	[dreg:$0x3] =	wrdreg s5  }
0xaa: {  	[dreg:$0x4] =	wrdreg $0xC0  }
0xab: {  	_ =	task [dreg:s7], $0x5FFFF  }
0xac: {  	[dreg:$0x1] =	wrdreg $0xFFFFFFFF  }
0xad: {  	[dreg:$0x0] =	wrdreg $0x60  }
0xae: {  	[dreg:$0x2] =	wrdreg s24  }
0xaf: {  	[dreg:$0x3] =	wrdreg s2  }
0xb0: {  	[dreg:$0x4] =	wrdreg $0x81000  }
0xb1: {  	[dreg:$0x5] =	wrdreg $0x9  }
0xb2: {  	_ =	task.clear_ibuf [dreg:s7], $0x6FFFF;
	_ =	strace $0x9000005B  }
0xb3: {  	s29 =	simm.s32 $0x9;
	_ =	strace $0x8000005D  }
0xb4: {  	_ =	swait.ge [sflag:s29], $0x1  }
0xb5: {  	[sflag:s29] =	ssyncadd.s32 $0xFFFFFFFF  }
0xb6: {  	_ =	strace $0x9000005D  }
0xb7: {  	_ =	sfence  }
0xb8: {  	s30 =	sld [smem:$0x0];
	_ =	sdelay $0x2  }
0xb9: {  	s31 =	sshll.u32 s1, $0xD;
	s1 =	sshrl.u32 s1, $0x2  }
0xba: {  	s3 =	sand.u32 $0x4000, s31;
	s1 =	sadd.s32 s1, s30  }
0xbb: {  	s0 =	sor.u32 s3, s0;
	s1 =	sshll.u32 s1, $0x11  }
0xbc: {  	s0 =	sor.u32 s1, s0  }
0xbd: {  	s0 =	sadd.s32 $0x8F2B, s0  }
0xbe: {  	[sflag:s0] =	ssyncadd.remote.s32 $0x1  }
0xbf: {  	_ =	sfence.sel $0xFFFF  }
0xc0: {  	[dreg:$0x0] =	wrdreg $0xFFFFFFFF;
	(pc) =	sbr.abs _section_cstart, $3  }
0xc1: {  	[dreg:$0x1] =	wrdreg $0xFFFFFFFF  }
0xc2: {  	_ =	task.clear_ibuf [dreg:s7], $0x2FFFF;
	_ =	strace $0x9FFFFFFF  }
0xc3: {  	(tm) =	ssettm $0x7FFFFFFF  }
tec
execute0_lowered:
.L_overlay_start_1:
0x0: {  	(tag) =	ssettag $0x1  }
0x1: {  	s5 =	rddreg [dreg:$0x0]  }
0x2: {  	s7 =	rddreg [dreg:$0x1]  }
0x3: {  	s1 =	rddreg [dreg:$0x2];
	s2 =	srdreg.scid  }
0x4: {  	s0 =	rddreg [dreg:$0x3];
	s6 =	sand.u32 $0x1, s2  }
0x5: {  	s2 =	stileid.u32;
	s8 =	smul.u32 $0xA00, s6  }
0x6: {  	s3 =	simm.s32 $0x0;
	s14 =	simm.s32 $0x1;
	s9 =	smul.u32 $0xA0, s2  }
0x7: {  	[smem:$0x7FF] =	sst s3;
	s4 =	sadd.s32 $0x46E00, s5;
	s11 =	smul.u32 $0x14000, s2  }
0x8: {  	_ =	strace $0x8000005C;
	s10 =	ssub.s32 $0x2, s6;
	s13 =	smul.u32 $0xA000, s6  }
0x9: {  	s15 =	smul.u32 $0xA00, s2;
	s16 =	sshll.u32 s2, $0x6;
	s30 =	sshrl.u32 s10, $0x1  }
0xa: {  	s16 =	sor.u32 $0x1C02, s16;
	s8 =	sadd.s32 s8, s5;
	s11 =	sshrl.u32 s11, $0x2  }
0xb: {  	s12 =	sadd.s32 $0x80, s9;
	s10 =	ssub.s32 s10, s30;
	s17 =	sadd.s32 s7, s13  }
0xc: {  	s13 =	simm.s32 $0x100;
	s5 =	sadd.s32 s11, s1;
	s31 =	sshll.u32 s12, $0x7  }
0xd: {  	s18 =	sshll.u32 s12, $0x4;
	s7 =	smax.u32 s10, $0x1;
	s9 =	sadd.s32 s9, s8  }
0xe: {  	s10 =	simm.s32 $0x4100;
	s11 =	simm.s32 $0x2;
	s12 =	simm.s32 $0x80  }
0xf: {  	s15 =	sadd.s32 s15, s17;
	s6 =	sadd.s32 s31, s1;
	s8 =	sadd.s32 $0x45A00, s9  }
0x10: {  	v0 =	vimm.f32 $0.0e+00;
	s9 =	sadd.s32 $0x44600, s9;
	s17 =	sadd.s32 s18, s17;
	s18 =	simm.s32 $0x0  }
.LBB2_1:
0x11: {  	s19 =	simm.s32 $0x0;
	s20 =	simm.s32 $0x200  }
.LBB2_2:
0x12: {  	p0 =	sne.s32 s20, $0xFE00;
	[tilespmem:s19+$0x4170] =	vst v0  }
0x13: {  	[tilespmem:s19+$0x4100] =	vst v0  }
0x14: {  	[tilespmem:s19+$0x4110] =	vst v0  }
.Ltmp0:
0x15: {  	[tilespmem:s19+$0x4120] =	vst v0;
	(pc) =	sbr.rel @p0 .LBB2_2-.Ltmp0, $4  }
0x16: {  	[tilespmem:s19+$0x4130] =	vst v0  }
0x17: {  	[tilespmem:s19+$0x4140] =	vst v0  }
0x18: {  	[tilespmem:s19+$0x4150] =	vst v0  }
0x19: {  	[tilespmem:s19+$0x4160] =	vst v0;
	s19 =	sshra.s32 s20, $0x2;
	s20 =	sadd.s32 $0x200, s20  }
0x1a: {  	[tilespmem:s19+$0x4170] =	vst v0  }
0x1b: {  	[tilespmem:s19+$0x4100] =	vst v0  }
0x1c: {  	[tilespmem:s19+$0x4110] =	vst v0  }
0x1d: {  	[tilespmem:s19+$0x4120] =	vst v0  }
0x1e: {  	[tilespmem:s19+$0x4130] =	vst v0  }
0x1f: {  	[tilespmem:s19+$0x4140] =	vst v0  }
0x20: {  	[tilespmem:s19+$0x4150] =	vst v0  }
0x21: {  	[tilespmem:s19+$0x4160] =	vst v0  }
0x22: {  	[spmem:s5] =	stream.linear.scatter [tilespmem:s10], [sflag:$0x2], $0x4000, $0x38;
	[tilespmem:$0xD100] =	vst v63  }
0x23: {  	_ =	swait.ge [sflag:s11], $0x4000  }
0x24: {  	[sflag:s11] =	ssyncset.done $0x0  }
0x25: {  	[sflag:s11] =	ssyncadd.s32 $0xFFFFC000  }
0x26: {  	[spmem:s6] =	stream.linear.scatter [tilespmem:s10], [sflag:$0x2], $0x1000, $0x38;
	[tilespmem:$0xD100] =	vst v63  }
0x27: {  	_ =	swait.ge [sflag:s11], $0x1000  }
0x28: {  	[sflag:s11] =	ssyncset.done $0x0  }
0x29: {  	[sflag:s11] =	ssyncadd.s32 $0xFFFFF000  }
0x2a: {  	s30 =	sadd.s32 $0x0, s9;
	[bflag:$0x0] =	sbarrier.arrive $0xFFFF  }
0x2b: {  	[tilespmem:s3], [sflag:$0x2] =	stream.linear.gather [hbm4b:s30+s3], $0x80, $0x38;
	[tilespmem:$0xD100] =	vst v63  }
0x2c: {  	_ =	swait.ge [sflag:s11], $0x80  }
0x2d: {  	[sflag:s11] =	ssyncset.done $0x0  }
0x2e: {  	s31 =	sadd.s32 $0x0, s8;
	[sflag:s11] =	ssyncadd.s32 $0xFFFFFF80  }
0x2f: {  	[tilespmem:s12], [sflag:$0x2] =	stream.linear.gather [hbm4b:s31+s3], $0x80, $0x38;
	[tilespmem:$0xD100] =	vst v63  }
0x30: {  	_ =	swait.ge [sflag:s11], $0x80  }
0x31: {  	[sflag:s11] =	ssyncset.done $0x0  }
0x32: {  	[sflag:s11] =	ssyncadd.s32 $0xFFFFFF80  }
0x33: {  	[tilespmem:s13], [sflag:$0x1] =	stream.indirect.gather [hbm4b:s4+s12], $0x80, s3, s12, $0xb8;
	[tilespmem:$0xD100] =	vst v63  }
0x34: {  	_ =	swait.ge [sflag:s14], $0x4000  }
0x35: {  	[sflag:s14] =	ssyncset.done $0x0  }
0x36: {  	[sflag:s14] =	ssyncadd.s32 $0xFFFFC000  }
0x37: {  	[spmem:s1] =	stream.indirect.scatter.add.f32 [tilespmem:s13], [sflag:$0x2], $0x80, s12, s12, $0xb8;
	[tilespmem:$0xD100] =	vst v63  }
0x38: {  	_ =	swait.ge [sflag:s11], $0x4000  }
0x39: {  	s19 =	simm.s32 $0x10;
	s20 =	simm.s32 $0x20;
	[sflag:s11] =	ssyncset.done $0x0  }
.LBB2_4:
0x3a: {  	s21 =	sadd.s32 s19, s9  }
0x3b: {  	[sflag:s11] =	ssyncadd.s32 $0xFFFFC000;
	s22 =	smov.u32 s20;
	s23 =	sadd.s32 $0x10, s20  }
0x3c: {  	[tilespmem:s3], [sflag:$0x2] =	stream.linear.gather [hbm4b:s21+s3], $0x80, $0x38;
	[tilespmem:$0xD100] =	vst v63  }
0x3d: {  	p0 =	sne.s32 s20, $0x90;
	_ =	swait.ge [sflag:s11], $0x80  }
0x3e: {  	[sflag:s11] =	ssyncset.done $0x0  }
0x3f: {  	s20 =	sadd.s32 s19, s8;
	s19 =	smov.u32 s22;
	[sflag:s11] =	ssyncadd.s32 $0xFFFFFF80  }
0x40: {  	[tilespmem:s12], [sflag:$0x2] =	stream.linear.gather [hbm4b:s20+s3], $0x80, $0x38;
	[tilespmem:$0xD100] =	vst v63  }
0x41: {  	_ =	swait.ge [sflag:s11], $0x80  }
0x42: {  	[sflag:s11] =	ssyncset.done $0x0  }
0x43: {  	[sflag:s11] =	ssyncadd.s32 $0xFFFFFF80  }
0x44: {  	[tilespmem:s13], [sflag:$0x1] =	stream.indirect.gather [hbm4b:s4+s12], $0x80, s3, s12, $0xb8;
	[tilespmem:$0xD100] =	vst v63  }
0x45: {  	_ =	swait.ge [sflag:s14], $0x4000  }
.Ltmp1:
0x46: {  	[sflag:s14] =	ssyncset.done $0x0;
	(pc) =	sbr.rel @p0 .LBB2_4-.Ltmp1, $4  }
0x47: {  	[sflag:s14] =	ssyncadd.s32 $0xFFFFC000  }
0x48: {  	[spmem:s1] =	stream.indirect.scatter.add.f32 [tilespmem:s13], [sflag:$0x2], $0x80, s12, s12, $0xb8;
	[tilespmem:$0xD100] =	vst v63  }
0x49: {  	_ =	swait.ge [sflag:s11], $0x4000  }
0x4a: {  	s20 =	smov.u32 s23;
	[sflag:s11] =	ssyncset.done $0x0  }
0x4b: {  	s20 =	sadd.s32 s19, s9;
	[sflag:s11] =	ssyncadd.s32 $0xFFFFC000  }
0x4c: {  	[tilespmem:s3], [sflag:$0x2] =	stream.linear.gather [hbm4b:s20+s3], $0x80, $0x38;
	[tilespmem:$0xD100] =	vst v63  }
0x4d: {  	_ =	swait.ge [sflag:s11], $0x80  }
0x4e: {  	[sflag:s11] =	ssyncset.done $0x0  }
0x4f: {  	s29 =	sadd.s32 s19, s8;
	[sflag:s11] =	ssyncadd.s32 $0xFFFFFF80  }
0x50: {  	[tilespmem:s12], [sflag:$0x2] =	stream.linear.gather [hbm4b:s29+s3], $0x80, $0x38;
	[tilespmem:$0xD100] =	vst v63  }
0x51: {  	_ =	swait.ge [sflag:s11], $0x80  }
0x52: {  	[sflag:s11] =	ssyncset.done $0x0  }
0x53: {  	[sflag:s11] =	ssyncadd.s32 $0xFFFFFF80  }
0x54: {  	[tilespmem:s13], [sflag:$0x1] =	stream.indirect.gather [hbm4b:s4+s12], $0x80, s3, s12, $0xb8;
	[tilespmem:$0xD100] =	vst v63  }
0x55: {  	_ =	swait.ge [sflag:s14], $0x4000  }
0x56: {  	[sflag:s14] =	ssyncset.done $0x0  }
0x57: {  	[sflag:s14] =	ssyncadd.s32 $0xFFFFC000  }
0x58: {  	[spmem:s1] =	stream.indirect.scatter.add.f32 [tilespmem:s13], [sflag:$0x2], $0x80, s12, s12, $0xb8;
	[tilespmem:$0xD100] =	vst v63  }
0x59: {  	_ =	swait.ge [sflag:s11], $0x4000  }
0x5a: {  	[sflag:s11] =	ssyncset.done $0x0  }
0x5b: {  	[sflag:s11] =	ssyncadd.s32 $0xFFFFC000  }
0x5c: {  	s30 =	sshrl.u32 s5, $0x3;
	[bflag:$0x0] =	sbarrier.arrive $0xFFFF  }
0x5d: {  	[hbm:s15], [sflag:s16] =	dma.local [spmem:s30], $0x800  }
0x5e: {  	s18 =	sadd.s32 $0x1, s18;
	_ =	swait.ge [sflag:s11], $0x800  }
0x5f: {  	p0 =	sne.s32 s18, s7;
	[sflag:s11] =	ssyncset.done $0x0  }
.Ltmp2:
0x60: {  	s31 =	sshrl.u32 s6, $0x3;
	[sflag:s11] =	ssyncadd.s32 $0xFFFFF800;
	(pc) =	sbr.rel @p0 .LBB2_1-.Ltmp2, $4  }
0x61: {  	[hbm:s17], [sflag:s16] =	dma.local [spmem:s31], $0x200  }
0x62: {  	_ =	swait.ge [sflag:s11], $0x200  }
0x63: {  	[sflag:s11] =	ssyncset.done $0x0  }
0x64: {  	[sflag:s11] =	ssyncadd.s32 $0xFFFFFE00  }
0x65: {  	_ =	sfence.sel $0x180000  }
0x66: {  	[bflag:$0x0] =	sbarrier.arrive $0xFFFF  }
0x67: {  	p0 =	sne.s32 s2, $0x0;
	_ =	strace $0x9000005C  }
0x68: {  	s0 =	sadd.s32 @!p0 $0x100000, s0;
	[bflag:$0x2] =	sbarrier.arrive $0xFFFF  }
0x69: {  	[sflag:s0] =	ssyncadd.tile.s32 @!p0 $0x1;
	_ =	shalt  }
.Lfunc_end2:
_tile_overlayer_lowered:
.L_overlay_start_2:
0x6a: {  	(tag) =	ssettag $0x2  }
0x6b: {  	s0 =	rddreg [dreg:$0x0];
	s2 =	stileid.u32  }
0x6c: {  	s1 =	rddreg [dreg:$0x1];
	p0 =	sne.s32 s2, $0x0  }
0x6d: {  	s3 =	rddreg [dreg:$0x2];
	[bflag:$0x3] =	sbarrier.arrive $0xFFFF;
	s2 =	simm.s32 @!p0 $0x1C02  }
0x6e: {  	[timem:s3], [sflag:s2] =	dma.local @!p0 [hbm:s0], s1  }
0x6f: {  	s0 =	simm.s32 @!p0 $0x2  }
0x70: {  	_ =	swait.ge @!p0 [sflag:s0], s1  }
0x71: {  	s1 =	ssub.s32 @!p0 $0x0, s1;
	[sflag:s0] =	ssyncset.done @!p0 $0x0  }
0x72: {  	[sflag:s0] =	ssyncadd.s32 @!p0 s1  }
0x73: {  	[bflag:$0x3] =	sbarrier.arrive $0xFFFF  }
0x74: {  	_ =	shalt  }

// kernel: kernel.46.cloned.1.call-start
scs
__scs_entry_jumppad:
0x0: {  	(pc) =	sbr.rel $0x88, $3  }
0x1: {  	(tag) =	ssettag $0x0;
	lr =	simm.s32 $0x1  }
0x2: {  	[smem:$0x3F91] =	sst lr;
	_ =	strace $0xD0000000  }
0x3: {  	_ = 	snop  }
0x4: {  	_ = 	snop  }
0x5: {  	_ = 	snop  }
0x6: {  	_ = 	snop  }
0x7: {  	_ = 	snop  }
__scs_overlays_trampoline_lowered:
0x8: {  	[smem:$0x3FA0] =	sst s0  }
0x9: {  	[smem:$0x3FA1] =	sst s1  }
0xa: {  	[smem:$0x3FA2] =	sst s2  }
0xb: {  	[smem:$0x3FA3] =	sst s3  }
0xc: {  	[smem:$0x3FA4] =	sst s4  }
0xd: {  	[smem:$0x3FA5] =	sst s5  }
0xe: {  	[smem:$0x3FA6] =	sst s6  }
0xf: {  	[smem:$0x3FA7] =	sst s7  }
0x10: {  	[smem:$0x3FA8] =	sst s8  }
0x11: {  	[smem:$0x3FA9] =	sst s9;
	s0 =	simm.s32 @!p0 $0x0  }
0x12: {  	s1 =	sld [smem:$0x3F8F];
	s0 =	simm.s32 @p0 $0x1  }
0x13: {  	[smem:$0x3FAA] =	sst s0;
	s0 =	simm.s32 @!p1 $0x0  }
0x14: {  	s2 =	sld [smem:$0x3F8E];
	s0 =	simm.s32 @p1 $0x1  }
0x15: {  	[smem:$0x3FAB] =	sst s0;
	s0 =	simm.s32 @!p2 $0x0  }
0x16: {  	s3 =	sld [smem:$0x3FDB];
	s0 =	simm.s32 @p2 $0x1  }
0x17: {  	s4 =	simm.s32 $0x1BF5;
	[smem:$0x3FAD] =	sst s0  }
0x18: {  	s0 =	sld [smem:$0x3F90];
	_ =	swait.ge [sflag:s4], $0x0  }
0x19: {  	s7 =	sld [smem:$0x3F91]  }
0x1a: {  	s8 =	sadd.s32 $0xFFFFE003, lr  }
0x1b: {  	s9 =	sadd.s32 $0xFFFFFEF7, lr;
	s5 =	simm.s32 $0xFFFFFFFF;
	p2 =	slt.u32 s8, $0xFFFFF086  }
0x1c: {  	p1 =	slt.u32 s9, $0xF7A;
	s5 =	simm.s32 @!p2 $0x0  }
0x1d: {  	s5 =	simm.s32 @p1 $0x1;
	p0 =	seq.s32 s7, s2  }
0x1e: {  	s7 =	smul.u32 @!p0 $0xF7A, s2;
	p2 =	seq.s32 @!p0 s5, $0x0  }
0x1f: {  	s9 =	smul.u32 $0xF7A, s1;
	s8 =	simm.s32 @!p0 $0x1BF5;
	p2 =	por !p2, p0  }
0x20: {  	[sflag:s8] =	ssyncset.s32 @!p0 $0xFFFFF086;
	s6 =	sadd.s32 @!p0 s3, s7;
	s7 =	simm.s32 @!p0 $0x108  }
0x21: {  	s3 =	sadd.s32 s3, s9;
	s6 =	sadd.s32 @!p0 $0x88, s6;
	s7 =	simm.s32 @p2 $0x1082  }
0x22: {  	[simem:s7], [sflag:s8] =	dma.local @!p0 [hbm:s6], $0xF7A  }
0x23: {  	s9 =	sor.u32 $0xD0000000, s2;
	s6 =	simm.s32 $0x108;
	_ =	swait.ge @!p0 [sflag:s8], $0x0  }
0x24: {  	s3 =	sadd.s32 $0x88, s3;
	s6 =	simm.s32 @!p1 $0x1082;
	[sflag:s4] =	ssyncset.s32 $0xFFFFF086  }
0x25: {  	[simem:s6], [sflag:s4] =	dma.local [hbm:s3], $0xF7A  }
0x26: {  	[smem:$0x3F91] =	sst s1;
	(tag) =	ssettag s2;
	_ =	strace s9  }
0x27: {  	s1 =	sld [smem:$0x3FA1]  }
0x28: {  	s2 =	sld [smem:$0x3FA2]  }
0x29: {  	s4 =	sld [smem:$0x3FA4]  }
0x2a: {  	p0 =	seq.s32 s5, $0x0;
	s5 =	sld [smem:$0x3FA5]  }
0x2b: {  	s6 =	sld [smem:$0x3FA6]  }
0x2c: {  	s7 =	sld [smem:$0x3FA7]  }
0x2d: {  	s3 =	simm.s32 $0x108;
	s8 =	sld [smem:$0x3FA8]  }
0x2e: {  	s3 =	simm.s32 @!p0 $0x1082;
	s9 =	sld [smem:$0x3FA9]  }
0x2f: {  	lr =	sadd.s32 s0, s3;
	s0 =	sld [smem:$0x3FA0]  }
0x30: {  	s3 =	sld [smem:$0x3FA3]  }
0x31: {  	[smem:$0x3FAC] =	sst s10  }
0x32: {  	s10 =	sld [smem:$0x3FAA];
	_ =	sdelay $0x3  }
0x33: {  	p0 =	seq.s32 s10, $0x1;
	s10 =	sld [smem:$0x3FAC];
	_ =	sdelay $0x3  }
0x34: {  	[smem:$0x3FAC] =	sst s10  }
0x35: {  	s10 =	sld [smem:$0x3FAB];
	_ =	sdelay $0x3  }
0x36: {  	p1 =	seq.s32 s10, $0x1;
	s10 =	sld [smem:$0x3FAC];
	_ =	sdelay $0x3  }
0x37: {  	[smem:$0x3FAC] =	sst s10  }
0x38: {  	s10 =	sld [smem:$0x3FAD]  }
0x39: {  	_ = 	snop;
	(pc) =	sbr.ind lr, $3  }
0x3a: {  	_ = 	snop  }
0x3b: {  	_ = 	snop  }
0x3c: {  	p2 =	seq.s32 s10, $0x1;
	s10 =	sld [smem:$0x3FAC]  }
0x3d: {  	_ =	shalt  }
0x3e: {  	_ =	shalt  }
0x3f: {  	_ =	shalt  }
0x40: {  	_ =	shalt  }
0x41: {  	_ =	shalt  }
0x42: {  	_ =	shalt  }
0x43: {  	_ =	shalt  }
0x44: {  	_ =	shalt  }
0x45: {  	_ =	shalt  }
0x46: {  	_ =	shalt  }
0x47: {  	_ =	shalt  }
0x48: {  	_ =	shalt  }
0x49: {  	_ =	shalt  }
0x4a: {  	_ =	shalt  }
0x4b: {  	_ =	shalt  }
0x4c: {  	_ =	shalt  }
0x4d: {  	_ =	shalt  }
0x4e: {  	_ =	shalt  }
0x4f: {  	_ =	shalt  }
0x50: {  	_ =	shalt  }
0x51: {  	_ =	shalt  }
0x52: {  	_ =	shalt  }
0x53: {  	_ =	shalt  }
0x54: {  	_ =	shalt  }
0x55: {  	_ =	shalt  }
0x56: {  	_ =	shalt  }
0x57: {  	_ =	shalt  }
0x58: {  	_ =	shalt  }
0x59: {  	_ =	shalt  }
0x5a: {  	_ =	shalt  }
0x5b: {  	_ =	shalt  }
0x5c: {  	_ =	shalt  }
0x5d: {  	_ =	shalt  }
0x5e: {  	_ =	shalt  }
0x5f: {  	_ =	shalt  }
0x60: {  	_ =	shalt  }
0x61: {  	_ =	shalt  }
0x62: {  	_ =	shalt  }
0x63: {  	_ =	shalt  }
0x64: {  	_ =	shalt  }
0x65: {  	_ =	shalt  }
0x66: {  	_ =	shalt  }
0x67: {  	_ =	shalt  }
0x68: {  	_ =	shalt  }
0x69: {  	_ =	shalt  }
0x6a: {  	_ =	shalt  }
0x6b: {  	_ =	shalt  }
0x6c: {  	_ =	shalt  }
0x6d: {  	_ =	shalt  }
0x6e: {  	_ =	shalt  }
0x6f: {  	_ =	shalt  }
0x70: {  	_ =	shalt  }
0x71: {  	_ =	shalt  }
0x72: {  	_ =	shalt  }
0x73: {  	_ =	shalt  }
0x74: {  	_ =	shalt  }
0x75: {  	_ =	shalt  }
0x76: {  	_ =	shalt  }
0x77: {  	_ =	shalt  }
0x78: {  	_ =	shalt  }
0x79: {  	_ =	shalt  }
0x7a: {  	_ =	shalt  }
0x7b: {  	_ =	shalt  }
0x7c: {  	_ =	shalt  }
0x7d: {  	_ =	shalt  }
0x7e: {  	_ =	shalt  }
0x7f: {  	_ =	shalt  }
0x80: {  	_ =	shalt  }
0x81: {  	_ =	shalt  }
0x82: {  	_ =	shalt  }
0x83: {  	_ =	shalt  }
0x84: {  	_ =	shalt  }
0x85: {  	_ =	shalt  }
0x86: {  	_ =	shalt  }
0x87: {  	_ =	shalt  }
.Lfunc_end0:
.L_simem_size_0:
called_computation.8_lowered:
.L_overlay_start_0:
0x88: {  	s2 =	sld [smem:$0x3FD9]  }
0x89: {  	s3 =	sld [smem:$0x3FFE];
	_ =	sdelay $0x1  }
0x8a: {  	s1 =	srdreg.scid  }
0x8b: {  	s0 =	sand.u32 $0x1, s1  }
0x8c: {  	s17 =	sshll.u32 s0, $0xA;
	s2 =	sadd.s32 s3, s2  }
0x8d: {  	s2 =	sadd.s32 s2, s17  }
0x8e: {  	[smem:$0x3FB8] =	sst s2  }
0x8f: {  	_ = 	snop  }
0x90: {  	s2 =	sld [smem:$0x3FD0];
	(tm) =	ssettm $0x1  }
0x91: {  	s18 =	sld [smem:$0x3FFB];
	_ =	sdelay $0x3  }
0x92: {  	_ =	strace s18  }
0x93: {  	s3 =	sld [smem:$0x3FFC];
	_ =	sdelay $0x3  }
0x94: {  	_ =	strace s3  }
0x95: {  	s3 =	sld [smem:$0x3FFD];
	_ =	sdelay $0x3  }
0x96: {  	_ =	strace s3  }
0x97: {  	_ =	strace $0x8FFFFFFF  }
0x98: {  	s19 =	sld [smem:$0x3FDB];
	_ =	sdelay $0x1  }
0x99: {  	s4 =	simm.s32 $_scs_section_size  }
0x9a: {  	s5 =	simm.s32 $_size__tile_overlayer_lowered;
	s6 =	simm.s32 $_tile_overlayer_lowered  }
0x9b: {  	s22 =	simm.s32 $0x1BFF;
	s21 =	sshll.u32 s6, $0x1;
	s3 =	sadd.s32 s4, s19  }
0x9c: {  	s7 =	simm.s32 $0x0;
	s20 =	sshll.u32 s5, $0x1;
	s5 =	sadd.s32 s21, s3  }
0x9d: {  	[timem:s7], [sflag:s22] =	dma.local [hbm:s5], s20  }
0x9e: {  	_ =	swait.ge [sflag:s22], s20  }
0x9f: {  	s4 =	ssub.s32 $0x0, s20;
	[sflag:s22] =	ssyncset.done $0x0  }
0xa0: {  	[sflag:s22] =	ssyncadd.s32 s4;
	_ =	sdelay $0x1  }
0xa1: {  	s23 =	simm.s32 $0x1B8B  }
0xa2: {  	_ =	swait.ge [sflag:s23], $0x1  }
0xa3: {  	[sflag:s23] =	ssyncset.done $0x0  }
0xa4: {  	s25 =	simm.s32 $0x1B8E;
	s24 =	sld [smem:$0x3FFE];
	[sflag:s23] =	ssyncadd.s32 $0xFFFFFFFF  }
0xa5: {  	s26 =	simm.s32 $execute0_lowered;
	[smem:$0x3FD2] =	sst s25  }
0xa6: {  	s5 =	sshll.u32 s26, $0x1;
	_ =	strace $0x8000005E;
	[dreg:$0x1] =	wrdreg $0xFFFFFFFF  }
0xa7: {  	s28 =	simm.s32 $_size_execute0_lowered;
	s3 =	sadd.s32 s3, s5;
	[dreg:$0x0] =	wrdreg $0x0  }
0xa8: {  	s5 =	sshll.u32 s28, $0x1;
	[dreg:$0x2] =	wrdreg s3  }
0xa9: {  	[dreg:$0x3] =	wrdreg s5  }
0xaa: {  	[dreg:$0x4] =	wrdreg $0xC0  }
0xab: {  	_ =	task [dreg:s7], $0x5FFFF  }
0xac: {  	[dreg:$0x1] =	wrdreg $0xFFFFFFFF  }
0xad: {  	[dreg:$0x0] =	wrdreg $0x60  }
0xae: {  	[dreg:$0x2] =	wrdreg s2  }
0xaf: {  	[dreg:$0x3] =	wrdreg s24  }
0xb0: {  	[dreg:$0x4] =	wrdreg $0x9  }
0xb1: {  	_ =	task.clear_ibuf [dreg:s7], $0x5FFFF;
	_ =	strace $0x9000005E  }
0xb2: {  	s29 =	simm.s32 $0x9;
	_ =	strace $0x80000060  }
0xb3: {  	_ =	swait.ge [sflag:s29], $0x1  }
0xb4: {  	[sflag:s29] =	ssyncadd.s32 $0xFFFFFFFF  }
0xb5: {  	_ =	strace $0x90000060  }
0xb6: {  	_ =	sfence  }
0xb7: {  	s30 =	sld [smem:$0x0];
	_ =	sdelay $0x2  }
0xb8: {  	s31 =	sshll.u32 s1, $0xD;
	s1 =	sshrl.u32 s1, $0x2  }
0xb9: {  	s3 =	sand.u32 $0x4000, s31;
	s1 =	sadd.s32 s1, s30  }
0xba: {  	s0 =	sor.u32 s3, s0;
	s1 =	sshll.u32 s1, $0x11  }
0xbb: {  	s0 =	sor.u32 s1, s0  }
0xbc: {  	s0 =	sadd.s32 $0x8F2B, s0  }
0xbd: {  	[sflag:s0] =	ssyncadd.remote.s32 $0x1  }
0xbe: {  	_ =	sfence.sel $0xFFFF  }
0xbf: {  	[dreg:$0x0] =	wrdreg $0xFFFFFFFF;
	(pc) =	sbr.abs _section_cstart, $3  }
0xc0: {  	[dreg:$0x1] =	wrdreg $0xFFFFFFFF  }
0xc1: {  	_ =	task.clear_ibuf [dreg:s7], $0x2FFFF;
	_ =	strace $0x9FFFFFFF  }
0xc2: {  	(tm) =	ssettm $0x7FFFFFFF  }
0xc3: {  	_ =	shalt  }
tec
execute0_lowered:
.L_overlay_start_1:
0x0: {  	(tag) =	ssettag $0x1  }
0x1: {  	s0 =	srdreg.scid  }
0x2: {  	s12 =	sand.u32 $0x1, s0  }
0x3: {  	s0 =	stileid.u32;
	s1 =	sshll.u32 s12, $0x4  }
0x4: {  	s2 =	rddreg [dreg:$0x0];
	s8 =	sor.u32 s0, s1  }
0x5: {  	s9 =	rddreg [dreg:$0x1];
	s3 =	simm.s32 $0x0;
	s11 =	smul.u32 $0x180, s8  }
0x6: {  	[smem:$0x7FF] =	sst s3  }
0x7: {  	s13 =	sadd.s32 $0x7A00, s9;
	s1 =	rddreg [dreg:$0x2];
	s4 =	sshrl.u32 s11, $0x3  }
0x8: {  	_ =	strace $0x8000005F;
	s5 =	sadd.s32 s13, s4;
	s4 =	simm.s32 $0x2  }
0x9: {  	[tilespmem:s3], [sflag:$0x2] =	stream.linear.gather [hbm4b:s5+s3], $0x80, $0x38;
	[tilespmem:$0x4080] =	vst v63  }
0xa: {  	_ =	swait.ge [sflag:s4], $0x80  }
0xb: {  	[sflag:s4] =	ssyncset.done $0x0  }
0xc: {  	s6 =	simm.s32 $0x80;
	s7 =	simm.s32 $0x1;
	[sflag:s4] =	ssyncadd.s32 $0xFFFFFF80  }
0xd: {  	[tilespmem:s6], [sflag:$0x1] =	stream.indirect.gather [hbm4b:s2+s6], $0x80, s3, s6, $0xb8;
	[tilespmem:$0x4080] =	vst v63  }
0xe: {  	s8 =	smul.u32 $0x1800, s8;
	_ =	swait.ge [sflag:s7], $0x4000  }
0xf: {  	s14 =	sadd.s32 $0x44000, s9;
	[sflag:s7] =	ssyncset.done $0x0  }
0x10: {  	s8 =	sadd.s32 s14, s8;
	[sflag:s7] =	ssyncadd.s32 $0xFFFFC000  }
0x11: {  	[hbm4b:s8+s3] =	stream.linear.scatter [tilespmem:s6], [sflag:$0x2], $0x4000, $0x38;
	[tilespmem:$0x4080] =	vst v63  }
0x12: {  	s10 =	sadd.s32 $0x80, s11;
	_ =	swait.ge [sflag:s4], $0x4000  }
0x13: {  	s29 =	sshrl.u32 s10, $0x3;
	[sflag:s4] =	ssyncset.done $0x0  }
0x14: {  	s9 =	sadd.s32 s13, s29;
	[sflag:s4] =	ssyncadd.s32 $0xFFFFC000  }
0x15: {  	[tilespmem:s3], [sflag:$0x2] =	stream.linear.gather [hbm4b:s9+s3], $0x80, $0x38;
	[tilespmem:$0x4080] =	vst v63  }
0x16: {  	_ =	swait.ge [sflag:s4], $0x80  }
0x17: {  	[sflag:s4] =	ssyncset.done $0x0  }
0x18: {  	[sflag:s4] =	ssyncadd.s32 $0xFFFFFF80  }
0x19: {  	[tilespmem:s6], [sflag:$0x1] =	stream.indirect.gather [hbm4b:s2+s6], $0x80, s3, s6, $0xb8;
	[tilespmem:$0x4080] =	vst v63  }
0x1a: {  	_ =	swait.ge [sflag:s7], $0x4000  }
0x1b: {  	s10 =	sshll.u32 s10, $0x4;
	[sflag:s7] =	ssyncset.done $0x0  }
0x1c: {  	s10 =	sadd.s32 s14, s10;
	[sflag:s7] =	ssyncadd.s32 $0xFFFFC000  }
0x1d: {  	[hbm4b:s10+s3] =	stream.linear.scatter [tilespmem:s6], [sflag:$0x2], $0x4000, $0x38;
	[tilespmem:$0x4080] =	vst v63  }
0x1e: {  	s15 =	sadd.s32 $0x100, s11;
	_ =	swait.ge [sflag:s4], $0x4000  }
0x1f: {  	s11 =	sshrl.u32 s15, $0x3;
	[sflag:s4] =	ssyncset.done $0x0  }
0x20: {  	s12 =	ssub.s32 $0x2, s12;
	s11 =	sadd.s32 s13, s11;
	[sflag:s4] =	ssyncadd.s32 $0xFFFFC000  }
0x21: {  	[tilespmem:s3], [sflag:$0x2] =	stream.linear.gather [hbm4b:s11+s3], $0x80, $0x38;
	[tilespmem:$0x4080] =	vst v63  }
0x22: {  	s30 =	sshrl.u32 s12, $0x1;
	_ =	swait.ge [sflag:s4], $0x80  }
0x23: {  	s13 =	ssub.s32 s12, s30;
	[sflag:s4] =	ssyncset.done $0x0  }
0x24: {  	s13 =	smax.u32 s13, $0x1;
	[sflag:s4] =	ssyncadd.s32 $0xFFFFFF80  }
0x25: {  	[tilespmem:s6], [sflag:$0x1] =	stream.indirect.gather [hbm4b:s2+s6], $0x80, s3, s6, $0xb8;
	[tilespmem:$0x4080] =	vst v63  }
0x26: {  	p0 =	sne.s32 s13, $0x1;
	_ =	swait.ge [sflag:s7], $0x4000  }
.Ltmp0:
0x27: {  	s31 =	sshll.u32 s15, $0x4;
	[sflag:s7] =	ssyncset.done $0x0;
	(pc) =	sbr.rel @!p0 .LBB2_2-.Ltmp0, $4  }
0x28: {  	s12 =	sadd.s32 s14, s31;
	[sflag:s7] =	ssyncadd.s32 $0xFFFFC000  }
0x29: {  	[hbm4b:s12+s3] =	stream.linear.scatter [tilespmem:s6], [sflag:$0x2], $0x4000, $0x38;
	[tilespmem:$0x4080] =	vst v63  }
0x2a: {  	_ =	swait.ge [sflag:s4], $0x4000  }
0x2b: {  	s13 =	sadd.s32 $0xFFFFFFFF, s13;
	[sflag:s4] =	ssyncset.done $0x0  }
.LBB2_1:
0x2c: {  	p0 =	sne.s32 s13, $0x1;
	s13 =	sadd.s32 $0xFFFFFFFF, s13;
	[sflag:s4] =	ssyncadd.s32 $0xFFFFC000  }
0x2d: {  	[tilespmem:s3], [sflag:$0x2] =	stream.linear.gather [hbm4b:s5+s3], $0x80, $0x38;
	[tilespmem:$0x4080] =	vst v63  }
0x2e: {  	_ =	swait.ge [sflag:s4], $0x80  }
0x2f: {  	[sflag:s4] =	ssyncset.done $0x0  }
0x30: {  	[sflag:s4] =	ssyncadd.s32 $0xFFFFFF80  }
0x31: {  	[tilespmem:s6], [sflag:$0x1] =	stream.indirect.gather [hbm4b:s2+s6], $0x80, s3, s6, $0xb8;
	[tilespmem:$0x4080] =	vst v63  }
0x32: {  	_ =	swait.ge [sflag:s7], $0x4000  }
0x33: {  	[sflag:s7] =	ssyncset.done $0x0  }
0x34: {  	[sflag:s7] =	ssyncadd.s32 $0xFFFFC000  }
0x35: {  	[hbm4b:s8+s3] =	stream.linear.scatter [tilespmem:s6], [sflag:$0x2], $0x4000, $0x38;
	[tilespmem:$0x4080] =	vst v63  }
0x36: {  	_ =	swait.ge [sflag:s4], $0x4000  }
0x37: {  	[sflag:s4] =	ssyncset.done $0x0  }
0x38: {  	[sflag:s4] =	ssyncadd.s32 $0xFFFFC000  }
0x39: {  	[tilespmem:s3], [sflag:$0x2] =	stream.linear.gather [hbm4b:s9+s3], $0x80, $0x38;
	[tilespmem:$0x4080] =	vst v63  }
0x3a: {  	_ =	swait.ge [sflag:s4], $0x80  }
0x3b: {  	[sflag:s4] =	ssyncset.done $0x0  }
0x3c: {  	[sflag:s4] =	ssyncadd.s32 $0xFFFFFF80  }
0x3d: {  	[tilespmem:s6], [sflag:$0x1] =	stream.indirect.gather [hbm4b:s2+s6], $0x80, s3, s6, $0xb8;
	[tilespmem:$0x4080] =	vst v63  }
0x3e: {  	_ =	swait.ge [sflag:s7], $0x4000  }
0x3f: {  	[sflag:s7] =	ssyncset.done $0x0  }
0x40: {  	[sflag:s7] =	ssyncadd.s32 $0xFFFFC000  }
0x41: {  	[hbm4b:s10+s3] =	stream.linear.scatter [tilespmem:s6], [sflag:$0x2], $0x4000, $0x38;
	[tilespmem:$0x4080] =	vst v63  }
0x42: {  	_ =	swait.ge [sflag:s4], $0x4000  }
0x43: {  	[sflag:s4] =	ssyncset.done $0x0  }
0x44: {  	[sflag:s4] =	ssyncadd.s32 $0xFFFFC000  }
0x45: {  	[tilespmem:s3], [sflag:$0x2] =	stream.linear.gather [hbm4b:s11+s3], $0x80, $0x38;
	[tilespmem:$0x4080] =	vst v63  }
0x46: {  	_ =	swait.ge [sflag:s4], $0x80  }
0x47: {  	[sflag:s4] =	ssyncset.done $0x0  }
0x48: {  	[sflag:s4] =	ssyncadd.s32 $0xFFFFFF80  }
0x49: {  	[tilespmem:s6], [sflag:$0x1] =	stream.indirect.gather [hbm4b:s2+s6], $0x80, s3, s6, $0xb8;
	[tilespmem:$0x4080] =	vst v63  }
0x4a: {  	_ =	swait.ge [sflag:s7], $0x4000  }
.Ltmp1:
0x4b: {  	[sflag:s7] =	ssyncset.done $0x0;
	(pc) =	sbr.rel @p0 .LBB2_1-.Ltmp1, $4  }
0x4c: {  	[sflag:s7] =	ssyncadd.s32 $0xFFFFC000  }
0x4d: {  	[hbm4b:s12+s3] =	stream.linear.scatter [tilespmem:s6], [sflag:$0x2], $0x4000, $0x38;
	[tilespmem:$0x4080] =	vst v63  }
0x4e: {  	_ =	swait.ge [sflag:s4], $0x4000  }
0x4f: {  	[sflag:s4] =	ssyncset.done $0x0  }
.LBB2_2:
0x50: {  	[sflag:s4] =	ssyncadd.s32 $0xFFFFC000  }
0x51: {  	_ =	sfence.sel $0x180000  }
0x52: {  	[bflag:$0x0] =	sbarrier.arrive $0xFFFF  }
0x53: {  	p0 =	sne.s32 s0, $0x0;
	_ =	strace $0x9000005F  }
0x54: {  	s0 =	sadd.s32 @!p0 $0x100000, s1;
	[bflag:$0x2] =	sbarrier.arrive $0xFFFF  }
0x55: {  	[sflag:s0] =	ssyncadd.tile.s32 @!p0 $0x1;
	_ =	shalt  }
.Lfunc_end2:
_tile_overlayer_lowered:
.L_overlay_start_2:
0x56: {  	(tag) =	ssettag $0x2  }
0x57: {  	s0 =	rddreg [dreg:$0x0];
	s2 =	stileid.u32  }
0x58: {  	s1 =	rddreg [dreg:$0x1];
	p0 =	sne.s32 s2, $0x0  }
0x59: {  	s3 =	rddreg [dreg:$0x2];
	[bflag:$0x3] =	sbarrier.arrive $0xFFFF;
	s2 =	simm.s32 @!p0 $0x1C02  }
0x5a: {  	[timem:s3], [sflag:s2] =	dma.local @!p0 [hbm:s0], s1  }
0x5b: {  	s0 =	simm.s32 @!p0 $0x2  }
0x5c: {  	_ =	swait.ge @!p0 [sflag:s0], s1  }
0x5d: {  	s1 =	ssub.s32 @!p0 $0x0, s1;
	[sflag:s0] =	ssyncset.done @!p0 $0x0  }
0x5e: {  	[sflag:s0] =	ssyncadd.s32 @!p0 s1  }
0x5f: {  	[bflag:$0x3] =	sbarrier.arrive $0xFFFF  }
0x60: {  	_ =	shalt  }

// kernel: kernel.49.cloned.1.call-start
scs
__scs_entry_jumppad:
0x0: {  	(pc) =	sbr.rel $0x88, $3  }
0x1: {  	(tag) =	ssettag $0x0;
	lr =	simm.s32 $0x1  }
0x2: {  	[smem:$0x3F91] =	sst lr;
	_ =	strace $0xD0000000  }
0x3: {  	_ = 	snop  }
0x4: {  	_ = 	snop  }
0x5: {  	_ = 	snop  }
0x6: {  	_ = 	snop  }
0x7: {  	_ = 	snop  }
__scs_overlays_trampoline_lowered:
0x8: {  	[smem:$0x3FA0] =	sst s0  }
0x9: {  	[smem:$0x3FA1] =	sst s1  }
0xa: {  	[smem:$0x3FA2] =	sst s2  }
0xb: {  	[smem:$0x3FA3] =	sst s3  }
0xc: {  	[smem:$0x3FA4] =	sst s4  }
0xd: {  	[smem:$0x3FA5] =	sst s5  }
0xe: {  	[smem:$0x3FA6] =	sst s6  }
0xf: {  	[smem:$0x3FA7] =	sst s7  }
0x10: {  	[smem:$0x3FA8] =	sst s8  }
0x11: {  	[smem:$0x3FA9] =	sst s9;
	s0 =	simm.s32 @!p0 $0x0  }
0x12: {  	s1 =	sld [smem:$0x3F8F];
	s0 =	simm.s32 @p0 $0x1  }
0x13: {  	[smem:$0x3FAA] =	sst s0;
	s0 =	simm.s32 @!p1 $0x0  }
0x14: {  	s2 =	sld [smem:$0x3F8E];
	s0 =	simm.s32 @p1 $0x1  }
0x15: {  	[smem:$0x3FAB] =	sst s0;
	s0 =	simm.s32 @!p2 $0x0  }
0x16: {  	s3 =	sld [smem:$0x3FDB];
	s0 =	simm.s32 @p2 $0x1  }
0x17: {  	s4 =	simm.s32 $0x1BF5;
	[smem:$0x3FAD] =	sst s0  }
0x18: {  	s0 =	sld [smem:$0x3F90];
	_ =	swait.ge [sflag:s4], $0x0  }
0x19: {  	s7 =	sld [smem:$0x3F91]  }
0x1a: {  	s8 =	sadd.s32 $0xFFFFE003, lr  }
0x1b: {  	s9 =	sadd.s32 $0xFFFFFEF7, lr;
	s5 =	simm.s32 $0xFFFFFFFF;
	p2 =	slt.u32 s8, $0xFFFFF086  }
0x1c: {  	p1 =	slt.u32 s9, $0xF7A;
	s5 =	simm.s32 @!p2 $0x0  }
0x1d: {  	s5 =	simm.s32 @p1 $0x1;
	p0 =	seq.s32 s7, s2  }
0x1e: {  	s7 =	smul.u32 @!p0 $0xF7A, s2;
	p2 =	seq.s32 @!p0 s5, $0x0  }
0x1f: {  	s9 =	smul.u32 $0xF7A, s1;
	s8 =	simm.s32 @!p0 $0x1BF5;
	p2 =	por !p2, p0  }
0x20: {  	[sflag:s8] =	ssyncset.s32 @!p0 $0xFFFFF086;
	s6 =	sadd.s32 @!p0 s3, s7;
	s7 =	simm.s32 @!p0 $0x108  }
0x21: {  	s3 =	sadd.s32 s3, s9;
	s6 =	sadd.s32 @!p0 $0x88, s6;
	s7 =	simm.s32 @p2 $0x1082  }
0x22: {  	[simem:s7], [sflag:s8] =	dma.local @!p0 [hbm:s6], $0xF7A  }
0x23: {  	s9 =	sor.u32 $0xD0000000, s2;
	s6 =	simm.s32 $0x108;
	_ =	swait.ge @!p0 [sflag:s8], $0x0  }
0x24: {  	s3 =	sadd.s32 $0x88, s3;
	s6 =	simm.s32 @!p1 $0x1082;
	[sflag:s4] =	ssyncset.s32 $0xFFFFF086  }
0x25: {  	[simem:s6], [sflag:s4] =	dma.local [hbm:s3], $0xF7A  }
0x26: {  	[smem:$0x3F91] =	sst s1;
	(tag) =	ssettag s2;
	_ =	strace s9  }
0x27: {  	s1 =	sld [smem:$0x3FA1]  }
0x28: {  	s2 =	sld [smem:$0x3FA2]  }
0x29: {  	s4 =	sld [smem:$0x3FA4]  }
0x2a: {  	p0 =	seq.s32 s5, $0x0;
	s5 =	sld [smem:$0x3FA5]  }
0x2b: {  	s6 =	sld [smem:$0x3FA6]  }
0x2c: {  	s7 =	sld [smem:$0x3FA7]  }
0x2d: {  	s3 =	simm.s32 $0x108;
	s8 =	sld [smem:$0x3FA8]  }
0x2e: {  	s3 =	simm.s32 @!p0 $0x1082;
	s9 =	sld [smem:$0x3FA9]  }
0x2f: {  	lr =	sadd.s32 s0, s3;
	s0 =	sld [smem:$0x3FA0]  }
0x30: {  	s3 =	sld [smem:$0x3FA3]  }
0x31: {  	[smem:$0x3FAC] =	sst s10  }
0x32: {  	s10 =	sld [smem:$0x3FAA];
	_ =	sdelay $0x3  }
0x33: {  	p0 =	seq.s32 s10, $0x1;
	s10 =	sld [smem:$0x3FAC];
	_ =	sdelay $0x3  }
0x34: {  	[smem:$0x3FAC] =	sst s10  }
0x35: {  	s10 =	sld [smem:$0x3FAB];
	_ =	sdelay $0x3  }
0x36: {  	p1 =	seq.s32 s10, $0x1;
	s10 =	sld [smem:$0x3FAC];
	_ =	sdelay $0x3  }
0x37: {  	[smem:$0x3FAC] =	sst s10  }
0x38: {  	s10 =	sld [smem:$0x3FAD]  }
0x39: {  	_ = 	snop;
	(pc) =	sbr.ind lr, $3  }
0x3a: {  	_ = 	snop  }
0x3b: {  	_ = 	snop  }
0x3c: {  	p2 =	seq.s32 s10, $0x1;
	s10 =	sld [smem:$0x3FAC]  }
0x3d: {  	_ =	shalt  }
0x3e: {  	_ =	shalt  }
0x3f: {  	_ =	shalt  }
0x40: {  	_ =	shalt  }
0x41: {  	_ =	shalt  }
0x42: {  	_ =	shalt  }
0x43: {  	_ =	shalt  }
0x44: {  	_ =	shalt  }
0x45: {  	_ =	shalt  }
0x46: {  	_ =	shalt  }
0x47: {  	_ =	shalt  }
0x48: {  	_ =	shalt  }
0x49: {  	_ =	shalt  }
0x4a: {  	_ =	shalt  }
0x4b: {  	_ =	shalt  }
0x4c: {  	_ =	shalt  }
0x4d: {  	_ =	shalt  }
0x4e: {  	_ =	shalt  }
0x4f: {  	_ =	shalt  }
0x50: {  	_ =	shalt  }
0x51: {  	_ =	shalt  }
0x52: {  	_ =	shalt  }
0x53: {  	_ =	shalt  }
0x54: {  	_ =	shalt  }
0x55: {  	_ =	shalt  }
0x56: {  	_ =	shalt  }
0x57: {  	_ =	shalt  }
0x58: {  	_ =	shalt  }
0x59: {  	_ =	shalt  }
0x5a: {  	_ =	shalt  }
0x5b: {  	_ =	shalt  }
0x5c: {  	_ =	shalt  }
0x5d: {  	_ =	shalt  }
0x5e: {  	_ =	shalt  }
0x5f: {  	_ =	shalt  }
0x60: {  	_ =	shalt  }
0x61: {  	_ =	shalt  }
0x62: {  	_ =	shalt  }
0x63: {  	_ =	shalt  }
0x64: {  	_ =	shalt  }
0x65: {  	_ =	shalt  }
0x66: {  	_ =	shalt  }
0x67: {  	_ =	shalt  }
0x68: {  	_ =	shalt  }
0x69: {  	_ =	shalt  }
0x6a: {  	_ =	shalt  }
0x6b: {  	_ =	shalt  }
0x6c: {  	_ =	shalt  }
0x6d: {  	_ =	shalt  }
0x6e: {  	_ =	shalt  }
0x6f: {  	_ =	shalt  }
0x70: {  	_ =	shalt  }
0x71: {  	_ =	shalt  }
0x72: {  	_ =	shalt  }
0x73: {  	_ =	shalt  }
0x74: {  	_ =	shalt  }
0x75: {  	_ =	shalt  }
0x76: {  	_ =	shalt  }
0x77: {  	_ =	shalt  }
0x78: {  	_ =	shalt  }
0x79: {  	_ =	shalt  }
0x7a: {  	_ =	shalt  }
0x7b: {  	_ =	shalt  }
0x7c: {  	_ =	shalt  }
0x7d: {  	_ =	shalt  }
0x7e: {  	_ =	shalt  }
0x7f: {  	_ =	shalt  }
0x80: {  	_ =	shalt  }
0x81: {  	_ =	shalt  }
0x82: {  	_ =	shalt  }
0x83: {  	_ =	shalt  }
0x84: {  	_ =	shalt  }
0x85: {  	_ =	shalt  }
0x86: {  	_ =	shalt  }
0x87: {  	_ =	shalt  }
.Lfunc_end0:
.L_simem_size_0:
called_computation.9_lowered:
.L_overlay_start_0:
0x88: {  	s2 =	sld [smem:$0x3FD9]  }
0x89: {  	s3 =	sld [smem:$0x3FFE];
	_ =	sdelay $0x1  }
0x8a: {  	s1 =	srdreg.scid  }
0x8b: {  	s0 =	sand.u32 $0x1, s1  }
0x8c: {  	s16 =	sshll.u32 s0, $0xA;
	s2 =	sadd.s32 s3, s2  }
0x8d: {  	s2 =	sadd.s32 s2, s16  }
0x8e: {  	[smem:$0x3FB8] =	sst s2  }
0x8f: {  	_ = 	snop  }
0x90: {  	(tm) =	ssettm $0x1  }
0x91: {  	s17 =	sld [smem:$0x3FFB];
	_ =	sdelay $0x3  }
0x92: {  	_ =	strace s17  }
0x93: {  	s2 =	sld [smem:$0x3FFC];
	_ =	sdelay $0x3  }
0x94: {  	_ =	strace s2  }
0x95: {  	s2 =	sld [smem:$0x3FFD];
	_ =	sdelay $0x3  }
0x96: {  	_ =	strace s2  }
0x97: {  	_ =	strace $0x8FFFFFFF  }
0x98: {  	s18 =	sld [smem:$0x3FDB];
	_ =	sdelay $0x1  }
0x99: {  	s19 =	simm.s32 $_scs_section_size  }
0x9a: {  	s4 =	simm.s32 $_size__tile_overlayer_lowered;
	s5 =	simm.s32 $_tile_overlayer_lowered  }
0x9b: {  	s22 =	simm.s32 $0x1BFF;
	s21 =	sshll.u32 s5, $0x1;
	s2 =	sadd.s32 s19, s18  }
0x9c: {  	s6 =	simm.s32 $0x0;
	s20 =	sshll.u32 s4, $0x1;
	s4 =	sadd.s32 s21, s2  }
0x9d: {  	[timem:s6], [sflag:s22] =	dma.local [hbm:s4], s20  }
0x9e: {  	_ =	swait.ge [sflag:s22], s20  }
0x9f: {  	s3 =	ssub.s32 $0x0, s20;
	[sflag:s22] =	ssyncset.done $0x0  }
0xa0: {  	[sflag:s22] =	ssyncadd.s32 s3;
	_ =	sdelay $0x1  }
0xa1: {  	s23 =	simm.s32 $0x1B8B  }
0xa2: {  	_ =	swait.ge [sflag:s23], $0x1  }
0xa3: {  	[sflag:s23] =	ssyncset.done $0x0  }
0xa4: {  	s25 =	simm.s32 $0x1B8E;
	s24 =	sld [smem:$0x3FFE];
	[sflag:s23] =	ssyncadd.s32 $0xFFFFFFFF  }
0xa5: {  	s26 =	simm.s32 $execute0_lowered;
	[smem:$0x3FD2] =	sst s25  }
0xa6: {  	s4 =	sshll.u32 s26, $0x1;
	_ =	strace $0x80000061;
	[dreg:$0x1] =	wrdreg $0xFFFFFFFF  }
0xa7: {  	s28 =	simm.s32 $_size_execute0_lowered;
	s2 =	sadd.s32 s2, s4;
	[dreg:$0x0] =	wrdreg $0x0  }
0xa8: {  	s4 =	sshll.u32 s28, $0x1;
	[dreg:$0x2] =	wrdreg s2  }
0xa9: {  	[dreg:$0x3] =	wrdreg s4  }
0xaa: {  	[dreg:$0x4] =	wrdreg $0xC0  }
0xab: {  	_ =	task [dreg:s6], $0x5FFFF  }
0xac: {  	[dreg:$0x1] =	wrdreg $0xFFFFFFFF  }
0xad: {  	[dreg:$0x0] =	wrdreg $0x60  }
0xae: {  	[dreg:$0x2] =	wrdreg s24  }
0xaf: {  	[dreg:$0x3] =	wrdreg $0x81000  }
0xb0: {  	[dreg:$0x4] =	wrdreg $0x9  }
0xb1: {  	_ =	task.clear_ibuf [dreg:s6], $0x5FFFF;
	_ =	strace $0x90000061  }
0xb2: {  	s29 =	simm.s32 $0x9;
	_ =	strace $0x80000063  }
0xb3: {  	_ =	swait.ge [sflag:s29], $0x1  }
0xb4: {  	[sflag:s29] =	ssyncadd.s32 $0xFFFFFFFF  }
0xb5: {  	_ =	strace $0x90000063  }
0xb6: {  	_ =	sfence  }
0xb7: {  	s30 =	sld [smem:$0x0];
	_ =	sdelay $0x2  }
0xb8: {  	s31 =	sshll.u32 s1, $0xD;
	s1 =	sshrl.u32 s1, $0x2  }
0xb9: {  	s3 =	sand.u32 $0x4000, s31;
	s1 =	sadd.s32 s1, s30  }
0xba: {  	s0 =	sor.u32 s3, s0;
	s1 =	sshll.u32 s1, $0x11  }
0xbb: {  	s0 =	sor.u32 s1, s0  }
0xbc: {  	s0 =	sadd.s32 $0x8F2B, s0  }
0xbd: {  	[sflag:s0] =	ssyncadd.remote.s32 $0x1  }
0xbe: {  	_ =	sfence.sel $0xFFFF  }
0xbf: {  	[dreg:$0x0] =	wrdreg $0xFFFFFFFF;
	(pc) =	sbr.abs _section_cstart, $3  }
0xc0: {  	[dreg:$0x1] =	wrdreg $0xFFFFFFFF  }
0xc1: {  	_ =	task.clear_ibuf [dreg:s6], $0x2FFFF;
	_ =	strace $0x9FFFFFFF  }
0xc2: {  	(tm) =	ssettm $0x7FFFFFFF  }
0xc3: {  	_ =	shalt  }
tec
execute0_lowered:
.L_overlay_start_1:
0x0: {  	(tag) =	ssettag $0x1  }
0x1: {  	s3 =	srdreg.scid  }
0x2: {  	s5 =	rddreg [dreg:$0x0];
	s6 =	sand.u32 $0x1, s3  }
0x3: {  	s1 =	rddreg [dreg:$0x1];
	s7 =	smul.u32 $0x4F00, s6  }
0x4: {  	s3 =	stileid.u32;
	s8 =	smul.u32 $0x28000, s6  }
0x5: {  	s0 =	rddreg [dreg:$0x2];
	s2 =	simm.s32 $0x0;
	s9 =	smul.u32 $0x280, s3  }
0x6: {  	[smem:$0x7FF] =	sst s2;
	s4 =	sadd.s32 $0x1C000, s5;
	s24 =	smul.u32 $0x50000, s3  }
0x7: {  	_ =	strace $0x80000062;
	s6 =	ssub.s32 $0x2, s6;
	s17 =	smul.u32 $0x4F0, s3  }
0x8: {  	s18 =	smul.u32 $0x2800, s3;
	s25 =	sshrl.u32 s6, $0x1;
	s10 =	sadd.s32 s7, s5  }
0x9: {  	s11 =	sadd.s32 s8, s5;
	s12 =	sadd.s32 $0x80, s9;
	s13 =	ssub.s32 s6, s25  }
0xa: {  	s26 =	sshrl.u32 s24, $0x2;
	s14 =	sadd.s32 $0x100, s9;
	s15 =	sadd.s32 $0x180, s9  }
0xb: {  	s16 =	sadd.s32 $0x200, s9;
	s28 =	sshll.u32 s12, $0x7;
	s5 =	sadd.s32 s26, s1  }
0xc: {  	s29 =	sshll.u32 s14, $0x7;
	s30 =	sshll.u32 s15, $0x7;
	s9 =	sshll.u32 s16, $0x7  }
0xd: {  	s22 =	sadd.s32 $0x44000, s11;
	s19 =	sshll.u32 s12, $0x4;
	s20 =	sshll.u32 s14, $0x4  }
0xe: {  	s21 =	sshll.u32 s15, $0x4;
	s31 =	sadd.s32 s17, s10;
	s23 =	sshll.u32 s16, $0x4  }
0xf: {  	s10 =	smax.u32 s13, $0x1;
	s13 =	simm.s32 $0x4100;
	s14 =	simm.s32 $0x2  }
0x10: {  	s15 =	simm.s32 $0x80;
	s16 =	simm.s32 $0x100;
	s17 =	simm.s32 $0x1  }
0x11: {  	s6 =	sadd.s32 s28, s1;
	s7 =	sadd.s32 s29, s1;
	s8 =	sadd.s32 s30, s1  }
0x12: {  	s9 =	sadd.s32 s9, s1;
	s11 =	sadd.s32 $0x12200, s31;
	s12 =	sadd.s32 $0x8400, s31  }
0x13: {  	s18 =	sadd.s32 s18, s22;
	s19 =	sadd.s32 s19, s22;
	s20 =	sadd.s32 s20, s22  }
0x14: {  	v0 =	vimm.f32 $0.0e+00;
	s21 =	sadd.s32 s21, s22;
	s22 =	sadd.s32 s23, s22;
	s23 =	simm.s32 $0x0  }
.LBB2_1:
0x15: {  	s24 =	simm.s32 $0x0;
	s25 =	simm.s32 $0x200  }
.LBB2_2:
0x16: {  	p0 =	sne.s32 s25, $0xFE00;
	[tilespmem:s24+$0x4170] =	vst v0  }
0x17: {  	[tilespmem:s24+$0x4100] =	vst v0  }
0x18: {  	[tilespmem:s24+$0x4110] =	vst v0  }
.Ltmp0:
0x19: {  	[tilespmem:s24+$0x4120] =	vst v0;
	(pc) =	sbr.rel @p0 .LBB2_2-.Ltmp0, $4  }
0x1a: {  	[tilespmem:s24+$0x4130] =	vst v0  }
0x1b: {  	[tilespmem:s24+$0x4140] =	vst v0  }
0x1c: {  	[tilespmem:s24+$0x4150] =	vst v0  }
0x1d: {  	[tilespmem:s24+$0x4160] =	vst v0;
	s24 =	sshra.s32 s25, $0x2;
	s25 =	sadd.s32 $0x200, s25  }
0x1e: {  	[tilespmem:s24+$0x4170] =	vst v0  }
0x1f: {  	[tilespmem:s24+$0x4100] =	vst v0  }
0x20: {  	[tilespmem:s24+$0x4110] =	vst v0  }
0x21: {  	[tilespmem:s24+$0x4120] =	vst v0  }
0x22: {  	[tilespmem:s24+$0x4130] =	vst v0  }
0x23: {  	[tilespmem:s24+$0x4140] =	vst v0  }
0x24: {  	[tilespmem:s24+$0x4150] =	vst v0  }
0x25: {  	[tilespmem:s24+$0x4160] =	vst v0  }
0x26: {  	[spmem:s5] =	stream.linear.scatter [tilespmem:s13], [sflag:$0x2], $0x4000, $0x38;
	[tilespmem:$0x1C100] =	vst v63  }
0x27: {  	_ =	swait.ge [sflag:s14], $0x4000  }
0x28: {  	[sflag:s14] =	ssyncset.done $0x0  }
0x29: {  	[sflag:s14] =	ssyncadd.s32 $0xFFFFC000  }
0x2a: {  	[spmem:s6] =	stream.linear.scatter [tilespmem:s13], [sflag:$0x2], $0x4000, $0x38;
	[tilespmem:$0x1C100] =	vst v63  }
0x2b: {  	_ =	swait.ge [sflag:s14], $0x4000  }
0x2c: {  	[sflag:s14] =	ssyncset.done $0x0  }
0x2d: {  	[sflag:s14] =	ssyncadd.s32 $0xFFFFC000  }
0x2e: {  	[spmem:s7] =	stream.linear.scatter [tilespmem:s13], [sflag:$0x2], $0x4000, $0x38;
	[tilespmem:$0x1C100] =	vst v63  }
0x2f: {  	_ =	swait.ge [sflag:s14], $0x4000  }
0x30: {  	[sflag:s14] =	ssyncset.done $0x0  }
0x31: {  	[sflag:s14] =	ssyncadd.s32 $0xFFFFC000  }
0x32: {  	[spmem:s8] =	stream.linear.scatter [tilespmem:s13], [sflag:$0x2], $0x4000, $0x38;
	[tilespmem:$0x1C100] =	vst v63  }
0x33: {  	_ =	swait.ge [sflag:s14], $0x4000  }
0x34: {  	[sflag:s14] =	ssyncset.done $0x0  }
0x35: {  	[sflag:s14] =	ssyncadd.s32 $0xFFFFC000  }
0x36: {  	[spmem:s9] =	stream.linear.scatter [tilespmem:s13], [sflag:$0x2], $0x4000, $0x38;
	[tilespmem:$0x1C100] =	vst v63  }
0x37: {  	_ =	swait.ge [sflag:s14], $0x4000  }
0x38: {  	[sflag:s14] =	ssyncset.done $0x0  }
0x39: {  	[sflag:s14] =	ssyncadd.s32 $0xFFFFC000  }
0x3a: {  	s30 =	sadd.s32 $0x0, s12;
	[bflag:$0x0] =	sbarrier.arrive $0xFFFF  }
0x3b: {  	[tilespmem:s2], [sflag:$0x2] =	stream.linear.gather [hbm4b:s30+s2], $0x80, $0x38;
	[tilespmem:$0x1C100] =	vst v63  }
0x3c: {  	_ =	swait.ge [sflag:s14], $0x80  }
0x3d: {  	[sflag:s14] =	ssyncset.done $0x0  }
0x3e: {  	s31 =	sadd.s32 $0x0, s11;
	[sflag:s14] =	ssyncadd.s32 $0xFFFFFF80  }
0x3f: {  	[tilespmem:s15], [sflag:$0x2] =	stream.linear.gather [hbm4b:s31+s2], $0x80, $0x38;
	[tilespmem:$0x1C100] =	vst v63  }
0x40: {  	_ =	swait.ge [sflag:s14], $0x80  }
0x41: {  	[sflag:s14] =	ssyncset.done $0x0  }
0x42: {  	[sflag:s14] =	ssyncadd.s32 $0xFFFFFF80  }
0x43: {  	[tilespmem:s16], [sflag:$0x1] =	stream.indirect.gather [hbm4b:s4+s15], $0x80, s2, s15, $0xb8;
	[tilespmem:$0x1C100] =	vst v63  }
0x44: {  	_ =	swait.ge [sflag:s17], $0x4000  }
0x45: {  	[sflag:s17] =	ssyncset.done $0x0  }
0x46: {  	[sflag:s17] =	ssyncadd.s32 $0xFFFFC000  }
0x47: {  	[spmem:s1] =	stream.indirect.scatter.add.f32 [tilespmem:s16], [sflag:$0x2], $0x80, s15, s15, $0xb8;
	[tilespmem:$0x1C100] =	vst v63  }
0x48: {  	_ =	swait.ge [sflag:s14], $0x4000  }
0x49: {  	s24 =	simm.s32 $0x10;
	s25 =	simm.s32 $0x20;
	[sflag:s14] =	ssyncset.done $0x0  }
.LBB2_4:
0x4a: {  	s26 =	sadd.s32 s24, s12  }
0x4b: {  	[sflag:s14] =	ssyncadd.s32 $0xFFFFC000;
	s28 =	smov.u32 s25;
	s29 =	sadd.s32 $0x10, s25  }
0x4c: {  	[tilespmem:s2], [sflag:$0x2] =	stream.linear.gather [hbm4b:s26+s2], $0x80, $0x38;
	[tilespmem:$0x1C100] =	vst v63  }
0x4d: {  	p0 =	sne.s32 s25, $0x4E0;
	_ =	swait.ge [sflag:s14], $0x80  }
0x4e: {  	[sflag:s14] =	ssyncset.done $0x0  }
0x4f: {  	s25 =	sadd.s32 s24, s11;
	s24 =	smov.u32 s28;
	[sflag:s14] =	ssyncadd.s32 $0xFFFFFF80  }
0x50: {  	[tilespmem:s15], [sflag:$0x2] =	stream.linear.gather [hbm4b:s25+s2], $0x80, $0x38;
	[tilespmem:$0x1C100] =	vst v63  }
0x51: {  	_ =	swait.ge [sflag:s14], $0x80  }
0x52: {  	[sflag:s14] =	ssyncset.done $0x0  }
0x53: {  	[sflag:s14] =	ssyncadd.s32 $0xFFFFFF80  }
0x54: {  	[tilespmem:s16], [sflag:$0x1] =	stream.indirect.gather [hbm4b:s4+s15], $0x80, s2, s15, $0xb8;
	[tilespmem:$0x1C100] =	vst v63  }
0x55: {  	_ =	swait.ge [sflag:s17], $0x4000  }
.Ltmp1:
0x56: {  	[sflag:s17] =	ssyncset.done $0x0;
	(pc) =	sbr.rel @p0 .LBB2_4-.Ltmp1, $4  }
0x57: {  	[sflag:s17] =	ssyncadd.s32 $0xFFFFC000  }
0x58: {  	[spmem:s1] =	stream.indirect.scatter.add.f32 [tilespmem:s16], [sflag:$0x2], $0x80, s15, s15, $0xb8;
	[tilespmem:$0x1C100] =	vst v63  }
0x59: {  	_ =	swait.ge [sflag:s14], $0x4000  }
0x5a: {  	s25 =	smov.u32 s29;
	[sflag:s14] =	ssyncset.done $0x0  }
0x5b: {  	s25 =	sadd.s32 s24, s12;
	[sflag:s14] =	ssyncadd.s32 $0xFFFFC000  }
0x5c: {  	[tilespmem:s2], [sflag:$0x2] =	stream.linear.gather [hbm4b:s25+s2], $0x80, $0x38;
	[tilespmem:$0x1C100] =	vst v63  }
0x5d: {  	_ =	swait.ge [sflag:s14], $0x80  }
0x5e: {  	[sflag:s14] =	ssyncset.done $0x0  }
0x5f: {  	s31 =	sadd.s32 s24, s11;
	[sflag:s14] =	ssyncadd.s32 $0xFFFFFF80  }
0x60: {  	[tilespmem:s15], [sflag:$0x2] =	stream.linear.gather [hbm4b:s31+s2], $0x80, $0x38;
	[tilespmem:$0x1C100] =	vst v63  }
0x61: {  	_ =	swait.ge [sflag:s14], $0x80  }
0x62: {  	[sflag:s14] =	ssyncset.done $0x0  }
0x63: {  	[sflag:s14] =	ssyncadd.s32 $0xFFFFFF80  }
0x64: {  	[tilespmem:s16], [sflag:$0x1] =	stream.indirect.gather [hbm4b:s4+s15], $0x80, s2, s15, $0xb8;
	[tilespmem:$0x1C100] =	vst v63  }
0x65: {  	_ =	swait.ge [sflag:s17], $0x4000  }
0x66: {  	[sflag:s17] =	ssyncset.done $0x0  }
0x67: {  	[sflag:s17] =	ssyncadd.s32 $0xFFFFC000  }
0x68: {  	[spmem:s1] =	stream.indirect.scatter.add.f32 [tilespmem:s16], [sflag:$0x2], $0x80, s15, s15, $0xb8;
	[tilespmem:$0x1C100] =	vst v63  }
0x69: {  	_ =	swait.ge [sflag:s14], $0x4000  }
0x6a: {  	[sflag:s14] =	ssyncset.done $0x0  }
0x6b: {  	s25 =	sshll.u32 s3, $0x6;
	[sflag:s14] =	ssyncadd.s32 $0xFFFFC000  }
0x6c: {  	s26 =	sshrl.u32 s5, $0x3;
	s24 =	sor.u32 $0x1C02, s25;
	[bflag:$0x0] =	sbarrier.arrive $0xFFFF  }
0x6d: {  	[hbm:s18], [sflag:s24] =	dma.local [spmem:s26], $0x800  }
0x6e: {  	_ =	swait.ge [sflag:s14], $0x800  }
0x6f: {  	[sflag:s14] =	ssyncset.done $0x0  }
0x70: {  	s28 =	sshrl.u32 s6, $0x3;
	[sflag:s14] =	ssyncadd.s32 $0xFFFFF800  }
0x71: {  	[hbm:s19], [sflag:s24] =	dma.local [spmem:s28], $0x800  }
0x72: {  	_ =	swait.ge [sflag:s14], $0x800  }
0x73: {  	[sflag:s14] =	ssyncset.done $0x0  }
0x74: {  	s29 =	sshrl.u32 s7, $0x3;
	[sflag:s14] =	ssyncadd.s32 $0xFFFFF800  }
0x75: {  	[hbm:s20], [sflag:s24] =	dma.local [spmem:s29], $0x800  }
0x76: {  	_ =	swait.ge [sflag:s14], $0x800  }
0x77: {  	[sflag:s14] =	ssyncset.done $0x0  }
0x78: {  	s30 =	sshrl.u32 s8, $0x3;
	[sflag:s14] =	ssyncadd.s32 $0xFFFFF800  }
0x79: {  	[hbm:s21], [sflag:s24] =	dma.local [spmem:s30], $0x800  }
0x7a: {  	s23 =	sadd.s32 $0x1, s23;
	_ =	swait.ge [sflag:s14], $0x800  }
0x7b: {  	p0 =	sne.s32 s23, s10;
	[sflag:s14] =	ssyncset.done $0x0  }
.Ltmp2:
0x7c: {  	s31 =	sshrl.u32 s9, $0x3;
	[sflag:s14] =	ssyncadd.s32 $0xFFFFF800;
	(pc) =	sbr.rel @p0 .LBB2_1-.Ltmp2, $4  }
0x7d: {  	[hbm:s22], [sflag:s24] =	dma.local [spmem:s31], $0x800  }
0x7e: {  	_ =	swait.ge [sflag:s14], $0x800  }
0x7f: {  	[sflag:s14] =	ssyncset.done $0x0  }
0x80: {  	[sflag:s14] =	ssyncadd.s32 $0xFFFFF800  }
0x81: {  	_ =	sfence.sel $0x180000  }
0x82: {  	[bflag:$0x0] =	sbarrier.arrive $0xFFFF  }
0x83: {  	p0 =	sne.s32 s3, $0x0;
	_ =	strace $0x90000062  }
0x84: {  	s0 =	sadd.s32 @!p0 $0x100000, s0;
	[bflag:$0x2] =	sbarrier.arrive $0xFFFF  }
0x85: {  	[sflag:s0] =	ssyncadd.tile.s32 @!p0 $0x1;
	_ =	shalt  }
.Lfunc_end2:
_tile_overlayer_lowered:
.L_overlay_start_2:
0x86: {  	(tag) =	ssettag $0x2  }
0x87: {  	s0 =	rddreg [dreg:$0x0];
	s2 =	stileid.u32  }
0x88: {  	s1 =	rddreg [dreg:$0x1];
	p0 =	sne.s32 s2, $0x0  }
0x89: {  	s3 =	rddreg [dreg:$0x2];
	[bflag:$0x3] =	sbarrier.arrive $0xFFFF;
	s2 =	simm.s32 @!p0 $0x1C02  }
0x8a: {  	[timem:s3], [sflag:s2] =	dma.local @!p0 [hbm:s0], s1  }
0x8b: {  	s0 =	simm.s32 @!p0 $0x2  }
0x8c: {  	_ =	swait.ge @!p0 [sflag:s0], s1  }
0x8d: {  	s1 =	ssub.s32 @!p0 $0x0, s1;
	[sflag:s0] =	ssyncset.done @!p0 $0x0  }
0x8e: {  	[sflag:s0] =	ssyncadd.s32 @!p0 s1  }
0x8f: {  	[bflag:$0x3] =	sbarrier.arrive $0xFFFF  }
0x90: {  	_ =	shalt  }

</sc_bundles>
